<compile_context>
chip_gen: v7x
topology: tpu7x:2x2x1
jax: 0.10.2.dev20260603
libtpu: 0.0.44.dev20260713+nightly
codegen_flags: <defaults>
</compile_context>

<pallas_src>
import functools

import jax
import jax.numpy as jnp
from jax import lax
from jax.experimental import pallas as pl
from jax.experimental.pallas import tpu as pltpu
from jax.experimental.pallas import tpu_sc as plsc

NC, NS = 2, 16
NW = NC * NS
K = 40


def _flat_ids():
    sid = lax.axis_index("s")
    cid = lax.axis_index("c")
    return cid, sid, sid * NC + cid




def _make_deg(n, e):
    epw = e // NW
    chunk = 2000
    nchunk = epw // chunk
    mesh = plsc.VectorSubcoreMesh(core_axis_name="c", subcore_axis_name="s")

    @functools.partial(
        pl.kernel,
        out_type=jax.ShapeDtypeStruct((NW * n,), jnp.float32),
        mesh=mesh,
        scratch_types=[
            pltpu.VMEM((chunk,), jnp.int32),
            pltpu.VMEM((n,), jnp.float32),
        ],
        compiler_params=pltpu.CompilerParams(needs_layout_passes=False),
    )
    def deg_kernel(dst_hbm, zeros_hbm, out_hbm, dstv, degv):
        _, _, wid = _flat_ids()
        pltpu.sync_copy(zeros_hbm, degv)
        ones = jnp.ones((16,), jnp.float32)

        def body(c, carry):
            base = pl.multiple_of(wid * epw + c * chunk, 8)
            pltpu.sync_copy(dst_hbm.at[pl.ds(base, chunk)], dstv)
            for j in range(chunk // 16):
                idx = dstv[pl.ds(j * 16, 16)]
                plsc.addupdate_scatter(degv, [idx], ones)
            return carry

        lax.fori_loop(0, nchunk, body, 0)
        pltpu.sync_copy(degv, out_hbm.at[pl.ds(pl.multiple_of(wid * n, 8), n)])

    return deg_kernel


def _make_agg(n, e, d, ntab=1):
    epw = e // NW
    nchunk = epw // K
    rpt = ((n // NS) // 8) * 8
    last = n - rpt * (NS - 1)
    mesh = plsc.VectorSubcoreMesh(core_axis_name="c", subcore_axis_name="s")

    nbuf = 7
    shape = jax.ShapeDtypeStruct((NC, n, d), jnp.float32)

    @functools.partial(
        pl.kernel,
        out_type=[shape] * ntab if ntab > 1 else shape,
        mesh=mesh,
        scratch_types=[
            pltpu.VMEM((epw,), jnp.int32),
            [pltpu.VMEM((K,), jnp.int32) for _ in range(nbuf)],
            [pltpu.VMEM((K, d), jnp.float32) for _ in range(nbuf)],
            pltpu.VMEM_SHARED((n, d), jnp.float32),
            [pltpu.SemaphoreType.DMA for _ in range(nbuf)],
            [pltpu.SemaphoreType.DMA for _ in range(nbuf)],
        ],
    )
    def agg_kernel(*refs):
        tables = refs[:ntab]
        src_hbm, dst_hbm, zeros_hbm = refs[ntab:ntab + 3]
        outs = refs[ntab + 3:2 * ntab + 3]
        srcall, dvs, rvs, acc, gsems, ssems = refs[2 * ntab + 3:]
        cid, sid, wid = _flat_ids()
        ebase = pl.multiple_of(wid * epw, 8)
        pltpu.sync_copy(src_hbm.at[pl.ds(ebase, epw)], srcall)
        row0 = pl.multiple_of(sid * rpt, 8)

        def zero_acc():
            @pl.when(sid < NS - 1)
            def _():
                pltpu.sync_copy(zeros_hbm.at[pl.ds(row0, rpt)],
                                acc.at[pl.ds(row0, rpt)])

            @pl.when(sid == NS - 1)
            def _():
                pltpu.sync_copy(zeros_hbm.at[pl.ds((NS - 1) * rpt, last)],
                                acc.at[pl.ds((NS - 1) * rpt, last)])

        def writeback(out_hbm):
            @pl.when(sid < NS - 1)
            def _():
                pltpu.sync_copy(acc.at[pl.ds(row0, rpt)],
                                out_hbm.at[cid, pl.ds(row0, rpt)])

            @pl.when(sid == NS - 1)
            def _():
                pltpu.sync_copy(acc.at[pl.ds((NS - 1) * rpt, last)],
                                out_hbm.at[cid, pl.ds((NS - 1) * rpt, last)])

        def wait_gather(b):
            pltpu.make_async_copy(dst_hbm.at[pl.ds(0, K)],
                                  dvs[b], gsems[b]).wait()
            pltpu.make_async_copy(tables[0].at[pl.ds(0, K)],
                                  rvs[b], gsems[b]).wait()

        def wait_scatter(b):
            pltpu.make_async_copy(tables[0].at[pl.ds(0, K)],
                                  rvs[b], ssems[b]).wait()

        def run_pass(table_hbm, out_hbm):
            zero_acc()
            plsc.subcore_barrier()

            def issue(c, b):
                base = pl.multiple_of(wid * epw + c * K, 8)
                pltpu.async_copy(dst_hbm.at[pl.ds(base, K)], dvs[b],
                                 gsems[b])
                sl = pl.ds(pl.multiple_of(c * K, 8), K)
                pltpu.async_copy(table_hbm.at[srcall.at[sl]], rvs[b],
                                 gsems[b])

            for b in range(nbuf - 1):
                issue(b, b)

            def body(c, carry):
                for par in range(nbuf):

                    @pl.when(lax.rem(c, nbuf) == par)
                    def _():
                        wait_gather(par)
                        pltpu.async_copy(rvs[par], acc.at[dvs[par]],
                                         ssems[par], add=True)
                        nb = (par + nbuf - 1) % nbuf

                        @pl.when(c + nbuf - 1 < nchunk)
                        def _():
                            @pl.when(c >= 1)
                            def _():
                                wait_scatter(nb)

                            issue(c + nbuf - 1, nb)

                return carry

            lax.fori_loop(0, nchunk, body, 0)
            for b in range(nbuf):
                wait_scatter(b)
            plsc.subcore_barrier()
            writeback(out_hbm)

        for i in range(ntab):
            run_pass(tables[i], outs[i])

    return agg_kernel



_R = 1000


def _tc1(degp, x):
    n, d = x.shape

    bn = 2048

    def body(degp_ref, x_ref, y0_ref, dis_ref):
        deg = jnp.sum(degp_ref[...], axis=0) + 1.0
        dis = lax.rsqrt(deg)[:, None]
        dis_ref[...] = dis
        y0_ref[...] = x_ref[...] * dis

    return pl.pallas_call(
        body,
        grid=(pl.cdiv(n, bn),),
        in_specs=[
            pl.BlockSpec((NW, bn), lambda i: (0, i)),
            pl.BlockSpec((bn, d), lambda i: (i, 0)),
        ],
        out_specs=[
            pl.BlockSpec((bn, d), lambda i: (i, 0)),
            pl.BlockSpec((bn, 1), lambda i: (i, 0)),
        ],
        out_shape=[
            jax.ShapeDtypeStruct((n, d), jnp.float32),
            jax.ShapeDtypeStruct((n, 1), jnp.float32),
        ],
    )(degp, x)


def _tc2(p, y0, dis, W1, b1):
    n, d = y0.shape
    dh = W1.shape[1]

    def body(p_ref, y0_ref, dis_ref, w_ref, b_ref, ya_ref, yb_ref):
        t = (p_ref[0] + p_ref[1] + y0_ref[...]) * dis_ref[...]
        h = jnp.dot(t, w_ref[...], preferred_element_type=jnp.float32)
        h = jnp.maximum(h + b_ref[...], 0.0)
        y = h * dis_ref[...]
        ya_ref[...] = y[:, :d]
        yb_ref[...] = y[:, d:]

    return pl.pallas_call(
        body,
        grid=(n // _R,),
        in_specs=[
            pl.BlockSpec((NC, _R, d), lambda i: (0, i, 0)),
            pl.BlockSpec((_R, d), lambda i: (i, 0)),
            pl.BlockSpec((_R, 1), lambda i: (i, 0)),
            pl.BlockSpec((d, dh), lambda i: (0, 0)),
            pl.BlockSpec((1, dh), lambda i: (0, 0)),
        ],
        out_specs=[
            pl.BlockSpec((_R, d), lambda i: (i, 0)),
            pl.BlockSpec((_R, d), lambda i: (i, 0)),
        ],
        out_shape=[
            jax.ShapeDtypeStruct((n, d), jnp.float32),
            jax.ShapeDtypeStruct((n, d), jnp.float32),
        ],
    )(p, y0, dis, W1, b1)


def _tc3(pa, pb, y1a, y1b, dis, W2, b2, W3):
    n, d = y1a.shape
    dh = W2.shape[0]

    def body(pa_ref, pb_ref, ya_ref, yb_ref, dis_ref, w2_ref, b2_ref, w3_ref,
             q_ref):
        ta = (pa_ref[0] + pa_ref[1] + ya_ref[...]) * dis_ref[...]
        tb = (pb_ref[0] + pb_ref[1] + yb_ref[...]) * dis_ref[...]
        t = jnp.concatenate([ta, tb], axis=1)
        h2 = jnp.dot(t, w2_ref[...], preferred_element_type=jnp.float32)
        h2 = jnp.maximum(h2 + b2_ref[...], 0.0)
        q = jnp.dot(h2, w3_ref[...], preferred_element_type=jnp.float32)
        q_ref[...] = q * dis_ref[...]

    return pl.pallas_call(
        body,
        grid=(n // _R,),
        in_specs=[
            pl.BlockSpec((NC, _R, d), lambda i: (0, i, 0)),
            pl.BlockSpec((NC, _R, d), lambda i: (0, i, 0)),
            pl.BlockSpec((_R, d), lambda i: (i, 0)),
            pl.BlockSpec((_R, d), lambda i: (i, 0)),
            pl.BlockSpec((_R, 1), lambda i: (i, 0)),
            pl.BlockSpec((dh, dh), lambda i: (0, 0)),
            pl.BlockSpec((1, dh), lambda i: (0, 0)),
            pl.BlockSpec((dh, d), lambda i: (0, 0)),
        ],
        out_specs=pl.BlockSpec((_R, d), lambda i: (i, 0)),
        out_shape=jax.ShapeDtypeStruct((n, d), jnp.float32),
    )(pa, pb, y1a, y1b, dis, W2, b2, W3)


def _tc4(pq, q, dis, b3, Wr, br):
    n, d = q.shape
    do = Wr.shape[1]

    def body(pq_ref, q_ref, dis_ref, b3_ref, wr_ref, br_ref, h_ref, rec_ref):
        z = (pq_ref[0] + pq_ref[1] + q_ref[...]) * dis_ref[...] + b3_ref[...]
        h = jnp.maximum(z, 0.0)
        h_ref[...] = h
        rec = jnp.dot(h, wr_ref[...], preferred_element_type=jnp.float32)
        rec_ref[...] = rec + br_ref[...]

    return pl.pallas_call(
        body,
        grid=(n // _R,),
        in_specs=[
            pl.BlockSpec((NC, _R, d), lambda i: (0, i, 0)),
            pl.BlockSpec((_R, d), lambda i: (i, 0)),
            pl.BlockSpec((_R, 1), lambda i: (i, 0)),
            pl.BlockSpec((1, d), lambda i: (0, 0)),
            pl.BlockSpec((d, do), lambda i: (0, 0)),
            pl.BlockSpec((1, do), lambda i: (0, 0)),
        ],
        out_specs=[
            pl.BlockSpec((_R, d), lambda i: (i, 0)),
            pl.BlockSpec((_R, do), lambda i: (i, 0)),
        ],
        out_shape=[
            jax.ShapeDtypeStruct((n, d), jnp.float32),
            jax.ShapeDtypeStruct((n, do), jnp.float32),
        ],
    )(pq, q, dis, b3, Wr, br)




def kernel(x, edge_index, W1, b1, W2, b2, W3, b3, Wr, br):
    n, d_in = x.shape
    e = edge_index.shape[1]
    src = edge_index[0].astype(jnp.int32)
    dst = edge_index[1].astype(jnp.int32)
    zeros1d = jnp.zeros((n,), jnp.float32)
    zeros2d = jnp.zeros((n, d_in), jnp.float32)

    deg_fn = _make_deg(n, e)
    agg_fn = _make_agg(n, e, d_in)
    agg2_fn = _make_agg(n, e, d_in, ntab=2)

    degp = deg_fn(dst, zeros1d).reshape(NW, n)
    y0, dis = _tc1(degp, x)
    p1 = agg_fn(y0, src, dst, zeros2d)
    y1a, y1b = _tc2(p1, y0, dis, W1, b1.reshape(1, -1))
    pa, pb = agg2_fn(y1a, y1b, src, dst, zeros2d)
    q = _tc3(pa, pb, y1a, y1b, dis, W2, b2.reshape(1, -1), W3)
    pq = agg_fn(q, src, dst, zeros2d)
    h, rec = _tc4(pq, q, dis, b3.reshape(1, -1), Wr, br.reshape(1, -1))
    return (h, rec)

# --- scband reference (transcript-rebuilt; emitter-appended) ---
"""Pipeline reference for scband-gnnanomaly-detector-5626407157992 (READ-ONLY COPY).

The authoritative reference and input builder live on the scoring server;
editing this copy changes nothing except your own understanding.
"""

import jax, jax.numpy as jnp
import numpy as np

N = 10000
E = 320000
D_IN = 128
D_H = 256
D_OUT = 128


def setup_inputs(seed: int = 0) -> dict:
    key = jax.random.key(seed)
    ks = jax.random.split(key, 12)
    x = jax.random.normal(ks[0], (N, D_IN), dtype=jnp.float32)
    edge_index = jax.random.randint(ks[1], (2, E), 0, N)
    W1 = jax.random.normal(ks[2], (D_IN, D_H), dtype=jnp.float32) * 0.05
    b1 = jnp.zeros((D_H,), dtype=jnp.float32)
    W2 = jax.random.normal(ks[3], (D_H, D_H), dtype=jnp.float32) * 0.05
    b2 = jnp.zeros((D_H,), dtype=jnp.float32)
    W3 = jax.random.normal(ks[4], (D_H, D_OUT), dtype=jnp.float32) * 0.05
    b3 = jnp.zeros((D_OUT,), dtype=jnp.float32)
    Wr = jax.random.normal(ks[5], (D_OUT, D_IN), dtype=jnp.float32) * 0.05
    br = jnp.zeros((D_IN,), dtype=jnp.float32)
    return {"x": x, "edge_index": edge_index, "W1": W1, "b1": b1,
            "W2": W2, "b2": b2, "W3": W3, "b3": b3, "Wr": Wr, "br": br}


def _gcn_conv(x, W, b, src, dst, num_nodes):
    # PyG GCNConv: x' = D^{-1/2} (A + I) D^{-1/2} X W + b, self-loops already in src/dst
    h = x @ W
    ones = jnp.ones(src.shape[0], dtype=jnp.float32)
    deg = jnp.zeros((num_nodes,), dtype=jnp.float32).at[dst].add(ones)
    deg_inv_sqrt = jnp.where(deg > 0, 1.0 / jnp.sqrt(deg), 0.0)
    norm = deg_inv_sqrt[src] * deg_inv_sqrt[dst]
    msg = h[src] * norm[:, None]
    out = jnp.zeros((num_nodes, h.shape[1]), dtype=jnp.float32).at[dst].add(msg)
    return out + b


def reference(x, edge_index, W1, b1, W2, b2, W3, b3, Wr, br):
    num_nodes = x.shape[0]
    loops = jnp.arange(num_nodes, dtype=edge_index.dtype)
    src = jnp.concatenate([edge_index[0], loops])
    dst = jnp.concatenate([edge_index[1], loops])
    h = jax.nn.relu(_gcn_conv(x, W1, b1, src, dst, num_nodes))
    # dropout p=0.5 is identity in eval mode
    h = jax.nn.relu(_gcn_conv(h, W2, b2, src, dst, num_nodes))
    h = jax.nn.relu(_gcn_conv(h, W3, b3, src, dst, num_nodes))
    reconstructed = h @ Wr + br
    return (h, reconstructed)

if __name__ == "__main__":
    import jax
    _d = setup_inputs()
    print(jax.jit(kernel)(*tuple(_d.values())))

</pallas_src>

<mosaic_0001>
#map = affine_map<(d0, d1) -> (0, 0)>
#map1 = affine_map<(d0, d1) -> (0)>
#map2 = affine_map<(d0, d1) -> (0, 0, 0)>
module attributes {stable_mosaic.version = 14 : i64} {
  func.func @agg_kernel(%arg0: i32, %arg1: i32, %arg2: memref<10000x128xf32, #tpu.memory_space<hbm>>, %arg3: memref<10000x128xf32, #tpu.memory_space<hbm>>, %arg4: memref<320000xi32, #tpu.memory_space<hbm>>, %arg5: memref<320000xi32, #tpu.memory_space<hbm>>, %arg6: memref<10000x128xf32, #tpu.memory_space<hbm>>, %arg7: memref<2x10000x128xf32, #tpu.memory_space<hbm>>, %arg8: memref<2x10000x128xf32, #tpu.memory_space<hbm>>, %arg9: memref<10000xi32, #tpu.memory_space<vmem>>, %arg10: memref<40xi32, #tpu.memory_space<vmem>>, %arg11: memref<40xi32, #tpu.memory_space<vmem>>, %arg12: memref<40xi32, #tpu.memory_space<vmem>>, %arg13: memref<40xi32, #tpu.memory_space<vmem>>, %arg14: memref<40xi32, #tpu.memory_space<vmem>>, %arg15: memref<40xi32, #tpu.memory_space<vmem>>, %arg16: memref<40xi32, #tpu.memory_space<vmem>>, %arg17: memref<40x128xf32, #tpu.memory_space<vmem>>, %arg18: memref<40x128xf32, #tpu.memory_space<vmem>>, %arg19: memref<40x128xf32, #tpu.memory_space<vmem>>, %arg20: memref<40x128xf32, #tpu.memory_space<vmem>>, %arg21: memref<40x128xf32, #tpu.memory_space<vmem>>, %arg22: memref<40x128xf32, #tpu.memory_space<vmem>>, %arg23: memref<40x128xf32, #tpu.memory_space<vmem>>, %arg24: memref<10000x128xf32, #tpu.memory_space<vmem_shared>>, %arg25: memref<!tpu.dma_semaphore, #tpu.memory_space<semaphore_mem>>, %arg26: memref<!tpu.dma_semaphore, #tpu.memory_space<semaphore_mem>>, %arg27: memref<!tpu.dma_semaphore, #tpu.memory_space<semaphore_mem>>, %arg28: memref<!tpu.dma_semaphore, #tpu.memory_space<semaphore_mem>>, %arg29: memref<!tpu.dma_semaphore, #tpu.memory_space<semaphore_mem>>, %arg30: memref<!tpu.dma_semaphore, #tpu.memory_space<semaphore_mem>>, %arg31: memref<!tpu.dma_semaphore, #tpu.memory_space<semaphore_mem>>, %arg32: memref<!tpu.dma_semaphore, #tpu.memory_space<semaphore_mem>>, %arg33: memref<!tpu.dma_semaphore, #tpu.memory_space<semaphore_mem>>, %arg34: memref<!tpu.dma_semaphore, #tpu.memory_space<semaphore_mem>>, %arg35: memref<!tpu.dma_semaphore, #tpu.memory_space<semaphore_mem>>, %arg36: memref<!tpu.dma_semaphore, #tpu.memory_space<semaphore_mem>>, %arg37: memref<!tpu.dma_semaphore, #tpu.memory_space<semaphore_mem>>, %arg38: memref<!tpu.dma_semaphore, #tpu.memory_space<semaphore_mem>>) attributes {dimension_semantics = [#tpu.dimension_semantics<core_parallel>, #tpu.dimension_semantics<subcore_parallel>], iteration_bounds = array<i64: 2, 16>, scalar_prefetch = 0 : i64, scratch_operands = 30 : i64, tpu.core_type = #tpu.core_type<sc_vector_subcore>, window_params = [{transform_indices = #map}, {transform_indices = #map}, {transform_indices = #map1}, {transform_indices = #map1}, {transform_indices = #map}, {transform_indices = #map2}, {transform_indices = #map2}]} {
    %mul3A = arith.constant 2 : i32
    %mul3A_0 = arith.muli %arg1, %mul3A : i32
    %add3A = arith.addi %mul3A_0, %arg0 : i32
    %mul3A_1 = arith.constant 10000 : i32
    %mul3A_2 = arith.muli %add3A, %mul3A_1 : i32
    %multiple_of3A = tpu.assume_multiple %mul3A_2, 8 : i32
    "tpu.region"() ({
      %run_scoped3A = tpu.sem_alloc : memref<!tpu.dma_semaphore, #tpu.memory_space<semaphore_mem>>
      %dma_start3A_294 = tpu.memref_slice %arg4[%multiple_of3A] : memref<320000xi32, #tpu.memory_space<hbm>> -> memref<10000xi32, #tpu.memory_space<hbm>>
      %dma_start3A_295 = tpu.memref_slice %arg4[%multiple_of3A] : memref<320000xi32, #tpu.memory_space<hbm>> -> memref<10000xi32, #tpu.memory_space<hbm>>
      tpu.enqueue_dma source(%dma_start3A_295 : memref<10000xi32, #tpu.memory_space<hbm>>) target(%arg9 : memref<10000xi32, #tpu.memory_space<vmem>>) target_semaphore(%run_scoped3A : memref<!tpu.dma_semaphore, #tpu.memory_space<semaphore_mem>>)
      %dma_wait3A_296 = tpu.memref_slice %arg4[%multiple_of3A] : memref<320000xi32, #tpu.memory_space<hbm>> -> memref<10000xi32, #tpu.memory_space<hbm>>
      %dma_wait3A_297 = tpu.memref_slice %arg4[%multiple_of3A] : memref<320000xi32, #tpu.memory_space<hbm>> -> memref<10000xi32, #tpu.memory_space<hbm>>
      tpu.wait_dma2 semaphore(%run_scoped3A : memref<!tpu.dma_semaphore, #tpu.memory_space<semaphore_mem>>) src(%dma_wait3A_297 : memref<10000xi32, #tpu.memory_space<hbm>>) dst(%arg9 : memref<10000xi32, #tpu.memory_space<vmem>>)
      tpu.yield
    }) : () -> ()
    %mul3A_3 = arith.constant 624 : i32
    %mul3A_4 = arith.muli %arg1, %mul3A_3 : i32
    %multiple_of3A_5 = tpu.assume_multiple %mul3A_4, 8 : i32
    %lt3A = arith.constant 15 : i32
    %lt3A_6 = arith.cmpi slt, %arg1, %lt3A : i32
    %convert_element_type3A = arith.extui %lt3A_6 : i1 to i32
    %cond3A = arith.constant 0 : i32
    %cond3A_7 = arith.cmpi ne, %convert_element_type3A, %cond3A : i32
    scf.if %cond3A_7 {
      "tpu.region"() ({
        %run_scoped3A = tpu.sem_alloc : memref<!tpu.dma_semaphore, #tpu.memory_space<semaphore_mem>>
        %dma_start3A_294 = arith.constant 0 : i32
        %dma_start3A_295 = tpu.memref_slice %arg24[%multiple_of3A_5, %dma_start3A_294] : memref<10000x128xf32, #tpu.memory_space<vmem_shared>> -> memref<624x128xf32, #tpu.memory_space<vmem_shared>>
        %dma_start3A_296 = arith.constant 0 : i32
        %dma_start3A_297 = tpu.memref_slice %arg6[%multiple_of3A_5, %dma_start3A_296] : memref<10000x128xf32, #tpu.memory_space<hbm>> -> memref<624x128xf32, #tpu.memory_space<hbm>>
        tpu.enqueue_dma source(%dma_start3A_297 : memref<624x128xf32, #tpu.memory_space<hbm>>) target(%dma_start3A_295 : memref<624x128xf32, #tpu.memory_space<vmem_shared>>) target_semaphore(%run_scoped3A : memref<!tpu.dma_semaphore, #tpu.memory_space<semaphore_mem>>)
        %dma_wait3A_298 = arith.constant 0 : i32
        %dma_wait3A_299 = tpu.memref_slice %arg24[%multiple_of3A_5, %dma_wait3A_298] : memref<10000x128xf32, #tpu.memory_space<vmem_shared>> -> memref<624x128xf32, #tpu.memory_space<vmem_shared>>
        %dma_wait3A_300 = arith.constant 0 : i32
        %dma_wait3A_301 = tpu.memref_slice %arg6[%multiple_of3A_5, %dma_wait3A_300] : memref<10000x128xf32, #tpu.memory_space<hbm>> -> memref<624x128xf32, #tpu.memory_space<hbm>>
        tpu.wait_dma2 semaphore(%run_scoped3A : memref<!tpu.dma_semaphore, #tpu.memory_space<semaphore_mem>>) src(%dma_wait3A_301 : memref<624x128xf32, #tpu.memory_space<hbm>>) dst(%dma_wait3A_299 : memref<624x128xf32, #tpu.memory_space<vmem_shared>>)
        tpu.yield
      }) : () -> ()
    } else {
    }
    %eq3A = arith.constant 15 : i32
    %eq3A_8 = arith.cmpi eq, %arg1, %eq3A : i32
    %convert_element_type3A_9 = arith.extui %eq3A_8 : i1 to i32
    %cond3A_10 = arith.constant 0 : i32
    %cond3A_11 = arith.cmpi ne, %convert_element_type3A_9, %cond3A_10 : i32
    scf.if %cond3A_11 {
      "tpu.region"() ({
        %run_scoped3A = tpu.sem_alloc : memref<!tpu.dma_semaphore, #tpu.memory_space<semaphore_mem>>
        %dma_start3A_294 = arith.constant 9360 : i32
        %dma_start3A_295 = arith.constant 0 : i32
        %dma_start3A_296 = tpu.memref_slice %arg24[%dma_start3A_294, %dma_start3A_295] : memref<10000x128xf32, #tpu.memory_space<vmem_shared>> -> memref<640x128xf32, #tpu.memory_space<vmem_shared>>
        %dma_start3A_297 = arith.constant 9360 : i32
        %dma_start3A_298 = arith.constant 0 : i32
        %dma_start3A_299 = tpu.memref_slice %arg6[%dma_start3A_297, %dma_start3A_298] : memref<10000x128xf32, #tpu.memory_space<hbm>> -> memref<640x128xf32, #tpu.memory_space<hbm>>
        tpu.enqueue_dma source(%dma_start3A_299 : memref<640x128xf32, #tpu.memory_space<hbm>>) target(%dma_start3A_296 : memref<640x128xf32, #tpu.memory_space<vmem_shared>>) target_semaphore(%run_scoped3A : memref<!tpu.dma_semaphore, #tpu.memory_space<semaphore_mem>>)
        %dma_wait3A_300 = arith.constant 9360 : i32
        %dma_wait3A_301 = arith.constant 0 : i32
        %dma_wait3A_302 = tpu.memref_slice %arg24[%dma_wait3A_300, %dma_wait3A_301] : memref<10000x128xf32, #tpu.memory_space<vmem_shared>> -> memref<640x128xf32, #tpu.memory_space<vmem_shared>>
        %dma_wait3A_303 = arith.constant 9360 : i32
        %dma_wait3A_304 = arith.constant 0 : i32
        %dma_wait3A_305 = tpu.memref_slice %arg6[%dma_wait3A_303, %dma_wait3A_304] : memref<10000x128xf32, #tpu.memory_space<hbm>> -> memref<640x128xf32, #tpu.memory_space<hbm>>
        tpu.wait_dma2 semaphore(%run_scoped3A : memref<!tpu.dma_semaphore, #tpu.memory_space<semaphore_mem>>) src(%dma_wait3A_305 : memref<640x128xf32, #tpu.memory_space<hbm>>) dst(%dma_wait3A_302 : memref<640x128xf32, #tpu.memory_space<vmem_shared>>)
        tpu.yield
      }) : () -> ()
    } else {
    }
    %barrier3A = arith.constant 0 : index
    tpu.barrier barrier_id(%barrier3A)
    %mul3A_12 = arith.constant 10000 : i32
    %mul3A_13 = arith.muli %add3A, %mul3A_12 : i32
    %add3A_14 = arith.constant 0 : i32
    %add3A_15 = arith.addi %mul3A_13, %add3A_14 : i32
    %multiple_of3A_16 = tpu.assume_multiple %add3A_15, 8 : i32
    %dma_start3A = tpu.memref_slice %arg5[%multiple_of3A_16] : memref<320000xi32, #tpu.memory_space<hbm>> -> memref<40xi32, #tpu.memory_space<hbm>>
    %dma_start3A_17 = tpu.memref_slice %arg5[%multiple_of3A_16] : memref<320000xi32, #tpu.memory_space<hbm>> -> memref<40xi32, #tpu.memory_space<hbm>>
    tpu.enqueue_dma source(%dma_start3A_17 : memref<40xi32, #tpu.memory_space<hbm>>) target(%arg10 : memref<40xi32, #tpu.memory_space<vmem>>) target_semaphore(%arg25 : memref<!tpu.dma_semaphore, #tpu.memory_space<semaphore_mem>>)
    %multiple_of3A_18 = arith.constant 0 : i32
    %multiple_of3A_19 = tpu.assume_multiple %multiple_of3A_18, 8 : i32
    %dma_start3A_20 = tpu.memref_slice %arg9[%multiple_of3A_19] : memref<10000xi32, #tpu.memory_space<vmem>> -> memref<40xi32, #tpu.memory_space<vmem>>
    %dma_start3A_21 = arith.constant 0 : i32
    %dma_start3A_22 = arith.constant 0 : i32
    %dma_start3A_23 = tpu.memref_slice %arg2[%dma_start3A_21, %dma_start3A_22] : memref<10000x128xf32, #tpu.memory_space<hbm>> -> memref<10000x128xf32, #tpu.memory_space<hbm>>
    tpu.enqueue_indirect_dma source(%dma_start3A_23 : memref<10000x128xf32, #tpu.memory_space<hbm>>) target(%arg17 : memref<40x128xf32, #tpu.memory_space<vmem>>) offsets(%dma_start3A_20 : memref<40xi32, #tpu.memory_space<vmem>>) semaphore(%arg25 : memref<!tpu.dma_semaphore, #tpu.memory_space<semaphore_mem>>)
    %mul3A_24 = arith.constant 10000 : i32
    %mul3A_25 = arith.muli %add3A, %mul3A_24 : i32
    %add3A_26 = arith.constant 40 : i32
    %add3A_27 = arith.addi %mul3A_25, %add3A_26 : i32
    %multiple_of3A_28 = tpu.assume_multiple %add3A_27, 8 : i32
    %dma_start3A_29 = tpu.memref_slice %arg5[%multiple_of3A_28] : memref<320000xi32, #tpu.memory_space<hbm>> -> memref<40xi32, #tpu.memory_space<hbm>>
    %dma_start3A_30 = tpu.memref_slice %arg5[%multiple_of3A_28] : memref<320000xi32, #tpu.memory_space<hbm>> -> memref<40xi32, #tpu.memory_space<hbm>>
    tpu.enqueue_dma source(%dma_start3A_30 : memref<40xi32, #tpu.memory_space<hbm>>) target(%arg11 : memref<40xi32, #tpu.memory_space<vmem>>) target_semaphore(%arg26 : memref<!tpu.dma_semaphore, #tpu.memory_space<semaphore_mem>>)
    %multiple_of3A_31 = arith.constant 40 : i32
    %multiple_of3A_32 = tpu.assume_multiple %multiple_of3A_31, 8 : i32
    %dma_start3A_33 = tpu.memref_slice %arg9[%multiple_of3A_32] : memref<10000xi32, #tpu.memory_space<vmem>> -> memref<40xi32, #tpu.memory_space<vmem>>
    %dma_start3A_34 = arith.constant 0 : i32
    %dma_start3A_35 = arith.constant 0 : i32
    %dma_start3A_36 = tpu.memref_slice %arg2[%dma_start3A_34, %dma_start3A_35] : memref<10000x128xf32, #tpu.memory_space<hbm>> -> memref<10000x128xf32, #tpu.memory_space<hbm>>
    tpu.enqueue_indirect_dma source(%dma_start3A_36 : memref<10000x128xf32, #tpu.memory_space<hbm>>) target(%arg18 : memref<40x128xf32, #tpu.memory_space<vmem>>) offsets(%dma_start3A_33 : memref<40xi32, #tpu.memory_space<vmem>>) semaphore(%arg26 : memref<!tpu.dma_semaphore, #tpu.memory_space<semaphore_mem>>)
    %mul3A_37 = arith.constant 10000 : i32
    %mul3A_38 = arith.muli %add3A, %mul3A_37 : i32
    %add3A_39 = arith.constant 80 : i32
    %add3A_40 = arith.addi %mul3A_38, %add3A_39 : i32
    %multiple_of3A_41 = tpu.assume_multiple %add3A_40, 8 : i32
    %dma_start3A_42 = tpu.memref_slice %arg5[%multiple_of3A_41] : memref<320000xi32, #tpu.memory_space<hbm>> -> memref<40xi32, #tpu.memory_space<hbm>>
    %dma_start3A_43 = tpu.memref_slice %arg5[%multiple_of3A_41] : memref<320000xi32, #tpu.memory_space<hbm>> -> memref<40xi32, #tpu.memory_space<hbm>>
    tpu.enqueue_dma source(%dma_start3A_43 : memref<40xi32, #tpu.memory_space<hbm>>) target(%arg12 : memref<40xi32, #tpu.memory_space<vmem>>) target_semaphore(%arg27 : memref<!tpu.dma_semaphore, #tpu.memory_space<semaphore_mem>>)
    %multiple_of3A_44 = arith.constant 80 : i32
    %multiple_of3A_45 = tpu.assume_multiple %multiple_of3A_44, 8 : i32
    %dma_start3A_46 = tpu.memref_slice %arg9[%multiple_of3A_45] : memref<10000xi32, #tpu.memory_space<vmem>> -> memref<40xi32, #tpu.memory_space<vmem>>
    %dma_start3A_47 = arith.constant 0 : i32
    %dma_start3A_48 = arith.constant 0 : i32
    %dma_start3A_49 = tpu.memref_slice %arg2[%dma_start3A_47, %dma_start3A_48] : memref<10000x128xf32, #tpu.memory_space<hbm>> -> memref<10000x128xf32, #tpu.memory_space<hbm>>
    tpu.enqueue_indirect_dma source(%dma_start3A_49 : memref<10000x128xf32, #tpu.memory_space<hbm>>) target(%arg19 : memref<40x128xf32, #tpu.memory_space<vmem>>) offsets(%dma_start3A_46 : memref<40xi32, #tpu.memory_space<vmem>>) semaphore(%arg27 : memref<!tpu.dma_semaphore, #tpu.memory_space<semaphore_mem>>)
    %mul3A_50 = arith.constant 10000 : i32
    %mul3A_51 = arith.muli %add3A, %mul3A_50 : i32
    %add3A_52 = arith.constant 120 : i32
    %add3A_53 = arith.addi %mul3A_51, %add3A_52 : i32
    %multiple_of3A_54 = tpu.assume_multiple %add3A_53, 8 : i32
    %dma_start3A_55 = tpu.memref_slice %arg5[%multiple_of3A_54] : memref<320000xi32, #tpu.memory_space<hbm>> -> memref<40xi32, #tpu.memory_space<hbm>>
    %dma_start3A_56 = tpu.memref_slice %arg5[%multiple_of3A_54] : memref<320000xi32, #tpu.memory_space<hbm>> -> memref<40xi32, #tpu.memory_space<hbm>>
    tpu.enqueue_dma source(%dma_start3A_56 : memref<40xi32, #tpu.memory_space<hbm>>) target(%arg13 : memref<40xi32, #tpu.memory_space<vmem>>) target_semaphore(%arg28 : memref<!tpu.dma_semaphore, #tpu.memory_space<semaphore_mem>>)
    %multiple_of3A_57 = arith.constant 120 : i32
    %multiple_of3A_58 = tpu.assume_multiple %multiple_of3A_57, 8 : i32
    %dma_start3A_59 = tpu.memref_slice %arg9[%multiple_of3A_58] : memref<10000xi32, #tpu.memory_space<vmem>> -> memref<40xi32, #tpu.memory_space<vmem>>
    %dma_start3A_60 = arith.constant 0 : i32
    %dma_start3A_61 = arith.constant 0 : i32
    %dma_start3A_62 = tpu.memref_slice %arg2[%dma_start3A_60, %dma_start3A_61] : memref<10000x128xf32, #tpu.memory_space<hbm>> -> memref<10000x128xf32, #tpu.memory_space<hbm>>
    tpu.enqueue_indirect_dma source(%dma_start3A_62 : memref<10000x128xf32, #tpu.memory_space<hbm>>) target(%arg20 : memref<40x128xf32, #tpu.memory_space<vmem>>) offsets(%dma_start3A_59 : memref<40xi32, #tpu.memory_space<vmem>>) semaphore(%arg28 : memref<!tpu.dma_semaphore, #tpu.memory_space<semaphore_mem>>)
    %mul3A_63 = arith.constant 10000 : i32
    %mul3A_64 = arith.muli %add3A, %mul3A_63 : i32
    %add3A_65 = arith.constant 160 : i32
    %add3A_66 = arith.addi %mul3A_64, %add3A_65 : i32
    %multiple_of3A_67 = tpu.assume_multiple %add3A_66, 8 : i32
    %dma_start3A_68 = tpu.memref_slice %arg5[%multiple_of3A_67] : memref<320000xi32, #tpu.memory_space<hbm>> -> memref<40xi32, #tpu.memory_space<hbm>>
    %dma_start3A_69 = tpu.memref_slice %arg5[%multiple_of3A_67] : memref<320000xi32, #tpu.memory_space<hbm>> -> memref<40xi32, #tpu.memory_space<hbm>>
    tpu.enqueue_dma source(%dma_start3A_69 : memref<40xi32, #tpu.memory_space<hbm>>) target(%arg14 : memref<40xi32, #tpu.memory_space<vmem>>) target_semaphore(%arg29 : memref<!tpu.dma_semaphore, #tpu.memory_space<semaphore_mem>>)
    %multiple_of3A_70 = arith.constant 160 : i32
    %multiple_of3A_71 = tpu.assume_multiple %multiple_of3A_70, 8 : i32
    %dma_start3A_72 = tpu.memref_slice %arg9[%multiple_of3A_71] : memref<10000xi32, #tpu.memory_space<vmem>> -> memref<40xi32, #tpu.memory_space<vmem>>
    %dma_start3A_73 = arith.constant 0 : i32
    %dma_start3A_74 = arith.constant 0 : i32
    %dma_start3A_75 = tpu.memref_slice %arg2[%dma_start3A_73, %dma_start3A_74] : memref<10000x128xf32, #tpu.memory_space<hbm>> -> memref<10000x128xf32, #tpu.memory_space<hbm>>
    tpu.enqueue_indirect_dma source(%dma_start3A_75 : memref<10000x128xf32, #tpu.memory_space<hbm>>) target(%arg21 : memref<40x128xf32, #tpu.memory_space<vmem>>) offsets(%dma_start3A_72 : memref<40xi32, #tpu.memory_space<vmem>>) semaphore(%arg29 : memref<!tpu.dma_semaphore, #tpu.memory_space<semaphore_mem>>)
    %mul3A_76 = arith.constant 10000 : i32
    %mul3A_77 = arith.muli %add3A, %mul3A_76 : i32
    %add3A_78 = arith.constant 200 : i32
    %add3A_79 = arith.addi %mul3A_77, %add3A_78 : i32
    %multiple_of3A_80 = tpu.assume_multiple %add3A_79, 8 : i32
    %dma_start3A_81 = tpu.memref_slice %arg5[%multiple_of3A_80] : memref<320000xi32, #tpu.memory_space<hbm>> -> memref<40xi32, #tpu.memory_space<hbm>>
    %dma_start3A_82 = tpu.memref_slice %arg5[%multiple_of3A_80] : memref<320000xi32, #tpu.memory_space<hbm>> -> memref<40xi32, #tpu.memory_space<hbm>>
    tpu.enqueue_dma source(%dma_start3A_82 : memref<40xi32, #tpu.memory_space<hbm>>) target(%arg15 : memref<40xi32, #tpu.memory_space<vmem>>) target_semaphore(%arg30 : memref<!tpu.dma_semaphore, #tpu.memory_space<semaphore_mem>>)
    %multiple_of3A_83 = arith.constant 200 : i32
    %multiple_of3A_84 = tpu.assume_multiple %multiple_of3A_83, 8 : i32
    %dma_start3A_85 = tpu.memref_slice %arg9[%multiple_of3A_84] : memref<10000xi32, #tpu.memory_space<vmem>> -> memref<40xi32, #tpu.memory_space<vmem>>
    %dma_start3A_86 = arith.constant 0 : i32
    %dma_start3A_87 = arith.constant 0 : i32
    %dma_start3A_88 = tpu.memref_slice %arg2[%dma_start3A_86, %dma_start3A_87] : memref<10000x128xf32, #tpu.memory_space<hbm>> -> memref<10000x128xf32, #tpu.memory_space<hbm>>
    tpu.enqueue_indirect_dma source(%dma_start3A_88 : memref<10000x128xf32, #tpu.memory_space<hbm>>) target(%arg22 : memref<40x128xf32, #tpu.memory_space<vmem>>) offsets(%dma_start3A_85 : memref<40xi32, #tpu.memory_space<vmem>>) semaphore(%arg30 : memref<!tpu.dma_semaphore, #tpu.memory_space<semaphore_mem>>)
    %scan3A = arith.constant 0 : i32
    %scan3A_89 = arith.constant 0 : i32
    %scan3A_90 = arith.constant 250 : i32
    %scan3A_91 = arith.addi %scan3A_89, %scan3A_90 : i32
    %scan3A_92 = arith.constant 1 : i32
    scf.for %scan3A_294 = %scan3A_89 to %scan3A_91 step %scan3A_92  : i32 {
      %rem3A = arith.constant 7 : i32
      %rem3A_295 = arith.remsi %scan3A_294, %rem3A : i32
      %eq3A_296 = arith.constant 0 : i32
      %eq3A_297 = arith.cmpi eq, %rem3A_295, %eq3A_296 : i32
      %convert_element_type3A_298 = arith.extui %eq3A_297 : i1 to i32
      %cond3A_299 = arith.constant 0 : i32
      %cond3A_300 = arith.cmpi ne, %convert_element_type3A_298, %cond3A_299 : i32
      scf.if %cond3A_300 {
        %dma_wait3A_343 = arith.constant 0 : i32
        %dma_wait3A_344 = tpu.memref_slice %arg5[%dma_wait3A_343] : memref<320000xi32, #tpu.memory_space<hbm>> -> memref<40xi32, #tpu.memory_space<hbm>>
        %dma_wait3A_345 = arith.constant 0 : i32
        %dma_wait3A_346 = tpu.memref_slice %arg5[%dma_wait3A_345] : memref<320000xi32, #tpu.memory_space<hbm>> -> memref<40xi32, #tpu.memory_space<hbm>>
        tpu.wait_dma2 semaphore(%arg25 : memref<!tpu.dma_semaphore, #tpu.memory_space<semaphore_mem>>) src(%dma_wait3A_346 : memref<40xi32, #tpu.memory_space<hbm>>) dst(%arg10 : memref<40xi32, #tpu.memory_space<vmem>>)
        %dma_wait3A_347 = arith.constant 0 : i32
        %dma_wait3A_348 = arith.constant 0 : i32
        %dma_wait3A_349 = tpu.memref_slice %arg2[%dma_wait3A_347, %dma_wait3A_348] : memref<10000x128xf32, #tpu.memory_space<hbm>> -> memref<40x128xf32, #tpu.memory_space<hbm>>
        %dma_wait3A_350 = arith.constant 0 : i32
        %dma_wait3A_351 = arith.constant 0 : i32
        %dma_wait3A_352 = tpu.memref_slice %arg2[%dma_wait3A_350, %dma_wait3A_351] : memref<10000x128xf32, #tpu.memory_space<hbm>> -> memref<40x128xf32, #tpu.memory_space<hbm>>
        tpu.wait_dma2 semaphore(%arg25 : memref<!tpu.dma_semaphore, #tpu.memory_space<semaphore_mem>>) src(%dma_wait3A_352 : memref<40x128xf32, #tpu.memory_space<hbm>>) dst(%arg17 : memref<40x128xf32, #tpu.memory_space<vmem>>)
        %dma_start3A_353 = arith.constant 0 : i32
        %dma_start3A_354 = arith.constant 0 : i32
        %dma_start3A_355 = tpu.memref_slice %arg24[%dma_start3A_353, %dma_start3A_354] : memref<10000x128xf32, #tpu.memory_space<vmem_shared>> -> memref<10000x128xf32, #tpu.memory_space<vmem_shared>>
        tpu.enqueue_indirect_dma source(%arg17 : memref<40x128xf32, #tpu.memory_space<vmem>>) target(%dma_start3A_355 : memref<10000x128xf32, #tpu.memory_space<vmem_shared>>) offsets(%arg10 : memref<40xi32, #tpu.memory_space<vmem>>) semaphore(%arg32 : memref<!tpu.dma_semaphore, #tpu.memory_space<semaphore_mem>>) {add = true}
        %add3A_356 = arith.constant 7 : i32
        %add3A_357 = arith.addi %scan3A_294, %add3A_356 : i32
        %sub3A = arith.constant 1 : i32
        %sub3A_358 = arith.subi %add3A_357, %sub3A : i32
        %lt3A_359 = arith.constant 250 : i32
        %lt3A_360 = arith.cmpi slt, %sub3A_358, %lt3A_359 : i32
        %convert_element_type3A_361 = arith.extui %lt3A_360 : i1 to i32
        %cond3A_362 = arith.constant 0 : i32
        %cond3A_363 = arith.cmpi ne, %convert_element_type3A_361, %cond3A_362 : i32
        scf.if %cond3A_363 {
          %ge3A = arith.constant 1 : i32
          %ge3A_364 = arith.cmpi sge, %scan3A_294, %ge3A : i32
          %convert_element_type3A_365 = arith.extui %ge3A_364 : i1 to i32
          %cond3A_366 = arith.constant 0 : i32
          %cond3A_367 = arith.cmpi ne, %convert_element_type3A_365, %cond3A_366 : i32
          scf.if %cond3A_367 {
            %dma_wait3A_387 = arith.constant 0 : i32
            %dma_wait3A_388 = arith.constant 0 : i32
            %dma_wait3A_389 = tpu.memref_slice %arg2[%dma_wait3A_387, %dma_wait3A_388] : memref<10000x128xf32, #tpu.memory_space<hbm>> -> memref<40x128xf32, #tpu.memory_space<hbm>>
            %dma_wait3A_390 = arith.constant 0 : i32
            %dma_wait3A_391 = arith.constant 0 : i32
            %dma_wait3A_392 = tpu.memref_slice %arg2[%dma_wait3A_390, %dma_wait3A_391] : memref<10000x128xf32, #tpu.memory_space<hbm>> -> memref<40x128xf32, #tpu.memory_space<hbm>>
            tpu.wait_dma2 semaphore(%arg38 : memref<!tpu.dma_semaphore, #tpu.memory_space<semaphore_mem>>) src(%dma_wait3A_392 : memref<40x128xf32, #tpu.memory_space<hbm>>) dst(%arg23 : memref<40x128xf32, #tpu.memory_space<vmem>>)
          } else {
          }
          %add3A_368 = arith.constant 7 : i32
          %add3A_369 = arith.addi %scan3A_294, %add3A_368 : i32
          %sub3A_370 = arith.constant 1 : i32
          %sub3A_371 = arith.subi %add3A_369, %sub3A_370 : i32
          %mul3A_372 = arith.constant 10000 : i32
          %mul3A_373 = arith.muli %add3A, %mul3A_372 : i32
          %mul3A_374 = arith.constant 40 : i32
          %mul3A_375 = arith.muli %sub3A_371, %mul3A_374 : i32
          %add3A_376 = arith.addi %mul3A_373, %mul3A_375 : i32
          %multiple_of3A_377 = tpu.assume_multiple %add3A_376, 8 : i32
          %dma_start3A_378 = tpu.memref_slice %arg5[%multiple_of3A_377] : memref<320000xi32, #tpu.memory_space<hbm>> -> memref<40xi32, #tpu.memory_space<hbm>>
          %dma_start3A_379 = tpu.memref_slice %arg5[%multiple_of3A_377] : memref<320000xi32, #tpu.memory_space<hbm>> -> memref<40xi32, #tpu.memory_space<hbm>>
          tpu.enqueue_dma source(%dma_start3A_379 : memref<40xi32, #tpu.memory_space<hbm>>) target(%arg16 : memref<40xi32, #tpu.memory_space<vmem>>) target_semaphore(%arg31 : memref<!tpu.dma_semaphore, #tpu.memory_space<semaphore_mem>>)
          %mul3A_380 = arith.constant 40 : i32
          %mul3A_381 = arith.muli %sub3A_371, %mul3A_380 : i32
          %multiple_of3A_382 = tpu.assume_multiple %mul3A_381, 8 : i32
          %dma_start3A_383 = tpu.memref_slice %arg9[%multiple_of3A_382] : memref<10000xi32, #tpu.memory_space<vmem>> -> memref<40xi32, #tpu.memory_space<vmem>>
          %dma_start3A_384 = arith.constant 0 : i32
          %dma_start3A_385 = arith.constant 0 : i32
          %dma_start3A_386 = tpu.memref_slice %arg2[%dma_start3A_384, %dma_start3A_385] : memref<10000x128xf32, #tpu.memory_space<hbm>> -> memref<10000x128xf32, #tpu.memory_space<hbm>>
          tpu.enqueue_indirect_dma source(%dma_start3A_386 : memref<10000x128xf32, #tpu.memory_space<hbm>>) target(%arg23 : memref<40x128xf32, #tpu.memory_space<vmem>>) offsets(%dma_start3A_383 : memref<40xi32, #tpu.memory_space<vmem>>) semaphore(%arg31 : memref<!tpu.dma_semaphore, #tpu.memory_space<semaphore_mem>>)
        } else {
        }
      } else {
      }
      %rem3A_301 = arith.constant 7 : i32
      %rem3A_302 = arith.remsi %scan3A_294, %rem3A_301 : i32
      %eq3A_303 = arith.constant 1 : i32
      %eq3A_304 = arith.cmpi eq, %rem3A_302, %eq3A_303 : i32
      %convert_element_type3A_305 = arith.extui %eq3A_304 : i1 to i32
      %cond3A_306 = arith.constant 0 : i32
      %cond3A_307 = arith.cmpi ne, %convert_element_type3A_305, %cond3A_306 : i32
      scf.if %cond3A_307 {
        %dma_wait3A_343 = arith.constant 0 : i32
        %dma_wait3A_344 = tpu.memref_slice %arg5[%dma_wait3A_343] : memref<320000xi32, #tpu.memory_space<hbm>> -> memref<40xi32, #tpu.memory_space<hbm>>
        %dma_wait3A_345 = arith.constant 0 : i32
        %dma_wait3A_346 = tpu.memref_slice %arg5[%dma_wait3A_345] : memref<320000xi32, #tpu.memory_space<hbm>> -> memref<40xi32, #tpu.memory_space<hbm>>
        tpu.wait_dma2 semaphore(%arg26 : memref<!tpu.dma_semaphore, #tpu.memory_space<semaphore_mem>>) src(%dma_wait3A_346 : memref<40xi32, #tpu.memory_space<hbm>>) dst(%arg11 : memref<40xi32, #tpu.memory_space<vmem>>)
        %dma_wait3A_347 = arith.constant 0 : i32
        %dma_wait3A_348 = arith.constant 0 : i32
        %dma_wait3A_349 = tpu.memref_slice %arg2[%dma_wait3A_347, %dma_wait3A_348] : memref<10000x128xf32, #tpu.memory_space<hbm>> -> memref<40x128xf32, #tpu.memory_space<hbm>>
        %dma_wait3A_350 = arith.constant 0 : i32
        %dma_wait3A_351 = arith.constant 0 : i32
        %dma_wait3A_352 = tpu.memref_slice %arg2[%dma_wait3A_350, %dma_wait3A_351] : memref<10000x128xf32, #tpu.memory_space<hbm>> -> memref<40x128xf32, #tpu.memory_space<hbm>>
        tpu.wait_dma2 semaphore(%arg26 : memref<!tpu.dma_semaphore, #tpu.memory_space<semaphore_mem>>) src(%dma_wait3A_352 : memref<40x128xf32, #tpu.memory_space<hbm>>) dst(%arg18 : memref<40x128xf32, #tpu.memory_space<vmem>>)
        %dma_start3A_353 = arith.constant 0 : i32
        %dma_start3A_354 = arith.constant 0 : i32
        %dma_start3A_355 = tpu.memref_slice %arg24[%dma_start3A_353, %dma_start3A_354] : memref<10000x128xf32, #tpu.memory_space<vmem_shared>> -> memref<10000x128xf32, #tpu.memory_space<vmem_shared>>
        tpu.enqueue_indirect_dma source(%arg18 : memref<40x128xf32, #tpu.memory_space<vmem>>) target(%dma_start3A_355 : memref<10000x128xf32, #tpu.memory_space<vmem_shared>>) offsets(%arg11 : memref<40xi32, #tpu.memory_space<vmem>>) semaphore(%arg33 : memref<!tpu.dma_semaphore, #tpu.memory_space<semaphore_mem>>) {add = true}
        %add3A_356 = arith.constant 7 : i32
        %add3A_357 = arith.addi %scan3A_294, %add3A_356 : i32
        %sub3A = arith.constant 1 : i32
        %sub3A_358 = arith.subi %add3A_357, %sub3A : i32
        %lt3A_359 = arith.constant 250 : i32
        %lt3A_360 = arith.cmpi slt, %sub3A_358, %lt3A_359 : i32
        %convert_element_type3A_361 = arith.extui %lt3A_360 : i1 to i32
        %cond3A_362 = arith.constant 0 : i32
        %cond3A_363 = arith.cmpi ne, %convert_element_type3A_361, %cond3A_362 : i32
        scf.if %cond3A_363 {
          %ge3A = arith.constant 1 : i32
          %ge3A_364 = arith.cmpi sge, %scan3A_294, %ge3A : i32
          %convert_element_type3A_365 = arith.extui %ge3A_364 : i1 to i32
          %cond3A_366 = arith.constant 0 : i32
          %cond3A_367 = arith.cmpi ne, %convert_element_type3A_365, %cond3A_366 : i32
          scf.if %cond3A_367 {
            %dma_wait3A_387 = arith.constant 0 : i32
            %dma_wait3A_388 = arith.constant 0 : i32
            %dma_wait3A_389 = tpu.memref_slice %arg2[%dma_wait3A_387, %dma_wait3A_388] : memref<10000x128xf32, #tpu.memory_space<hbm>> -> memref<40x128xf32, #tpu.memory_space<hbm>>
            %dma_wait3A_390 = arith.constant 0 : i32
            %dma_wait3A_391 = arith.constant 0 : i32
            %dma_wait3A_392 = tpu.memref_slice %arg2[%dma_wait3A_390, %dma_wait3A_391] : memref<10000x128xf32, #tpu.memory_space<hbm>> -> memref<40x128xf32, #tpu.memory_space<hbm>>
            tpu.wait_dma2 semaphore(%arg32 : memref<!tpu.dma_semaphore, #tpu.memory_space<semaphore_mem>>) src(%dma_wait3A_392 : memref<40x128xf32, #tpu.memory_space<hbm>>) dst(%arg17 : memref<40x128xf32, #tpu.memory_space<vmem>>)
          } else {
          }
          %add3A_368 = arith.constant 7 : i32
          %add3A_369 = arith.addi %scan3A_294, %add3A_368 : i32
          %sub3A_370 = arith.constant 1 : i32
          %sub3A_371 = arith.subi %add3A_369, %sub3A_370 : i32
          %mul3A_372 = arith.constant 10000 : i32
          %mul3A_373 = arith.muli %add3A, %mul3A_372 : i32
          %mul3A_374 = arith.constant 40 : i32
          %mul3A_375 = arith.muli %sub3A_371, %mul3A_374 : i32
          %add3A_376 = arith.addi %mul3A_373, %mul3A_375 : i32
          %multiple_of3A_377 = tpu.assume_multiple %add3A_376, 8 : i32
          %dma_start3A_378 = tpu.memref_slice %arg5[%multiple_of3A_377] : memref<320000xi32, #tpu.memory_space<hbm>> -> memref<40xi32, #tpu.memory_space<hbm>>
          %dma_start3A_379 = tpu.memref_slice %arg5[%multiple_of3A_377] : memref<320000xi32, #tpu.memory_space<hbm>> -> memref<40xi32, #tpu.memory_space<hbm>>
          tpu.enqueue_dma source(%dma_start3A_379 : memref<40xi32, #tpu.memory_space<hbm>>) target(%arg10 : memref<40xi32, #tpu.memory_space<vmem>>) target_semaphore(%arg25 : memref<!tpu.dma_semaphore, #tpu.memory_space<semaphore_mem>>)
          %mul3A_380 = arith.constant 40 : i32
          %mul3A_381 = arith.muli %sub3A_371, %mul3A_380 : i32
          %multiple_of3A_382 = tpu.assume_multiple %mul3A_381, 8 : i32
          %dma_start3A_383 = tpu.memref_slice %arg9[%multiple_of3A_382] : memref<10000xi32, #tpu.memory_space<vmem>> -> memref<40xi32, #tpu.memory_space<vmem>>
          %dma_start3A_384 = arith.constant 0 : i32
          %dma_start3A_385 = arith.constant 0 : i32
          %dma_start3A_386 = tpu.memref_slice %arg2[%dma_start3A_384, %dma_start3A_385] : memref<10000x128xf32, #tpu.memory_space<hbm>> -> memref<10000x128xf32, #tpu.memory_space<hbm>>
          tpu.enqueue_indirect_dma source(%dma_start3A_386 : memref<10000x128xf32, #tpu.memory_space<hbm>>) target(%arg17 : memref<40x128xf32, #tpu.memory_space<vmem>>) offsets(%dma_start3A_383 : memref<40xi32, #tpu.memory_space<vmem>>) semaphore(%arg25 : memref<!tpu.dma_semaphore, #tpu.memory_space<semaphore_mem>>)
        } else {
        }
      } else {
      }
      %rem3A_308 = arith.constant 7 : i32
      %rem3A_309 = arith.remsi %scan3A_294, %rem3A_308 : i32
      %eq3A_310 = arith.constant 2 : i32
      %eq3A_311 = arith.cmpi eq, %rem3A_309, %eq3A_310 : i32
      %convert_element_type3A_312 = arith.extui %eq3A_311 : i1 to i32
      %cond3A_313 = arith.constant 0 : i32
      %cond3A_314 = arith.cmpi ne, %convert_element_type3A_312, %cond3A_313 : i32
      scf.if %cond3A_314 {
        %dma_wait3A_343 = arith.constant 0 : i32
        %dma_wait3A_344 = tpu.memref_slice %arg5[%dma_wait3A_343] : memref<320000xi32, #tpu.memory_space<hbm>> -> memref<40xi32, #tpu.memory_space<hbm>>
        %dma_wait3A_345 = arith.constant 0 : i32
        %dma_wait3A_346 = tpu.memref_slice %arg5[%dma_wait3A_345] : memref<320000xi32, #tpu.memory_space<hbm>> -> memref<40xi32, #tpu.memory_space<hbm>>
        tpu.wait_dma2 semaphore(%arg27 : memref<!tpu.dma_semaphore, #tpu.memory_space<semaphore_mem>>) src(%dma_wait3A_346 : memref<40xi32, #tpu.memory_space<hbm>>) dst(%arg12 : memref<40xi32, #tpu.memory_space<vmem>>)
        %dma_wait3A_347 = arith.constant 0 : i32
        %dma_wait3A_348 = arith.constant 0 : i32
        %dma_wait3A_349 = tpu.memref_slice %arg2[%dma_wait3A_347, %dma_wait3A_348] : memref<10000x128xf32, #tpu.memory_space<hbm>> -> memref<40x128xf32, #tpu.memory_space<hbm>>
        %dma_wait3A_350 = arith.constant 0 : i32
        %dma_wait3A_351 = arith.constant 0 : i32
        %dma_wait3A_352 = tpu.memref_slice %arg2[%dma_wait3A_350, %dma_wait3A_351] : memref<10000x128xf32, #tpu.memory_space<hbm>> -> memref<40x128xf32, #tpu.memory_space<hbm>>
        tpu.wait_dma2 semaphore(%arg27 : memref<!tpu.dma_semaphore, #tpu.memory_space<semaphore_mem>>) src(%dma_wait3A_352 : memref<40x128xf32, #tpu.memory_space<hbm>>) dst(%arg19 : memref<40x128xf32, #tpu.memory_space<vmem>>)
        %dma_start3A_353 = arith.constant 0 : i32
        %dma_start3A_354 = arith.constant 0 : i32
        %dma_start3A_355 = tpu.memref_slice %arg24[%dma_start3A_353, %dma_start3A_354] : memref<10000x128xf32, #tpu.memory_space<vmem_shared>> -> memref<10000x128xf32, #tpu.memory_space<vmem_shared>>
        tpu.enqueue_indirect_dma source(%arg19 : memref<40x128xf32, #tpu.memory_space<vmem>>) target(%dma_start3A_355 : memref<10000x128xf32, #tpu.memory_space<vmem_shared>>) offsets(%arg12 : memref<40xi32, #tpu.memory_space<vmem>>) semaphore(%arg34 : memref<!tpu.dma_semaphore, #tpu.memory_space<semaphore_mem>>) {add = true}
        %add3A_356 = arith.constant 7 : i32
        %add3A_357 = arith.addi %scan3A_294, %add3A_356 : i32
        %sub3A = arith.constant 1 : i32
        %sub3A_358 = arith.subi %add3A_357, %sub3A : i32
        %lt3A_359 = arith.constant 250 : i32
        %lt3A_360 = arith.cmpi slt, %sub3A_358, %lt3A_359 : i32
        %convert_element_type3A_361 = arith.extui %lt3A_360 : i1 to i32
        %cond3A_362 = arith.constant 0 : i32
        %cond3A_363 = arith.cmpi ne, %convert_element_type3A_361, %cond3A_362 : i32
        scf.if %cond3A_363 {
          %ge3A = arith.constant 1 : i32
          %ge3A_364 = arith.cmpi sge, %scan3A_294, %ge3A : i32
          %convert_element_type3A_365 = arith.extui %ge3A_364 : i1 to i32
          %cond3A_366 = arith.constant 0 : i32
          %cond3A_367 = arith.cmpi ne, %convert_element_type3A_365, %cond3A_366 : i32
          scf.if %cond3A_367 {
            %dma_wait3A_387 = arith.constant 0 : i32
            %dma_wait3A_388 = arith.constant 0 : i32
            %dma_wait3A_389 = tpu.memref_slice %arg2[%dma_wait3A_387, %dma_wait3A_388] : memref<10000x128xf32, #tpu.memory_space<hbm>> -> memref<40x128xf32, #tpu.memory_space<hbm>>
            %dma_wait3A_390 = arith.constant 0 : i32
            %dma_wait3A_391 = arith.constant 0 : i32
            %dma_wait3A_392 = tpu.memref_slice %arg2[%dma_wait3A_390, %dma_wait3A_391] : memref<10000x128xf32, #tpu.memory_space<hbm>> -> memref<40x128xf32, #tpu.memory_space<hbm>>
            tpu.wait_dma2 semaphore(%arg33 : memref<!tpu.dma_semaphore, #tpu.memory_space<semaphore_mem>>) src(%dma_wait3A_392 : memref<40x128xf32, #tpu.memory_space<hbm>>) dst(%arg18 : memref<40x128xf32, #tpu.memory_space<vmem>>)
          } else {
          }
          %add3A_368 = arith.constant 7 : i32
          %add3A_369 = arith.addi %scan3A_294, %add3A_368 : i32
          %sub3A_370 = arith.constant 1 : i32
          %sub3A_371 = arith.subi %add3A_369, %sub3A_370 : i32
          %mul3A_372 = arith.constant 10000 : i32
          %mul3A_373 = arith.muli %add3A, %mul3A_372 : i32
          %mul3A_374 = arith.constant 40 : i32
          %mul3A_375 = arith.muli %sub3A_371, %mul3A_374 : i32
          %add3A_376 = arith.addi %mul3A_373, %mul3A_375 : i32
          %multiple_of3A_377 = tpu.assume_multiple %add3A_376, 8 : i32
          %dma_start3A_378 = tpu.memref_slice %arg5[%multiple_of3A_377] : memref<320000xi32, #tpu.memory_space<hbm>> -> memref<40xi32, #tpu.memory_space<hbm>>
          %dma_start3A_379 = tpu.memref_slice %arg5[%multiple_of3A_377] : memref<320000xi32, #tpu.memory_space<hbm>> -> memref<40xi32, #tpu.memory_space<hbm>>
          tpu.enqueue_dma source(%dma_start3A_379 : memref<40xi32, #tpu.memory_space<hbm>>) target(%arg11 : memref<40xi32, #tpu.memory_space<vmem>>) target_semaphore(%arg26 : memref<!tpu.dma_semaphore, #tpu.memory_space<semaphore_mem>>)
          %mul3A_380 = arith.constant 40 : i32
          %mul3A_381 = arith.muli %sub3A_371, %mul3A_380 : i32
          %multiple_of3A_382 = tpu.assume_multiple %mul3A_381, 8 : i32
          %dma_start3A_383 = tpu.memref_slice %arg9[%multiple_of3A_382] : memref<10000xi32, #tpu.memory_space<vmem>> -> memref<40xi32, #tpu.memory_space<vmem>>
          %dma_start3A_384 = arith.constant 0 : i32
          %dma_start3A_385 = arith.constant 0 : i32
          %dma_start3A_386 = tpu.memref_slice %arg2[%dma_start3A_384, %dma_start3A_385] : memref<10000x128xf32, #tpu.memory_space<hbm>> -> memref<10000x128xf32, #tpu.memory_space<hbm>>
          tpu.enqueue_indirect_dma source(%dma_start3A_386 : memref<10000x128xf32, #tpu.memory_space<hbm>>) target(%arg18 : memref<40x128xf32, #tpu.memory_space<vmem>>) offsets(%dma_start3A_383 : memref<40xi32, #tpu.memory_space<vmem>>) semaphore(%arg26 : memref<!tpu.dma_semaphore, #tpu.memory_space<semaphore_mem>>)
        } else {
        }
      } else {
      }
      %rem3A_315 = arith.constant 7 : i32
      %rem3A_316 = arith.remsi %scan3A_294, %rem3A_315 : i32
      %eq3A_317 = arith.constant 3 : i32
      %eq3A_318 = arith.cmpi eq, %rem3A_316, %eq3A_317 : i32
      %convert_element_type3A_319 = arith.extui %eq3A_318 : i1 to i32
      %cond3A_320 = arith.constant 0 : i32
      %cond3A_321 = arith.cmpi ne, %convert_element_type3A_319, %cond3A_320 : i32
      scf.if %cond3A_321 {
        %dma_wait3A_343 = arith.constant 0 : i32
        %dma_wait3A_344 = tpu.memref_slice %arg5[%dma_wait3A_343] : memref<320000xi32, #tpu.memory_space<hbm>> -> memref<40xi32, #tpu.memory_space<hbm>>
        %dma_wait3A_345 = arith.constant 0 : i32
        %dma_wait3A_346 = tpu.memref_slice %arg5[%dma_wait3A_345] : memref<320000xi32, #tpu.memory_space<hbm>> -> memref<40xi32, #tpu.memory_space<hbm>>
        tpu.wait_dma2 semaphore(%arg28 : memref<!tpu.dma_semaphore, #tpu.memory_space<semaphore_mem>>) src(%dma_wait3A_346 : memref<40xi32, #tpu.memory_space<hbm>>) dst(%arg13 : memref<40xi32, #tpu.memory_space<vmem>>)
        %dma_wait3A_347 = arith.constant 0 : i32
        %dma_wait3A_348 = arith.constant 0 : i32
        %dma_wait3A_349 = tpu.memref_slice %arg2[%dma_wait3A_347, %dma_wait3A_348] : memref<10000x128xf32, #tpu.memory_space<hbm>> -> memref<40x128xf32, #tpu.memory_space<hbm>>
        %dma_wait3A_350 = arith.constant 0 : i32
        %dma_wait3A_351 = arith.constant 0 : i32
        %dma_wait3A_352 = tpu.memref_slice %arg2[%dma_wait3A_350, %dma_wait3A_351] : memref<10000x128xf32, #tpu.memory_space<hbm>> -> memref<40x128xf32, #tpu.memory_space<hbm>>
        tpu.wait_dma2 semaphore(%arg28 : memref<!tpu.dma_semaphore, #tpu.memory_space<semaphore_mem>>) src(%dma_wait3A_352 : memref<40x128xf32, #tpu.memory_space<hbm>>) dst(%arg20 : memref<40x128xf32, #tpu.memory_space<vmem>>)
        %dma_start3A_353 = arith.constant 0 : i32
        %dma_start3A_354 = arith.constant 0 : i32
        %dma_start3A_355 = tpu.memref_slice %arg24[%dma_start3A_353, %dma_start3A_354] : memref<10000x128xf32, #tpu.memory_space<vmem_shared>> -> memref<10000x128xf32, #tpu.memory_space<vmem_shared>>
        tpu.enqueue_indirect_dma source(%arg20 : memref<40x128xf32, #tpu.memory_space<vmem>>) target(%dma_start3A_355 : memref<10000x128xf32, #tpu.memory_space<vmem_shared>>) offsets(%arg13 : memref<40xi32, #tpu.memory_space<vmem>>) semaphore(%arg35 : memref<!tpu.dma_semaphore, #tpu.memory_space<semaphore_mem>>) {add = true}
        %add3A_356 = arith.constant 7 : i32
        %add3A_357 = arith.addi %scan3A_294, %add3A_356 : i32
        %sub3A = arith.constant 1 : i32
        %sub3A_358 = arith.subi %add3A_357, %sub3A : i32
        %lt3A_359 = arith.constant 250 : i32
        %lt3A_360 = arith.cmpi slt, %sub3A_358, %lt3A_359 : i32
        %convert_element_type3A_361 = arith.extui %lt3A_360 : i1 to i32
        %cond3A_362 = arith.constant 0 : i32
        %cond3A_363 = arith.cmpi ne, %convert_element_type3A_361, %cond3A_362 : i32
        scf.if %cond3A_363 {
          %ge3A = arith.constant 1 : i32
          %ge3A_364 = arith.cmpi sge, %scan3A_294, %ge3A : i32
          %convert_element_type3A_365 = arith.extui %ge3A_364 : i1 to i32
          %cond3A_366 = arith.constant 0 : i32
          %cond3A_367 = arith.cmpi ne, %convert_element_type3A_365, %cond3A_366 : i32
          scf.if %cond3A_367 {
            %dma_wait3A_387 = arith.constant 0 : i32
            %dma_wait3A_388 = arith.constant 0 : i32
            %dma_wait3A_389 = tpu.memref_slice %arg2[%dma_wait3A_387, %dma_wait3A_388] : memref<10000x128xf32, #tpu.memory_space<hbm>> -> memref<40x128xf32, #tpu.memory_space<hbm>>
            %dma_wait3A_390 = arith.constant 0 : i32
            %dma_wait3A_391 = arith.constant 0 : i32
            %dma_wait3A_392 = tpu.memref_slice %arg2[%dma_wait3A_390, %dma_wait3A_391] : memref<10000x128xf32, #tpu.memory_space<hbm>> -> memref<40x128xf32, #tpu.memory_space<hbm>>
            tpu.wait_dma2 semaphore(%arg34 : memref<!tpu.dma_semaphore, #tpu.memory_space<semaphore_mem>>) src(%dma_wait3A_392 : memref<40x128xf32, #tpu.memory_space<hbm>>) dst(%arg19 : memref<40x128xf32, #tpu.memory_space<vmem>>)
          } else {
          }
          %add3A_368 = arith.constant 7 : i32
          %add3A_369 = arith.addi %scan3A_294, %add3A_368 : i32
          %sub3A_370 = arith.constant 1 : i32
          %sub3A_371 = arith.subi %add3A_369, %sub3A_370 : i32
          %mul3A_372 = arith.constant 10000 : i32
          %mul3A_373 = arith.muli %add3A, %mul3A_372 : i32
          %mul3A_374 = arith.constant 40 : i32
          %mul3A_375 = arith.muli %sub3A_371, %mul3A_374 : i32
          %add3A_376 = arith.addi %mul3A_373, %mul3A_375 : i32
          %multiple_of3A_377 = tpu.assume_multiple %add3A_376, 8 : i32
          %dma_start3A_378 = tpu.memref_slice %arg5[%multiple_of3A_377] : memref<320000xi32, #tpu.memory_space<hbm>> -> memref<40xi32, #tpu.memory_space<hbm>>
          %dma_start3A_379 = tpu.memref_slice %arg5[%multiple_of3A_377] : memref<320000xi32, #tpu.memory_space<hbm>> -> memref<40xi32, #tpu.memory_space<hbm>>
          tpu.enqueue_dma source(%dma_start3A_379 : memref<40xi32, #tpu.memory_space<hbm>>) target(%arg12 : memref<40xi32, #tpu.memory_space<vmem>>) target_semaphore(%arg27 : memref<!tpu.dma_semaphore, #tpu.memory_space<semaphore_mem>>)
          %mul3A_380 = arith.constant 40 : i32
          %mul3A_381 = arith.muli %sub3A_371, %mul3A_380 : i32
          %multiple_of3A_382 = tpu.assume_multiple %mul3A_381, 8 : i32
          %dma_start3A_383 = tpu.memref_slice %arg9[%multiple_of3A_382] : memref<10000xi32, #tpu.memory_space<vmem>> -> memref<40xi32, #tpu.memory_space<vmem>>
          %dma_start3A_384 = arith.constant 0 : i32
          %dma_start3A_385 = arith.constant 0 : i32
          %dma_start3A_386 = tpu.memref_slice %arg2[%dma_start3A_384, %dma_start3A_385] : memref<10000x128xf32, #tpu.memory_space<hbm>> -> memref<10000x128xf32, #tpu.memory_space<hbm>>
          tpu.enqueue_indirect_dma source(%dma_start3A_386 : memref<10000x128xf32, #tpu.memory_space<hbm>>) target(%arg19 : memref<40x128xf32, #tpu.memory_space<vmem>>) offsets(%dma_start3A_383 : memref<40xi32, #tpu.memory_space<vmem>>) semaphore(%arg27 : memref<!tpu.dma_semaphore, #tpu.memory_space<semaphore_mem>>)
        } else {
        }
      } else {
      }
      %rem3A_322 = arith.constant 7 : i32
      %rem3A_323 = arith.remsi %scan3A_294, %rem3A_322 : i32
      %eq3A_324 = arith.constant 4 : i32
      %eq3A_325 = arith.cmpi eq, %rem3A_323, %eq3A_324 : i32
      %convert_element_type3A_326 = arith.extui %eq3A_325 : i1 to i32
      %cond3A_327 = arith.constant 0 : i32
      %cond3A_328 = arith.cmpi ne, %convert_element_type3A_326, %cond3A_327 : i32
      scf.if %cond3A_328 {
        %dma_wait3A_343 = arith.constant 0 : i32
        %dma_wait3A_344 = tpu.memref_slice %arg5[%dma_wait3A_343] : memref<320000xi32, #tpu.memory_space<hbm>> -> memref<40xi32, #tpu.memory_space<hbm>>
        %dma_wait3A_345 = arith.constant 0 : i32
        %dma_wait3A_346 = tpu.memref_slice %arg5[%dma_wait3A_345] : memref<320000xi32, #tpu.memory_space<hbm>> -> memref<40xi32, #tpu.memory_space<hbm>>
        tpu.wait_dma2 semaphore(%arg29 : memref<!tpu.dma_semaphore, #tpu.memory_space<semaphore_mem>>) src(%dma_wait3A_346 : memref<40xi32, #tpu.memory_space<hbm>>) dst(%arg14 : memref<40xi32, #tpu.memory_space<vmem>>)
        %dma_wait3A_347 = arith.constant 0 : i32
        %dma_wait3A_348 = arith.constant 0 : i32
        %dma_wait3A_349 = tpu.memref_slice %arg2[%dma_wait3A_347, %dma_wait3A_348] : memref<10000x128xf32, #tpu.memory_space<hbm>> -> memref<40x128xf32, #tpu.memory_space<hbm>>
        %dma_wait3A_350 = arith.constant 0 : i32
        %dma_wait3A_351 = arith.constant 0 : i32
        %dma_wait3A_352 = tpu.memref_slice %arg2[%dma_wait3A_350, %dma_wait3A_351] : memref<10000x128xf32, #tpu.memory_space<hbm>> -> memref<40x128xf32, #tpu.memory_space<hbm>>
        tpu.wait_dma2 semaphore(%arg29 : memref<!tpu.dma_semaphore, #tpu.memory_space<semaphore_mem>>) src(%dma_wait3A_352 : memref<40x128xf32, #tpu.memory_space<hbm>>) dst(%arg21 : memref<40x128xf32, #tpu.memory_space<vmem>>)
        %dma_start3A_353 = arith.constant 0 : i32
        %dma_start3A_354 = arith.constant 0 : i32
        %dma_start3A_355 = tpu.memref_slice %arg24[%dma_start3A_353, %dma_start3A_354] : memref<10000x128xf32, #tpu.memory_space<vmem_shared>> -> memref<10000x128xf32, #tpu.memory_space<vmem_shared>>
        tpu.enqueue_indirect_dma source(%arg21 : memref<40x128xf32, #tpu.memory_space<vmem>>) target(%dma_start3A_355 : memref<10000x128xf32, #tpu.memory_space<vmem_shared>>) offsets(%arg14 : memref<40xi32, #tpu.memory_space<vmem>>) semaphore(%arg36 : memref<!tpu.dma_semaphore, #tpu.memory_space<semaphore_mem>>) {add = true}
        %add3A_356 = arith.constant 7 : i32
        %add3A_357 = arith.addi %scan3A_294, %add3A_356 : i32
        %sub3A = arith.constant 1 : i32
        %sub3A_358 = arith.subi %add3A_357, %sub3A : i32
        %lt3A_359 = arith.constant 250 : i32
        %lt3A_360 = arith.cmpi slt, %sub3A_358, %lt3A_359 : i32
        %convert_element_type3A_361 = arith.extui %lt3A_360 : i1 to i32
        %cond3A_362 = arith.constant 0 : i32
        %cond3A_363 = arith.cmpi ne, %convert_element_type3A_361, %cond3A_362 : i32
        scf.if %cond3A_363 {
          %ge3A = arith.constant 1 : i32
          %ge3A_364 = arith.cmpi sge, %scan3A_294, %ge3A : i32
          %convert_element_type3A_365 = arith.extui %ge3A_364 : i1 to i32
          %cond3A_366 = arith.constant 0 : i32
          %cond3A_367 = arith.cmpi ne, %convert_element_type3A_365, %cond3A_366 : i32
          scf.if %cond3A_367 {
            %dma_wait3A_387 = arith.constant 0 : i32
            %dma_wait3A_388 = arith.constant 0 : i32
            %dma_wait3A_389 = tpu.memref_slice %arg2[%dma_wait3A_387, %dma_wait3A_388] : memref<10000x128xf32, #tpu.memory_space<hbm>> -> memref<40x128xf32, #tpu.memory_space<hbm>>
            %dma_wait3A_390 = arith.constant 0 : i32
            %dma_wait3A_391 = arith.constant 0 : i32
            %dma_wait3A_392 = tpu.memref_slice %arg2[%dma_wait3A_390, %dma_wait3A_391] : memref<10000x128xf32, #tpu.memory_space<hbm>> -> memref<40x128xf32, #tpu.memory_space<hbm>>
            tpu.wait_dma2 semaphore(%arg35 : memref<!tpu.dma_semaphore, #tpu.memory_space<semaphore_mem>>) src(%dma_wait3A_392 : memref<40x128xf32, #tpu.memory_space<hbm>>) dst(%arg20 : memref<40x128xf32, #tpu.memory_space<vmem>>)
          } else {
          }
          %add3A_368 = arith.constant 7 : i32
          %add3A_369 = arith.addi %scan3A_294, %add3A_368 : i32
          %sub3A_370 = arith.constant 1 : i32
          %sub3A_371 = arith.subi %add3A_369, %sub3A_370 : i32
          %mul3A_372 = arith.constant 10000 : i32
          %mul3A_373 = arith.muli %add3A, %mul3A_372 : i32
          %mul3A_374 = arith.constant 40 : i32
          %mul3A_375 = arith.muli %sub3A_371, %mul3A_374 : i32
          %add3A_376 = arith.addi %mul3A_373, %mul3A_375 : i32
          %multiple_of3A_377 = tpu.assume_multiple %add3A_376, 8 : i32
          %dma_start3A_378 = tpu.memref_slice %arg5[%multiple_of3A_377] : memref<320000xi32, #tpu.memory_space<hbm>> -> memref<40xi32, #tpu.memory_space<hbm>>
          %dma_start3A_379 = tpu.memref_slice %arg5[%multiple_of3A_377] : memref<320000xi32, #tpu.memory_space<hbm>> -> memref<40xi32, #tpu.memory_space<hbm>>
          tpu.enqueue_dma source(%dma_start3A_379 : memref<40xi32, #tpu.memory_space<hbm>>) target(%arg13 : memref<40xi32, #tpu.memory_space<vmem>>) target_semaphore(%arg28 : memref<!tpu.dma_semaphore, #tpu.memory_space<semaphore_mem>>)
          %mul3A_380 = arith.constant 40 : i32
          %mul3A_381 = arith.muli %sub3A_371, %mul3A_380 : i32
          %multiple_of3A_382 = tpu.assume_multiple %mul3A_381, 8 : i32
          %dma_start3A_383 = tpu.memref_slice %arg9[%multiple_of3A_382] : memref<10000xi32, #tpu.memory_space<vmem>> -> memref<40xi32, #tpu.memory_space<vmem>>
          %dma_start3A_384 = arith.constant 0 : i32
          %dma_start3A_385 = arith.constant 0 : i32
          %dma_start3A_386 = tpu.memref_slice %arg2[%dma_start3A_384, %dma_start3A_385] : memref<10000x128xf32, #tpu.memory_space<hbm>> -> memref<10000x128xf32, #tpu.memory_space<hbm>>
          tpu.enqueue_indirect_dma source(%dma_start3A_386 : memref<10000x128xf32, #tpu.memory_space<hbm>>) target(%arg20 : memref<40x128xf32, #tpu.memory_space<vmem>>) offsets(%dma_start3A_383 : memref<40xi32, #tpu.memory_space<vmem>>) semaphore(%arg28 : memref<!tpu.dma_semaphore, #tpu.memory_space<semaphore_mem>>)
        } else {
        }
      } else {
      }
      %rem3A_329 = arith.constant 7 : i32
      %rem3A_330 = arith.remsi %scan3A_294, %rem3A_329 : i32
      %eq3A_331 = arith.constant 5 : i32
      %eq3A_332 = arith.cmpi eq, %rem3A_330, %eq3A_331 : i32
      %convert_element_type3A_333 = arith.extui %eq3A_332 : i1 to i32
      %cond3A_334 = arith.constant 0 : i32
      %cond3A_335 = arith.cmpi ne, %convert_element_type3A_333, %cond3A_334 : i32
      scf.if %cond3A_335 {
        %dma_wait3A_343 = arith.constant 0 : i32
        %dma_wait3A_344 = tpu.memref_slice %arg5[%dma_wait3A_343] : memref<320000xi32, #tpu.memory_space<hbm>> -> memref<40xi32, #tpu.memory_space<hbm>>
        %dma_wait3A_345 = arith.constant 0 : i32
        %dma_wait3A_346 = tpu.memref_slice %arg5[%dma_wait3A_345] : memref<320000xi32, #tpu.memory_space<hbm>> -> memref<40xi32, #tpu.memory_space<hbm>>
        tpu.wait_dma2 semaphore(%arg30 : memref<!tpu.dma_semaphore, #tpu.memory_space<semaphore_mem>>) src(%dma_wait3A_346 : memref<40xi32, #tpu.memory_space<hbm>>) dst(%arg15 : memref<40xi32, #tpu.memory_space<vmem>>)
        %dma_wait3A_347 = arith.constant 0 : i32
        %dma_wait3A_348 = arith.constant 0 : i32
        %dma_wait3A_349 = tpu.memref_slice %arg2[%dma_wait3A_347, %dma_wait3A_348] : memref<10000x128xf32, #tpu.memory_space<hbm>> -> memref<40x128xf32, #tpu.memory_space<hbm>>
        %dma_wait3A_350 = arith.constant 0 : i32
        %dma_wait3A_351 = arith.constant 0 : i32
        %dma_wait3A_352 = tpu.memref_slice %arg2[%dma_wait3A_350, %dma_wait3A_351] : memref<10000x128xf32, #tpu.memory_space<hbm>> -> memref<40x128xf32, #tpu.memory_space<hbm>>
        tpu.wait_dma2 semaphore(%arg30 : memref<!tpu.dma_semaphore, #tpu.memory_space<semaphore_mem>>) src(%dma_wait3A_352 : memref<40x128xf32, #tpu.memory_space<hbm>>) dst(%arg22 : memref<40x128xf32, #tpu.memory_space<vmem>>)
        %dma_start3A_353 = arith.constant 0 : i32
        %dma_start3A_354 = arith.constant 0 : i32
        %dma_start3A_355 = tpu.memref_slice %arg24[%dma_start3A_353, %dma_start3A_354] : memref<10000x128xf32, #tpu.memory_space<vmem_shared>> -> memref<10000x128xf32, #tpu.memory_space<vmem_shared>>
        tpu.enqueue_indirect_dma source(%arg22 : memref<40x128xf32, #tpu.memory_space<vmem>>) target(%dma_start3A_355 : memref<10000x128xf32, #tpu.memory_space<vmem_shared>>) offsets(%arg15 : memref<40xi32, #tpu.memory_space<vmem>>) semaphore(%arg37 : memref<!tpu.dma_semaphore, #tpu.memory_space<semaphore_mem>>) {add = true}
        %add3A_356 = arith.constant 7 : i32
        %add3A_357 = arith.addi %scan3A_294, %add3A_356 : i32
        %sub3A = arith.constant 1 : i32
        %sub3A_358 = arith.subi %add3A_357, %sub3A : i32
        %lt3A_359 = arith.constant 250 : i32
        %lt3A_360 = arith.cmpi slt, %sub3A_358, %lt3A_359 : i32
        %convert_element_type3A_361 = arith.extui %lt3A_360 : i1 to i32
        %cond3A_362 = arith.constant 0 : i32
        %cond3A_363 = arith.cmpi ne, %convert_element_type3A_361, %cond3A_362 : i32
        scf.if %cond3A_363 {
          %ge3A = arith.constant 1 : i32
          %ge3A_364 = arith.cmpi sge, %scan3A_294, %ge3A : i32
          %convert_element_type3A_365 = arith.extui %ge3A_364 : i1 to i32
          %cond3A_366 = arith.constant 0 : i32
          %cond3A_367 = arith.cmpi ne, %convert_element_type3A_365, %cond3A_366 : i32
          scf.if %cond3A_367 {
            %dma_wait3A_387 = arith.constant 0 : i32
            %dma_wait3A_388 = arith.constant 0 : i32
            %dma_wait3A_389 = tpu.memref_slice %arg2[%dma_wait3A_387, %dma_wait3A_388] : memref<10000x128xf32, #tpu.memory_space<hbm>> -> memref<40x128xf32, #tpu.memory_space<hbm>>
            %dma_wait3A_390 = arith.constant 0 : i32
            %dma_wait3A_391 = arith.constant 0 : i32
            %dma_wait3A_392 = tpu.memref_slice %arg2[%dma_wait3A_390, %dma_wait3A_391] : memref<10000x128xf32, #tpu.memory_space<hbm>> -> memref<40x128xf32, #tpu.memory_space<hbm>>
            tpu.wait_dma2 semaphore(%arg36 : memref<!tpu.dma_semaphore, #tpu.memory_space<semaphore_mem>>) src(%dma_wait3A_392 : memref<40x128xf32, #tpu.memory_space<hbm>>) dst(%arg21 : memref<40x128xf32, #tpu.memory_space<vmem>>)
          } else {
          }
          %add3A_368 = arith.constant 7 : i32
          %add3A_369 = arith.addi %scan3A_294, %add3A_368 : i32
          %sub3A_370 = arith.constant 1 : i32
          %sub3A_371 = arith.subi %add3A_369, %sub3A_370 : i32
          %mul3A_372 = arith.constant 10000 : i32
          %mul3A_373 = arith.muli %add3A, %mul3A_372 : i32
          %mul3A_374 = arith.constant 40 : i32
          %mul3A_375 = arith.muli %sub3A_371, %mul3A_374 : i32
          %add3A_376 = arith.addi %mul3A_373, %mul3A_375 : i32
          %multiple_of3A_377 = tpu.assume_multiple %add3A_376, 8 : i32
          %dma_start3A_378 = tpu.memref_slice %arg5[%multiple_of3A_377] : memref<320000xi32, #tpu.memory_space<hbm>> -> memref<40xi32, #tpu.memory_space<hbm>>
          %dma_start3A_379 = tpu.memref_slice %arg5[%multiple_of3A_377] : memref<320000xi32, #tpu.memory_space<hbm>> -> memref<40xi32, #tpu.memory_space<hbm>>
          tpu.enqueue_dma source(%dma_start3A_379 : memref<40xi32, #tpu.memory_space<hbm>>) target(%arg14 : memref<40xi32, #tpu.memory_space<vmem>>) target_semaphore(%arg29 : memref<!tpu.dma_semaphore, #tpu.memory_space<semaphore_mem>>)
          %mul3A_380 = arith.constant 40 : i32
          %mul3A_381 = arith.muli %sub3A_371, %mul3A_380 : i32
          %multiple_of3A_382 = tpu.assume_multiple %mul3A_381, 8 : i32
          %dma_start3A_383 = tpu.memref_slice %arg9[%multiple_of3A_382] : memref<10000xi32, #tpu.memory_space<vmem>> -> memref<40xi32, #tpu.memory_space<vmem>>
          %dma_start3A_384 = arith.constant 0 : i32
          %dma_start3A_385 = arith.constant 0 : i32
          %dma_start3A_386 = tpu.memref_slice %arg2[%dma_start3A_384, %dma_start3A_385] : memref<10000x128xf32, #tpu.memory_space<hbm>> -> memref<10000x128xf32, #tpu.memory_space<hbm>>
          tpu.enqueue_indirect_dma source(%dma_start3A_386 : memref<10000x128xf32, #tpu.memory_space<hbm>>) target(%arg21 : memref<40x128xf32, #tpu.memory_space<vmem>>) offsets(%dma_start3A_383 : memref<40xi32, #tpu.memory_space<vmem>>) semaphore(%arg29 : memref<!tpu.dma_semaphore, #tpu.memory_space<semaphore_mem>>)
        } else {
        }
      } else {
      }
      %rem3A_336 = arith.constant 7 : i32
      %rem3A_337 = arith.remsi %scan3A_294, %rem3A_336 : i32
      %eq3A_338 = arith.constant 6 : i32
      %eq3A_339 = arith.cmpi eq, %rem3A_337, %eq3A_338 : i32
      %convert_element_type3A_340 = arith.extui %eq3A_339 : i1 to i32
      %cond3A_341 = arith.constant 0 : i32
      %cond3A_342 = arith.cmpi ne, %convert_element_type3A_340, %cond3A_341 : i32
      scf.if %cond3A_342 {
        %dma_wait3A_343 = arith.constant 0 : i32
        %dma_wait3A_344 = tpu.memref_slice %arg5[%dma_wait3A_343] : memref<320000xi32, #tpu.memory_space<hbm>> -> memref<40xi32, #tpu.memory_space<hbm>>
        %dma_wait3A_345 = arith.constant 0 : i32
        %dma_wait3A_346 = tpu.memref_slice %arg5[%dma_wait3A_345] : memref<320000xi32, #tpu.memory_space<hbm>> -> memref<40xi32, #tpu.memory_space<hbm>>
        tpu.wait_dma2 semaphore(%arg31 : memref<!tpu.dma_semaphore, #tpu.memory_space<semaphore_mem>>) src(%dma_wait3A_346 : memref<40xi32, #tpu.memory_space<hbm>>) dst(%arg16 : memref<40xi32, #tpu.memory_space<vmem>>)
        %dma_wait3A_347 = arith.constant 0 : i32
        %dma_wait3A_348 = arith.constant 0 : i32
        %dma_wait3A_349 = tpu.memref_slice %arg2[%dma_wait3A_347, %dma_wait3A_348] : memref<10000x128xf32, #tpu.memory_space<hbm>> -> memref<40x128xf32, #tpu.memory_space<hbm>>
        %dma_wait3A_350 = arith.constant 0 : i32
        %dma_wait3A_351 = arith.constant 0 : i32
        %dma_wait3A_352 = tpu.memref_slice %arg2[%dma_wait3A_350, %dma_wait3A_351] : memref<10000x128xf32, #tpu.memory_space<hbm>> -> memref<40x128xf32, #tpu.memory_space<hbm>>
        tpu.wait_dma2 semaphore(%arg31 : memref<!tpu.dma_semaphore, #tpu.memory_space<semaphore_mem>>) src(%dma_wait3A_352 : memref<40x128xf32, #tpu.memory_space<hbm>>) dst(%arg23 : memref<40x128xf32, #tpu.memory_space<vmem>>)
        %dma_start3A_353 = arith.constant 0 : i32
        %dma_start3A_354 = arith.constant 0 : i32
        %dma_start3A_355 = tpu.memref_slice %arg24[%dma_start3A_353, %dma_start3A_354] : memref<10000x128xf32, #tpu.memory_space<vmem_shared>> -> memref<10000x128xf32, #tpu.memory_space<vmem_shared>>
        tpu.enqueue_indirect_dma source(%arg23 : memref<40x128xf32, #tpu.memory_space<vmem>>) target(%dma_start3A_355 : memref<10000x128xf32, #tpu.memory_space<vmem_shared>>) offsets(%arg16 : memref<40xi32, #tpu.memory_space<vmem>>) semaphore(%arg38 : memref<!tpu.dma_semaphore, #tpu.memory_space<semaphore_mem>>) {add = true}
        %add3A_356 = arith.constant 7 : i32
        %add3A_357 = arith.addi %scan3A_294, %add3A_356 : i32
        %sub3A = arith.constant 1 : i32
        %sub3A_358 = arith.subi %add3A_357, %sub3A : i32
        %lt3A_359 = arith.constant 250 : i32
        %lt3A_360 = arith.cmpi slt, %sub3A_358, %lt3A_359 : i32
        %convert_element_type3A_361 = arith.extui %lt3A_360 : i1 to i32
        %cond3A_362 = arith.constant 0 : i32
        %cond3A_363 = arith.cmpi ne, %convert_element_type3A_361, %cond3A_362 : i32
        scf.if %cond3A_363 {
          %ge3A = arith.constant 1 : i32
          %ge3A_364 = arith.cmpi sge, %scan3A_294, %ge3A : i32
          %convert_element_type3A_365 = arith.extui %ge3A_364 : i1 to i32
          %cond3A_366 = arith.constant 0 : i32
          %cond3A_367 = arith.cmpi ne, %convert_element_type3A_365, %cond3A_366 : i32
          scf.if %cond3A_367 {
            %dma_wait3A_387 = arith.constant 0 : i32
            %dma_wait3A_388 = arith.constant 0 : i32
            %dma_wait3A_389 = tpu.memref_slice %arg2[%dma_wait3A_387, %dma_wait3A_388] : memref<10000x128xf32, #tpu.memory_space<hbm>> -> memref<40x128xf32, #tpu.memory_space<hbm>>
            %dma_wait3A_390 = arith.constant 0 : i32
            %dma_wait3A_391 = arith.constant 0 : i32
            %dma_wait3A_392 = tpu.memref_slice %arg2[%dma_wait3A_390, %dma_wait3A_391] : memref<10000x128xf32, #tpu.memory_space<hbm>> -> memref<40x128xf32, #tpu.memory_space<hbm>>
            tpu.wait_dma2 semaphore(%arg37 : memref<!tpu.dma_semaphore, #tpu.memory_space<semaphore_mem>>) src(%dma_wait3A_392 : memref<40x128xf32, #tpu.memory_space<hbm>>) dst(%arg22 : memref<40x128xf32, #tpu.memory_space<vmem>>)
          } else {
          }
          %add3A_368 = arith.constant 7 : i32
          %add3A_369 = arith.addi %scan3A_294, %add3A_368 : i32
          %sub3A_370 = arith.constant 1 : i32
          %sub3A_371 = arith.subi %add3A_369, %sub3A_370 : i32
          %mul3A_372 = arith.constant 10000 : i32
          %mul3A_373 = arith.muli %add3A, %mul3A_372 : i32
          %mul3A_374 = arith.constant 40 : i32
          %mul3A_375 = arith.muli %sub3A_371, %mul3A_374 : i32
          %add3A_376 = arith.addi %mul3A_373, %mul3A_375 : i32
          %multiple_of3A_377 = tpu.assume_multiple %add3A_376, 8 : i32
          %dma_start3A_378 = tpu.memref_slice %arg5[%multiple_of3A_377] : memref<320000xi32, #tpu.memory_space<hbm>> -> memref<40xi32, #tpu.memory_space<hbm>>
          %dma_start3A_379 = tpu.memref_slice %arg5[%multiple_of3A_377] : memref<320000xi32, #tpu.memory_space<hbm>> -> memref<40xi32, #tpu.memory_space<hbm>>
          tpu.enqueue_dma source(%dma_start3A_379 : memref<40xi32, #tpu.memory_space<hbm>>) target(%arg15 : memref<40xi32, #tpu.memory_space<vmem>>) target_semaphore(%arg30 : memref<!tpu.dma_semaphore, #tpu.memory_space<semaphore_mem>>)
          %mul3A_380 = arith.constant 40 : i32
          %mul3A_381 = arith.muli %sub3A_371, %mul3A_380 : i32
          %multiple_of3A_382 = tpu.assume_multiple %mul3A_381, 8 : i32
          %dma_start3A_383 = tpu.memref_slice %arg9[%multiple_of3A_382] : memref<10000xi32, #tpu.memory_space<vmem>> -> memref<40xi32, #tpu.memory_space<vmem>>
          %dma_start3A_384 = arith.constant 0 : i32
          %dma_start3A_385 = arith.constant 0 : i32
          %dma_start3A_386 = tpu.memref_slice %arg2[%dma_start3A_384, %dma_start3A_385] : memref<10000x128xf32, #tpu.memory_space<hbm>> -> memref<10000x128xf32, #tpu.memory_space<hbm>>
          tpu.enqueue_indirect_dma source(%dma_start3A_386 : memref<10000x128xf32, #tpu.memory_space<hbm>>) target(%arg22 : memref<40x128xf32, #tpu.memory_space<vmem>>) offsets(%dma_start3A_383 : memref<40xi32, #tpu.memory_space<vmem>>) semaphore(%arg30 : memref<!tpu.dma_semaphore, #tpu.memory_space<semaphore_mem>>)
        } else {
        }
      } else {
      }
    }
    %scan3A_93 = arith.constant 250 : i32
    %dma_wait3A = arith.constant 0 : i32
    %dma_wait3A_94 = arith.constant 0 : i32
    %dma_wait3A_95 = tpu.memref_slice %arg2[%dma_wait3A, %dma_wait3A_94] : memref<10000x128xf32, #tpu.memory_space<hbm>> -> memref<40x128xf32, #tpu.memory_space<hbm>>
    %dma_wait3A_96 = arith.constant 0 : i32
    %dma_wait3A_97 = arith.constant 0 : i32
    %dma_wait3A_98 = tpu.memref_slice %arg2[%dma_wait3A_96, %dma_wait3A_97] : memref<10000x128xf32, #tpu.memory_space<hbm>> -> memref<40x128xf32, #tpu.memory_space<hbm>>
    tpu.wait_dma2 semaphore(%arg32 : memref<!tpu.dma_semaphore, #tpu.memory_space<semaphore_mem>>) src(%dma_wait3A_98 : memref<40x128xf32, #tpu.memory_space<hbm>>) dst(%arg17 : memref<40x128xf32, #tpu.memory_space<vmem>>)
    %dma_wait3A_99 = arith.constant 0 : i32
    %dma_wait3A_100 = arith.constant 0 : i32
    %dma_wait3A_101 = tpu.memref_slice %arg2[%dma_wait3A_99, %dma_wait3A_100] : memref<10000x128xf32, #tpu.memory_space<hbm>> -> memref<40x128xf32, #tpu.memory_space<hbm>>
    %dma_wait3A_102 = arith.constant 0 : i32
    %dma_wait3A_103 = arith.constant 0 : i32
    %dma_wait3A_104 = tpu.memref_slice %arg2[%dma_wait3A_102, %dma_wait3A_103] : memref<10000x128xf32, #tpu.memory_space<hbm>> -> memref<40x128xf32, #tpu.memory_space<hbm>>
    tpu.wait_dma2 semaphore(%arg33 : memref<!tpu.dma_semaphore, #tpu.memory_space<semaphore_mem>>) src(%dma_wait3A_104 : memref<40x128xf32, #tpu.memory_space<hbm>>) dst(%arg18 : memref<40x128xf32, #tpu.memory_space<vmem>>)
    %dma_wait3A_105 = arith.constant 0 : i32
    %dma_wait3A_106 = arith.constant 0 : i32
    %dma_wait3A_107 = tpu.memref_slice %arg2[%dma_wait3A_105, %dma_wait3A_106] : memref<10000x128xf32, #tpu.memory_space<hbm>> -> memref<40x128xf32, #tpu.memory_space<hbm>>
    %dma_wait3A_108 = arith.constant 0 : i32
    %dma_wait3A_109 = arith.constant 0 : i32
    %dma_wait3A_110 = tpu.memref_slice %arg2[%dma_wait3A_108, %dma_wait3A_109] : memref<10000x128xf32, #tpu.memory_space<hbm>> -> memref<40x128xf32, #tpu.memory_space<hbm>>
    tpu.wait_dma2 semaphore(%arg34 : memref<!tpu.dma_semaphore, #tpu.memory_space<semaphore_mem>>) src(%dma_wait3A_110 : memref<40x128xf32, #tpu.memory_space<hbm>>) dst(%arg19 : memref<40x128xf32, #tpu.memory_space<vmem>>)
    %dma_wait3A_111 = arith.constant 0 : i32
    %dma_wait3A_112 = arith.constant 0 : i32
    %dma_wait3A_113 = tpu.memref_slice %arg2[%dma_wait3A_111, %dma_wait3A_112] : memref<10000x128xf32, #tpu.memory_space<hbm>> -> memref<40x128xf32, #tpu.memory_space<hbm>>
    %dma_wait3A_114 = arith.constant 0 : i32
    %dma_wait3A_115 = arith.constant 0 : i32
    %dma_wait3A_116 = tpu.memref_slice %arg2[%dma_wait3A_114, %dma_wait3A_115] : memref<10000x128xf32, #tpu.memory_space<hbm>> -> memref<40x128xf32, #tpu.memory_space<hbm>>
    tpu.wait_dma2 semaphore(%arg35 : memref<!tpu.dma_semaphore, #tpu.memory_space<semaphore_mem>>) src(%dma_wait3A_116 : memref<40x128xf32, #tpu.memory_space<hbm>>) dst(%arg20 : memref<40x128xf32, #tpu.memory_space<vmem>>)
    %dma_wait3A_117 = arith.constant 0 : i32
    %dma_wait3A_118 = arith.constant 0 : i32
    %dma_wait3A_119 = tpu.memref_slice %arg2[%dma_wait3A_117, %dma_wait3A_118] : memref<10000x128xf32, #tpu.memory_space<hbm>> -> memref<40x128xf32, #tpu.memory_space<hbm>>
    %dma_wait3A_120 = arith.constant 0 : i32
    %dma_wait3A_121 = arith.constant 0 : i32
    %dma_wait3A_122 = tpu.memref_slice %arg2[%dma_wait3A_120, %dma_wait3A_121] : memref<10000x128xf32, #tpu.memory_space<hbm>> -> memref<40x128xf32, #tpu.memory_space<hbm>>
    tpu.wait_dma2 semaphore(%arg36 : memref<!tpu.dma_semaphore, #tpu.memory_space<semaphore_mem>>) src(%dma_wait3A_122 : memref<40x128xf32, #tpu.memory_space<hbm>>) dst(%arg21 : memref<40x128xf32, #tpu.memory_space<vmem>>)
    %dma_wait3A_123 = arith.constant 0 : i32
    %dma_wait3A_124 = arith.constant 0 : i32
    %dma_wait3A_125 = tpu.memref_slice %arg2[%dma_wait3A_123, %dma_wait3A_124] : memref<10000x128xf32, #tpu.memory_space<hbm>> -> memref<40x128xf32, #tpu.memory_space<hbm>>
    %dma_wait3A_126 = arith.constant 0 : i32
    %dma_wait3A_127 = arith.constant 0 : i32
    %dma_wait3A_128 = tpu.memref_slice %arg2[%dma_wait3A_126, %dma_wait3A_127] : memref<10000x128xf32, #tpu.memory_space<hbm>> -> memref<40x128xf32, #tpu.memory_space<hbm>>
    tpu.wait_dma2 semaphore(%arg37 : memref<!tpu.dma_semaphore, #tpu.memory_space<semaphore_mem>>) src(%dma_wait3A_128 : memref<40x128xf32, #tpu.memory_space<hbm>>) dst(%arg22 : memref<40x128xf32, #tpu.memory_space<vmem>>)
    %dma_wait3A_129 = arith.constant 0 : i32
    %dma_wait3A_130 = arith.constant 0 : i32
    %dma_wait3A_131 = tpu.memref_slice %arg2[%dma_wait3A_129, %dma_wait3A_130] : memref<10000x128xf32, #tpu.memory_space<hbm>> -> memref<40x128xf32, #tpu.memory_space<hbm>>
    %dma_wait3A_132 = arith.constant 0 : i32
    %dma_wait3A_133 = arith.constant 0 : i32
    %dma_wait3A_134 = tpu.memref_slice %arg2[%dma_wait3A_132, %dma_wait3A_133] : memref<10000x128xf32, #tpu.memory_space<hbm>> -> memref<40x128xf32, #tpu.memory_space<hbm>>
    tpu.wait_dma2 semaphore(%arg38 : memref<!tpu.dma_semaphore, #tpu.memory_space<semaphore_mem>>) src(%dma_wait3A_134 : memref<40x128xf32, #tpu.memory_space<hbm>>) dst(%arg23 : memref<40x128xf32, #tpu.memory_space<vmem>>)
    %barrier3A_135 = arith.constant 0 : index
    tpu.barrier barrier_id(%barrier3A_135)
    %lt3A_136 = arith.constant 15 : i32
    %lt3A_137 = arith.cmpi slt, %arg1, %lt3A_136 : i32
    %convert_element_type3A_138 = arith.extui %lt3A_137 : i1 to i32
    %cond3A_139 = arith.constant 0 : i32
    %cond3A_140 = arith.cmpi ne, %convert_element_type3A_138, %cond3A_139 : i32
    scf.if %cond3A_140 {
      "tpu.region"() ({
        %run_scoped3A = tpu.sem_alloc : memref<!tpu.dma_semaphore, #tpu.memory_space<semaphore_mem>>
        %dma_start3A_294 = arith.constant 0 : i32
        %dma_start3A_295 = tpu.memref_slice %arg7[%arg0, %multiple_of3A_5, %dma_start3A_294] : memref<2x10000x128xf32, #tpu.memory_space<hbm>> -> memref<1x624x128xf32, #tpu.memory_space<hbm>>
        %dma_start3A_296 = tpu.memref_squeeze %dma_start3A_295 : memref<1x624x128xf32, #tpu.memory_space<hbm>> -> memref<624x128xf32, #tpu.memory_space<hbm>>
        %dma_start3A_297 = arith.constant 0 : i32
        %dma_start3A_298 = tpu.memref_slice %arg24[%multiple_of3A_5, %dma_start3A_297] : memref<10000x128xf32, #tpu.memory_space<vmem_shared>> -> memref<624x128xf32, #tpu.memory_space<vmem_shared>>
        tpu.enqueue_dma source(%dma_start3A_298 : memref<624x128xf32, #tpu.memory_space<vmem_shared>>) target(%dma_start3A_296 : memref<624x128xf32, #tpu.memory_space<hbm>>) target_semaphore(%run_scoped3A : memref<!tpu.dma_semaphore, #tpu.memory_space<semaphore_mem>>)
        %dma_wait3A_299 = arith.constant 0 : i32
        %dma_wait3A_300 = tpu.memref_slice %arg7[%arg0, %multiple_of3A_5, %dma_wait3A_299] : memref<2x10000x128xf32, #tpu.memory_space<hbm>> -> memref<1x624x128xf32, #tpu.memory_space<hbm>>
        %dma_wait3A_301 = tpu.memref_squeeze %dma_wait3A_300 : memref<1x624x128xf32, #tpu.memory_space<hbm>> -> memref<624x128xf32, #tpu.memory_space<hbm>>
        %dma_wait3A_302 = arith.constant 0 : i32
        %dma_wait3A_303 = tpu.memref_slice %arg24[%multiple_of3A_5, %dma_wait3A_302] : memref<10000x128xf32, #tpu.memory_space<vmem_shared>> -> memref<624x128xf32, #tpu.memory_space<vmem_shared>>
        tpu.wait_dma2 semaphore(%run_scoped3A : memref<!tpu.dma_semaphore, #tpu.memory_space<semaphore_mem>>) src(%dma_wait3A_303 : memref<624x128xf32, #tpu.memory_space<vmem_shared>>) dst(%dma_wait3A_301 : memref<624x128xf32, #tpu.memory_space<hbm>>)
        tpu.yield
      }) : () -> ()
    } else {
    }
    %eq3A_141 = arith.constant 15 : i32
    %eq3A_142 = arith.cmpi eq, %arg1, %eq3A_141 : i32
    %convert_element_type3A_143 = arith.extui %eq3A_142 : i1 to i32
    %cond3A_144 = arith.constant 0 : i32
    %cond3A_145 = arith.cmpi ne, %convert_element_type3A_143, %cond3A_144 : i32
    scf.if %cond3A_145 {
      "tpu.region"() ({
        %run_scoped3A = tpu.sem_alloc : memref<!tpu.dma_semaphore, #tpu.memory_space<semaphore_mem>>
        %dma_start3A_294 = arith.constant 9360 : i32
        %dma_start3A_295 = arith.constant 0 : i32
        %dma_start3A_296 = tpu.memref_slice %arg7[%arg0, %dma_start3A_294, %dma_start3A_295] : memref<2x10000x128xf32, #tpu.memory_space<hbm>> -> memref<1x640x128xf32, #tpu.memory_space<hbm>>
        %dma_start3A_297 = tpu.memref_squeeze %dma_start3A_296 : memref<1x640x128xf32, #tpu.memory_space<hbm>> -> memref<640x128xf32, #tpu.memory_space<hbm>>
        %dma_start3A_298 = arith.constant 9360 : i32
        %dma_start3A_299 = arith.constant 0 : i32
        %dma_start3A_300 = tpu.memref_slice %arg24[%dma_start3A_298, %dma_start3A_299] : memref<10000x128xf32, #tpu.memory_space<vmem_shared>> -> memref<640x128xf32, #tpu.memory_space<vmem_shared>>
        tpu.enqueue_dma source(%dma_start3A_300 : memref<640x128xf32, #tpu.memory_space<vmem_shared>>) target(%dma_start3A_297 : memref<640x128xf32, #tpu.memory_space<hbm>>) target_semaphore(%run_scoped3A : memref<!tpu.dma_semaphore, #tpu.memory_space<semaphore_mem>>)
        %dma_wait3A_301 = arith.constant 9360 : i32
        %dma_wait3A_302 = arith.constant 0 : i32
        %dma_wait3A_303 = tpu.memref_slice %arg7[%arg0, %dma_wait3A_301, %dma_wait3A_302] : memref<2x10000x128xf32, #tpu.memory_space<hbm>> -> memref<1x640x128xf32, #tpu.memory_space<hbm>>
        %dma_wait3A_304 = tpu.memref_squeeze %dma_wait3A_303 : memref<1x640x128xf32, #tpu.memory_space<hbm>> -> memref<640x128xf32, #tpu.memory_space<hbm>>
        %dma_wait3A_305 = arith.constant 9360 : i32
        %dma_wait3A_306 = arith.constant 0 : i32
        %dma_wait3A_307 = tpu.memref_slice %arg24[%dma_wait3A_305, %dma_wait3A_306] : memref<10000x128xf32, #tpu.memory_space<vmem_shared>> -> memref<640x128xf32, #tpu.memory_space<vmem_shared>>
        tpu.wait_dma2 semaphore(%run_scoped3A : memref<!tpu.dma_semaphore, #tpu.memory_space<semaphore_mem>>) src(%dma_wait3A_307 : memref<640x128xf32, #tpu.memory_space<vmem_shared>>) dst(%dma_wait3A_304 : memref<640x128xf32, #tpu.memory_space<hbm>>)
        tpu.yield
      }) : () -> ()
    } else {
    }
    %lt3A_146 = arith.constant 15 : i32
    %lt3A_147 = arith.cmpi slt, %arg1, %lt3A_146 : i32
    %convert_element_type3A_148 = arith.extui %lt3A_147 : i1 to i32
    %cond3A_149 = arith.constant 0 : i32
    %cond3A_150 = arith.cmpi ne, %convert_element_type3A_148, %cond3A_149 : i32
    scf.if %cond3A_150 {
      "tpu.region"() ({
        %run_scoped3A = tpu.sem_alloc : memref<!tpu.dma_semaphore, #tpu.memory_space<semaphore_mem>>
        %dma_start3A_294 = arith.constant 0 : i32
        %dma_start3A_295 = tpu.memref_slice %arg24[%multiple_of3A_5, %dma_start3A_294] : memref<10000x128xf32, #tpu.memory_space<vmem_shared>> -> memref<624x128xf32, #tpu.memory_space<vmem_shared>>
        %dma_start3A_296 = arith.constant 0 : i32
        %dma_start3A_297 = tpu.memref_slice %arg6[%multiple_of3A_5, %dma_start3A_296] : memref<10000x128xf32, #tpu.memory_space<hbm>> -> memref<624x128xf32, #tpu.memory_space<hbm>>
        tpu.enqueue_dma source(%dma_start3A_297 : memref<624x128xf32, #tpu.memory_space<hbm>>) target(%dma_start3A_295 : memref<624x128xf32, #tpu.memory_space<vmem_shared>>) target_semaphore(%run_scoped3A : memref<!tpu.dma_semaphore, #tpu.memory_space<semaphore_mem>>)
        %dma_wait3A_298 = arith.constant 0 : i32
        %dma_wait3A_299 = tpu.memref_slice %arg24[%multiple_of3A_5, %dma_wait3A_298] : memref<10000x128xf32, #tpu.memory_space<vmem_shared>> -> memref<624x128xf32, #tpu.memory_space<vmem_shared>>
        %dma_wait3A_300 = arith.constant 0 : i32
        %dma_wait3A_301 = tpu.memref_slice %arg6[%multiple_of3A_5, %dma_wait3A_300] : memref<10000x128xf32, #tpu.memory_space<hbm>> -> memref<624x128xf32, #tpu.memory_space<hbm>>
        tpu.wait_dma2 semaphore(%run_scoped3A : memref<!tpu.dma_semaphore, #tpu.memory_space<semaphore_mem>>) src(%dma_wait3A_301 : memref<624x128xf32, #tpu.memory_space<hbm>>) dst(%dma_wait3A_299 : memref<624x128xf32, #tpu.memory_space<vmem_shared>>)
        tpu.yield
      }) : () -> ()
    } else {
    }
    %eq3A_151 = arith.constant 15 : i32
    %eq3A_152 = arith.cmpi eq, %arg1, %eq3A_151 : i32
    %convert_element_type3A_153 = arith.extui %eq3A_152 : i1 to i32
    %cond3A_154 = arith.constant 0 : i32
    %cond3A_155 = arith.cmpi ne, %convert_element_type3A_153, %cond3A_154 : i32
    scf.if %cond3A_155 {
      "tpu.region"() ({
        %run_scoped3A = tpu.sem_alloc : memref<!tpu.dma_semaphore, #tpu.memory_space<semaphore_mem>>
        %dma_start3A_294 = arith.constant 9360 : i32
        %dma_start3A_295 = arith.constant 0 : i32
        %dma_start3A_296 = tpu.memref_slice %arg24[%dma_start3A_294, %dma_start3A_295] : memref<10000x128xf32, #tpu.memory_space<vmem_shared>> -> memref<640x128xf32, #tpu.memory_space<vmem_shared>>
        %dma_start3A_297 = arith.constant 9360 : i32
        %dma_start3A_298 = arith.constant 0 : i32
        %dma_start3A_299 = tpu.memref_slice %arg6[%dma_start3A_297, %dma_start3A_298] : memref<10000x128xf32, #tpu.memory_space<hbm>> -> memref<640x128xf32, #tpu.memory_space<hbm>>
        tpu.enqueue_dma source(%dma_start3A_299 : memref<640x128xf32, #tpu.memory_space<hbm>>) target(%dma_start3A_296 : memref<640x128xf32, #tpu.memory_space<vmem_shared>>) target_semaphore(%run_scoped3A : memref<!tpu.dma_semaphore, #tpu.memory_space<semaphore_mem>>)
        %dma_wait3A_300 = arith.constant 9360 : i32
        %dma_wait3A_301 = arith.constant 0 : i32
        %dma_wait3A_302 = tpu.memref_slice %arg24[%dma_wait3A_300, %dma_wait3A_301] : memref<10000x128xf32, #tpu.memory_space<vmem_shared>> -> memref<640x128xf32, #tpu.memory_space<vmem_shared>>
        %dma_wait3A_303 = arith.constant 9360 : i32
        %dma_wait3A_304 = arith.constant 0 : i32
        %dma_wait3A_305 = tpu.memref_slice %arg6[%dma_wait3A_303, %dma_wait3A_304] : memref<10000x128xf32, #tpu.memory_space<hbm>> -> memref<640x128xf32, #tpu.memory_space<hbm>>
        tpu.wait_dma2 semaphore(%run_scoped3A : memref<!tpu.dma_semaphore, #tpu.memory_space<semaphore_mem>>) src(%dma_wait3A_305 : memref<640x128xf32, #tpu.memory_space<hbm>>) dst(%dma_wait3A_302 : memref<640x128xf32, #tpu.memory_space<vmem_shared>>)
        tpu.yield
      }) : () -> ()
    } else {
    }
    %barrier3A_156 = arith.constant 0 : index
    tpu.barrier barrier_id(%barrier3A_156)
    %mul3A_157 = arith.constant 10000 : i32
    %mul3A_158 = arith.muli %add3A, %mul3A_157 : i32
    %add3A_159 = arith.constant 0 : i32
    %add3A_160 = arith.addi %mul3A_158, %add3A_159 : i32
    %multiple_of3A_161 = tpu.assume_multiple %add3A_160, 8 : i32
    %dma_start3A_162 = tpu.memref_slice %arg5[%multiple_of3A_161] : memref<320000xi32, #tpu.memory_space<hbm>> -> memref<40xi32, #tpu.memory_space<hbm>>
    %dma_start3A_163 = tpu.memref_slice %arg5[%multiple_of3A_161] : memref<320000xi32, #tpu.memory_space<hbm>> -> memref<40xi32, #tpu.memory_space<hbm>>
    tpu.enqueue_dma source(%dma_start3A_163 : memref<40xi32, #tpu.memory_space<hbm>>) target(%arg10 : memref<40xi32, #tpu.memory_space<vmem>>) target_semaphore(%arg25 : memref<!tpu.dma_semaphore, #tpu.memory_space<semaphore_mem>>)
    %multiple_of3A_164 = arith.constant 0 : i32
    %multiple_of3A_165 = tpu.assume_multiple %multiple_of3A_164, 8 : i32
    %dma_start3A_166 = tpu.memref_slice %arg9[%multiple_of3A_165] : memref<10000xi32, #tpu.memory_space<vmem>> -> memref<40xi32, #tpu.memory_space<vmem>>
    %dma_start3A_167 = arith.constant 0 : i32
    %dma_start3A_168 = arith.constant 0 : i32
    %dma_start3A_169 = tpu.memref_slice %arg3[%dma_start3A_167, %dma_start3A_168] : memref<10000x128xf32, #tpu.memory_space<hbm>> -> memref<10000x128xf32, #tpu.memory_space<hbm>>
    tpu.enqueue_indirect_dma source(%dma_start3A_169 : memref<10000x128xf32, #tpu.memory_space<hbm>>) target(%arg17 : memref<40x128xf32, #tpu.memory_space<vmem>>) offsets(%dma_start3A_166 : memref<40xi32, #tpu.memory_space<vmem>>) semaphore(%arg25 : memref<!tpu.dma_semaphore, #tpu.memory_space<semaphore_mem>>)
    %mul3A_170 = arith.constant 10000 : i32
    %mul3A_171 = arith.muli %add3A, %mul3A_170 : i32
    %add3A_172 = arith.constant 40 : i32
    %add3A_173 = arith.addi %mul3A_171, %add3A_172 : i32
    %multiple_of3A_174 = tpu.assume_multiple %add3A_173, 8 : i32
    %dma_start3A_175 = tpu.memref_slice %arg5[%multiple_of3A_174] : memref<320000xi32, #tpu.memory_space<hbm>> -> memref<40xi32, #tpu.memory_space<hbm>>
    %dma_start3A_176 = tpu.memref_slice %arg5[%multiple_of3A_174] : memref<320000xi32, #tpu.memory_space<hbm>> -> memref<40xi32, #tpu.memory_space<hbm>>
    tpu.enqueue_dma source(%dma_start3A_176 : memref<40xi32, #tpu.memory_space<hbm>>) target(%arg11 : memref<40xi32, #tpu.memory_space<vmem>>) target_semaphore(%arg26 : memref<!tpu.dma_semaphore, #tpu.memory_space<semaphore_mem>>)
    %multiple_of3A_177 = arith.constant 40 : i32
    %multiple_of3A_178 = tpu.assume_multiple %multiple_of3A_177, 8 : i32
    %dma_start3A_179 = tpu.memref_slice %arg9[%multiple_of3A_178] : memref<10000xi32, #tpu.memory_space<vmem>> -> memref<40xi32, #tpu.memory_space<vmem>>
    %dma_start3A_180 = arith.constant 0 : i32
    %dma_start3A_181 = arith.constant 0 : i32
    %dma_start3A_182 = tpu.memref_slice %arg3[%dma_start3A_180, %dma_start3A_181] : memref<10000x128xf32, #tpu.memory_space<hbm>> -> memref<10000x128xf32, #tpu.memory_space<hbm>>
    tpu.enqueue_indirect_dma source(%dma_start3A_182 : memref<10000x128xf32, #tpu.memory_space<hbm>>) target(%arg18 : memref<40x128xf32, #tpu.memory_space<vmem>>) offsets(%dma_start3A_179 : memref<40xi32, #tpu.memory_space<vmem>>) semaphore(%arg26 : memref<!tpu.dma_semaphore, #tpu.memory_space<semaphore_mem>>)
    %mul3A_183 = arith.constant 10000 : i32
    %mul3A_184 = arith.muli %add3A, %mul3A_183 : i32
    %add3A_185 = arith.constant 80 : i32
    %add3A_186 = arith.addi %mul3A_184, %add3A_185 : i32
    %multiple_of3A_187 = tpu.assume_multiple %add3A_186, 8 : i32
    %dma_start3A_188 = tpu.memref_slice %arg5[%multiple_of3A_187] : memref<320000xi32, #tpu.memory_space<hbm>> -> memref<40xi32, #tpu.memory_space<hbm>>
    %dma_start3A_189 = tpu.memref_slice %arg5[%multiple_of3A_187] : memref<320000xi32, #tpu.memory_space<hbm>> -> memref<40xi32, #tpu.memory_space<hbm>>
    tpu.enqueue_dma source(%dma_start3A_189 : memref<40xi32, #tpu.memory_space<hbm>>) target(%arg12 : memref<40xi32, #tpu.memory_space<vmem>>) target_semaphore(%arg27 : memref<!tpu.dma_semaphore, #tpu.memory_space<semaphore_mem>>)
    %multiple_of3A_190 = arith.constant 80 : i32
    %multiple_of3A_191 = tpu.assume_multiple %multiple_of3A_190, 8 : i32
    %dma_start3A_192 = tpu.memref_slice %arg9[%multiple_of3A_191] : memref<10000xi32, #tpu.memory_space<vmem>> -> memref<40xi32, #tpu.memory_space<vmem>>
    %dma_start3A_193 = arith.constant 0 : i32
    %dma_start3A_194 = arith.constant 0 : i32
    %dma_start3A_195 = tpu.memref_slice %arg3[%dma_start3A_193, %dma_start3A_194] : memref<10000x128xf32, #tpu.memory_space<hbm>> -> memref<10000x128xf32, #tpu.memory_space<hbm>>
    tpu.enqueue_indirect_dma source(%dma_start3A_195 : memref<10000x128xf32, #tpu.memory_space<hbm>>) target(%arg19 : memref<40x128xf32, #tpu.memory_space<vmem>>) offsets(%dma_start3A_192 : memref<40xi32, #tpu.memory_space<vmem>>) semaphore(%arg27 : memref<!tpu.dma_semaphore, #tpu.memory_space<semaphore_mem>>)
    %mul3A_196 = arith.constant 10000 : i32
    %mul3A_197 = arith.muli %add3A, %mul3A_196 : i32
    %add3A_198 = arith.constant 120 : i32
    %add3A_199 = arith.addi %mul3A_197, %add3A_198 : i32
    %multiple_of3A_200 = tpu.assume_multiple %add3A_199, 8 : i32
    %dma_start3A_201 = tpu.memref_slice %arg5[%multiple_of3A_200] : memref<320000xi32, #tpu.memory_space<hbm>> -> memref<40xi32, #tpu.memory_space<hbm>>
    %dma_start3A_202 = tpu.memref_slice %arg5[%multiple_of3A_200] : memref<320000xi32, #tpu.memory_space<hbm>> -> memref<40xi32, #tpu.memory_space<hbm>>
    tpu.enqueue_dma source(%dma_start3A_202 : memref<40xi32, #tpu.memory_space<hbm>>) target(%arg13 : memref<40xi32, #tpu.memory_space<vmem>>) target_semaphore(%arg28 : memref<!tpu.dma_semaphore, #tpu.memory_space<semaphore_mem>>)
    %multiple_of3A_203 = arith.constant 120 : i32
    %multiple_of3A_204 = tpu.assume_multiple %multiple_of3A_203, 8 : i32
    %dma_start3A_205 = tpu.memref_slice %arg9[%multiple_of3A_204] : memref<10000xi32, #tpu.memory_space<vmem>> -> memref<40xi32, #tpu.memory_space<vmem>>
    %dma_start3A_206 = arith.constant 0 : i32
    %dma_start3A_207 = arith.constant 0 : i32
    %dma_start3A_208 = tpu.memref_slice %arg3[%dma_start3A_206, %dma_start3A_207] : memref<10000x128xf32, #tpu.memory_space<hbm>> -> memref<10000x128xf32, #tpu.memory_space<hbm>>
    tpu.enqueue_indirect_dma source(%dma_start3A_208 : memref<10000x128xf32, #tpu.memory_space<hbm>>) target(%arg20 : memref<40x128xf32, #tpu.memory_space<vmem>>) offsets(%dma_start3A_205 : memref<40xi32, #tpu.memory_space<vmem>>) semaphore(%arg28 : memref<!tpu.dma_semaphore, #tpu.memory_space<semaphore_mem>>)
    %mul3A_209 = arith.constant 10000 : i32
    %mul3A_210 = arith.muli %add3A, %mul3A_209 : i32
    %add3A_211 = arith.constant 160 : i32
    %add3A_212 = arith.addi %mul3A_210, %add3A_211 : i32
    %multiple_of3A_213 = tpu.assume_multiple %add3A_212, 8 : i32
    %dma_start3A_214 = tpu.memref_slice %arg5[%multiple_of3A_213] : memref<320000xi32, #tpu.memory_space<hbm>> -> memref<40xi32, #tpu.memory_space<hbm>>
    %dma_start3A_215 = tpu.memref_slice %arg5[%multiple_of3A_213] : memref<320000xi32, #tpu.memory_space<hbm>> -> memref<40xi32, #tpu.memory_space<hbm>>
    tpu.enqueue_dma source(%dma_start3A_215 : memref<40xi32, #tpu.memory_space<hbm>>) target(%arg14 : memref<40xi32, #tpu.memory_space<vmem>>) target_semaphore(%arg29 : memref<!tpu.dma_semaphore, #tpu.memory_space<semaphore_mem>>)
    %multiple_of3A_216 = arith.constant 160 : i32
    %multiple_of3A_217 = tpu.assume_multiple %multiple_of3A_216, 8 : i32
    %dma_start3A_218 = tpu.memref_slice %arg9[%multiple_of3A_217] : memref<10000xi32, #tpu.memory_space<vmem>> -> memref<40xi32, #tpu.memory_space<vmem>>
    %dma_start3A_219 = arith.constant 0 : i32
    %dma_start3A_220 = arith.constant 0 : i32
    %dma_start3A_221 = tpu.memref_slice %arg3[%dma_start3A_219, %dma_start3A_220] : memref<10000x128xf32, #tpu.memory_space<hbm>> -> memref<10000x128xf32, #tpu.memory_space<hbm>>
    tpu.enqueue_indirect_dma source(%dma_start3A_221 : memref<10000x128xf32, #tpu.memory_space<hbm>>) target(%arg21 : memref<40x128xf32, #tpu.memory_space<vmem>>) offsets(%dma_start3A_218 : memref<40xi32, #tpu.memory_space<vmem>>) semaphore(%arg29 : memref<!tpu.dma_semaphore, #tpu.memory_space<semaphore_mem>>)
    %mul3A_222 = arith.constant 10000 : i32
    %mul3A_223 = arith.muli %add3A, %mul3A_222 : i32
    %add3A_224 = arith.constant 200 : i32
    %add3A_225 = arith.addi %mul3A_223, %add3A_224 : i32
    %multiple_of3A_226 = tpu.assume_multiple %add3A_225, 8 : i32
    %dma_start3A_227 = tpu.memref_slice %arg5[%multiple_of3A_226] : memref<320000xi32, #tpu.memory_space<hbm>> -> memref<40xi32, #tpu.memory_space<hbm>>
    %dma_start3A_228 = tpu.memref_slice %arg5[%multiple_of3A_226] : memref<320000xi32, #tpu.memory_space<hbm>> -> memref<40xi32, #tpu.memory_space<hbm>>
    tpu.enqueue_dma source(%dma_start3A_228 : memref<40xi32, #tpu.memory_space<hbm>>) target(%arg15 : memref<40xi32, #tpu.memory_space<vmem>>) target_semaphore(%arg30 : memref<!tpu.dma_semaphore, #tpu.memory_space<semaphore_mem>>)
    %multiple_of3A_229 = arith.constant 200 : i32
    %multiple_of3A_230 = tpu.assume_multiple %multiple_of3A_229, 8 : i32
    %dma_start3A_231 = tpu.memref_slice %arg9[%multiple_of3A_230] : memref<10000xi32, #tpu.memory_space<vmem>> -> memref<40xi32, #tpu.memory_space<vmem>>
    %dma_start3A_232 = arith.constant 0 : i32
    %dma_start3A_233 = arith.constant 0 : i32
    %dma_start3A_234 = tpu.memref_slice %arg3[%dma_start3A_232, %dma_start3A_233] : memref<10000x128xf32, #tpu.memory_space<hbm>> -> memref<10000x128xf32, #tpu.memory_space<hbm>>
    tpu.enqueue_indirect_dma source(%dma_start3A_234 : memref<10000x128xf32, #tpu.memory_space<hbm>>) target(%arg22 : memref<40x128xf32, #tpu.memory_space<vmem>>) offsets(%dma_start3A_231 : memref<40xi32, #tpu.memory_space<vmem>>) semaphore(%arg30 : memref<!tpu.dma_semaphore, #tpu.memory_space<semaphore_mem>>)
    %scan3A_235 = arith.constant 0 : i32
    %scan3A_236 = arith.constant 0 : i32
    %scan3A_237 = arith.constant 250 : i32
    %scan3A_238 = arith.addi %scan3A_236, %scan3A_237 : i32
    %scan3A_239 = arith.constant 1 : i32
    scf.for %scan3A_294 = %scan3A_236 to %scan3A_238 step %scan3A_239  : i32 {
      %rem3A = arith.constant 7 : i32
      %rem3A_295 = arith.remsi %scan3A_294, %rem3A : i32
      %eq3A_296 = arith.constant 0 : i32
      %eq3A_297 = arith.cmpi eq, %rem3A_295, %eq3A_296 : i32
      %convert_element_type3A_298 = arith.extui %eq3A_297 : i1 to i32
      %cond3A_299 = arith.constant 0 : i32
      %cond3A_300 = arith.cmpi ne, %convert_element_type3A_298, %cond3A_299 : i32
      scf.if %cond3A_300 {
        %dma_wait3A_343 = arith.constant 0 : i32
        %dma_wait3A_344 = tpu.memref_slice %arg5[%dma_wait3A_343] : memref<320000xi32, #tpu.memory_space<hbm>> -> memref<40xi32, #tpu.memory_space<hbm>>
        %dma_wait3A_345 = arith.constant 0 : i32
        %dma_wait3A_346 = tpu.memref_slice %arg5[%dma_wait3A_345] : memref<320000xi32, #tpu.memory_space<hbm>> -> memref<40xi32, #tpu.memory_space<hbm>>
        tpu.wait_dma2 semaphore(%arg25 : memref<!tpu.dma_semaphore, #tpu.memory_space<semaphore_mem>>) src(%dma_wait3A_346 : memref<40xi32, #tpu.memory_space<hbm>>) dst(%arg10 : memref<40xi32, #tpu.memory_space<vmem>>)
        %dma_wait3A_347 = arith.constant 0 : i32
        %dma_wait3A_348 = arith.constant 0 : i32
        %dma_wait3A_349 = tpu.memref_slice %arg2[%dma_wait3A_347, %dma_wait3A_348] : memref<10000x128xf32, #tpu.memory_space<hbm>> -> memref<40x128xf32, #tpu.memory_space<hbm>>
        %dma_wait3A_350 = arith.constant 0 : i32
        %dma_wait3A_351 = arith.constant 0 : i32
        %dma_wait3A_352 = tpu.memref_slice %arg2[%dma_wait3A_350, %dma_wait3A_351] : memref<10000x128xf32, #tpu.memory_space<hbm>> -> memref<40x128xf32, #tpu.memory_space<hbm>>
        tpu.wait_dma2 semaphore(%arg25 : memref<!tpu.dma_semaphore, #tpu.memory_space<semaphore_mem>>) src(%dma_wait3A_352 : memref<40x128xf32, #tpu.memory_space<hbm>>) dst(%arg17 : memref<40x128xf32, #tpu.memory_space<vmem>>)
        %dma_start3A_353 = arith.constant 0 : i32
        %dma_start3A_354 = arith.constant 0 : i32
        %dma_start3A_355 = tpu.memref_slice %arg24[%dma_start3A_353, %dma_start3A_354] : memref<10000x128xf32, #tpu.memory_space<vmem_shared>> -> memref<10000x128xf32, #tpu.memory_space<vmem_shared>>
        tpu.enqueue_indirect_dma source(%arg17 : memref<40x128xf32, #tpu.memory_space<vmem>>) target(%dma_start3A_355 : memref<10000x128xf32, #tpu.memory_space<vmem_shared>>) offsets(%arg10 : memref<40xi32, #tpu.memory_space<vmem>>) semaphore(%arg32 : memref<!tpu.dma_semaphore, #tpu.memory_space<semaphore_mem>>) {add = true}
        %add3A_356 = arith.constant 7 : i32
        %add3A_357 = arith.addi %scan3A_294, %add3A_356 : i32
        %sub3A = arith.constant 1 : i32
        %sub3A_358 = arith.subi %add3A_357, %sub3A : i32
        %lt3A_359 = arith.constant 250 : i32
        %lt3A_360 = arith.cmpi slt, %sub3A_358, %lt3A_359 : i32
        %convert_element_type3A_361 = arith.extui %lt3A_360 : i1 to i32
        %cond3A_362 = arith.constant 0 : i32
        %cond3A_363 = arith.cmpi ne, %convert_element_type3A_361, %cond3A_362 : i32
        scf.if %cond3A_363 {
          %ge3A = arith.constant 1 : i32
          %ge3A_364 = arith.cmpi sge, %scan3A_294, %ge3A : i32
          %convert_element_type3A_365 = arith.extui %ge3A_364 : i1 to i32
          %cond3A_366 = arith.constant 0 : i32
          %cond3A_367 = arith.cmpi ne, %convert_element_type3A_365, %cond3A_366 : i32
          scf.if %cond3A_367 {
            %dma_wait3A_387 = arith.constant 0 : i32
            %dma_wait3A_388 = arith.constant 0 : i32
            %dma_wait3A_389 = tpu.memref_slice %arg2[%dma_wait3A_387, %dma_wait3A_388] : memref<10000x128xf32, #tpu.memory_space<hbm>> -> memref<40x128xf32, #tpu.memory_space<hbm>>
            %dma_wait3A_390 = arith.constant 0 : i32
            %dma_wait3A_391 = arith.constant 0 : i32
            %dma_wait3A_392 = tpu.memref_slice %arg2[%dma_wait3A_390, %dma_wait3A_391] : memref<10000x128xf32, #tpu.memory_space<hbm>> -> memref<40x128xf32, #tpu.memory_space<hbm>>
            tpu.wait_dma2 semaphore(%arg38 : memref<!tpu.dma_semaphore, #tpu.memory_space<semaphore_mem>>) src(%dma_wait3A_392 : memref<40x128xf32, #tpu.memory_space<hbm>>) dst(%arg23 : memref<40x128xf32, #tpu.memory_space<vmem>>)
          } else {
          }
          %add3A_368 = arith.constant 7 : i32
          %add3A_369 = arith.addi %scan3A_294, %add3A_368 : i32
          %sub3A_370 = arith.constant 1 : i32
          %sub3A_371 = arith.subi %add3A_369, %sub3A_370 : i32
          %mul3A_372 = arith.constant 10000 : i32
          %mul3A_373 = arith.muli %add3A, %mul3A_372 : i32
          %mul3A_374 = arith.constant 40 : i32
          %mul3A_375 = arith.muli %sub3A_371, %mul3A_374 : i32
          %add3A_376 = arith.addi %mul3A_373, %mul3A_375 : i32
          %multiple_of3A_377 = tpu.assume_multiple %add3A_376, 8 : i32
          %dma_start3A_378 = tpu.memref_slice %arg5[%multiple_of3A_377] : memref<320000xi32, #tpu.memory_space<hbm>> -> memref<40xi32, #tpu.memory_space<hbm>>
          %dma_start3A_379 = tpu.memref_slice %arg5[%multiple_of3A_377] : memref<320000xi32, #tpu.memory_space<hbm>> -> memref<40xi32, #tpu.memory_space<hbm>>
          tpu.enqueue_dma source(%dma_start3A_379 : memref<40xi32, #tpu.memory_space<hbm>>) target(%arg16 : memref<40xi32, #tpu.memory_space<vmem>>) target_semaphore(%arg31 : memref<!tpu.dma_semaphore, #tpu.memory_space<semaphore_mem>>)
          %mul3A_380 = arith.constant 40 : i32
          %mul3A_381 = arith.muli %sub3A_371, %mul3A_380 : i32
          %multiple_of3A_382 = tpu.assume_multiple %mul3A_381, 8 : i32
          %dma_start3A_383 = tpu.memref_slice %arg9[%multiple_of3A_382] : memref<10000xi32, #tpu.memory_space<vmem>> -> memref<40xi32, #tpu.memory_space<vmem>>
          %dma_start3A_384 = arith.constant 0 : i32
          %dma_start3A_385 = arith.constant 0 : i32
          %dma_start3A_386 = tpu.memref_slice %arg3[%dma_start3A_384, %dma_start3A_385] : memref<10000x128xf32, #tpu.memory_space<hbm>> -> memref<10000x128xf32, #tpu.memory_space<hbm>>
          tpu.enqueue_indirect_dma source(%dma_start3A_386 : memref<10000x128xf32, #tpu.memory_space<hbm>>) target(%arg23 : memref<40x128xf32, #tpu.memory_space<vmem>>) offsets(%dma_start3A_383 : memref<40xi32, #tpu.memory_space<vmem>>) semaphore(%arg31 : memref<!tpu.dma_semaphore, #tpu.memory_space<semaphore_mem>>)
        } else {
        }
      } else {
      }
      %rem3A_301 = arith.constant 7 : i32
      %rem3A_302 = arith.remsi %scan3A_294, %rem3A_301 : i32
      %eq3A_303 = arith.constant 1 : i32
      %eq3A_304 = arith.cmpi eq, %rem3A_302, %eq3A_303 : i32
      %convert_element_type3A_305 = arith.extui %eq3A_304 : i1 to i32
      %cond3A_306 = arith.constant 0 : i32
      %cond3A_307 = arith.cmpi ne, %convert_element_type3A_305, %cond3A_306 : i32
      scf.if %cond3A_307 {
        %dma_wait3A_343 = arith.constant 0 : i32
        %dma_wait3A_344 = tpu.memref_slice %arg5[%dma_wait3A_343] : memref<320000xi32, #tpu.memory_space<hbm>> -> memref<40xi32, #tpu.memory_space<hbm>>
        %dma_wait3A_345 = arith.constant 0 : i32
        %dma_wait3A_346 = tpu.memref_slice %arg5[%dma_wait3A_345] : memref<320000xi32, #tpu.memory_space<hbm>> -> memref<40xi32, #tpu.memory_space<hbm>>
        tpu.wait_dma2 semaphore(%arg26 : memref<!tpu.dma_semaphore, #tpu.memory_space<semaphore_mem>>) src(%dma_wait3A_346 : memref<40xi32, #tpu.memory_space<hbm>>) dst(%arg11 : memref<40xi32, #tpu.memory_space<vmem>>)
        %dma_wait3A_347 = arith.constant 0 : i32
        %dma_wait3A_348 = arith.constant 0 : i32
        %dma_wait3A_349 = tpu.memref_slice %arg2[%dma_wait3A_347, %dma_wait3A_348] : memref<10000x128xf32, #tpu.memory_space<hbm>> -> memref<40x128xf32, #tpu.memory_space<hbm>>
        %dma_wait3A_350 = arith.constant 0 : i32
        %dma_wait3A_351 = arith.constant 0 : i32
        %dma_wait3A_352 = tpu.memref_slice %arg2[%dma_wait3A_350, %dma_wait3A_351] : memref<10000x128xf32, #tpu.memory_space<hbm>> -> memref<40x128xf32, #tpu.memory_space<hbm>>
        tpu.wait_dma2 semaphore(%arg26 : memref<!tpu.dma_semaphore, #tpu.memory_space<semaphore_mem>>) src(%dma_wait3A_352 : memref<40x128xf32, #tpu.memory_space<hbm>>) dst(%arg18 : memref<40x128xf32, #tpu.memory_space<vmem>>)
        %dma_start3A_353 = arith.constant 0 : i32
        %dma_start3A_354 = arith.constant 0 : i32
        %dma_start3A_355 = tpu.memref_slice %arg24[%dma_start3A_353, %dma_start3A_354] : memref<10000x128xf32, #tpu.memory_space<vmem_shared>> -> memref<10000x128xf32, #tpu.memory_space<vmem_shared>>
        tpu.enqueue_indirect_dma source(%arg18 : memref<40x128xf32, #tpu.memory_space<vmem>>) target(%dma_start3A_355 : memref<10000x128xf32, #tpu.memory_space<vmem_shared>>) offsets(%arg11 : memref<40xi32, #tpu.memory_space<vmem>>) semaphore(%arg33 : memref<!tpu.dma_semaphore, #tpu.memory_space<semaphore_mem>>) {add = true}
        %add3A_356 = arith.constant 7 : i32
        %add3A_357 = arith.addi %scan3A_294, %add3A_356 : i32
        %sub3A = arith.constant 1 : i32
        %sub3A_358 = arith.subi %add3A_357, %sub3A : i32
        %lt3A_359 = arith.constant 250 : i32
        %lt3A_360 = arith.cmpi slt, %sub3A_358, %lt3A_359 : i32
        %convert_element_type3A_361 = arith.extui %lt3A_360 : i1 to i32
        %cond3A_362 = arith.constant 0 : i32
        %cond3A_363 = arith.cmpi ne, %convert_element_type3A_361, %cond3A_362 : i32
        scf.if %cond3A_363 {
          %ge3A = arith.constant 1 : i32
          %ge3A_364 = arith.cmpi sge, %scan3A_294, %ge3A : i32
          %convert_element_type3A_365 = arith.extui %ge3A_364 : i1 to i32
          %cond3A_366 = arith.constant 0 : i32
          %cond3A_367 = arith.cmpi ne, %convert_element_type3A_365, %cond3A_366 : i32
          scf.if %cond3A_367 {
            %dma_wait3A_387 = arith.constant 0 : i32
            %dma_wait3A_388 = arith.constant 0 : i32
            %dma_wait3A_389 = tpu.memref_slice %arg2[%dma_wait3A_387, %dma_wait3A_388] : memref<10000x128xf32, #tpu.memory_space<hbm>> -> memref<40x128xf32, #tpu.memory_space<hbm>>
            %dma_wait3A_390 = arith.constant 0 : i32
            %dma_wait3A_391 = arith.constant 0 : i32
            %dma_wait3A_392 = tpu.memref_slice %arg2[%dma_wait3A_390, %dma_wait3A_391] : memref<10000x128xf32, #tpu.memory_space<hbm>> -> memref<40x128xf32, #tpu.memory_space<hbm>>
            tpu.wait_dma2 semaphore(%arg32 : memref<!tpu.dma_semaphore, #tpu.memory_space<semaphore_mem>>) src(%dma_wait3A_392 : memref<40x128xf32, #tpu.memory_space<hbm>>) dst(%arg17 : memref<40x128xf32, #tpu.memory_space<vmem>>)
          } else {
          }
          %add3A_368 = arith.constant 7 : i32
          %add3A_369 = arith.addi %scan3A_294, %add3A_368 : i32
          %sub3A_370 = arith.constant 1 : i32
          %sub3A_371 = arith.subi %add3A_369, %sub3A_370 : i32
          %mul3A_372 = arith.constant 10000 : i32
          %mul3A_373 = arith.muli %add3A, %mul3A_372 : i32
          %mul3A_374 = arith.constant 40 : i32
          %mul3A_375 = arith.muli %sub3A_371, %mul3A_374 : i32
          %add3A_376 = arith.addi %mul3A_373, %mul3A_375 : i32
          %multiple_of3A_377 = tpu.assume_multiple %add3A_376, 8 : i32
          %dma_start3A_378 = tpu.memref_slice %arg5[%multiple_of3A_377] : memref<320000xi32, #tpu.memory_space<hbm>> -> memref<40xi32, #tpu.memory_space<hbm>>
          %dma_start3A_379 = tpu.memref_slice %arg5[%multiple_of3A_377] : memref<320000xi32, #tpu.memory_space<hbm>> -> memref<40xi32, #tpu.memory_space<hbm>>
          tpu.enqueue_dma source(%dma_start3A_379 : memref<40xi32, #tpu.memory_space<hbm>>) target(%arg10 : memref<40xi32, #tpu.memory_space<vmem>>) target_semaphore(%arg25 : memref<!tpu.dma_semaphore, #tpu.memory_space<semaphore_mem>>)
          %mul3A_380 = arith.constant 40 : i32
          %mul3A_381 = arith.muli %sub3A_371, %mul3A_380 : i32
          %multiple_of3A_382 = tpu.assume_multiple %mul3A_381, 8 : i32
          %dma_start3A_383 = tpu.memref_slice %arg9[%multiple_of3A_382] : memref<10000xi32, #tpu.memory_space<vmem>> -> memref<40xi32, #tpu.memory_space<vmem>>
          %dma_start3A_384 = arith.constant 0 : i32
          %dma_start3A_385 = arith.constant 0 : i32
          %dma_start3A_386 = tpu.memref_slice %arg3[%dma_start3A_384, %dma_start3A_385] : memref<10000x128xf32, #tpu.memory_space<hbm>> -> memref<10000x128xf32, #tpu.memory_space<hbm>>
          tpu.enqueue_indirect_dma source(%dma_start3A_386 : memref<10000x128xf32, #tpu.memory_space<hbm>>) target(%arg17 : memref<40x128xf32, #tpu.memory_space<vmem>>) offsets(%dma_start3A_383 : memref<40xi32, #tpu.memory_space<vmem>>) semaphore(%arg25 : memref<!tpu.dma_semaphore, #tpu.memory_space<semaphore_mem>>)
        } else {
        }
      } else {
      }
      %rem3A_308 = arith.constant 7 : i32
      %rem3A_309 = arith.remsi %scan3A_294, %rem3A_308 : i32
      %eq3A_310 = arith.constant 2 : i32
      %eq3A_311 = arith.cmpi eq, %rem3A_309, %eq3A_310 : i32
      %convert_element_type3A_312 = arith.extui %eq3A_311 : i1 to i32
      %cond3A_313 = arith.constant 0 : i32
      %cond3A_314 = arith.cmpi ne, %convert_element_type3A_312, %cond3A_313 : i32
      scf.if %cond3A_314 {
        %dma_wait3A_343 = arith.constant 0 : i32
        %dma_wait3A_344 = tpu.memref_slice %arg5[%dma_wait3A_343] : memref<320000xi32, #tpu.memory_space<hbm>> -> memref<40xi32, #tpu.memory_space<hbm>>
        %dma_wait3A_345 = arith.constant 0 : i32
        %dma_wait3A_346 = tpu.memref_slice %arg5[%dma_wait3A_345] : memref<320000xi32, #tpu.memory_space<hbm>> -> memref<40xi32, #tpu.memory_space<hbm>>
        tpu.wait_dma2 semaphore(%arg27 : memref<!tpu.dma_semaphore, #tpu.memory_space<semaphore_mem>>) src(%dma_wait3A_346 : memref<40xi32, #tpu.memory_space<hbm>>) dst(%arg12 : memref<40xi32, #tpu.memory_space<vmem>>)
        %dma_wait3A_347 = arith.constant 0 : i32
        %dma_wait3A_348 = arith.constant 0 : i32
        %dma_wait3A_349 = tpu.memref_slice %arg2[%dma_wait3A_347, %dma_wait3A_348] : memref<10000x128xf32, #tpu.memory_space<hbm>> -> memref<40x128xf32, #tpu.memory_space<hbm>>
        %dma_wait3A_350 = arith.constant 0 : i32
        %dma_wait3A_351 = arith.constant 0 : i32
        %dma_wait3A_352 = tpu.memref_slice %arg2[%dma_wait3A_350, %dma_wait3A_351] : memref<10000x128xf32, #tpu.memory_space<hbm>> -> memref<40x128xf32, #tpu.memory_space<hbm>>
        tpu.wait_dma2 semaphore(%arg27 : memref<!tpu.dma_semaphore, #tpu.memory_space<semaphore_mem>>) src(%dma_wait3A_352 : memref<40x128xf32, #tpu.memory_space<hbm>>) dst(%arg19 : memref<40x128xf32, #tpu.memory_space<vmem>>)
        %dma_start3A_353 = arith.constant 0 : i32
        %dma_start3A_354 = arith.constant 0 : i32
        %dma_start3A_355 = tpu.memref_slice %arg24[%dma_start3A_353, %dma_start3A_354] : memref<10000x128xf32, #tpu.memory_space<vmem_shared>> -> memref<10000x128xf32, #tpu.memory_space<vmem_shared>>
        tpu.enqueue_indirect_dma source(%arg19 : memref<40x128xf32, #tpu.memory_space<vmem>>) target(%dma_start3A_355 : memref<10000x128xf32, #tpu.memory_space<vmem_shared>>) offsets(%arg12 : memref<40xi32, #tpu.memory_space<vmem>>) semaphore(%arg34 : memref<!tpu.dma_semaphore, #tpu.memory_space<semaphore_mem>>) {add = true}
        %add3A_356 = arith.constant 7 : i32
        %add3A_357 = arith.addi %scan3A_294, %add3A_356 : i32
        %sub3A = arith.constant 1 : i32
        %sub3A_358 = arith.subi %add3A_357, %sub3A : i32
        %lt3A_359 = arith.constant 250 : i32
        %lt3A_360 = arith.cmpi slt, %sub3A_358, %lt3A_359 : i32
        %convert_element_type3A_361 = arith.extui %lt3A_360 : i1 to i32
        %cond3A_362 = arith.constant 0 : i32
        %cond3A_363 = arith.cmpi ne, %convert_element_type3A_361, %cond3A_362 : i32
        scf.if %cond3A_363 {
          %ge3A = arith.constant 1 : i32
          %ge3A_364 = arith.cmpi sge, %scan3A_294, %ge3A : i32
          %convert_element_type3A_365 = arith.extui %ge3A_364 : i1 to i32
          %cond3A_366 = arith.constant 0 : i32
          %cond3A_367 = arith.cmpi ne, %convert_element_type3A_365, %cond3A_366 : i32
          scf.if %cond3A_367 {
            %dma_wait3A_387 = arith.constant 0 : i32
            %dma_wait3A_388 = arith.constant 0 : i32
            %dma_wait3A_389 = tpu.memref_slice %arg2[%dma_wait3A_387, %dma_wait3A_388] : memref<10000x128xf32, #tpu.memory_space<hbm>> -> memref<40x128xf32, #tpu.memory_space<hbm>>
            %dma_wait3A_390 = arith.constant 0 : i32
            %dma_wait3A_391 = arith.constant 0 : i32
            %dma_wait3A_392 = tpu.memref_slice %arg2[%dma_wait3A_390, %dma_wait3A_391] : memref<10000x128xf32, #tpu.memory_space<hbm>> -> memref<40x128xf32, #tpu.memory_space<hbm>>
            tpu.wait_dma2 semaphore(%arg33 : memref<!tpu.dma_semaphore, #tpu.memory_space<semaphore_mem>>) src(%dma_wait3A_392 : memref<40x128xf32, #tpu.memory_space<hbm>>) dst(%arg18 : memref<40x128xf32, #tpu.memory_space<vmem>>)
          } else {
          }
          %add3A_368 = arith.constant 7 : i32
          %add3A_369 = arith.addi %scan3A_294, %add3A_368 : i32
          %sub3A_370 = arith.constant 1 : i32
          %sub3A_371 = arith.subi %add3A_369, %sub3A_370 : i32
          %mul3A_372 = arith.constant 10000 : i32
          %mul3A_373 = arith.muli %add3A, %mul3A_372 : i32
          %mul3A_374 = arith.constant 40 : i32
          %mul3A_375 = arith.muli %sub3A_371, %mul3A_374 : i32
          %add3A_376 = arith.addi %mul3A_373, %mul3A_375 : i32
          %multiple_of3A_377 = tpu.assume_multiple %add3A_376, 8 : i32
          %dma_start3A_378 = tpu.memref_slice %arg5[%multiple_of3A_377] : memref<320000xi32, #tpu.memory_space<hbm>> -> memref<40xi32, #tpu.memory_space<hbm>>
          %dma_start3A_379 = tpu.memref_slice %arg5[%multiple_of3A_377] : memref<320000xi32, #tpu.memory_space<hbm>> -> memref<40xi32, #tpu.memory_space<hbm>>
          tpu.enqueue_dma source(%dma_start3A_379 : memref<40xi32, #tpu.memory_space<hbm>>) target(%arg11 : memref<40xi32, #tpu.memory_space<vmem>>) target_semaphore(%arg26 : memref<!tpu.dma_semaphore, #tpu.memory_space<semaphore_mem>>)
          %mul3A_380 = arith.constant 40 : i32
          %mul3A_381 = arith.muli %sub3A_371, %mul3A_380 : i32
          %multiple_of3A_382 = tpu.assume_multiple %mul3A_381, 8 : i32
          %dma_start3A_383 = tpu.memref_slice %arg9[%multiple_of3A_382] : memref<10000xi32, #tpu.memory_space<vmem>> -> memref<40xi32, #tpu.memory_space<vmem>>
          %dma_start3A_384 = arith.constant 0 : i32
          %dma_start3A_385 = arith.constant 0 : i32
          %dma_start3A_386 = tpu.memref_slice %arg3[%dma_start3A_384, %dma_start3A_385] : memref<10000x128xf32, #tpu.memory_space<hbm>> -> memref<10000x128xf32, #tpu.memory_space<hbm>>
          tpu.enqueue_indirect_dma source(%dma_start3A_386 : memref<10000x128xf32, #tpu.memory_space<hbm>>) target(%arg18 : memref<40x128xf32, #tpu.memory_space<vmem>>) offsets(%dma_start3A_383 : memref<40xi32, #tpu.memory_space<vmem>>) semaphore(%arg26 : memref<!tpu.dma_semaphore, #tpu.memory_space<semaphore_mem>>)
        } else {
        }
      } else {
      }
      %rem3A_315 = arith.constant 7 : i32
      %rem3A_316 = arith.remsi %scan3A_294, %rem3A_315 : i32
      %eq3A_317 = arith.constant 3 : i32
      %eq3A_318 = arith.cmpi eq, %rem3A_316, %eq3A_317 : i32
      %convert_element_type3A_319 = arith.extui %eq3A_318 : i1 to i32
      %cond3A_320 = arith.constant 0 : i32
      %cond3A_321 = arith.cmpi ne, %convert_element_type3A_319, %cond3A_320 : i32
      scf.if %cond3A_321 {
        %dma_wait3A_343 = arith.constant 0 : i32
        %dma_wait3A_344 = tpu.memref_slice %arg5[%dma_wait3A_343] : memref<320000xi32, #tpu.memory_space<hbm>> -> memref<40xi32, #tpu.memory_space<hbm>>
        %dma_wait3A_345 = arith.constant 0 : i32
        %dma_wait3A_346 = tpu.memref_slice %arg5[%dma_wait3A_345] : memref<320000xi32, #tpu.memory_space<hbm>> -> memref<40xi32, #tpu.memory_space<hbm>>
        tpu.wait_dma2 semaphore(%arg28 : memref<!tpu.dma_semaphore, #tpu.memory_space<semaphore_mem>>) src(%dma_wait3A_346 : memref<40xi32, #tpu.memory_space<hbm>>) dst(%arg13 : memref<40xi32, #tpu.memory_space<vmem>>)
        %dma_wait3A_347 = arith.constant 0 : i32
        %dma_wait3A_348 = arith.constant 0 : i32
        %dma_wait3A_349 = tpu.memref_slice %arg2[%dma_wait3A_347, %dma_wait3A_348] : memref<10000x128xf32, #tpu.memory_space<hbm>> -> memref<40x128xf32, #tpu.memory_space<hbm>>
        %dma_wait3A_350 = arith.constant 0 : i32
        %dma_wait3A_351 = arith.constant 0 : i32
        %dma_wait3A_352 = tpu.memref_slice %arg2[%dma_wait3A_350, %dma_wait3A_351] : memref<10000x128xf32, #tpu.memory_space<hbm>> -> memref<40x128xf32, #tpu.memory_space<hbm>>
        tpu.wait_dma2 semaphore(%arg28 : memref<!tpu.dma_semaphore, #tpu.memory_space<semaphore_mem>>) src(%dma_wait3A_352 : memref<40x128xf32, #tpu.memory_space<hbm>>) dst(%arg20 : memref<40x128xf32, #tpu.memory_space<vmem>>)
        %dma_start3A_353 = arith.constant 0 : i32
        %dma_start3A_354 = arith.constant 0 : i32
        %dma_start3A_355 = tpu.memref_slice %arg24[%dma_start3A_353, %dma_start3A_354] : memref<10000x128xf32, #tpu.memory_space<vmem_shared>> -> memref<10000x128xf32, #tpu.memory_space<vmem_shared>>
        tpu.enqueue_indirect_dma source(%arg20 : memref<40x128xf32, #tpu.memory_space<vmem>>) target(%dma_start3A_355 : memref<10000x128xf32, #tpu.memory_space<vmem_shared>>) offsets(%arg13 : memref<40xi32, #tpu.memory_space<vmem>>) semaphore(%arg35 : memref<!tpu.dma_semaphore, #tpu.memory_space<semaphore_mem>>) {add = true}
        %add3A_356 = arith.constant 7 : i32
        %add3A_357 = arith.addi %scan3A_294, %add3A_356 : i32
        %sub3A = arith.constant 1 : i32
        %sub3A_358 = arith.subi %add3A_357, %sub3A : i32
        %lt3A_359 = arith.constant 250 : i32
        %lt3A_360 = arith.cmpi slt, %sub3A_358, %lt3A_359 : i32
        %convert_element_type3A_361 = arith.extui %lt3A_360 : i1 to i32
        %cond3A_362 = arith.constant 0 : i32
        %cond3A_363 = arith.cmpi ne, %convert_element_type3A_361, %cond3A_362 : i32
        scf.if %cond3A_363 {
          %ge3A = arith.constant 1 : i32
          %ge3A_364 = arith.cmpi sge, %scan3A_294, %ge3A : i32
          %convert_element_type3A_365 = arith.extui %ge3A_364 : i1 to i32
          %cond3A_366 = arith.constant 0 : i32
          %cond3A_367 = arith.cmpi ne, %convert_element_type3A_365, %cond3A_366 : i32
          scf.if %cond3A_367 {
            %dma_wait3A_387 = arith.constant 0 : i32
            %dma_wait3A_388 = arith.constant 0 : i32
            %dma_wait3A_389 = tpu.memref_slice %arg2[%dma_wait3A_387, %dma_wait3A_388] : memref<10000x128xf32, #tpu.memory_space<hbm>> -> memref<40x128xf32, #tpu.memory_space<hbm>>
            %dma_wait3A_390 = arith.constant 0 : i32
            %dma_wait3A_391 = arith.constant 0 : i32
            %dma_wait3A_392 = tpu.memref_slice %arg2[%dma_wait3A_390, %dma_wait3A_391] : memref<10000x128xf32, #tpu.memory_space<hbm>> -> memref<40x128xf32, #tpu.memory_space<hbm>>
            tpu.wait_dma2 semaphore(%arg34 : memref<!tpu.dma_semaphore, #tpu.memory_space<semaphore_mem>>) src(%dma_wait3A_392 : memref<40x128xf32, #tpu.memory_space<hbm>>) dst(%arg19 : memref<40x128xf32, #tpu.memory_space<vmem>>)
          } else {
          }
          %add3A_368 = arith.constant 7 : i32
          %add3A_369 = arith.addi %scan3A_294, %add3A_368 : i32
          %sub3A_370 = arith.constant 1 : i32
          %sub3A_371 = arith.subi %add3A_369, %sub3A_370 : i32
          %mul3A_372 = arith.constant 10000 : i32
          %mul3A_373 = arith.muli %add3A, %mul3A_372 : i32
          %mul3A_374 = arith.constant 40 : i32
          %mul3A_375 = arith.muli %sub3A_371, %mul3A_374 : i32
          %add3A_376 = arith.addi %mul3A_373, %mul3A_375 : i32
          %multiple_of3A_377 = tpu.assume_multiple %add3A_376, 8 : i32
          %dma_start3A_378 = tpu.memref_slice %arg5[%multiple_of3A_377] : memref<320000xi32, #tpu.memory_space<hbm>> -> memref<40xi32, #tpu.memory_space<hbm>>
          %dma_start3A_379 = tpu.memref_slice %arg5[%multiple_of3A_377] : memref<320000xi32, #tpu.memory_space<hbm>> -> memref<40xi32, #tpu.memory_space<hbm>>
          tpu.enqueue_dma source(%dma_start3A_379 : memref<40xi32, #tpu.memory_space<hbm>>) target(%arg12 : memref<40xi32, #tpu.memory_space<vmem>>) target_semaphore(%arg27 : memref<!tpu.dma_semaphore, #tpu.memory_space<semaphore_mem>>)
          %mul3A_380 = arith.constant 40 : i32
          %mul3A_381 = arith.muli %sub3A_371, %mul3A_380 : i32
          %multiple_of3A_382 = tpu.assume_multiple %mul3A_381, 8 : i32
          %dma_start3A_383 = tpu.memref_slice %arg9[%multiple_of3A_382] : memref<10000xi32, #tpu.memory_space<vmem>> -> memref<40xi32, #tpu.memory_space<vmem>>
          %dma_start3A_384 = arith.constant 0 : i32
          %dma_start3A_385 = arith.constant 0 : i32
          %dma_start3A_386 = tpu.memref_slice %arg3[%dma_start3A_384, %dma_start3A_385] : memref<10000x128xf32, #tpu.memory_space<hbm>> -> memref<10000x128xf32, #tpu.memory_space<hbm>>
          tpu.enqueue_indirect_dma source(%dma_start3A_386 : memref<10000x128xf32, #tpu.memory_space<hbm>>) target(%arg19 : memref<40x128xf32, #tpu.memory_space<vmem>>) offsets(%dma_start3A_383 : memref<40xi32, #tpu.memory_space<vmem>>) semaphore(%arg27 : memref<!tpu.dma_semaphore, #tpu.memory_space<semaphore_mem>>)
        } else {
        }
      } else {
      }
      %rem3A_322 = arith.constant 7 : i32
      %rem3A_323 = arith.remsi %scan3A_294, %rem3A_322 : i32
      %eq3A_324 = arith.constant 4 : i32
      %eq3A_325 = arith.cmpi eq, %rem3A_323, %eq3A_324 : i32
      %convert_element_type3A_326 = arith.extui %eq3A_325 : i1 to i32
      %cond3A_327 = arith.constant 0 : i32
      %cond3A_328 = arith.cmpi ne, %convert_element_type3A_326, %cond3A_327 : i32
      scf.if %cond3A_328 {
        %dma_wait3A_343 = arith.constant 0 : i32
        %dma_wait3A_344 = tpu.memref_slice %arg5[%dma_wait3A_343] : memref<320000xi32, #tpu.memory_space<hbm>> -> memref<40xi32, #tpu.memory_space<hbm>>
        %dma_wait3A_345 = arith.constant 0 : i32
        %dma_wait3A_346 = tpu.memref_slice %arg5[%dma_wait3A_345] : memref<320000xi32, #tpu.memory_space<hbm>> -> memref<40xi32, #tpu.memory_space<hbm>>
        tpu.wait_dma2 semaphore(%arg29 : memref<!tpu.dma_semaphore, #tpu.memory_space<semaphore_mem>>) src(%dma_wait3A_346 : memref<40xi32, #tpu.memory_space<hbm>>) dst(%arg14 : memref<40xi32, #tpu.memory_space<vmem>>)
        %dma_wait3A_347 = arith.constant 0 : i32
        %dma_wait3A_348 = arith.constant 0 : i32
        %dma_wait3A_349 = tpu.memref_slice %arg2[%dma_wait3A_347, %dma_wait3A_348] : memref<10000x128xf32, #tpu.memory_space<hbm>> -> memref<40x128xf32, #tpu.memory_space<hbm>>
        %dma_wait3A_350 = arith.constant 0 : i32
        %dma_wait3A_351 = arith.constant 0 : i32
        %dma_wait3A_352 = tpu.memref_slice %arg2[%dma_wait3A_350, %dma_wait3A_351] : memref<10000x128xf32, #tpu.memory_space<hbm>> -> memref<40x128xf32, #tpu.memory_space<hbm>>
        tpu.wait_dma2 semaphore(%arg29 : memref<!tpu.dma_semaphore, #tpu.memory_space<semaphore_mem>>) src(%dma_wait3A_352 : memref<40x128xf32, #tpu.memory_space<hbm>>) dst(%arg21 : memref<40x128xf32, #tpu.memory_space<vmem>>)
        %dma_start3A_353 = arith.constant 0 : i32
        %dma_start3A_354 = arith.constant 0 : i32
        %dma_start3A_355 = tpu.memref_slice %arg24[%dma_start3A_353, %dma_start3A_354] : memref<10000x128xf32, #tpu.memory_space<vmem_shared>> -> memref<10000x128xf32, #tpu.memory_space<vmem_shared>>
        tpu.enqueue_indirect_dma source(%arg21 : memref<40x128xf32, #tpu.memory_space<vmem>>) target(%dma_start3A_355 : memref<10000x128xf32, #tpu.memory_space<vmem_shared>>) offsets(%arg14 : memref<40xi32, #tpu.memory_space<vmem>>) semaphore(%arg36 : memref<!tpu.dma_semaphore, #tpu.memory_space<semaphore_mem>>) {add = true}
        %add3A_356 = arith.constant 7 : i32
        %add3A_357 = arith.addi %scan3A_294, %add3A_356 : i32
        %sub3A = arith.constant 1 : i32
        %sub3A_358 = arith.subi %add3A_357, %sub3A : i32
        %lt3A_359 = arith.constant 250 : i32
        %lt3A_360 = arith.cmpi slt, %sub3A_358, %lt3A_359 : i32
        %convert_element_type3A_361 = arith.extui %lt3A_360 : i1 to i32
        %cond3A_362 = arith.constant 0 : i32
        %cond3A_363 = arith.cmpi ne, %convert_element_type3A_361, %cond3A_362 : i32
        scf.if %cond3A_363 {
          %ge3A = arith.constant 1 : i32
          %ge3A_364 = arith.cmpi sge, %scan3A_294, %ge3A : i32
          %convert_element_type3A_365 = arith.extui %ge3A_364 : i1 to i32
          %cond3A_366 = arith.constant 0 : i32
          %cond3A_367 = arith.cmpi ne, %convert_element_type3A_365, %cond3A_366 : i32
          scf.if %cond3A_367 {
            %dma_wait3A_387 = arith.constant 0 : i32
            %dma_wait3A_388 = arith.constant 0 : i32
            %dma_wait3A_389 = tpu.memref_slice %arg2[%dma_wait3A_387, %dma_wait3A_388] : memref<10000x128xf32, #tpu.memory_space<hbm>> -> memref<40x128xf32, #tpu.memory_space<hbm>>
            %dma_wait3A_390 = arith.constant 0 : i32
            %dma_wait3A_391 = arith.constant 0 : i32
            %dma_wait3A_392 = tpu.memref_slice %arg2[%dma_wait3A_390, %dma_wait3A_391] : memref<10000x128xf32, #tpu.memory_space<hbm>> -> memref<40x128xf32, #tpu.memory_space<hbm>>
            tpu.wait_dma2 semaphore(%arg35 : memref<!tpu.dma_semaphore, #tpu.memory_space<semaphore_mem>>) src(%dma_wait3A_392 : memref<40x128xf32, #tpu.memory_space<hbm>>) dst(%arg20 : memref<40x128xf32, #tpu.memory_space<vmem>>)
          } else {
          }
          %add3A_368 = arith.constant 7 : i32
          %add3A_369 = arith.addi %scan3A_294, %add3A_368 : i32
          %sub3A_370 = arith.constant 1 : i32
          %sub3A_371 = arith.subi %add3A_369, %sub3A_370 : i32
          %mul3A_372 = arith.constant 10000 : i32
          %mul3A_373 = arith.muli %add3A, %mul3A_372 : i32
          %mul3A_374 = arith.constant 40 : i32
          %mul3A_375 = arith.muli %sub3A_371, %mul3A_374 : i32
          %add3A_376 = arith.addi %mul3A_373, %mul3A_375 : i32
          %multiple_of3A_377 = tpu.assume_multiple %add3A_376, 8 : i32
          %dma_start3A_378 = tpu.memref_slice %arg5[%multiple_of3A_377] : memref<320000xi32, #tpu.memory_space<hbm>> -> memref<40xi32, #tpu.memory_space<hbm>>
          %dma_start3A_379 = tpu.memref_slice %arg5[%multiple_of3A_377] : memref<320000xi32, #tpu.memory_space<hbm>> -> memref<40xi32, #tpu.memory_space<hbm>>
          tpu.enqueue_dma source(%dma_start3A_379 : memref<40xi32, #tpu.memory_space<hbm>>) target(%arg13 : memref<40xi32, #tpu.memory_space<vmem>>) target_semaphore(%arg28 : memref<!tpu.dma_semaphore, #tpu.memory_space<semaphore_mem>>)
          %mul3A_380 = arith.constant 40 : i32
          %mul3A_381 = arith.muli %sub3A_371, %mul3A_380 : i32
          %multiple_of3A_382 = tpu.assume_multiple %mul3A_381, 8 : i32
          %dma_start3A_383 = tpu.memref_slice %arg9[%multiple_of3A_382] : memref<10000xi32, #tpu.memory_space<vmem>> -> memref<40xi32, #tpu.memory_space<vmem>>
          %dma_start3A_384 = arith.constant 0 : i32
          %dma_start3A_385 = arith.constant 0 : i32
          %dma_start3A_386 = tpu.memref_slice %arg3[%dma_start3A_384, %dma_start3A_385] : memref<10000x128xf32, #tpu.memory_space<hbm>> -> memref<10000x128xf32, #tpu.memory_space<hbm>>
          tpu.enqueue_indirect_dma source(%dma_start3A_386 : memref<10000x128xf32, #tpu.memory_space<hbm>>) target(%arg20 : memref<40x128xf32, #tpu.memory_space<vmem>>) offsets(%dma_start3A_383 : memref<40xi32, #tpu.memory_space<vmem>>) semaphore(%arg28 : memref<!tpu.dma_semaphore, #tpu.memory_space<semaphore_mem>>)
        } else {
        }
      } else {
      }
      %rem3A_329 = arith.constant 7 : i32
      %rem3A_330 = arith.remsi %scan3A_294, %rem3A_329 : i32
      %eq3A_331 = arith.constant 5 : i32
      %eq3A_332 = arith.cmpi eq, %rem3A_330, %eq3A_331 : i32
      %convert_element_type3A_333 = arith.extui %eq3A_332 : i1 to i32
      %cond3A_334 = arith.constant 0 : i32
      %cond3A_335 = arith.cmpi ne, %convert_element_type3A_333, %cond3A_334 : i32
      scf.if %cond3A_335 {
        %dma_wait3A_343 = arith.constant 0 : i32
        %dma_wait3A_344 = tpu.memref_slice %arg5[%dma_wait3A_343] : memref<320000xi32, #tpu.memory_space<hbm>> -> memref<40xi32, #tpu.memory_space<hbm>>
        %dma_wait3A_345 = arith.constant 0 : i32
        %dma_wait3A_346 = tpu.memref_slice %arg5[%dma_wait3A_345] : memref<320000xi32, #tpu.memory_space<hbm>> -> memref<40xi32, #tpu.memory_space<hbm>>
        tpu.wait_dma2 semaphore(%arg30 : memref<!tpu.dma_semaphore, #tpu.memory_space<semaphore_mem>>) src(%dma_wait3A_346 : memref<40xi32, #tpu.memory_space<hbm>>) dst(%arg15 : memref<40xi32, #tpu.memory_space<vmem>>)
        %dma_wait3A_347 = arith.constant 0 : i32
        %dma_wait3A_348 = arith.constant 0 : i32
        %dma_wait3A_349 = tpu.memref_slice %arg2[%dma_wait3A_347, %dma_wait3A_348] : memref<10000x128xf32, #tpu.memory_space<hbm>> -> memref<40x128xf32, #tpu.memory_space<hbm>>
        %dma_wait3A_350 = arith.constant 0 : i32
        %dma_wait3A_351 = arith.constant 0 : i32
        %dma_wait3A_352 = tpu.memref_slice %arg2[%dma_wait3A_350, %dma_wait3A_351] : memref<10000x128xf32, #tpu.memory_space<hbm>> -> memref<40x128xf32, #tpu.memory_space<hbm>>
        tpu.wait_dma2 semaphore(%arg30 : memref<!tpu.dma_semaphore, #tpu.memory_space<semaphore_mem>>) src(%dma_wait3A_352 : memref<40x128xf32, #tpu.memory_space<hbm>>) dst(%arg22 : memref<40x128xf32, #tpu.memory_space<vmem>>)
        %dma_start3A_353 = arith.constant 0 : i32
        %dma_start3A_354 = arith.constant 0 : i32
        %dma_start3A_355 = tpu.memref_slice %arg24[%dma_start3A_353, %dma_start3A_354] : memref<10000x128xf32, #tpu.memory_space<vmem_shared>> -> memref<10000x128xf32, #tpu.memory_space<vmem_shared>>
        tpu.enqueue_indirect_dma source(%arg22 : memref<40x128xf32, #tpu.memory_space<vmem>>) target(%dma_start3A_355 : memref<10000x128xf32, #tpu.memory_space<vmem_shared>>) offsets(%arg15 : memref<40xi32, #tpu.memory_space<vmem>>) semaphore(%arg37 : memref<!tpu.dma_semaphore, #tpu.memory_space<semaphore_mem>>) {add = true}
        %add3A_356 = arith.constant 7 : i32
        %add3A_357 = arith.addi %scan3A_294, %add3A_356 : i32
        %sub3A = arith.constant 1 : i32
        %sub3A_358 = arith.subi %add3A_357, %sub3A : i32
        %lt3A_359 = arith.constant 250 : i32
        %lt3A_360 = arith.cmpi slt, %sub3A_358, %lt3A_359 : i32
        %convert_element_type3A_361 = arith.extui %lt3A_360 : i1 to i32
        %cond3A_362 = arith.constant 0 : i32
        %cond3A_363 = arith.cmpi ne, %convert_element_type3A_361, %cond3A_362 : i32
        scf.if %cond3A_363 {
          %ge3A = arith.constant 1 : i32
          %ge3A_364 = arith.cmpi sge, %scan3A_294, %ge3A : i32
          %convert_element_type3A_365 = arith.extui %ge3A_364 : i1 to i32
          %cond3A_366 = arith.constant 0 : i32
          %cond3A_367 = arith.cmpi ne, %convert_element_type3A_365, %cond3A_366 : i32
          scf.if %cond3A_367 {
            %dma_wait3A_387 = arith.constant 0 : i32
            %dma_wait3A_388 = arith.constant 0 : i32
            %dma_wait3A_389 = tpu.memref_slice %arg2[%dma_wait3A_387, %dma_wait3A_388] : memref<10000x128xf32, #tpu.memory_space<hbm>> -> memref<40x128xf32, #tpu.memory_space<hbm>>
            %dma_wait3A_390 = arith.constant 0 : i32
            %dma_wait3A_391 = arith.constant 0 : i32
            %dma_wait3A_392 = tpu.memref_slice %arg2[%dma_wait3A_390, %dma_wait3A_391] : memref<10000x128xf32, #tpu.memory_space<hbm>> -> memref<40x128xf32, #tpu.memory_space<hbm>>
            tpu.wait_dma2 semaphore(%arg36 : memref<!tpu.dma_semaphore, #tpu.memory_space<semaphore_mem>>) src(%dma_wait3A_392 : memref<40x128xf32, #tpu.memory_space<hbm>>) dst(%arg21 : memref<40x128xf32, #tpu.memory_space<vmem>>)
          } else {
          }
          %add3A_368 = arith.constant 7 : i32
          %add3A_369 = arith.addi %scan3A_294, %add3A_368 : i32
          %sub3A_370 = arith.constant 1 : i32
          %sub3A_371 = arith.subi %add3A_369, %sub3A_370 : i32
          %mul3A_372 = arith.constant 10000 : i32
          %mul3A_373 = arith.muli %add3A, %mul3A_372 : i32
          %mul3A_374 = arith.constant 40 : i32
          %mul3A_375 = arith.muli %sub3A_371, %mul3A_374 : i32
          %add3A_376 = arith.addi %mul3A_373, %mul3A_375 : i32
          %multiple_of3A_377 = tpu.assume_multiple %add3A_376, 8 : i32
          %dma_start3A_378 = tpu.memref_slice %arg5[%multiple_of3A_377] : memref<320000xi32, #tpu.memory_space<hbm>> -> memref<40xi32, #tpu.memory_space<hbm>>
          %dma_start3A_379 = tpu.memref_slice %arg5[%multiple_of3A_377] : memref<320000xi32, #tpu.memory_space<hbm>> -> memref<40xi32, #tpu.memory_space<hbm>>
          tpu.enqueue_dma source(%dma_start3A_379 : memref<40xi32, #tpu.memory_space<hbm>>) target(%arg14 : memref<40xi32, #tpu.memory_space<vmem>>) target_semaphore(%arg29 : memref<!tpu.dma_semaphore, #tpu.memory_space<semaphore_mem>>)
          %mul3A_380 = arith.constant 40 : i32
          %mul3A_381 = arith.muli %sub3A_371, %mul3A_380 : i32
          %multiple_of3A_382 = tpu.assume_multiple %mul3A_381, 8 : i32
          %dma_start3A_383 = tpu.memref_slice %arg9[%multiple_of3A_382] : memref<10000xi32, #tpu.memory_space<vmem>> -> memref<40xi32, #tpu.memory_space<vmem>>
          %dma_start3A_384 = arith.constant 0 : i32
          %dma_start3A_385 = arith.constant 0 : i32
          %dma_start3A_386 = tpu.memref_slice %arg3[%dma_start3A_384, %dma_start3A_385] : memref<10000x128xf32, #tpu.memory_space<hbm>> -> memref<10000x128xf32, #tpu.memory_space<hbm>>
          tpu.enqueue_indirect_dma source(%dma_start3A_386 : memref<10000x128xf32, #tpu.memory_space<hbm>>) target(%arg21 : memref<40x128xf32, #tpu.memory_space<vmem>>) offsets(%dma_start3A_383 : memref<40xi32, #tpu.memory_space<vmem>>) semaphore(%arg29 : memref<!tpu.dma_semaphore, #tpu.memory_space<semaphore_mem>>)
        } else {
        }
      } else {
      }
      %rem3A_336 = arith.constant 7 : i32
      %rem3A_337 = arith.remsi %scan3A_294, %rem3A_336 : i32
      %eq3A_338 = arith.constant 6 : i32
      %eq3A_339 = arith.cmpi eq, %rem3A_337, %eq3A_338 : i32
      %convert_element_type3A_340 = arith.extui %eq3A_339 : i1 to i32
      %cond3A_341 = arith.constant 0 : i32
      %cond3A_342 = arith.cmpi ne, %convert_element_type3A_340, %cond3A_341 : i32
      scf.if %cond3A_342 {
        %dma_wait3A_343 = arith.constant 0 : i32
        %dma_wait3A_344 = tpu.memref_slice %arg5[%dma_wait3A_343] : memref<320000xi32, #tpu.memory_space<hbm>> -> memref<40xi32, #tpu.memory_space<hbm>>
        %dma_wait3A_345 = arith.constant 0 : i32
        %dma_wait3A_346 = tpu.memref_slice %arg5[%dma_wait3A_345] : memref<320000xi32, #tpu.memory_space<hbm>> -> memref<40xi32, #tpu.memory_space<hbm>>
        tpu.wait_dma2 semaphore(%arg31 : memref<!tpu.dma_semaphore, #tpu.memory_space<semaphore_mem>>) src(%dma_wait3A_346 : memref<40xi32, #tpu.memory_space<hbm>>) dst(%arg16 : memref<40xi32, #tpu.memory_space<vmem>>)
        %dma_wait3A_347 = arith.constant 0 : i32
        %dma_wait3A_348 = arith.constant 0 : i32
        %dma_wait3A_349 = tpu.memref_slice %arg2[%dma_wait3A_347, %dma_wait3A_348] : memref<10000x128xf32, #tpu.memory_space<hbm>> -> memref<40x128xf32, #tpu.memory_space<hbm>>
        %dma_wait3A_350 = arith.constant 0 : i32
        %dma_wait3A_351 = arith.constant 0 : i32
        %dma_wait3A_352 = tpu.memref_slice %arg2[%dma_wait3A_350, %dma_wait3A_351] : memref<10000x128xf32, #tpu.memory_space<hbm>> -> memref<40x128xf32, #tpu.memory_space<hbm>>
        tpu.wait_dma2 semaphore(%arg31 : memref<!tpu.dma_semaphore, #tpu.memory_space<semaphore_mem>>) src(%dma_wait3A_352 : memref<40x128xf32, #tpu.memory_space<hbm>>) dst(%arg23 : memref<40x128xf32, #tpu.memory_space<vmem>>)
        %dma_start3A_353 = arith.constant 0 : i32
        %dma_start3A_354 = arith.constant 0 : i32
        %dma_start3A_355 = tpu.memref_slice %arg24[%dma_start3A_353, %dma_start3A_354] : memref<10000x128xf32, #tpu.memory_space<vmem_shared>> -> memref<10000x128xf32, #tpu.memory_space<vmem_shared>>
        tpu.enqueue_indirect_dma source(%arg23 : memref<40x128xf32, #tpu.memory_space<vmem>>) target(%dma_start3A_355 : memref<10000x128xf32, #tpu.memory_space<vmem_shared>>) offsets(%arg16 : memref<40xi32, #tpu.memory_space<vmem>>) semaphore(%arg38 : memref<!tpu.dma_semaphore, #tpu.memory_space<semaphore_mem>>) {add = true}
        %add3A_356 = arith.constant 7 : i32
        %add3A_357 = arith.addi %scan3A_294, %add3A_356 : i32
        %sub3A = arith.constant 1 : i32
        %sub3A_358 = arith.subi %add3A_357, %sub3A : i32
        %lt3A_359 = arith.constant 250 : i32
        %lt3A_360 = arith.cmpi slt, %sub3A_358, %lt3A_359 : i32
        %convert_element_type3A_361 = arith.extui %lt3A_360 : i1 to i32
        %cond3A_362 = arith.constant 0 : i32
        %cond3A_363 = arith.cmpi ne, %convert_element_type3A_361, %cond3A_362 : i32
        scf.if %cond3A_363 {
          %ge3A = arith.constant 1 : i32
          %ge3A_364 = arith.cmpi sge, %scan3A_294, %ge3A : i32
          %convert_element_type3A_365 = arith.extui %ge3A_364 : i1 to i32
          %cond3A_366 = arith.constant 0 : i32
          %cond3A_367 = arith.cmpi ne, %convert_element_type3A_365, %cond3A_366 : i32
          scf.if %cond3A_367 {
            %dma_wait3A_387 = arith.constant 0 : i32
            %dma_wait3A_388 = arith.constant 0 : i32
            %dma_wait3A_389 = tpu.memref_slice %arg2[%dma_wait3A_387, %dma_wait3A_388] : memref<10000x128xf32, #tpu.memory_space<hbm>> -> memref<40x128xf32, #tpu.memory_space<hbm>>
            %dma_wait3A_390 = arith.constant 0 : i32
            %dma_wait3A_391 = arith.constant 0 : i32
            %dma_wait3A_392 = tpu.memref_slice %arg2[%dma_wait3A_390, %dma_wait3A_391] : memref<10000x128xf32, #tpu.memory_space<hbm>> -> memref<40x128xf32, #tpu.memory_space<hbm>>
            tpu.wait_dma2 semaphore(%arg37 : memref<!tpu.dma_semaphore, #tpu.memory_space<semaphore_mem>>) src(%dma_wait3A_392 : memref<40x128xf32, #tpu.memory_space<hbm>>) dst(%arg22 : memref<40x128xf32, #tpu.memory_space<vmem>>)
          } else {
          }
          %add3A_368 = arith.constant 7 : i32
          %add3A_369 = arith.addi %scan3A_294, %add3A_368 : i32
          %sub3A_370 = arith.constant 1 : i32
          %sub3A_371 = arith.subi %add3A_369, %sub3A_370 : i32
          %mul3A_372 = arith.constant 10000 : i32
          %mul3A_373 = arith.muli %add3A, %mul3A_372 : i32
          %mul3A_374 = arith.constant 40 : i32
          %mul3A_375 = arith.muli %sub3A_371, %mul3A_374 : i32
          %add3A_376 = arith.addi %mul3A_373, %mul3A_375 : i32
          %multiple_of3A_377 = tpu.assume_multiple %add3A_376, 8 : i32
          %dma_start3A_378 = tpu.memref_slice %arg5[%multiple_of3A_377] : memref<320000xi32, #tpu.memory_space<hbm>> -> memref<40xi32, #tpu.memory_space<hbm>>
          %dma_start3A_379 = tpu.memref_slice %arg5[%multiple_of3A_377] : memref<320000xi32, #tpu.memory_space<hbm>> -> memref<40xi32, #tpu.memory_space<hbm>>
          tpu.enqueue_dma source(%dma_start3A_379 : memref<40xi32, #tpu.memory_space<hbm>>) target(%arg15 : memref<40xi32, #tpu.memory_space<vmem>>) target_semaphore(%arg30 : memref<!tpu.dma_semaphore, #tpu.memory_space<semaphore_mem>>)
          %mul3A_380 = arith.constant 40 : i32
          %mul3A_381 = arith.muli %sub3A_371, %mul3A_380 : i32
          %multiple_of3A_382 = tpu.assume_multiple %mul3A_381, 8 : i32
          %dma_start3A_383 = tpu.memref_slice %arg9[%multiple_of3A_382] : memref<10000xi32, #tpu.memory_space<vmem>> -> memref<40xi32, #tpu.memory_space<vmem>>
          %dma_start3A_384 = arith.constant 0 : i32
          %dma_start3A_385 = arith.constant 0 : i32
          %dma_start3A_386 = tpu.memref_slice %arg3[%dma_start3A_384, %dma_start3A_385] : memref<10000x128xf32, #tpu.memory_space<hbm>> -> memref<10000x128xf32, #tpu.memory_space<hbm>>
          tpu.enqueue_indirect_dma source(%dma_start3A_386 : memref<10000x128xf32, #tpu.memory_space<hbm>>) target(%arg22 : memref<40x128xf32, #tpu.memory_space<vmem>>) offsets(%dma_start3A_383 : memref<40xi32, #tpu.memory_space<vmem>>) semaphore(%arg30 : memref<!tpu.dma_semaphore, #tpu.memory_space<semaphore_mem>>)
        } else {
        }
      } else {
      }
    }
    %scan3A_240 = arith.constant 250 : i32
    %dma_wait3A_241 = arith.constant 0 : i32
    %dma_wait3A_242 = arith.constant 0 : i32
    %dma_wait3A_243 = tpu.memref_slice %arg2[%dma_wait3A_241, %dma_wait3A_242] : memref<10000x128xf32, #tpu.memory_space<hbm>> -> memref<40x128xf32, #tpu.memory_space<hbm>>
    %dma_wait3A_244 = arith.constant 0 : i32
    %dma_wait3A_245 = arith.constant 0 : i32
    %dma_wait3A_246 = tpu.memref_slice %arg2[%dma_wait3A_244, %dma_wait3A_245] : memref<10000x128xf32, #tpu.memory_space<hbm>> -> memref<40x128xf32, #tpu.memory_space<hbm>>
    tpu.wait_dma2 semaphore(%arg32 : memref<!tpu.dma_semaphore, #tpu.memory_space<semaphore_mem>>) src(%dma_wait3A_246 : memref<40x128xf32, #tpu.memory_space<hbm>>) dst(%arg17 : memref<40x128xf32, #tpu.memory_space<vmem>>)
    %dma_wait3A_247 = arith.constant 0 : i32
    %dma_wait3A_248 = arith.constant 0 : i32
    %dma_wait3A_249 = tpu.memref_slice %arg2[%dma_wait3A_247, %dma_wait3A_248] : memref<10000x128xf32, #tpu.memory_space<hbm>> -> memref<40x128xf32, #tpu.memory_space<hbm>>
    %dma_wait3A_250 = arith.constant 0 : i32
    %dma_wait3A_251 = arith.constant 0 : i32
    %dma_wait3A_252 = tpu.memref_slice %arg2[%dma_wait3A_250, %dma_wait3A_251] : memref<10000x128xf32, #tpu.memory_space<hbm>> -> memref<40x128xf32, #tpu.memory_space<hbm>>
    tpu.wait_dma2 semaphore(%arg33 : memref<!tpu.dma_semaphore, #tpu.memory_space<semaphore_mem>>) src(%dma_wait3A_252 : memref<40x128xf32, #tpu.memory_space<hbm>>) dst(%arg18 : memref<40x128xf32, #tpu.memory_space<vmem>>)
    %dma_wait3A_253 = arith.constant 0 : i32
    %dma_wait3A_254 = arith.constant 0 : i32
    %dma_wait3A_255 = tpu.memref_slice %arg2[%dma_wait3A_253, %dma_wait3A_254] : memref<10000x128xf32, #tpu.memory_space<hbm>> -> memref<40x128xf32, #tpu.memory_space<hbm>>
    %dma_wait3A_256 = arith.constant 0 : i32
    %dma_wait3A_257 = arith.constant 0 : i32
    %dma_wait3A_258 = tpu.memref_slice %arg2[%dma_wait3A_256, %dma_wait3A_257] : memref<10000x128xf32, #tpu.memory_space<hbm>> -> memref<40x128xf32, #tpu.memory_space<hbm>>
    tpu.wait_dma2 semaphore(%arg34 : memref<!tpu.dma_semaphore, #tpu.memory_space<semaphore_mem>>) src(%dma_wait3A_258 : memref<40x128xf32, #tpu.memory_space<hbm>>) dst(%arg19 : memref<40x128xf32, #tpu.memory_space<vmem>>)
    %dma_wait3A_259 = arith.constant 0 : i32
    %dma_wait3A_260 = arith.constant 0 : i32
    %dma_wait3A_261 = tpu.memref_slice %arg2[%dma_wait3A_259, %dma_wait3A_260] : memref<10000x128xf32, #tpu.memory_space<hbm>> -> memref<40x128xf32, #tpu.memory_space<hbm>>
    %dma_wait3A_262 = arith.constant 0 : i32
    %dma_wait3A_263 = arith.constant 0 : i32
    %dma_wait3A_264 = tpu.memref_slice %arg2[%dma_wait3A_262, %dma_wait3A_263] : memref<10000x128xf32, #tpu.memory_space<hbm>> -> memref<40x128xf32, #tpu.memory_space<hbm>>
    tpu.wait_dma2 semaphore(%arg35 : memref<!tpu.dma_semaphore, #tpu.memory_space<semaphore_mem>>) src(%dma_wait3A_264 : memref<40x128xf32, #tpu.memory_space<hbm>>) dst(%arg20 : memref<40x128xf32, #tpu.memory_space<vmem>>)
    %dma_wait3A_265 = arith.constant 0 : i32
    %dma_wait3A_266 = arith.constant 0 : i32
    %dma_wait3A_267 = tpu.memref_slice %arg2[%dma_wait3A_265, %dma_wait3A_266] : memref<10000x128xf32, #tpu.memory_space<hbm>> -> memref<40x128xf32, #tpu.memory_space<hbm>>
    %dma_wait3A_268 = arith.constant 0 : i32
    %dma_wait3A_269 = arith.constant 0 : i32
    %dma_wait3A_270 = tpu.memref_slice %arg2[%dma_wait3A_268, %dma_wait3A_269] : memref<10000x128xf32, #tpu.memory_space<hbm>> -> memref<40x128xf32, #tpu.memory_space<hbm>>
    tpu.wait_dma2 semaphore(%arg36 : memref<!tpu.dma_semaphore, #tpu.memory_space<semaphore_mem>>) src(%dma_wait3A_270 : memref<40x128xf32, #tpu.memory_space<hbm>>) dst(%arg21 : memref<40x128xf32, #tpu.memory_space<vmem>>)
    %dma_wait3A_271 = arith.constant 0 : i32
    %dma_wait3A_272 = arith.constant 0 : i32
    %dma_wait3A_273 = tpu.memref_slice %arg2[%dma_wait3A_271, %dma_wait3A_272] : memref<10000x128xf32, #tpu.memory_space<hbm>> -> memref<40x128xf32, #tpu.memory_space<hbm>>
    %dma_wait3A_274 = arith.constant 0 : i32
    %dma_wait3A_275 = arith.constant 0 : i32
    %dma_wait3A_276 = tpu.memref_slice %arg2[%dma_wait3A_274, %dma_wait3A_275] : memref<10000x128xf32, #tpu.memory_space<hbm>> -> memref<40x128xf32, #tpu.memory_space<hbm>>
    tpu.wait_dma2 semaphore(%arg37 : memref<!tpu.dma_semaphore, #tpu.memory_space<semaphore_mem>>) src(%dma_wait3A_276 : memref<40x128xf32, #tpu.memory_space<hbm>>) dst(%arg22 : memref<40x128xf32, #tpu.memory_space<vmem>>)
    %dma_wait3A_277 = arith.constant 0 : i32
    %dma_wait3A_278 = arith.constant 0 : i32
    %dma_wait3A_279 = tpu.memref_slice %arg2[%dma_wait3A_277, %dma_wait3A_278] : memref<10000x128xf32, #tpu.memory_space<hbm>> -> memref<40x128xf32, #tpu.memory_space<hbm>>
    %dma_wait3A_280 = arith.constant 0 : i32
    %dma_wait3A_281 = arith.constant 0 : i32
    %dma_wait3A_282 = tpu.memref_slice %arg2[%dma_wait3A_280, %dma_wait3A_281] : memref<10000x128xf32, #tpu.memory_space<hbm>> -> memref<40x128xf32, #tpu.memory_space<hbm>>
    tpu.wait_dma2 semaphore(%arg38 : memref<!tpu.dma_semaphore, #tpu.memory_space<semaphore_mem>>) src(%dma_wait3A_282 : memref<40x128xf32, #tpu.memory_space<hbm>>) dst(%arg23 : memref<40x128xf32, #tpu.memory_space<vmem>>)
    %barrier3A_283 = arith.constant 0 : index
    tpu.barrier barrier_id(%barrier3A_283)
    %lt3A_284 = arith.constant 15 : i32
    %lt3A_285 = arith.cmpi slt, %arg1, %lt3A_284 : i32
    %convert_element_type3A_286 = arith.extui %lt3A_285 : i1 to i32
    %cond3A_287 = arith.constant 0 : i32
    %cond3A_288 = arith.cmpi ne, %convert_element_type3A_286, %cond3A_287 : i32
    scf.if %cond3A_288 {
      "tpu.region"() ({
        %run_scoped3A = tpu.sem_alloc : memref<!tpu.dma_semaphore, #tpu.memory_space<semaphore_mem>>
        %dma_start3A_294 = arith.constant 0 : i32
        %dma_start3A_295 = tpu.memref_slice %arg8[%arg0, %multiple_of3A_5, %dma_start3A_294] : memref<2x10000x128xf32, #tpu.memory_space<hbm>> -> memref<1x624x128xf32, #tpu.memory_space<hbm>>
        %dma_start3A_296 = tpu.memref_squeeze %dma_start3A_295 : memref<1x624x128xf32, #tpu.memory_space<hbm>> -> memref<624x128xf32, #tpu.memory_space<hbm>>
        %dma_start3A_297 = arith.constant 0 : i32
        %dma_start3A_298 = tpu.memref_slice %arg24[%multiple_of3A_5, %dma_start3A_297] : memref<10000x128xf32, #tpu.memory_space<vmem_shared>> -> memref<624x128xf32, #tpu.memory_space<vmem_shared>>
        tpu.enqueue_dma source(%dma_start3A_298 : memref<624x128xf32, #tpu.memory_space<vmem_shared>>) target(%dma_start3A_296 : memref<624x128xf32, #tpu.memory_space<hbm>>) target_semaphore(%run_scoped3A : memref<!tpu.dma_semaphore, #tpu.memory_space<semaphore_mem>>)
        %dma_wait3A_299 = arith.constant 0 : i32
        %dma_wait3A_300 = tpu.memref_slice %arg8[%arg0, %multiple_of3A_5, %dma_wait3A_299] : memref<2x10000x128xf32, #tpu.memory_space<hbm>> -> memref<1x624x128xf32, #tpu.memory_space<hbm>>
        %dma_wait3A_301 = tpu.memref_squeeze %dma_wait3A_300 : memref<1x624x128xf32, #tpu.memory_space<hbm>> -> memref<624x128xf32, #tpu.memory_space<hbm>>
        %dma_wait3A_302 = arith.constant 0 : i32
        %dma_wait3A_303 = tpu.memref_slice %arg24[%multiple_of3A_5, %dma_wait3A_302] : memref<10000x128xf32, #tpu.memory_space<vmem_shared>> -> memref<624x128xf32, #tpu.memory_space<vmem_shared>>
        tpu.wait_dma2 semaphore(%run_scoped3A : memref<!tpu.dma_semaphore, #tpu.memory_space<semaphore_mem>>) src(%dma_wait3A_303 : memref<624x128xf32, #tpu.memory_space<vmem_shared>>) dst(%dma_wait3A_301 : memref<624x128xf32, #tpu.memory_space<hbm>>)
        tpu.yield
      }) : () -> ()
    } else {
    }
    %eq3A_289 = arith.constant 15 : i32
    %eq3A_290 = arith.cmpi eq, %arg1, %eq3A_289 : i32
    %convert_element_type3A_291 = arith.extui %eq3A_290 : i1 to i32
    %cond3A_292 = arith.constant 0 : i32
    %cond3A_293 = arith.cmpi ne, %convert_element_type3A_291, %cond3A_292 : i32
    scf.if %cond3A_293 {
      "tpu.region"() ({
        %run_scoped3A = tpu.sem_alloc : memref<!tpu.dma_semaphore, #tpu.memory_space<semaphore_mem>>
        %dma_start3A_294 = arith.constant 9360 : i32
        %dma_start3A_295 = arith.constant 0 : i32
        %dma_start3A_296 = tpu.memref_slice %arg8[%arg0, %dma_start3A_294, %dma_start3A_295] : memref<2x10000x128xf32, #tpu.memory_space<hbm>> -> memref<1x640x128xf32, #tpu.memory_space<hbm>>
        %dma_start3A_297 = tpu.memref_squeeze %dma_start3A_296 : memref<1x640x128xf32, #tpu.memory_space<hbm>> -> memref<640x128xf32, #tpu.memory_space<hbm>>
        %dma_start3A_298 = arith.constant 9360 : i32
        %dma_start3A_299 = arith.constant 0 : i32
        %dma_start3A_300 = tpu.memref_slice %arg24[%dma_start3A_298, %dma_start3A_299] : memref<10000x128xf32, #tpu.memory_space<vmem_shared>> -> memref<640x128xf32, #tpu.memory_space<vmem_shared>>
        tpu.enqueue_dma source(%dma_start3A_300 : memref<640x128xf32, #tpu.memory_space<vmem_shared>>) target(%dma_start3A_297 : memref<640x128xf32, #tpu.memory_space<hbm>>) target_semaphore(%run_scoped3A : memref<!tpu.dma_semaphore, #tpu.memory_space<semaphore_mem>>)
        %dma_wait3A_301 = arith.constant 9360 : i32
        %dma_wait3A_302 = arith.constant 0 : i32
        %dma_wait3A_303 = tpu.memref_slice %arg8[%arg0, %dma_wait3A_301, %dma_wait3A_302] : memref<2x10000x128xf32, #tpu.memory_space<hbm>> -> memref<1x640x128xf32, #tpu.memory_space<hbm>>
        %dma_wait3A_304 = tpu.memref_squeeze %dma_wait3A_303 : memref<1x640x128xf32, #tpu.memory_space<hbm>> -> memref<640x128xf32, #tpu.memory_space<hbm>>
        %dma_wait3A_305 = arith.constant 9360 : i32
        %dma_wait3A_306 = arith.constant 0 : i32
        %dma_wait3A_307 = tpu.memref_slice %arg24[%dma_wait3A_305, %dma_wait3A_306] : memref<10000x128xf32, #tpu.memory_space<vmem_shared>> -> memref<640x128xf32, #tpu.memory_space<vmem_shared>>
        tpu.wait_dma2 semaphore(%run_scoped3A : memref<!tpu.dma_semaphore, #tpu.memory_space<semaphore_mem>>) src(%dma_wait3A_307 : memref<640x128xf32, #tpu.memory_space<vmem_shared>>) dst(%dma_wait3A_304 : memref<640x128xf32, #tpu.memory_space<hbm>>)
        tpu.yield
      }) : () -> ()
    } else {
    }
    return
  }
}

#map = affine_map<(d0, d1) -> (0)>
module attributes {stable_mosaic.version = 14 : i64} {
  func.func @deg_kernel(%arg0: i32, %arg1: i32, %arg2: memref<320000xi32, #tpu.memory_space<hbm>>, %arg3: memref<10000xf32, #tpu.memory_space<hbm>>, %arg4: memref<320000xf32, #tpu.memory_space<hbm>>, %arg5: memref<2000xi32, #tpu.memory_space<vmem>>, %arg6: memref<10000xf32, #tpu.memory_space<vmem>>) attributes {dimension_semantics = [#tpu.dimension_semantics<core_parallel>, #tpu.dimension_semantics<subcore_parallel>], iteration_bounds = array<i64: 2, 16>, scalar_prefetch = 0 : i64, scratch_operands = 2 : i64, tpu.core_type = #tpu.core_type<sc_vector_subcore>, window_params = [{transform_indices = #map}, {transform_indices = #map}, {transform_indices = #map}]} {
    %mul3A = arith.constant 2 : i32
    %mul3A_0 = arith.muli %arg1, %mul3A : i32
    %add3A = arith.addi %mul3A_0, %arg0 : i32
    "tpu.region"() ({
      %run_scoped3A = tpu.sem_alloc : memref<!tpu.dma_semaphore, #tpu.memory_space<semaphore_mem>>
      tpu.enqueue_dma source(%arg3 : memref<10000xf32, #tpu.memory_space<hbm>>) target(%arg6 : memref<10000xf32, #tpu.memory_space<vmem>>) target_semaphore(%run_scoped3A : memref<!tpu.dma_semaphore, #tpu.memory_space<semaphore_mem>>)
      tpu.wait_dma2 semaphore(%run_scoped3A : memref<!tpu.dma_semaphore, #tpu.memory_space<semaphore_mem>>) src(%arg3 : memref<10000xf32, #tpu.memory_space<hbm>>) dst(%arg6 : memref<10000xf32, #tpu.memory_space<vmem>>)
      tpu.yield
    }) : () -> ()
    %broadcast_in_dim3A = arith.constant 1.000000e+00 : f32
    %broadcast_in_dim3A_1 = vector.broadcast %broadcast_in_dim3A : f32 to vector<16xf32>
    %scan3A = arith.constant 0 : i32
    %scan3A_2 = arith.constant 0 : i32
    %scan3A_3 = arith.constant 5 : i32
    %scan3A_4 = arith.addi %scan3A_2, %scan3A_3 : i32
    %scan3A_5 = arith.constant 1 : i32
    scf.for %scan3A_9 = %scan3A_2 to %scan3A_4 step %scan3A_5  : i32 {
      %mul3A_10 = arith.constant 10000 : i32
      %mul3A_11 = arith.muli %add3A, %mul3A_10 : i32
      %mul3A_12 = arith.constant 2000 : i32
      %mul3A_13 = arith.muli %scan3A_9, %mul3A_12 : i32
      %add3A_14 = arith.addi %mul3A_11, %mul3A_13 : i32
      %multiple_of3A_15 = tpu.assume_multiple %add3A_14, 8 : i32
      "tpu.region"() ({
        %run_scoped3A = tpu.sem_alloc : memref<!tpu.dma_semaphore, #tpu.memory_space<semaphore_mem>>
        %dma_start3A = tpu.memref_slice %arg2[%multiple_of3A_15] : memref<320000xi32, #tpu.memory_space<hbm>> -> memref<2000xi32, #tpu.memory_space<hbm>>
        %dma_start3A_265 = tpu.memref_slice %arg2[%multiple_of3A_15] : memref<320000xi32, #tpu.memory_space<hbm>> -> memref<2000xi32, #tpu.memory_space<hbm>>
        tpu.enqueue_dma source(%dma_start3A_265 : memref<2000xi32, #tpu.memory_space<hbm>>) target(%arg5 : memref<2000xi32, #tpu.memory_space<vmem>>) target_semaphore(%run_scoped3A : memref<!tpu.dma_semaphore, #tpu.memory_space<semaphore_mem>>)
        %dma_wait3A = tpu.memref_slice %arg2[%multiple_of3A_15] : memref<320000xi32, #tpu.memory_space<hbm>> -> memref<2000xi32, #tpu.memory_space<hbm>>
        %dma_wait3A_266 = tpu.memref_slice %arg2[%multiple_of3A_15] : memref<320000xi32, #tpu.memory_space<hbm>> -> memref<2000xi32, #tpu.memory_space<hbm>>
        tpu.wait_dma2 semaphore(%run_scoped3A : memref<!tpu.dma_semaphore, #tpu.memory_space<semaphore_mem>>) src(%dma_wait3A_266 : memref<2000xi32, #tpu.memory_space<hbm>>) dst(%arg5 : memref<2000xi32, #tpu.memory_space<vmem>>)
        tpu.yield
      }) : () -> ()
      %get3A = arith.constant 0 : index
      %get3A_16 = tpu.vector_load %arg5[%get3A] {strides = array<i32>} : memref<2000xi32, #tpu.memory_space<vmem>>, vector<16xi32>,
      tpu.vector_store_idx %arg6[%get3A_16], %broadcast_in_dim3A_1 {add = true} : memref<10000xf32, #tpu.memory_space<vmem>>[vector<16xi32>], vector<16xf32>,
      %get3A_17 = arith.constant 16 : index
      %get3A_18 = tpu.vector_load %arg5[%get3A_17] {strides = array<i32>} : memref<2000xi32, #tpu.memory_space<vmem>>, vector<16xi32>,
      tpu.vector_store_idx %arg6[%get3A_18], %broadcast_in_dim3A_1 {add = true} : memref<10000xf32, #tpu.memory_space<vmem>>[vector<16xi32>], vector<16xf32>,
      %get3A_19 = arith.constant 32 : index
      %get3A_20 = tpu.vector_load %arg5[%get3A_19] {strides = array<i32>} : memref<2000xi32, #tpu.memory_space<vmem>>, vector<16xi32>,
      tpu.vector_store_idx %arg6[%get3A_20], %broadcast_in_dim3A_1 {add = true} : memref<10000xf32, #tpu.memory_space<vmem>>[vector<16xi32>], vector<16xf32>,
      %get3A_21 = arith.constant 48 : index
      %get3A_22 = tpu.vector_load %arg5[%get3A_21] {strides = array<i32>} : memref<2000xi32, #tpu.memory_space<vmem>>, vector<16xi32>,
      tpu.vector_store_idx %arg6[%get3A_22], %broadcast_in_dim3A_1 {add = true} : memref<10000xf32, #tpu.memory_space<vmem>>[vector<16xi32>], vector<16xf32>,
      %get3A_23 = arith.constant 64 : index
      %get3A_24 = tpu.vector_load %arg5[%get3A_23] {strides = array<i32>} : memref<2000xi32, #tpu.memory_space<vmem>>, vector<16xi32>,
      tpu.vector_store_idx %arg6[%get3A_24], %broadcast_in_dim3A_1 {add = true} : memref<10000xf32, #tpu.memory_space<vmem>>[vector<16xi32>], vector<16xf32>,
      %get3A_25 = arith.constant 80 : index
      %get3A_26 = tpu.vector_load %arg5[%get3A_25] {strides = array<i32>} : memref<2000xi32, #tpu.memory_space<vmem>>, vector<16xi32>,
      tpu.vector_store_idx %arg6[%get3A_26], %broadcast_in_dim3A_1 {add = true} : memref<10000xf32, #tpu.memory_space<vmem>>[vector<16xi32>], vector<16xf32>,
      %get3A_27 = arith.constant 96 : index
      %get3A_28 = tpu.vector_load %arg5[%get3A_27] {strides = array<i32>} : memref<2000xi32, #tpu.memory_space<vmem>>, vector<16xi32>,
      tpu.vector_store_idx %arg6[%get3A_28], %broadcast_in_dim3A_1 {add = true} : memref<10000xf32, #tpu.memory_space<vmem>>[vector<16xi32>], vector<16xf32>,
      %get3A_29 = arith.constant 112 : index
      %get3A_30 = tpu.vector_load %arg5[%get3A_29] {strides = array<i32>} : memref<2000xi32, #tpu.memory_space<vmem>>, vector<16xi32>,
      tpu.vector_store_idx %arg6[%get3A_30], %broadcast_in_dim3A_1 {add = true} : memref<10000xf32, #tpu.memory_space<vmem>>[vector<16xi32>], vector<16xf32>,
      %get3A_31 = arith.constant 128 : index
      %get3A_32 = tpu.vector_load %arg5[%get3A_31] {strides = array<i32>} : memref<2000xi32, #tpu.memory_space<vmem>>, vector<16xi32>,
      tpu.vector_store_idx %arg6[%get3A_32], %broadcast_in_dim3A_1 {add = true} : memref<10000xf32, #tpu.memory_space<vmem>>[vector<16xi32>], vector<16xf32>,
      %get3A_33 = arith.constant 144 : index
      %get3A_34 = tpu.vector_load %arg5[%get3A_33] {strides = array<i32>} : memref<2000xi32, #tpu.memory_space<vmem>>, vector<16xi32>,
      tpu.vector_store_idx %arg6[%get3A_34], %broadcast_in_dim3A_1 {add = true} : memref<10000xf32, #tpu.memory_space<vmem>>[vector<16xi32>], vector<16xf32>,
      %get3A_35 = arith.constant 160 : index
      %get3A_36 = tpu.vector_load %arg5[%get3A_35] {strides = array<i32>} : memref<2000xi32, #tpu.memory_space<vmem>>, vector<16xi32>,
      tpu.vector_store_idx %arg6[%get3A_36], %broadcast_in_dim3A_1 {add = true} : memref<10000xf32, #tpu.memory_space<vmem>>[vector<16xi32>], vector<16xf32>,
      %get3A_37 = arith.constant 176 : index
      %get3A_38 = tpu.vector_load %arg5[%get3A_37] {strides = array<i32>} : memref<2000xi32, #tpu.memory_space<vmem>>, vector<16xi32>,
      tpu.vector_store_idx %arg6[%get3A_38], %broadcast_in_dim3A_1 {add = true} : memref<10000xf32, #tpu.memory_space<vmem>>[vector<16xi32>], vector<16xf32>,
      %get3A_39 = arith.constant 192 : index
      %get3A_40 = tpu.vector_load %arg5[%get3A_39] {strides = array<i32>} : memref<2000xi32, #tpu.memory_space<vmem>>, vector<16xi32>,
      tpu.vector_store_idx %arg6[%get3A_40], %broadcast_in_dim3A_1 {add = true} : memref<10000xf32, #tpu.memory_space<vmem>>[vector<16xi32>], vector<16xf32>,
      %get3A_41 = arith.constant 208 : index
      %get3A_42 = tpu.vector_load %arg5[%get3A_41] {strides = array<i32>} : memref<2000xi32, #tpu.memory_space<vmem>>, vector<16xi32>,
      tpu.vector_store_idx %arg6[%get3A_42], %broadcast_in_dim3A_1 {add = true} : memref<10000xf32, #tpu.memory_space<vmem>>[vector<16xi32>], vector<16xf32>,
      %get3A_43 = arith.constant 224 : index
      %get3A_44 = tpu.vector_load %arg5[%get3A_43] {strides = array<i32>} : memref<2000xi32, #tpu.memory_space<vmem>>, vector<16xi32>,
      tpu.vector_store_idx %arg6[%get3A_44], %broadcast_in_dim3A_1 {add = true} : memref<10000xf32, #tpu.memory_space<vmem>>[vector<16xi32>], vector<16xf32>,
      %get3A_45 = arith.constant 240 : index
      %get3A_46 = tpu.vector_load %arg5[%get3A_45] {strides = array<i32>} : memref<2000xi32, #tpu.memory_space<vmem>>, vector<16xi32>,
      tpu.vector_store_idx %arg6[%get3A_46], %broadcast_in_dim3A_1 {add = true} : memref<10000xf32, #tpu.memory_space<vmem>>[vector<16xi32>], vector<16xf32>,
      %get3A_47 = arith.constant 256 : index
      %get3A_48 = tpu.vector_load %arg5[%get3A_47] {strides = array<i32>} : memref<2000xi32, #tpu.memory_space<vmem>>, vector<16xi32>,
      tpu.vector_store_idx %arg6[%get3A_48], %broadcast_in_dim3A_1 {add = true} : memref<10000xf32, #tpu.memory_space<vmem>>[vector<16xi32>], vector<16xf32>,
      %get3A_49 = arith.constant 272 : index
      %get3A_50 = tpu.vector_load %arg5[%get3A_49] {strides = array<i32>} : memref<2000xi32, #tpu.memory_space<vmem>>, vector<16xi32>,
      tpu.vector_store_idx %arg6[%get3A_50], %broadcast_in_dim3A_1 {add = true} : memref<10000xf32, #tpu.memory_space<vmem>>[vector<16xi32>], vector<16xf32>,
      %get3A_51 = arith.constant 288 : index
      %get3A_52 = tpu.vector_load %arg5[%get3A_51] {strides = array<i32>} : memref<2000xi32, #tpu.memory_space<vmem>>, vector<16xi32>,
      tpu.vector_store_idx %arg6[%get3A_52], %broadcast_in_dim3A_1 {add = true} : memref<10000xf32, #tpu.memory_space<vmem>>[vector<16xi32>], vector<16xf32>,
      %get3A_53 = arith.constant 304 : index
      %get3A_54 = tpu.vector_load %arg5[%get3A_53] {strides = array<i32>} : memref<2000xi32, #tpu.memory_space<vmem>>, vector<16xi32>,
      tpu.vector_store_idx %arg6[%get3A_54], %broadcast_in_dim3A_1 {add = true} : memref<10000xf32, #tpu.memory_space<vmem>>[vector<16xi32>], vector<16xf32>,
      %get3A_55 = arith.constant 320 : index
      %get3A_56 = tpu.vector_load %arg5[%get3A_55] {strides = array<i32>} : memref<2000xi32, #tpu.memory_space<vmem>>, vector<16xi32>,
      tpu.vector_store_idx %arg6[%get3A_56], %broadcast_in_dim3A_1 {add = true} : memref<10000xf32, #tpu.memory_space<vmem>>[vector<16xi32>], vector<16xf32>,
      %get3A_57 = arith.constant 336 : index
      %get3A_58 = tpu.vector_load %arg5[%get3A_57] {strides = array<i32>} : memref<2000xi32, #tpu.memory_space<vmem>>, vector<16xi32>,
      tpu.vector_store_idx %arg6[%get3A_58], %broadcast_in_dim3A_1 {add = true} : memref<10000xf32, #tpu.memory_space<vmem>>[vector<16xi32>], vector<16xf32>,
      %get3A_59 = arith.constant 352 : index
      %get3A_60 = tpu.vector_load %arg5[%get3A_59] {strides = array<i32>} : memref<2000xi32, #tpu.memory_space<vmem>>, vector<16xi32>,
      tpu.vector_store_idx %arg6[%get3A_60], %broadcast_in_dim3A_1 {add = true} : memref<10000xf32, #tpu.memory_space<vmem>>[vector<16xi32>], vector<16xf32>,
      %get3A_61 = arith.constant 368 : index
      %get3A_62 = tpu.vector_load %arg5[%get3A_61] {strides = array<i32>} : memref<2000xi32, #tpu.memory_space<vmem>>, vector<16xi32>,
      tpu.vector_store_idx %arg6[%get3A_62], %broadcast_in_dim3A_1 {add = true} : memref<10000xf32, #tpu.memory_space<vmem>>[vector<16xi32>], vector<16xf32>,
      %get3A_63 = arith.constant 384 : index
      %get3A_64 = tpu.vector_load %arg5[%get3A_63] {strides = array<i32>} : memref<2000xi32, #tpu.memory_space<vmem>>, vector<16xi32>,
      tpu.vector_store_idx %arg6[%get3A_64], %broadcast_in_dim3A_1 {add = true} : memref<10000xf32, #tpu.memory_space<vmem>>[vector<16xi32>], vector<16xf32>,
      %get3A_65 = arith.constant 400 : index
      %get3A_66 = tpu.vector_load %arg5[%get3A_65] {strides = array<i32>} : memref<2000xi32, #tpu.memory_space<vmem>>, vector<16xi32>,
      tpu.vector_store_idx %arg6[%get3A_66], %broadcast_in_dim3A_1 {add = true} : memref<10000xf32, #tpu.memory_space<vmem>>[vector<16xi32>], vector<16xf32>,
      %get3A_67 = arith.constant 416 : index
      %get3A_68 = tpu.vector_load %arg5[%get3A_67] {strides = array<i32>} : memref<2000xi32, #tpu.memory_space<vmem>>, vector<16xi32>,
      tpu.vector_store_idx %arg6[%get3A_68], %broadcast_in_dim3A_1 {add = true} : memref<10000xf32, #tpu.memory_space<vmem>>[vector<16xi32>], vector<16xf32>,
      %get3A_69 = arith.constant 432 : index
      %get3A_70 = tpu.vector_load %arg5[%get3A_69] {strides = array<i32>} : memref<2000xi32, #tpu.memory_space<vmem>>, vector<16xi32>,
      tpu.vector_store_idx %arg6[%get3A_70], %broadcast_in_dim3A_1 {add = true} : memref<10000xf32, #tpu.memory_space<vmem>>[vector<16xi32>], vector<16xf32>,
      %get3A_71 = arith.constant 448 : index
      %get3A_72 = tpu.vector_load %arg5[%get3A_71] {strides = array<i32>} : memref<2000xi32, #tpu.memory_space<vmem>>, vector<16xi32>,
      tpu.vector_store_idx %arg6[%get3A_72], %broadcast_in_dim3A_1 {add = true} : memref<10000xf32, #tpu.memory_space<vmem>>[vector<16xi32>], vector<16xf32>,
      %get3A_73 = arith.constant 464 : index
      %get3A_74 = tpu.vector_load %arg5[%get3A_73] {strides = array<i32>} : memref<2000xi32, #tpu.memory_space<vmem>>, vector<16xi32>,
      tpu.vector_store_idx %arg6[%get3A_74], %broadcast_in_dim3A_1 {add = true} : memref<10000xf32, #tpu.memory_space<vmem>>[vector<16xi32>], vector<16xf32>,
      %get3A_75 = arith.constant 480 : index
      %get3A_76 = tpu.vector_load %arg5[%get3A_75] {strides = array<i32>} : memref<2000xi32, #tpu.memory_space<vmem>>, vector<16xi32>,
      tpu.vector_store_idx %arg6[%get3A_76], %broadcast_in_dim3A_1 {add = true} : memref<10000xf32, #tpu.memory_space<vmem>>[vector<16xi32>], vector<16xf32>,
      %get3A_77 = arith.constant 496 : index
      %get3A_78 = tpu.vector_load %arg5[%get3A_77] {strides = array<i32>} : memref<2000xi32, #tpu.memory_space<vmem>>, vector<16xi32>,
      tpu.vector_store_idx %arg6[%get3A_78], %broadcast_in_dim3A_1 {add = true} : memref<10000xf32, #tpu.memory_space<vmem>>[vector<16xi32>], vector<16xf32>,
      %get3A_79 = arith.constant 512 : index
      %get3A_80 = tpu.vector_load %arg5[%get3A_79] {strides = array<i32>} : memref<2000xi32, #tpu.memory_space<vmem>>, vector<16xi32>,
      tpu.vector_store_idx %arg6[%get3A_80], %broadcast_in_dim3A_1 {add = true} : memref<10000xf32, #tpu.memory_space<vmem>>[vector<16xi32>], vector<16xf32>,
      %get3A_81 = arith.constant 528 : index
      %get3A_82 = tpu.vector_load %arg5[%get3A_81] {strides = array<i32>} : memref<2000xi32, #tpu.memory_space<vmem>>, vector<16xi32>,
      tpu.vector_store_idx %arg6[%get3A_82], %broadcast_in_dim3A_1 {add = true} : memref<10000xf32, #tpu.memory_space<vmem>>[vector<16xi32>], vector<16xf32>,
      %get3A_83 = arith.constant 544 : index
      %get3A_84 = tpu.vector_load %arg5[%get3A_83] {strides = array<i32>} : memref<2000xi32, #tpu.memory_space<vmem>>, vector<16xi32>,
      tpu.vector_store_idx %arg6[%get3A_84], %broadcast_in_dim3A_1 {add = true} : memref<10000xf32, #tpu.memory_space<vmem>>[vector<16xi32>], vector<16xf32>,
      %get3A_85 = arith.constant 560 : index
      %get3A_86 = tpu.vector_load %arg5[%get3A_85] {strides = array<i32>} : memref<2000xi32, #tpu.memory_space<vmem>>, vector<16xi32>,
      tpu.vector_store_idx %arg6[%get3A_86], %broadcast_in_dim3A_1 {add = true} : memref<10000xf32, #tpu.memory_space<vmem>>[vector<16xi32>], vector<16xf32>,
      %get3A_87 = arith.constant 576 : index
      %get3A_88 = tpu.vector_load %arg5[%get3A_87] {strides = array<i32>} : memref<2000xi32, #tpu.memory_space<vmem>>, vector<16xi32>,
      tpu.vector_store_idx %arg6[%get3A_88], %broadcast_in_dim3A_1 {add = true} : memref<10000xf32, #tpu.memory_space<vmem>>[vector<16xi32>], vector<16xf32>,
      %get3A_89 = arith.constant 592 : index
      %get3A_90 = tpu.vector_load %arg5[%get3A_89] {strides = array<i32>} : memref<2000xi32, #tpu.memory_space<vmem>>, vector<16xi32>,
      tpu.vector_store_idx %arg6[%get3A_90], %broadcast_in_dim3A_1 {add = true} : memref<10000xf32, #tpu.memory_space<vmem>>[vector<16xi32>], vector<16xf32>,
      %get3A_91 = arith.constant 608 : index
      %get3A_92 = tpu.vector_load %arg5[%get3A_91] {strides = array<i32>} : memref<2000xi32, #tpu.memory_space<vmem>>, vector<16xi32>,
      tpu.vector_store_idx %arg6[%get3A_92], %broadcast_in_dim3A_1 {add = true} : memref<10000xf32, #tpu.memory_space<vmem>>[vector<16xi32>], vector<16xf32>,
      %get3A_93 = arith.constant 624 : index
      %get3A_94 = tpu.vector_load %arg5[%get3A_93] {strides = array<i32>} : memref<2000xi32, #tpu.memory_space<vmem>>, vector<16xi32>,
      tpu.vector_store_idx %arg6[%get3A_94], %broadcast_in_dim3A_1 {add = true} : memref<10000xf32, #tpu.memory_space<vmem>>[vector<16xi32>], vector<16xf32>,
      %get3A_95 = arith.constant 640 : index
      %get3A_96 = tpu.vector_load %arg5[%get3A_95] {strides = array<i32>} : memref<2000xi32, #tpu.memory_space<vmem>>, vector<16xi32>,
      tpu.vector_store_idx %arg6[%get3A_96], %broadcast_in_dim3A_1 {add = true} : memref<10000xf32, #tpu.memory_space<vmem>>[vector<16xi32>], vector<16xf32>,
      %get3A_97 = arith.constant 656 : index
      %get3A_98 = tpu.vector_load %arg5[%get3A_97] {strides = array<i32>} : memref<2000xi32, #tpu.memory_space<vmem>>, vector<16xi32>,
      tpu.vector_store_idx %arg6[%get3A_98], %broadcast_in_dim3A_1 {add = true} : memref<10000xf32, #tpu.memory_space<vmem>>[vector<16xi32>], vector<16xf32>,
      %get3A_99 = arith.constant 672 : index
      %get3A_100 = tpu.vector_load %arg5[%get3A_99] {strides = array<i32>} : memref<2000xi32, #tpu.memory_space<vmem>>, vector<16xi32>,
      tpu.vector_store_idx %arg6[%get3A_100], %broadcast_in_dim3A_1 {add = true} : memref<10000xf32, #tpu.memory_space<vmem>>[vector<16xi32>], vector<16xf32>,
      %get3A_101 = arith.constant 688 : index
      %get3A_102 = tpu.vector_load %arg5[%get3A_101] {strides = array<i32>} : memref<2000xi32, #tpu.memory_space<vmem>>, vector<16xi32>,
      tpu.vector_store_idx %arg6[%get3A_102], %broadcast_in_dim3A_1 {add = true} : memref<10000xf32, #tpu.memory_space<vmem>>[vector<16xi32>], vector<16xf32>,
      %get3A_103 = arith.constant 704 : index
      %get3A_104 = tpu.vector_load %arg5[%get3A_103] {strides = array<i32>} : memref<2000xi32, #tpu.memory_space<vmem>>, vector<16xi32>,
      tpu.vector_store_idx %arg6[%get3A_104], %broadcast_in_dim3A_1 {add = true} : memref<10000xf32, #tpu.memory_space<vmem>>[vector<16xi32>], vector<16xf32>,
      %get3A_105 = arith.constant 720 : index
      %get3A_106 = tpu.vector_load %arg5[%get3A_105] {strides = array<i32>} : memref<2000xi32, #tpu.memory_space<vmem>>, vector<16xi32>,
      tpu.vector_store_idx %arg6[%get3A_106], %broadcast_in_dim3A_1 {add = true} : memref<10000xf32, #tpu.memory_space<vmem>>[vector<16xi32>], vector<16xf32>,
      %get3A_107 = arith.constant 736 : index
      %get3A_108 = tpu.vector_load %arg5[%get3A_107] {strides = array<i32>} : memref<2000xi32, #tpu.memory_space<vmem>>, vector<16xi32>,
      tpu.vector_store_idx %arg6[%get3A_108], %broadcast_in_dim3A_1 {add = true} : memref<10000xf32, #tpu.memory_space<vmem>>[vector<16xi32>], vector<16xf32>,
      %get3A_109 = arith.constant 752 : index
      %get3A_110 = tpu.vector_load %arg5[%get3A_109] {strides = array<i32>} : memref<2000xi32, #tpu.memory_space<vmem>>, vector<16xi32>,
      tpu.vector_store_idx %arg6[%get3A_110], %broadcast_in_dim3A_1 {add = true} : memref<10000xf32, #tpu.memory_space<vmem>>[vector<16xi32>], vector<16xf32>,
      %get3A_111 = arith.constant 768 : index
      %get3A_112 = tpu.vector_load %arg5[%get3A_111] {strides = array<i32>} : memref<2000xi32, #tpu.memory_space<vmem>>, vector<16xi32>,
      tpu.vector_store_idx %arg6[%get3A_112], %broadcast_in_dim3A_1 {add = true} : memref<10000xf32, #tpu.memory_space<vmem>>[vector<16xi32>], vector<16xf32>,
      %get3A_113 = arith.constant 784 : index
      %get3A_114 = tpu.vector_load %arg5[%get3A_113] {strides = array<i32>} : memref<2000xi32, #tpu.memory_space<vmem>>, vector<16xi32>,
      tpu.vector_store_idx %arg6[%get3A_114], %broadcast_in_dim3A_1 {add = true} : memref<10000xf32, #tpu.memory_space<vmem>>[vector<16xi32>], vector<16xf32>,
      %get3A_115 = arith.constant 800 : index
      %get3A_116 = tpu.vector_load %arg5[%get3A_115] {strides = array<i32>} : memref<2000xi32, #tpu.memory_space<vmem>>, vector<16xi32>,
      tpu.vector_store_idx %arg6[%get3A_116], %broadcast_in_dim3A_1 {add = true} : memref<10000xf32, #tpu.memory_space<vmem>>[vector<16xi32>], vector<16xf32>,
      %get3A_117 = arith.constant 816 : index
      %get3A_118 = tpu.vector_load %arg5[%get3A_117] {strides = array<i32>} : memref<2000xi32, #tpu.memory_space<vmem>>, vector<16xi32>,
      tpu.vector_store_idx %arg6[%get3A_118], %broadcast_in_dim3A_1 {add = true} : memref<10000xf32, #tpu.memory_space<vmem>>[vector<16xi32>], vector<16xf32>,
      %get3A_119 = arith.constant 832 : index
      %get3A_120 = tpu.vector_load %arg5[%get3A_119] {strides = array<i32>} : memref<2000xi32, #tpu.memory_space<vmem>>, vector<16xi32>,
      tpu.vector_store_idx %arg6[%get3A_120], %broadcast_in_dim3A_1 {add = true} : memref<10000xf32, #tpu.memory_space<vmem>>[vector<16xi32>], vector<16xf32>,
      %get3A_121 = arith.constant 848 : index
      %get3A_122 = tpu.vector_load %arg5[%get3A_121] {strides = array<i32>} : memref<2000xi32, #tpu.memory_space<vmem>>, vector<16xi32>,
      tpu.vector_store_idx %arg6[%get3A_122], %broadcast_in_dim3A_1 {add = true} : memref<10000xf32, #tpu.memory_space<vmem>>[vector<16xi32>], vector<16xf32>,
      %get3A_123 = arith.constant 864 : index
      %get3A_124 = tpu.vector_load %arg5[%get3A_123] {strides = array<i32>} : memref<2000xi32, #tpu.memory_space<vmem>>, vector<16xi32>,
      tpu.vector_store_idx %arg6[%get3A_124], %broadcast_in_dim3A_1 {add = true} : memref<10000xf32, #tpu.memory_space<vmem>>[vector<16xi32>], vector<16xf32>,
      %get3A_125 = arith.constant 880 : index
      %get3A_126 = tpu.vector_load %arg5[%get3A_125] {strides = array<i32>} : memref<2000xi32, #tpu.memory_space<vmem>>, vector<16xi32>,
      tpu.vector_store_idx %arg6[%get3A_126], %broadcast_in_dim3A_1 {add = true} : memref<10000xf32, #tpu.memory_space<vmem>>[vector<16xi32>], vector<16xf32>,
      %get3A_127 = arith.constant 896 : index
      %get3A_128 = tpu.vector_load %arg5[%get3A_127] {strides = array<i32>} : memref<2000xi32, #tpu.memory_space<vmem>>, vector<16xi32>,
      tpu.vector_store_idx %arg6[%get3A_128], %broadcast_in_dim3A_1 {add = true} : memref<10000xf32, #tpu.memory_space<vmem>>[vector<16xi32>], vector<16xf32>,
      %get3A_129 = arith.constant 912 : index
      %get3A_130 = tpu.vector_load %arg5[%get3A_129] {strides = array<i32>} : memref<2000xi32, #tpu.memory_space<vmem>>, vector<16xi32>,
      tpu.vector_store_idx %arg6[%get3A_130], %broadcast_in_dim3A_1 {add = true} : memref<10000xf32, #tpu.memory_space<vmem>>[vector<16xi32>], vector<16xf32>,
      %get3A_131 = arith.constant 928 : index
      %get3A_132 = tpu.vector_load %arg5[%get3A_131] {strides = array<i32>} : memref<2000xi32, #tpu.memory_space<vmem>>, vector<16xi32>,
      tpu.vector_store_idx %arg6[%get3A_132], %broadcast_in_dim3A_1 {add = true} : memref<10000xf32, #tpu.memory_space<vmem>>[vector<16xi32>], vector<16xf32>,
      %get3A_133 = arith.constant 944 : index
      %get3A_134 = tpu.vector_load %arg5[%get3A_133] {strides = array<i32>} : memref<2000xi32, #tpu.memory_space<vmem>>, vector<16xi32>,
      tpu.vector_store_idx %arg6[%get3A_134], %broadcast_in_dim3A_1 {add = true} : memref<10000xf32, #tpu.memory_space<vmem>>[vector<16xi32>], vector<16xf32>,
      %get3A_135 = arith.constant 960 : index
      %get3A_136 = tpu.vector_load %arg5[%get3A_135] {strides = array<i32>} : memref<2000xi32, #tpu.memory_space<vmem>>, vector<16xi32>,
      tpu.vector_store_idx %arg6[%get3A_136], %broadcast_in_dim3A_1 {add = true} : memref<10000xf32, #tpu.memory_space<vmem>>[vector<16xi32>], vector<16xf32>,
      %get3A_137 = arith.constant 976 : index
      %get3A_138 = tpu.vector_load %arg5[%get3A_137] {strides = array<i32>} : memref<2000xi32, #tpu.memory_space<vmem>>, vector<16xi32>,
      tpu.vector_store_idx %arg6[%get3A_138], %broadcast_in_dim3A_1 {add = true} : memref<10000xf32, #tpu.memory_space<vmem>>[vector<16xi32>], vector<16xf32>,
      %get3A_139 = arith.constant 992 : index
      %get3A_140 = tpu.vector_load %arg5[%get3A_139] {strides = array<i32>} : memref<2000xi32, #tpu.memory_space<vmem>>, vector<16xi32>,
      tpu.vector_store_idx %arg6[%get3A_140], %broadcast_in_dim3A_1 {add = true} : memref<10000xf32, #tpu.memory_space<vmem>>[vector<16xi32>], vector<16xf32>,
      %get3A_141 = arith.constant 1008 : index
      %get3A_142 = tpu.vector_load %arg5[%get3A_141] {strides = array<i32>} : memref<2000xi32, #tpu.memory_space<vmem>>, vector<16xi32>,
      tpu.vector_store_idx %arg6[%get3A_142], %broadcast_in_dim3A_1 {add = true} : memref<10000xf32, #tpu.memory_space<vmem>>[vector<16xi32>], vector<16xf32>,
      %get3A_143 = arith.constant 1024 : index
      %get3A_144 = tpu.vector_load %arg5[%get3A_143] {strides = array<i32>} : memref<2000xi32, #tpu.memory_space<vmem>>, vector<16xi32>,
      tpu.vector_store_idx %arg6[%get3A_144], %broadcast_in_dim3A_1 {add = true} : memref<10000xf32, #tpu.memory_space<vmem>>[vector<16xi32>], vector<16xf32>,
      %get3A_145 = arith.constant 1040 : index
      %get3A_146 = tpu.vector_load %arg5[%get3A_145] {strides = array<i32>} : memref<2000xi32, #tpu.memory_space<vmem>>, vector<16xi32>,
      tpu.vector_store_idx %arg6[%get3A_146], %broadcast_in_dim3A_1 {add = true} : memref<10000xf32, #tpu.memory_space<vmem>>[vector<16xi32>], vector<16xf32>,
      %get3A_147 = arith.constant 1056 : index
      %get3A_148 = tpu.vector_load %arg5[%get3A_147] {strides = array<i32>} : memref<2000xi32, #tpu.memory_space<vmem>>, vector<16xi32>,
      tpu.vector_store_idx %arg6[%get3A_148], %broadcast_in_dim3A_1 {add = true} : memref<10000xf32, #tpu.memory_space<vmem>>[vector<16xi32>], vector<16xf32>,
      %get3A_149 = arith.constant 1072 : index
      %get3A_150 = tpu.vector_load %arg5[%get3A_149] {strides = array<i32>} : memref<2000xi32, #tpu.memory_space<vmem>>, vector<16xi32>,
      tpu.vector_store_idx %arg6[%get3A_150], %broadcast_in_dim3A_1 {add = true} : memref<10000xf32, #tpu.memory_space<vmem>>[vector<16xi32>], vector<16xf32>,
      %get3A_151 = arith.constant 1088 : index
      %get3A_152 = tpu.vector_load %arg5[%get3A_151] {strides = array<i32>} : memref<2000xi32, #tpu.memory_space<vmem>>, vector<16xi32>,
      tpu.vector_store_idx %arg6[%get3A_152], %broadcast_in_dim3A_1 {add = true} : memref<10000xf32, #tpu.memory_space<vmem>>[vector<16xi32>], vector<16xf32>,
      %get3A_153 = arith.constant 1104 : index
      %get3A_154 = tpu.vector_load %arg5[%get3A_153] {strides = array<i32>} : memref<2000xi32, #tpu.memory_space<vmem>>, vector<16xi32>,
      tpu.vector_store_idx %arg6[%get3A_154], %broadcast_in_dim3A_1 {add = true} : memref<10000xf32, #tpu.memory_space<vmem>>[vector<16xi32>], vector<16xf32>,
      %get3A_155 = arith.constant 1120 : index
      %get3A_156 = tpu.vector_load %arg5[%get3A_155] {strides = array<i32>} : memref<2000xi32, #tpu.memory_space<vmem>>, vector<16xi32>,
      tpu.vector_store_idx %arg6[%get3A_156], %broadcast_in_dim3A_1 {add = true} : memref<10000xf32, #tpu.memory_space<vmem>>[vector<16xi32>], vector<16xf32>,
      %get3A_157 = arith.constant 1136 : index
      %get3A_158 = tpu.vector_load %arg5[%get3A_157] {strides = array<i32>} : memref<2000xi32, #tpu.memory_space<vmem>>, vector<16xi32>,
      tpu.vector_store_idx %arg6[%get3A_158], %broadcast_in_dim3A_1 {add = true} : memref<10000xf32, #tpu.memory_space<vmem>>[vector<16xi32>], vector<16xf32>,
      %get3A_159 = arith.constant 1152 : index
      %get3A_160 = tpu.vector_load %arg5[%get3A_159] {strides = array<i32>} : memref<2000xi32, #tpu.memory_space<vmem>>, vector<16xi32>,
      tpu.vector_store_idx %arg6[%get3A_160], %broadcast_in_dim3A_1 {add = true} : memref<10000xf32, #tpu.memory_space<vmem>>[vector<16xi32>], vector<16xf32>,
      %get3A_161 = arith.constant 1168 : index
      %get3A_162 = tpu.vector_load %arg5[%get3A_161] {strides = array<i32>} : memref<2000xi32, #tpu.memory_space<vmem>>, vector<16xi32>,
      tpu.vector_store_idx %arg6[%get3A_162], %broadcast_in_dim3A_1 {add = true} : memref<10000xf32, #tpu.memory_space<vmem>>[vector<16xi32>], vector<16xf32>,
      %get3A_163 = arith.constant 1184 : index
      %get3A_164 = tpu.vector_load %arg5[%get3A_163] {strides = array<i32>} : memref<2000xi32, #tpu.memory_space<vmem>>, vector<16xi32>,
      tpu.vector_store_idx %arg6[%get3A_164], %broadcast_in_dim3A_1 {add = true} : memref<10000xf32, #tpu.memory_space<vmem>>[vector<16xi32>], vector<16xf32>,
      %get3A_165 = arith.constant 1200 : index
      %get3A_166 = tpu.vector_load %arg5[%get3A_165] {strides = array<i32>} : memref<2000xi32, #tpu.memory_space<vmem>>, vector<16xi32>,
      tpu.vector_store_idx %arg6[%get3A_166], %broadcast_in_dim3A_1 {add = true} : memref<10000xf32, #tpu.memory_space<vmem>>[vector<16xi32>], vector<16xf32>,
      %get3A_167 = arith.constant 1216 : index
      %get3A_168 = tpu.vector_load %arg5[%get3A_167] {strides = array<i32>} : memref<2000xi32, #tpu.memory_space<vmem>>, vector<16xi32>,
      tpu.vector_store_idx %arg6[%get3A_168], %broadcast_in_dim3A_1 {add = true} : memref<10000xf32, #tpu.memory_space<vmem>>[vector<16xi32>], vector<16xf32>,
      %get3A_169 = arith.constant 1232 : index
      %get3A_170 = tpu.vector_load %arg5[%get3A_169] {strides = array<i32>} : memref<2000xi32, #tpu.memory_space<vmem>>, vector<16xi32>,
      tpu.vector_store_idx %arg6[%get3A_170], %broadcast_in_dim3A_1 {add = true} : memref<10000xf32, #tpu.memory_space<vmem>>[vector<16xi32>], vector<16xf32>,
      %get3A_171 = arith.constant 1248 : index
      %get3A_172 = tpu.vector_load %arg5[%get3A_171] {strides = array<i32>} : memref<2000xi32, #tpu.memory_space<vmem>>, vector<16xi32>,
      tpu.vector_store_idx %arg6[%get3A_172], %broadcast_in_dim3A_1 {add = true} : memref<10000xf32, #tpu.memory_space<vmem>>[vector<16xi32>], vector<16xf32>,
      %get3A_173 = arith.constant 1264 : index
      %get3A_174 = tpu.vector_load %arg5[%get3A_173] {strides = array<i32>} : memref<2000xi32, #tpu.memory_space<vmem>>, vector<16xi32>,
      tpu.vector_store_idx %arg6[%get3A_174], %broadcast_in_dim3A_1 {add = true} : memref<10000xf32, #tpu.memory_space<vmem>>[vector<16xi32>], vector<16xf32>,
      %get3A_175 = arith.constant 1280 : index
      %get3A_176 = tpu.vector_load %arg5[%get3A_175] {strides = array<i32>} : memref<2000xi32, #tpu.memory_space<vmem>>, vector<16xi32>,
      tpu.vector_store_idx %arg6[%get3A_176], %broadcast_in_dim3A_1 {add = true} : memref<10000xf32, #tpu.memory_space<vmem>>[vector<16xi32>], vector<16xf32>,
      %get3A_177 = arith.constant 1296 : index
      %get3A_178 = tpu.vector_load %arg5[%get3A_177] {strides = array<i32>} : memref<2000xi32, #tpu.memory_space<vmem>>, vector<16xi32>,
      tpu.vector_store_idx %arg6[%get3A_178], %broadcast_in_dim3A_1 {add = true} : memref<10000xf32, #tpu.memory_space<vmem>>[vector<16xi32>], vector<16xf32>,
      %get3A_179 = arith.constant 1312 : index
      %get3A_180 = tpu.vector_load %arg5[%get3A_179] {strides = array<i32>} : memref<2000xi32, #tpu.memory_space<vmem>>, vector<16xi32>,
      tpu.vector_store_idx %arg6[%get3A_180], %broadcast_in_dim3A_1 {add = true} : memref<10000xf32, #tpu.memory_space<vmem>>[vector<16xi32>], vector<16xf32>,
      %get3A_181 = arith.constant 1328 : index
      %get3A_182 = tpu.vector_load %arg5[%get3A_181] {strides = array<i32>} : memref<2000xi32, #tpu.memory_space<vmem>>, vector<16xi32>,
      tpu.vector_store_idx %arg6[%get3A_182], %broadcast_in_dim3A_1 {add = true} : memref<10000xf32, #tpu.memory_space<vmem>>[vector<16xi32>], vector<16xf32>,
      %get3A_183 = arith.constant 1344 : index
      %get3A_184 = tpu.vector_load %arg5[%get3A_183] {strides = array<i32>} : memref<2000xi32, #tpu.memory_space<vmem>>, vector<16xi32>,
      tpu.vector_store_idx %arg6[%get3A_184], %broadcast_in_dim3A_1 {add = true} : memref<10000xf32, #tpu.memory_space<vmem>>[vector<16xi32>], vector<16xf32>,
      %get3A_185 = arith.constant 1360 : index
      %get3A_186 = tpu.vector_load %arg5[%get3A_185] {strides = array<i32>} : memref<2000xi32, #tpu.memory_space<vmem>>, vector<16xi32>,
      tpu.vector_store_idx %arg6[%get3A_186], %broadcast_in_dim3A_1 {add = true} : memref<10000xf32, #tpu.memory_space<vmem>>[vector<16xi32>], vector<16xf32>,
      %get3A_187 = arith.constant 1376 : index
      %get3A_188 = tpu.vector_load %arg5[%get3A_187] {strides = array<i32>} : memref<2000xi32, #tpu.memory_space<vmem>>, vector<16xi32>,
      tpu.vector_store_idx %arg6[%get3A_188], %broadcast_in_dim3A_1 {add = true} : memref<10000xf32, #tpu.memory_space<vmem>>[vector<16xi32>], vector<16xf32>,
      %get3A_189 = arith.constant 1392 : index
      %get3A_190 = tpu.vector_load %arg5[%get3A_189] {strides = array<i32>} : memref<2000xi32, #tpu.memory_space<vmem>>, vector<16xi32>,
      tpu.vector_store_idx %arg6[%get3A_190], %broadcast_in_dim3A_1 {add = true} : memref<10000xf32, #tpu.memory_space<vmem>>[vector<16xi32>], vector<16xf32>,
      %get3A_191 = arith.constant 1408 : index
      %get3A_192 = tpu.vector_load %arg5[%get3A_191] {strides = array<i32>} : memref<2000xi32, #tpu.memory_space<vmem>>, vector<16xi32>,
      tpu.vector_store_idx %arg6[%get3A_192], %broadcast_in_dim3A_1 {add = true} : memref<10000xf32, #tpu.memory_space<vmem>>[vector<16xi32>], vector<16xf32>,
      %get3A_193 = arith.constant 1424 : index
      %get3A_194 = tpu.vector_load %arg5[%get3A_193] {strides = array<i32>} : memref<2000xi32, #tpu.memory_space<vmem>>, vector<16xi32>,
      tpu.vector_store_idx %arg6[%get3A_194], %broadcast_in_dim3A_1 {add = true} : memref<10000xf32, #tpu.memory_space<vmem>>[vector<16xi32>], vector<16xf32>,
      %get3A_195 = arith.constant 1440 : index
      %get3A_196 = tpu.vector_load %arg5[%get3A_195] {strides = array<i32>} : memref<2000xi32, #tpu.memory_space<vmem>>, vector<16xi32>,
      tpu.vector_store_idx %arg6[%get3A_196], %broadcast_in_dim3A_1 {add = true} : memref<10000xf32, #tpu.memory_space<vmem>>[vector<16xi32>], vector<16xf32>,
      %get3A_197 = arith.constant 1456 : index
      %get3A_198 = tpu.vector_load %arg5[%get3A_197] {strides = array<i32>} : memref<2000xi32, #tpu.memory_space<vmem>>, vector<16xi32>,
      tpu.vector_store_idx %arg6[%get3A_198], %broadcast_in_dim3A_1 {add = true} : memref<10000xf32, #tpu.memory_space<vmem>>[vector<16xi32>], vector<16xf32>,
      %get3A_199 = arith.constant 1472 : index
      %get3A_200 = tpu.vector_load %arg5[%get3A_199] {strides = array<i32>} : memref<2000xi32, #tpu.memory_space<vmem>>, vector<16xi32>,
      tpu.vector_store_idx %arg6[%get3A_200], %broadcast_in_dim3A_1 {add = true} : memref<10000xf32, #tpu.memory_space<vmem>>[vector<16xi32>], vector<16xf32>,
      %get3A_201 = arith.constant 1488 : index
      %get3A_202 = tpu.vector_load %arg5[%get3A_201] {strides = array<i32>} : memref<2000xi32, #tpu.memory_space<vmem>>, vector<16xi32>,
      tpu.vector_store_idx %arg6[%get3A_202], %broadcast_in_dim3A_1 {add = true} : memref<10000xf32, #tpu.memory_space<vmem>>[vector<16xi32>], vector<16xf32>,
      %get3A_203 = arith.constant 1504 : index
      %get3A_204 = tpu.vector_load %arg5[%get3A_203] {strides = array<i32>} : memref<2000xi32, #tpu.memory_space<vmem>>, vector<16xi32>,
      tpu.vector_store_idx %arg6[%get3A_204], %broadcast_in_dim3A_1 {add = true} : memref<10000xf32, #tpu.memory_space<vmem>>[vector<16xi32>], vector<16xf32>,
      %get3A_205 = arith.constant 1520 : index
      %get3A_206 = tpu.vector_load %arg5[%get3A_205] {strides = array<i32>} : memref<2000xi32, #tpu.memory_space<vmem>>, vector<16xi32>,
      tpu.vector_store_idx %arg6[%get3A_206], %broadcast_in_dim3A_1 {add = true} : memref<10000xf32, #tpu.memory_space<vmem>>[vector<16xi32>], vector<16xf32>,
      %get3A_207 = arith.constant 1536 : index
      %get3A_208 = tpu.vector_load %arg5[%get3A_207] {strides = array<i32>} : memref<2000xi32, #tpu.memory_space<vmem>>, vector<16xi32>,
      tpu.vector_store_idx %arg6[%get3A_208], %broadcast_in_dim3A_1 {add = true} : memref<10000xf32, #tpu.memory_space<vmem>>[vector<16xi32>], vector<16xf32>,
      %get3A_209 = arith.constant 1552 : index
      %get3A_210 = tpu.vector_load %arg5[%get3A_209] {strides = array<i32>} : memref<2000xi32, #tpu.memory_space<vmem>>, vector<16xi32>,
      tpu.vector_store_idx %arg6[%get3A_210], %broadcast_in_dim3A_1 {add = true} : memref<10000xf32, #tpu.memory_space<vmem>>[vector<16xi32>], vector<16xf32>,
      %get3A_211 = arith.constant 1568 : index
      %get3A_212 = tpu.vector_load %arg5[%get3A_211] {strides = array<i32>} : memref<2000xi32, #tpu.memory_space<vmem>>, vector<16xi32>,
      tpu.vector_store_idx %arg6[%get3A_212], %broadcast_in_dim3A_1 {add = true} : memref<10000xf32, #tpu.memory_space<vmem>>[vector<16xi32>], vector<16xf32>,
      %get3A_213 = arith.constant 1584 : index
      %get3A_214 = tpu.vector_load %arg5[%get3A_213] {strides = array<i32>} : memref<2000xi32, #tpu.memory_space<vmem>>, vector<16xi32>,
      tpu.vector_store_idx %arg6[%get3A_214], %broadcast_in_dim3A_1 {add = true} : memref<10000xf32, #tpu.memory_space<vmem>>[vector<16xi32>], vector<16xf32>,
      %get3A_215 = arith.constant 1600 : index
      %get3A_216 = tpu.vector_load %arg5[%get3A_215] {strides = array<i32>} : memref<2000xi32, #tpu.memory_space<vmem>>, vector<16xi32>,
      tpu.vector_store_idx %arg6[%get3A_216], %broadcast_in_dim3A_1 {add = true} : memref<10000xf32, #tpu.memory_space<vmem>>[vector<16xi32>], vector<16xf32>,
      %get3A_217 = arith.constant 1616 : index
      %get3A_218 = tpu.vector_load %arg5[%get3A_217] {strides = array<i32>} : memref<2000xi32, #tpu.memory_space<vmem>>, vector<16xi32>,
      tpu.vector_store_idx %arg6[%get3A_218], %broadcast_in_dim3A_1 {add = true} : memref<10000xf32, #tpu.memory_space<vmem>>[vector<16xi32>], vector<16xf32>,
      %get3A_219 = arith.constant 1632 : index
      %get3A_220 = tpu.vector_load %arg5[%get3A_219] {strides = array<i32>} : memref<2000xi32, #tpu.memory_space<vmem>>, vector<16xi32>,
      tpu.vector_store_idx %arg6[%get3A_220], %broadcast_in_dim3A_1 {add = true} : memref<10000xf32, #tpu.memory_space<vmem>>[vector<16xi32>], vector<16xf32>,
      %get3A_221 = arith.constant 1648 : index
      %get3A_222 = tpu.vector_load %arg5[%get3A_221] {strides = array<i32>} : memref<2000xi32, #tpu.memory_space<vmem>>, vector<16xi32>,
      tpu.vector_store_idx %arg6[%get3A_222], %broadcast_in_dim3A_1 {add = true} : memref<10000xf32, #tpu.memory_space<vmem>>[vector<16xi32>], vector<16xf32>,
      %get3A_223 = arith.constant 1664 : index
      %get3A_224 = tpu.vector_load %arg5[%get3A_223] {strides = array<i32>} : memref<2000xi32, #tpu.memory_space<vmem>>, vector<16xi32>,
      tpu.vector_store_idx %arg6[%get3A_224], %broadcast_in_dim3A_1 {add = true} : memref<10000xf32, #tpu.memory_space<vmem>>[vector<16xi32>], vector<16xf32>,
      %get3A_225 = arith.constant 1680 : index
      %get3A_226 = tpu.vector_load %arg5[%get3A_225] {strides = array<i32>} : memref<2000xi32, #tpu.memory_space<vmem>>, vector<16xi32>,
      tpu.vector_store_idx %arg6[%get3A_226], %broadcast_in_dim3A_1 {add = true} : memref<10000xf32, #tpu.memory_space<vmem>>[vector<16xi32>], vector<16xf32>,
      %get3A_227 = arith.constant 1696 : index
      %get3A_228 = tpu.vector_load %arg5[%get3A_227] {strides = array<i32>} : memref<2000xi32, #tpu.memory_space<vmem>>, vector<16xi32>,
      tpu.vector_store_idx %arg6[%get3A_228], %broadcast_in_dim3A_1 {add = true} : memref<10000xf32, #tpu.memory_space<vmem>>[vector<16xi32>], vector<16xf32>,
      %get3A_229 = arith.constant 1712 : index
      %get3A_230 = tpu.vector_load %arg5[%get3A_229] {strides = array<i32>} : memref<2000xi32, #tpu.memory_space<vmem>>, vector<16xi32>,
      tpu.vector_store_idx %arg6[%get3A_230], %broadcast_in_dim3A_1 {add = true} : memref<10000xf32, #tpu.memory_space<vmem>>[vector<16xi32>], vector<16xf32>,
      %get3A_231 = arith.constant 1728 : index
      %get3A_232 = tpu.vector_load %arg5[%get3A_231] {strides = array<i32>} : memref<2000xi32, #tpu.memory_space<vmem>>, vector<16xi32>,
      tpu.vector_store_idx %arg6[%get3A_232], %broadcast_in_dim3A_1 {add = true} : memref<10000xf32, #tpu.memory_space<vmem>>[vector<16xi32>], vector<16xf32>,
      %get3A_233 = arith.constant 1744 : index
      %get3A_234 = tpu.vector_load %arg5[%get3A_233] {strides = array<i32>} : memref<2000xi32, #tpu.memory_space<vmem>>, vector<16xi32>,
      tpu.vector_store_idx %arg6[%get3A_234], %broadcast_in_dim3A_1 {add = true} : memref<10000xf32, #tpu.memory_space<vmem>>[vector<16xi32>], vector<16xf32>,
      %get3A_235 = arith.constant 1760 : index
      %get3A_236 = tpu.vector_load %arg5[%get3A_235] {strides = array<i32>} : memref<2000xi32, #tpu.memory_space<vmem>>, vector<16xi32>,
      tpu.vector_store_idx %arg6[%get3A_236], %broadcast_in_dim3A_1 {add = true} : memref<10000xf32, #tpu.memory_space<vmem>>[vector<16xi32>], vector<16xf32>,
      %get3A_237 = arith.constant 1776 : index
      %get3A_238 = tpu.vector_load %arg5[%get3A_237] {strides = array<i32>} : memref<2000xi32, #tpu.memory_space<vmem>>, vector<16xi32>,
      tpu.vector_store_idx %arg6[%get3A_238], %broadcast_in_dim3A_1 {add = true} : memref<10000xf32, #tpu.memory_space<vmem>>[vector<16xi32>], vector<16xf32>,
      %get3A_239 = arith.constant 1792 : index
      %get3A_240 = tpu.vector_load %arg5[%get3A_239] {strides = array<i32>} : memref<2000xi32, #tpu.memory_space<vmem>>, vector<16xi32>,
      tpu.vector_store_idx %arg6[%get3A_240], %broadcast_in_dim3A_1 {add = true} : memref<10000xf32, #tpu.memory_space<vmem>>[vector<16xi32>], vector<16xf32>,
      %get3A_241 = arith.constant 1808 : index
      %get3A_242 = tpu.vector_load %arg5[%get3A_241] {strides = array<i32>} : memref<2000xi32, #tpu.memory_space<vmem>>, vector<16xi32>,
      tpu.vector_store_idx %arg6[%get3A_242], %broadcast_in_dim3A_1 {add = true} : memref<10000xf32, #tpu.memory_space<vmem>>[vector<16xi32>], vector<16xf32>,
      %get3A_243 = arith.constant 1824 : index
      %get3A_244 = tpu.vector_load %arg5[%get3A_243] {strides = array<i32>} : memref<2000xi32, #tpu.memory_space<vmem>>, vector<16xi32>,
      tpu.vector_store_idx %arg6[%get3A_244], %broadcast_in_dim3A_1 {add = true} : memref<10000xf32, #tpu.memory_space<vmem>>[vector<16xi32>], vector<16xf32>,
      %get3A_245 = arith.constant 1840 : index
      %get3A_246 = tpu.vector_load %arg5[%get3A_245] {strides = array<i32>} : memref<2000xi32, #tpu.memory_space<vmem>>, vector<16xi32>,
      tpu.vector_store_idx %arg6[%get3A_246], %broadcast_in_dim3A_1 {add = true} : memref<10000xf32, #tpu.memory_space<vmem>>[vector<16xi32>], vector<16xf32>,
      %get3A_247 = arith.constant 1856 : index
      %get3A_248 = tpu.vector_load %arg5[%get3A_247] {strides = array<i32>} : memref<2000xi32, #tpu.memory_space<vmem>>, vector<16xi32>,
      tpu.vector_store_idx %arg6[%get3A_248], %broadcast_in_dim3A_1 {add = true} : memref<10000xf32, #tpu.memory_space<vmem>>[vector<16xi32>], vector<16xf32>,
      %get3A_249 = arith.constant 1872 : index
      %get3A_250 = tpu.vector_load %arg5[%get3A_249] {strides = array<i32>} : memref<2000xi32, #tpu.memory_space<vmem>>, vector<16xi32>,
      tpu.vector_store_idx %arg6[%get3A_250], %broadcast_in_dim3A_1 {add = true} : memref<10000xf32, #tpu.memory_space<vmem>>[vector<16xi32>], vector<16xf32>,
      %get3A_251 = arith.constant 1888 : index
      %get3A_252 = tpu.vector_load %arg5[%get3A_251] {strides = array<i32>} : memref<2000xi32, #tpu.memory_space<vmem>>, vector<16xi32>,
      tpu.vector_store_idx %arg6[%get3A_252], %broadcast_in_dim3A_1 {add = true} : memref<10000xf32, #tpu.memory_space<vmem>>[vector<16xi32>], vector<16xf32>,
      %get3A_253 = arith.constant 1904 : index
      %get3A_254 = tpu.vector_load %arg5[%get3A_253] {strides = array<i32>} : memref<2000xi32, #tpu.memory_space<vmem>>, vector<16xi32>,
      tpu.vector_store_idx %arg6[%get3A_254], %broadcast_in_dim3A_1 {add = true} : memref<10000xf32, #tpu.memory_space<vmem>>[vector<16xi32>], vector<16xf32>,
      %get3A_255 = arith.constant 1920 : index
      %get3A_256 = tpu.vector_load %arg5[%get3A_255] {strides = array<i32>} : memref<2000xi32, #tpu.memory_space<vmem>>, vector<16xi32>,
      tpu.vector_store_idx %arg6[%get3A_256], %broadcast_in_dim3A_1 {add = true} : memref<10000xf32, #tpu.memory_space<vmem>>[vector<16xi32>], vector<16xf32>,
      %get3A_257 = arith.constant 1936 : index
      %get3A_258 = tpu.vector_load %arg5[%get3A_257] {strides = array<i32>} : memref<2000xi32, #tpu.memory_space<vmem>>, vector<16xi32>,
      tpu.vector_store_idx %arg6[%get3A_258], %broadcast_in_dim3A_1 {add = true} : memref<10000xf32, #tpu.memory_space<vmem>>[vector<16xi32>], vector<16xf32>,
      %get3A_259 = arith.constant 1952 : index
      %get3A_260 = tpu.vector_load %arg5[%get3A_259] {strides = array<i32>} : memref<2000xi32, #tpu.memory_space<vmem>>, vector<16xi32>,
      tpu.vector_store_idx %arg6[%get3A_260], %broadcast_in_dim3A_1 {add = true} : memref<10000xf32, #tpu.memory_space<vmem>>[vector<16xi32>], vector<16xf32>,
      %get3A_261 = arith.constant 1968 : index
      %get3A_262 = tpu.vector_load %arg5[%get3A_261] {strides = array<i32>} : memref<2000xi32, #tpu.memory_space<vmem>>, vector<16xi32>,
      tpu.vector_store_idx %arg6[%get3A_262], %broadcast_in_dim3A_1 {add = true} : memref<10000xf32, #tpu.memory_space<vmem>>[vector<16xi32>], vector<16xf32>,
      %get3A_263 = arith.constant 1984 : index
      %get3A_264 = tpu.vector_load %arg5[%get3A_263] {strides = array<i32>} : memref<2000xi32, #tpu.memory_space<vmem>>, vector<16xi32>,
      tpu.vector_store_idx %arg6[%get3A_264], %broadcast_in_dim3A_1 {add = true} : memref<10000xf32, #tpu.memory_space<vmem>>[vector<16xi32>], vector<16xf32>,
    }
    %scan3A_6 = arith.constant 5 : i32
    %mul3A_7 = arith.constant 10000 : i32
    %mul3A_8 = arith.muli %add3A, %mul3A_7 : i32
    %multiple_of3A = tpu.assume_multiple %mul3A_8, 8 : i32
    "tpu.region"() ({
      %run_scoped3A = tpu.sem_alloc : memref<!tpu.dma_semaphore, #tpu.memory_space<semaphore_mem>>
      %dma_start3A = tpu.memref_slice %arg4[%multiple_of3A] : memref<320000xf32, #tpu.memory_space<hbm>> -> memref<10000xf32, #tpu.memory_space<hbm>>
      %dma_start3A_9 = tpu.memref_slice %arg4[%multiple_of3A] : memref<320000xf32, #tpu.memory_space<hbm>> -> memref<10000xf32, #tpu.memory_space<hbm>>
      tpu.enqueue_dma source(%arg6 : memref<10000xf32, #tpu.memory_space<vmem>>) target(%dma_start3A_9 : memref<10000xf32, #tpu.memory_space<hbm>>) target_semaphore(%run_scoped3A : memref<!tpu.dma_semaphore, #tpu.memory_space<semaphore_mem>>)
      %dma_wait3A = tpu.memref_slice %arg4[%multiple_of3A] : memref<320000xf32, #tpu.memory_space<hbm>> -> memref<10000xf32, #tpu.memory_space<hbm>>
      %dma_wait3A_10 = tpu.memref_slice %arg4[%multiple_of3A] : memref<320000xf32, #tpu.memory_space<hbm>> -> memref<10000xf32, #tpu.memory_space<hbm>>
      tpu.wait_dma2 semaphore(%run_scoped3A : memref<!tpu.dma_semaphore, #tpu.memory_space<semaphore_mem>>) src(%arg6 : memref<10000xf32, #tpu.memory_space<vmem>>) dst(%dma_wait3A_10 : memref<10000xf32, #tpu.memory_space<hbm>>)
      tpu.yield
    }) : () -> ()
    return
  }
}

#map = affine_map<(d0, d1) -> (0, 0)>
#map1 = affine_map<(d0, d1) -> (0)>
#map2 = affine_map<(d0, d1) -> (0, 0, 0)>
module attributes {stable_mosaic.version = 14 : i64} {
  func.func @agg_kernel(%arg0: i32, %arg1: i32, %arg2: memref<10000x128xf32, #tpu.memory_space<hbm>>, %arg3: memref<320000xi32, #tpu.memory_space<hbm>>, %arg4: memref<320000xi32, #tpu.memory_space<hbm>>, %arg5: memref<10000x128xf32, #tpu.memory_space<hbm>>, %arg6: memref<2x10000x128xf32, #tpu.memory_space<hbm>>, %arg7: memref<10000xi32, #tpu.memory_space<vmem>>, %arg8: memref<40xi32, #tpu.memory_space<vmem>>, %arg9: memref<40xi32, #tpu.memory_space<vmem>>, %arg10: memref<40xi32, #tpu.memory_space<vmem>>, %arg11: memref<40xi32, #tpu.memory_space<vmem>>, %arg12: memref<40xi32, #tpu.memory_space<vmem>>, %arg13: memref<40xi32, #tpu.memory_space<vmem>>, %arg14: memref<40xi32, #tpu.memory_space<vmem>>, %arg15: memref<40x128xf32, #tpu.memory_space<vmem>>, %arg16: memref<40x128xf32, #tpu.memory_space<vmem>>, %arg17: memref<40x128xf32, #tpu.memory_space<vmem>>, %arg18: memref<40x128xf32, #tpu.memory_space<vmem>>, %arg19: memref<40x128xf32, #tpu.memory_space<vmem>>, %arg20: memref<40x128xf32, #tpu.memory_space<vmem>>, %arg21: memref<40x128xf32, #tpu.memory_space<vmem>>, %arg22: memref<10000x128xf32, #tpu.memory_space<vmem_shared>>, %arg23: memref<!tpu.dma_semaphore, #tpu.memory_space<semaphore_mem>>, %arg24: memref<!tpu.dma_semaphore, #tpu.memory_space<semaphore_mem>>, %arg25: memref<!tpu.dma_semaphore, #tpu.memory_space<semaphore_mem>>, %arg26: memref<!tpu.dma_semaphore, #tpu.memory_space<semaphore_mem>>, %arg27: memref<!tpu.dma_semaphore, #tpu.memory_space<semaphore_mem>>, %arg28: memref<!tpu.dma_semaphore, #tpu.memory_space<semaphore_mem>>, %arg29: memref<!tpu.dma_semaphore, #tpu.memory_space<semaphore_mem>>, %arg30: memref<!tpu.dma_semaphore, #tpu.memory_space<semaphore_mem>>, %arg31: memref<!tpu.dma_semaphore, #tpu.memory_space<semaphore_mem>>, %arg32: memref<!tpu.dma_semaphore, #tpu.memory_space<semaphore_mem>>, %arg33: memref<!tpu.dma_semaphore, #tpu.memory_space<semaphore_mem>>, %arg34: memref<!tpu.dma_semaphore, #tpu.memory_space<semaphore_mem>>, %arg35: memref<!tpu.dma_semaphore, #tpu.memory_space<semaphore_mem>>, %arg36: memref<!tpu.dma_semaphore, #tpu.memory_space<semaphore_mem>>) attributes {dimension_semantics = [#tpu.dimension_semantics<core_parallel>, #tpu.dimension_semantics<subcore_parallel>], iteration_bounds = array<i64: 2, 16>, scalar_prefetch = 0 : i64, scratch_operands = 30 : i64, tpu.core_type = #tpu.core_type<sc_vector_subcore>, window_params = [{transform_indices = #map}, {transform_indices = #map1}, {transform_indices = #map1}, {transform_indices = #map}, {transform_indices = #map2}]} {
    %mul3A = arith.constant 2 : i32
    %mul3A_0 = arith.muli %arg1, %mul3A : i32
    %add3A = arith.addi %mul3A_0, %arg0 : i32
    %mul3A_1 = arith.constant 10000 : i32
    %mul3A_2 = arith.muli %add3A, %mul3A_1 : i32
    %multiple_of3A = tpu.assume_multiple %mul3A_2, 8 : i32
    "tpu.region"() ({
      %run_scoped3A = tpu.sem_alloc : memref<!tpu.dma_semaphore, #tpu.memory_space<semaphore_mem>>
      %dma_start3A_146 = tpu.memref_slice %arg3[%multiple_of3A] : memref<320000xi32, #tpu.memory_space<hbm>> -> memref<10000xi32, #tpu.memory_space<hbm>>
      %dma_start3A_147 = tpu.memref_slice %arg3[%multiple_of3A] : memref<320000xi32, #tpu.memory_space<hbm>> -> memref<10000xi32, #tpu.memory_space<hbm>>
      tpu.enqueue_dma source(%dma_start3A_147 : memref<10000xi32, #tpu.memory_space<hbm>>) target(%arg7 : memref<10000xi32, #tpu.memory_space<vmem>>) target_semaphore(%run_scoped3A : memref<!tpu.dma_semaphore, #tpu.memory_space<semaphore_mem>>)
      %dma_wait3A_148 = tpu.memref_slice %arg3[%multiple_of3A] : memref<320000xi32, #tpu.memory_space<hbm>> -> memref<10000xi32, #tpu.memory_space<hbm>>
      %dma_wait3A_149 = tpu.memref_slice %arg3[%multiple_of3A] : memref<320000xi32, #tpu.memory_space<hbm>> -> memref<10000xi32, #tpu.memory_space<hbm>>
      tpu.wait_dma2 semaphore(%run_scoped3A : memref<!tpu.dma_semaphore, #tpu.memory_space<semaphore_mem>>) src(%dma_wait3A_149 : memref<10000xi32, #tpu.memory_space<hbm>>) dst(%arg7 : memref<10000xi32, #tpu.memory_space<vmem>>)
      tpu.yield
    }) : () -> ()
    %mul3A_3 = arith.constant 624 : i32
    %mul3A_4 = arith.muli %arg1, %mul3A_3 : i32
    %multiple_of3A_5 = tpu.assume_multiple %mul3A_4, 8 : i32
    %lt3A = arith.constant 15 : i32
    %lt3A_6 = arith.cmpi slt, %arg1, %lt3A : i32
    %convert_element_type3A = arith.extui %lt3A_6 : i1 to i32
    %cond3A = arith.constant 0 : i32
    %cond3A_7 = arith.cmpi ne, %convert_element_type3A, %cond3A : i32
    scf.if %cond3A_7 {
      "tpu.region"() ({
        %run_scoped3A = tpu.sem_alloc : memref<!tpu.dma_semaphore, #tpu.memory_space<semaphore_mem>>
        %dma_start3A_146 = arith.constant 0 : i32
        %dma_start3A_147 = tpu.memref_slice %arg22[%multiple_of3A_5, %dma_start3A_146] : memref<10000x128xf32, #tpu.memory_space<vmem_shared>> -> memref<624x128xf32, #tpu.memory_space<vmem_shared>>
        %dma_start3A_148 = arith.constant 0 : i32
        %dma_start3A_149 = tpu.memref_slice %arg5[%multiple_of3A_5, %dma_start3A_148] : memref<10000x128xf32, #tpu.memory_space<hbm>> -> memref<624x128xf32, #tpu.memory_space<hbm>>
        tpu.enqueue_dma source(%dma_start3A_149 : memref<624x128xf32, #tpu.memory_space<hbm>>) target(%dma_start3A_147 : memref<624x128xf32, #tpu.memory_space<vmem_shared>>) target_semaphore(%run_scoped3A : memref<!tpu.dma_semaphore, #tpu.memory_space<semaphore_mem>>)
        %dma_wait3A_150 = arith.constant 0 : i32
        %dma_wait3A_151 = tpu.memref_slice %arg22[%multiple_of3A_5, %dma_wait3A_150] : memref<10000x128xf32, #tpu.memory_space<vmem_shared>> -> memref<624x128xf32, #tpu.memory_space<vmem_shared>>
        %dma_wait3A_152 = arith.constant 0 : i32
        %dma_wait3A_153 = tpu.memref_slice %arg5[%multiple_of3A_5, %dma_wait3A_152] : memref<10000x128xf32, #tpu.memory_space<hbm>> -> memref<624x128xf32, #tpu.memory_space<hbm>>
        tpu.wait_dma2 semaphore(%run_scoped3A : memref<!tpu.dma_semaphore, #tpu.memory_space<semaphore_mem>>) src(%dma_wait3A_153 : memref<624x128xf32, #tpu.memory_space<hbm>>) dst(%dma_wait3A_151 : memref<624x128xf32, #tpu.memory_space<vmem_shared>>)
        tpu.yield
      }) : () -> ()
    } else {
    }
    %eq3A = arith.constant 15 : i32
    %eq3A_8 = arith.cmpi eq, %arg1, %eq3A : i32
    %convert_element_type3A_9 = arith.extui %eq3A_8 : i1 to i32
    %cond3A_10 = arith.constant 0 : i32
    %cond3A_11 = arith.cmpi ne, %convert_element_type3A_9, %cond3A_10 : i32
    scf.if %cond3A_11 {
      "tpu.region"() ({
        %run_scoped3A = tpu.sem_alloc : memref<!tpu.dma_semaphore, #tpu.memory_space<semaphore_mem>>
        %dma_start3A_146 = arith.constant 9360 : i32
        %dma_start3A_147 = arith.constant 0 : i32
        %dma_start3A_148 = tpu.memref_slice %arg22[%dma_start3A_146, %dma_start3A_147] : memref<10000x128xf32, #tpu.memory_space<vmem_shared>> -> memref<640x128xf32, #tpu.memory_space<vmem_shared>>
        %dma_start3A_149 = arith.constant 9360 : i32
        %dma_start3A_150 = arith.constant 0 : i32
        %dma_start3A_151 = tpu.memref_slice %arg5[%dma_start3A_149, %dma_start3A_150] : memref<10000x128xf32, #tpu.memory_space<hbm>> -> memref<640x128xf32, #tpu.memory_space<hbm>>
        tpu.enqueue_dma source(%dma_start3A_151 : memref<640x128xf32, #tpu.memory_space<hbm>>) target(%dma_start3A_148 : memref<640x128xf32, #tpu.memory_space<vmem_shared>>) target_semaphore(%run_scoped3A : memref<!tpu.dma_semaphore, #tpu.memory_space<semaphore_mem>>)
        %dma_wait3A_152 = arith.constant 9360 : i32
        %dma_wait3A_153 = arith.constant 0 : i32
        %dma_wait3A_154 = tpu.memref_slice %arg22[%dma_wait3A_152, %dma_wait3A_153] : memref<10000x128xf32, #tpu.memory_space<vmem_shared>> -> memref<640x128xf32, #tpu.memory_space<vmem_shared>>
        %dma_wait3A_155 = arith.constant 9360 : i32
        %dma_wait3A_156 = arith.constant 0 : i32
        %dma_wait3A_157 = tpu.memref_slice %arg5[%dma_wait3A_155, %dma_wait3A_156] : memref<10000x128xf32, #tpu.memory_space<hbm>> -> memref<640x128xf32, #tpu.memory_space<hbm>>
        tpu.wait_dma2 semaphore(%run_scoped3A : memref<!tpu.dma_semaphore, #tpu.memory_space<semaphore_mem>>) src(%dma_wait3A_157 : memref<640x128xf32, #tpu.memory_space<hbm>>) dst(%dma_wait3A_154 : memref<640x128xf32, #tpu.memory_space<vmem_shared>>)
        tpu.yield
      }) : () -> ()
    } else {
    }
    %barrier3A = arith.constant 0 : index
    tpu.barrier barrier_id(%barrier3A)
    %mul3A_12 = arith.constant 10000 : i32
    %mul3A_13 = arith.muli %add3A, %mul3A_12 : i32
    %add3A_14 = arith.constant 0 : i32
    %add3A_15 = arith.addi %mul3A_13, %add3A_14 : i32
    %multiple_of3A_16 = tpu.assume_multiple %add3A_15, 8 : i32
    %dma_start3A = tpu.memref_slice %arg4[%multiple_of3A_16] : memref<320000xi32, #tpu.memory_space<hbm>> -> memref<40xi32, #tpu.memory_space<hbm>>
    %dma_start3A_17 = tpu.memref_slice %arg4[%multiple_of3A_16] : memref<320000xi32, #tpu.memory_space<hbm>> -> memref<40xi32, #tpu.memory_space<hbm>>
    tpu.enqueue_dma source(%dma_start3A_17 : memref<40xi32, #tpu.memory_space<hbm>>) target(%arg8 : memref<40xi32, #tpu.memory_space<vmem>>) target_semaphore(%arg23 : memref<!tpu.dma_semaphore, #tpu.memory_space<semaphore_mem>>)
    %multiple_of3A_18 = arith.constant 0 : i32
    %multiple_of3A_19 = tpu.assume_multiple %multiple_of3A_18, 8 : i32
    %dma_start3A_20 = tpu.memref_slice %arg7[%multiple_of3A_19] : memref<10000xi32, #tpu.memory_space<vmem>> -> memref<40xi32, #tpu.memory_space<vmem>>
    %dma_start3A_21 = arith.constant 0 : i32
    %dma_start3A_22 = arith.constant 0 : i32
    %dma_start3A_23 = tpu.memref_slice %arg2[%dma_start3A_21, %dma_start3A_22] : memref<10000x128xf32, #tpu.memory_space<hbm>> -> memref<10000x128xf32, #tpu.memory_space<hbm>>
    tpu.enqueue_indirect_dma source(%dma_start3A_23 : memref<10000x128xf32, #tpu.memory_space<hbm>>) target(%arg15 : memref<40x128xf32, #tpu.memory_space<vmem>>) offsets(%dma_start3A_20 : memref<40xi32, #tpu.memory_space<vmem>>) semaphore(%arg23 : memref<!tpu.dma_semaphore, #tpu.memory_space<semaphore_mem>>)
    %mul3A_24 = arith.constant 10000 : i32
    %mul3A_25 = arith.muli %add3A, %mul3A_24 : i32
    %add3A_26 = arith.constant 40 : i32
    %add3A_27 = arith.addi %mul3A_25, %add3A_26 : i32
    %multiple_of3A_28 = tpu.assume_multiple %add3A_27, 8 : i32
    %dma_start3A_29 = tpu.memref_slice %arg4[%multiple_of3A_28] : memref<320000xi32, #tpu.memory_space<hbm>> -> memref<40xi32, #tpu.memory_space<hbm>>
    %dma_start3A_30 = tpu.memref_slice %arg4[%multiple_of3A_28] : memref<320000xi32, #tpu.memory_space<hbm>> -> memref<40xi32, #tpu.memory_space<hbm>>
    tpu.enqueue_dma source(%dma_start3A_30 : memref<40xi32, #tpu.memory_space<hbm>>) target(%arg9 : memref<40xi32, #tpu.memory_space<vmem>>) target_semaphore(%arg24 : memref<!tpu.dma_semaphore, #tpu.memory_space<semaphore_mem>>)
    %multiple_of3A_31 = arith.constant 40 : i32
    %multiple_of3A_32 = tpu.assume_multiple %multiple_of3A_31, 8 : i32
    %dma_start3A_33 = tpu.memref_slice %arg7[%multiple_of3A_32] : memref<10000xi32, #tpu.memory_space<vmem>> -> memref<40xi32, #tpu.memory_space<vmem>>
    %dma_start3A_34 = arith.constant 0 : i32
    %dma_start3A_35 = arith.constant 0 : i32
    %dma_start3A_36 = tpu.memref_slice %arg2[%dma_start3A_34, %dma_start3A_35] : memref<10000x128xf32, #tpu.memory_space<hbm>> -> memref<10000x128xf32, #tpu.memory_space<hbm>>
    tpu.enqueue_indirect_dma source(%dma_start3A_36 : memref<10000x128xf32, #tpu.memory_space<hbm>>) target(%arg16 : memref<40x128xf32, #tpu.memory_space<vmem>>) offsets(%dma_start3A_33 : memref<40xi32, #tpu.memory_space<vmem>>) semaphore(%arg24 : memref<!tpu.dma_semaphore, #tpu.memory_space<semaphore_mem>>)
    %mul3A_37 = arith.constant 10000 : i32
    %mul3A_38 = arith.muli %add3A, %mul3A_37 : i32
    %add3A_39 = arith.constant 80 : i32
    %add3A_40 = arith.addi %mul3A_38, %add3A_39 : i32
    %multiple_of3A_41 = tpu.assume_multiple %add3A_40, 8 : i32
    %dma_start3A_42 = tpu.memref_slice %arg4[%multiple_of3A_41] : memref<320000xi32, #tpu.memory_space<hbm>> -> memref<40xi32, #tpu.memory_space<hbm>>
    %dma_start3A_43 = tpu.memref_slice %arg4[%multiple_of3A_41] : memref<320000xi32, #tpu.memory_space<hbm>> -> memref<40xi32, #tpu.memory_space<hbm>>
    tpu.enqueue_dma source(%dma_start3A_43 : memref<40xi32, #tpu.memory_space<hbm>>) target(%arg10 : memref<40xi32, #tpu.memory_space<vmem>>) target_semaphore(%arg25 : memref<!tpu.dma_semaphore, #tpu.memory_space<semaphore_mem>>)
    %multiple_of3A_44 = arith.constant 80 : i32
    %multiple_of3A_45 = tpu.assume_multiple %multiple_of3A_44, 8 : i32
    %dma_start3A_46 = tpu.memref_slice %arg7[%multiple_of3A_45] : memref<10000xi32, #tpu.memory_space<vmem>> -> memref<40xi32, #tpu.memory_space<vmem>>
    %dma_start3A_47 = arith.constant 0 : i32
    %dma_start3A_48 = arith.constant 0 : i32
    %dma_start3A_49 = tpu.memref_slice %arg2[%dma_start3A_47, %dma_start3A_48] : memref<10000x128xf32, #tpu.memory_space<hbm>> -> memref<10000x128xf32, #tpu.memory_space<hbm>>
    tpu.enqueue_indirect_dma source(%dma_start3A_49 : memref<10000x128xf32, #tpu.memory_space<hbm>>) target(%arg17 : memref<40x128xf32, #tpu.memory_space<vmem>>) offsets(%dma_start3A_46 : memref<40xi32, #tpu.memory_space<vmem>>) semaphore(%arg25 : memref<!tpu.dma_semaphore, #tpu.memory_space<semaphore_mem>>)
    %mul3A_50 = arith.constant 10000 : i32
    %mul3A_51 = arith.muli %add3A, %mul3A_50 : i32
    %add3A_52 = arith.constant 120 : i32
    %add3A_53 = arith.addi %mul3A_51, %add3A_52 : i32
    %multiple_of3A_54 = tpu.assume_multiple %add3A_53, 8 : i32
    %dma_start3A_55 = tpu.memref_slice %arg4[%multiple_of3A_54] : memref<320000xi32, #tpu.memory_space<hbm>> -> memref<40xi32, #tpu.memory_space<hbm>>
    %dma_start3A_56 = tpu.memref_slice %arg4[%multiple_of3A_54] : memref<320000xi32, #tpu.memory_space<hbm>> -> memref<40xi32, #tpu.memory_space<hbm>>
    tpu.enqueue_dma source(%dma_start3A_56 : memref<40xi32, #tpu.memory_space<hbm>>) target(%arg11 : memref<40xi32, #tpu.memory_space<vmem>>) target_semaphore(%arg26 : memref<!tpu.dma_semaphore, #tpu.memory_space<semaphore_mem>>)
    %multiple_of3A_57 = arith.constant 120 : i32
    %multiple_of3A_58 = tpu.assume_multiple %multiple_of3A_57, 8 : i32
    %dma_start3A_59 = tpu.memref_slice %arg7[%multiple_of3A_58] : memref<10000xi32, #tpu.memory_space<vmem>> -> memref<40xi32, #tpu.memory_space<vmem>>
    %dma_start3A_60 = arith.constant 0 : i32
    %dma_start3A_61 = arith.constant 0 : i32
    %dma_start3A_62 = tpu.memref_slice %arg2[%dma_start3A_60, %dma_start3A_61] : memref<10000x128xf32, #tpu.memory_space<hbm>> -> memref<10000x128xf32, #tpu.memory_space<hbm>>
    tpu.enqueue_indirect_dma source(%dma_start3A_62 : memref<10000x128xf32, #tpu.memory_space<hbm>>) target(%arg18 : memref<40x128xf32, #tpu.memory_space<vmem>>) offsets(%dma_start3A_59 : memref<40xi32, #tpu.memory_space<vmem>>) semaphore(%arg26 : memref<!tpu.dma_semaphore, #tpu.memory_space<semaphore_mem>>)
    %mul3A_63 = arith.constant 10000 : i32
    %mul3A_64 = arith.muli %add3A, %mul3A_63 : i32
    %add3A_65 = arith.constant 160 : i32
    %add3A_66 = arith.addi %mul3A_64, %add3A_65 : i32
    %multiple_of3A_67 = tpu.assume_multiple %add3A_66, 8 : i32
    %dma_start3A_68 = tpu.memref_slice %arg4[%multiple_of3A_67] : memref<320000xi32, #tpu.memory_space<hbm>> -> memref<40xi32, #tpu.memory_space<hbm>>
    %dma_start3A_69 = tpu.memref_slice %arg4[%multiple_of3A_67] : memref<320000xi32, #tpu.memory_space<hbm>> -> memref<40xi32, #tpu.memory_space<hbm>>
    tpu.enqueue_dma source(%dma_start3A_69 : memref<40xi32, #tpu.memory_space<hbm>>) target(%arg12 : memref<40xi32, #tpu.memory_space<vmem>>) target_semaphore(%arg27 : memref<!tpu.dma_semaphore, #tpu.memory_space<semaphore_mem>>)
    %multiple_of3A_70 = arith.constant 160 : i32
    %multiple_of3A_71 = tpu.assume_multiple %multiple_of3A_70, 8 : i32
    %dma_start3A_72 = tpu.memref_slice %arg7[%multiple_of3A_71] : memref<10000xi32, #tpu.memory_space<vmem>> -> memref<40xi32, #tpu.memory_space<vmem>>
    %dma_start3A_73 = arith.constant 0 : i32
    %dma_start3A_74 = arith.constant 0 : i32
    %dma_start3A_75 = tpu.memref_slice %arg2[%dma_start3A_73, %dma_start3A_74] : memref<10000x128xf32, #tpu.memory_space<hbm>> -> memref<10000x128xf32, #tpu.memory_space<hbm>>
    tpu.enqueue_indirect_dma source(%dma_start3A_75 : memref<10000x128xf32, #tpu.memory_space<hbm>>) target(%arg19 : memref<40x128xf32, #tpu.memory_space<vmem>>) offsets(%dma_start3A_72 : memref<40xi32, #tpu.memory_space<vmem>>) semaphore(%arg27 : memref<!tpu.dma_semaphore, #tpu.memory_space<semaphore_mem>>)
    %mul3A_76 = arith.constant 10000 : i32
    %mul3A_77 = arith.muli %add3A, %mul3A_76 : i32
    %add3A_78 = arith.constant 200 : i32
    %add3A_79 = arith.addi %mul3A_77, %add3A_78 : i32
    %multiple_of3A_80 = tpu.assume_multiple %add3A_79, 8 : i32
    %dma_start3A_81 = tpu.memref_slice %arg4[%multiple_of3A_80] : memref<320000xi32, #tpu.memory_space<hbm>> -> memref<40xi32, #tpu.memory_space<hbm>>
    %dma_start3A_82 = tpu.memref_slice %arg4[%multiple_of3A_80] : memref<320000xi32, #tpu.memory_space<hbm>> -> memref<40xi32, #tpu.memory_space<hbm>>
    tpu.enqueue_dma source(%dma_start3A_82 : memref<40xi32, #tpu.memory_space<hbm>>) target(%arg13 : memref<40xi32, #tpu.memory_space<vmem>>) target_semaphore(%arg28 : memref<!tpu.dma_semaphore, #tpu.memory_space<semaphore_mem>>)
    %multiple_of3A_83 = arith.constant 200 : i32
    %multiple_of3A_84 = tpu.assume_multiple %multiple_of3A_83, 8 : i32
    %dma_start3A_85 = tpu.memref_slice %arg7[%multiple_of3A_84] : memref<10000xi32, #tpu.memory_space<vmem>> -> memref<40xi32, #tpu.memory_space<vmem>>
    %dma_start3A_86 = arith.constant 0 : i32
    %dma_start3A_87 = arith.constant 0 : i32
    %dma_start3A_88 = tpu.memref_slice %arg2[%dma_start3A_86, %dma_start3A_87] : memref<10000x128xf32, #tpu.memory_space<hbm>> -> memref<10000x128xf32, #tpu.memory_space<hbm>>
    tpu.enqueue_indirect_dma source(%dma_start3A_88 : memref<10000x128xf32, #tpu.memory_space<hbm>>) target(%arg20 : memref<40x128xf32, #tpu.memory_space<vmem>>) offsets(%dma_start3A_85 : memref<40xi32, #tpu.memory_space<vmem>>) semaphore(%arg28 : memref<!tpu.dma_semaphore, #tpu.memory_space<semaphore_mem>>)
    %scan3A = arith.constant 0 : i32
    %scan3A_89 = arith.constant 0 : i32
    %scan3A_90 = arith.constant 250 : i32
    %scan3A_91 = arith.addi %scan3A_89, %scan3A_90 : i32
    %scan3A_92 = arith.constant 1 : i32
    scf.for %scan3A_146 = %scan3A_89 to %scan3A_91 step %scan3A_92  : i32 {
      %rem3A = arith.constant 7 : i32
      %rem3A_147 = arith.remsi %scan3A_146, %rem3A : i32
      %eq3A_148 = arith.constant 0 : i32
      %eq3A_149 = arith.cmpi eq, %rem3A_147, %eq3A_148 : i32
      %convert_element_type3A_150 = arith.extui %eq3A_149 : i1 to i32
      %cond3A_151 = arith.constant 0 : i32
      %cond3A_152 = arith.cmpi ne, %convert_element_type3A_150, %cond3A_151 : i32
      scf.if %cond3A_152 {
        %dma_wait3A_195 = arith.constant 0 : i32
        %dma_wait3A_196 = tpu.memref_slice %arg4[%dma_wait3A_195] : memref<320000xi32, #tpu.memory_space<hbm>> -> memref<40xi32, #tpu.memory_space<hbm>>
        %dma_wait3A_197 = arith.constant 0 : i32
        %dma_wait3A_198 = tpu.memref_slice %arg4[%dma_wait3A_197] : memref<320000xi32, #tpu.memory_space<hbm>> -> memref<40xi32, #tpu.memory_space<hbm>>
        tpu.wait_dma2 semaphore(%arg23 : memref<!tpu.dma_semaphore, #tpu.memory_space<semaphore_mem>>) src(%dma_wait3A_198 : memref<40xi32, #tpu.memory_space<hbm>>) dst(%arg8 : memref<40xi32, #tpu.memory_space<vmem>>)
        %dma_wait3A_199 = arith.constant 0 : i32
        %dma_wait3A_200 = arith.constant 0 : i32
        %dma_wait3A_201 = tpu.memref_slice %arg2[%dma_wait3A_199, %dma_wait3A_200] : memref<10000x128xf32, #tpu.memory_space<hbm>> -> memref<40x128xf32, #tpu.memory_space<hbm>>
        %dma_wait3A_202 = arith.constant 0 : i32
        %dma_wait3A_203 = arith.constant 0 : i32
        %dma_wait3A_204 = tpu.memref_slice %arg2[%dma_wait3A_202, %dma_wait3A_203] : memref<10000x128xf32, #tpu.memory_space<hbm>> -> memref<40x128xf32, #tpu.memory_space<hbm>>
        tpu.wait_dma2 semaphore(%arg23 : memref<!tpu.dma_semaphore, #tpu.memory_space<semaphore_mem>>) src(%dma_wait3A_204 : memref<40x128xf32, #tpu.memory_space<hbm>>) dst(%arg15 : memref<40x128xf32, #tpu.memory_space<vmem>>)
        %dma_start3A_205 = arith.constant 0 : i32
        %dma_start3A_206 = arith.constant 0 : i32
        %dma_start3A_207 = tpu.memref_slice %arg22[%dma_start3A_205, %dma_start3A_206] : memref<10000x128xf32, #tpu.memory_space<vmem_shared>> -> memref<10000x128xf32, #tpu.memory_space<vmem_shared>>
        tpu.enqueue_indirect_dma source(%arg15 : memref<40x128xf32, #tpu.memory_space<vmem>>) target(%dma_start3A_207 : memref<10000x128xf32, #tpu.memory_space<vmem_shared>>) offsets(%arg8 : memref<40xi32, #tpu.memory_space<vmem>>) semaphore(%arg30 : memref<!tpu.dma_semaphore, #tpu.memory_space<semaphore_mem>>) {add = true}
        %add3A_208 = arith.constant 7 : i32
        %add3A_209 = arith.addi %scan3A_146, %add3A_208 : i32
        %sub3A = arith.constant 1 : i32
        %sub3A_210 = arith.subi %add3A_209, %sub3A : i32
        %lt3A_211 = arith.constant 250 : i32
        %lt3A_212 = arith.cmpi slt, %sub3A_210, %lt3A_211 : i32
        %convert_element_type3A_213 = arith.extui %lt3A_212 : i1 to i32
        %cond3A_214 = arith.constant 0 : i32
        %cond3A_215 = arith.cmpi ne, %convert_element_type3A_213, %cond3A_214 : i32
        scf.if %cond3A_215 {
          %ge3A = arith.constant 1 : i32
          %ge3A_216 = arith.cmpi sge, %scan3A_146, %ge3A : i32
          %convert_element_type3A_217 = arith.extui %ge3A_216 : i1 to i32
          %cond3A_218 = arith.constant 0 : i32
          %cond3A_219 = arith.cmpi ne, %convert_element_type3A_217, %cond3A_218 : i32
          scf.if %cond3A_219 {
            %dma_wait3A_239 = arith.constant 0 : i32
            %dma_wait3A_240 = arith.constant 0 : i32
            %dma_wait3A_241 = tpu.memref_slice %arg2[%dma_wait3A_239, %dma_wait3A_240] : memref<10000x128xf32, #tpu.memory_space<hbm>> -> memref<40x128xf32, #tpu.memory_space<hbm>>
            %dma_wait3A_242 = arith.constant 0 : i32
            %dma_wait3A_243 = arith.constant 0 : i32
            %dma_wait3A_244 = tpu.memref_slice %arg2[%dma_wait3A_242, %dma_wait3A_243] : memref<10000x128xf32, #tpu.memory_space<hbm>> -> memref<40x128xf32, #tpu.memory_space<hbm>>
            tpu.wait_dma2 semaphore(%arg36 : memref<!tpu.dma_semaphore, #tpu.memory_space<semaphore_mem>>) src(%dma_wait3A_244 : memref<40x128xf32, #tpu.memory_space<hbm>>) dst(%arg21 : memref<40x128xf32, #tpu.memory_space<vmem>>)
          } else {
          }
          %add3A_220 = arith.constant 7 : i32
          %add3A_221 = arith.addi %scan3A_146, %add3A_220 : i32
          %sub3A_222 = arith.constant 1 : i32
          %sub3A_223 = arith.subi %add3A_221, %sub3A_222 : i32
          %mul3A_224 = arith.constant 10000 : i32
          %mul3A_225 = arith.muli %add3A, %mul3A_224 : i32
          %mul3A_226 = arith.constant 40 : i32
          %mul3A_227 = arith.muli %sub3A_223, %mul3A_226 : i32
          %add3A_228 = arith.addi %mul3A_225, %mul3A_227 : i32
          %multiple_of3A_229 = tpu.assume_multiple %add3A_228, 8 : i32
          %dma_start3A_230 = tpu.memref_slice %arg4[%multiple_of3A_229] : memref<320000xi32, #tpu.memory_space<hbm>> -> memref<40xi32, #tpu.memory_space<hbm>>
          %dma_start3A_231 = tpu.memref_slice %arg4[%multiple_of3A_229] : memref<320000xi32, #tpu.memory_space<hbm>> -> memref<40xi32, #tpu.memory_space<hbm>>
          tpu.enqueue_dma source(%dma_start3A_231 : memref<40xi32, #tpu.memory_space<hbm>>) target(%arg14 : memref<40xi32, #tpu.memory_space<vmem>>) target_semaphore(%arg29 : memref<!tpu.dma_semaphore, #tpu.memory_space<semaphore_mem>>)
          %mul3A_232 = arith.constant 40 : i32
          %mul3A_233 = arith.muli %sub3A_223, %mul3A_232 : i32
          %multiple_of3A_234 = tpu.assume_multiple %mul3A_233, 8 : i32
          %dma_start3A_235 = tpu.memref_slice %arg7[%multiple_of3A_234] : memref<10000xi32, #tpu.memory_space<vmem>> -> memref<40xi32, #tpu.memory_space<vmem>>
          %dma_start3A_236 = arith.constant 0 : i32
          %dma_start3A_237 = arith.constant 0 : i32
          %dma_start3A_238 = tpu.memref_slice %arg2[%dma_start3A_236, %dma_start3A_237] : memref<10000x128xf32, #tpu.memory_space<hbm>> -> memref<10000x128xf32, #tpu.memory_space<hbm>>
          tpu.enqueue_indirect_dma source(%dma_start3A_238 : memref<10000x128xf32, #tpu.memory_space<hbm>>) target(%arg21 : memref<40x128xf32, #tpu.memory_space<vmem>>) offsets(%dma_start3A_235 : memref<40xi32, #tpu.memory_space<vmem>>) semaphore(%arg29 : memref<!tpu.dma_semaphore, #tpu.memory_space<semaphore_mem>>)
        } else {
        }
      } else {
      }
      %rem3A_153 = arith.constant 7 : i32
      %rem3A_154 = arith.remsi %scan3A_146, %rem3A_153 : i32
      %eq3A_155 = arith.constant 1 : i32
      %eq3A_156 = arith.cmpi eq, %rem3A_154, %eq3A_155 : i32
      %convert_element_type3A_157 = arith.extui %eq3A_156 : i1 to i32
      %cond3A_158 = arith.constant 0 : i32
      %cond3A_159 = arith.cmpi ne, %convert_element_type3A_157, %cond3A_158 : i32
      scf.if %cond3A_159 {
        %dma_wait3A_195 = arith.constant 0 : i32
        %dma_wait3A_196 = tpu.memref_slice %arg4[%dma_wait3A_195] : memref<320000xi32, #tpu.memory_space<hbm>> -> memref<40xi32, #tpu.memory_space<hbm>>
        %dma_wait3A_197 = arith.constant 0 : i32
        %dma_wait3A_198 = tpu.memref_slice %arg4[%dma_wait3A_197] : memref<320000xi32, #tpu.memory_space<hbm>> -> memref<40xi32, #tpu.memory_space<hbm>>
        tpu.wait_dma2 semaphore(%arg24 : memref<!tpu.dma_semaphore, #tpu.memory_space<semaphore_mem>>) src(%dma_wait3A_198 : memref<40xi32, #tpu.memory_space<hbm>>) dst(%arg9 : memref<40xi32, #tpu.memory_space<vmem>>)
        %dma_wait3A_199 = arith.constant 0 : i32
        %dma_wait3A_200 = arith.constant 0 : i32
        %dma_wait3A_201 = tpu.memref_slice %arg2[%dma_wait3A_199, %dma_wait3A_200] : memref<10000x128xf32, #tpu.memory_space<hbm>> -> memref<40x128xf32, #tpu.memory_space<hbm>>
        %dma_wait3A_202 = arith.constant 0 : i32
        %dma_wait3A_203 = arith.constant 0 : i32
        %dma_wait3A_204 = tpu.memref_slice %arg2[%dma_wait3A_202, %dma_wait3A_203] : memref<10000x128xf32, #tpu.memory_space<hbm>> -> memref<40x128xf32, #tpu.memory_space<hbm>>
        tpu.wait_dma2 semaphore(%arg24 : memref<!tpu.dma_semaphore, #tpu.memory_space<semaphore_mem>>) src(%dma_wait3A_204 : memref<40x128xf32, #tpu.memory_space<hbm>>) dst(%arg16 : memref<40x128xf32, #tpu.memory_space<vmem>>)
        %dma_start3A_205 = arith.constant 0 : i32
        %dma_start3A_206 = arith.constant 0 : i32
        %dma_start3A_207 = tpu.memref_slice %arg22[%dma_start3A_205, %dma_start3A_206] : memref<10000x128xf32, #tpu.memory_space<vmem_shared>> -> memref<10000x128xf32, #tpu.memory_space<vmem_shared>>
        tpu.enqueue_indirect_dma source(%arg16 : memref<40x128xf32, #tpu.memory_space<vmem>>) target(%dma_start3A_207 : memref<10000x128xf32, #tpu.memory_space<vmem_shared>>) offsets(%arg9 : memref<40xi32, #tpu.memory_space<vmem>>) semaphore(%arg31 : memref<!tpu.dma_semaphore, #tpu.memory_space<semaphore_mem>>) {add = true}
        %add3A_208 = arith.constant 7 : i32
        %add3A_209 = arith.addi %scan3A_146, %add3A_208 : i32
        %sub3A = arith.constant 1 : i32
        %sub3A_210 = arith.subi %add3A_209, %sub3A : i32
        %lt3A_211 = arith.constant 250 : i32
        %lt3A_212 = arith.cmpi slt, %sub3A_210, %lt3A_211 : i32
        %convert_element_type3A_213 = arith.extui %lt3A_212 : i1 to i32
        %cond3A_214 = arith.constant 0 : i32
        %cond3A_215 = arith.cmpi ne, %convert_element_type3A_213, %cond3A_214 : i32
        scf.if %cond3A_215 {
          %ge3A = arith.constant 1 : i32
          %ge3A_216 = arith.cmpi sge, %scan3A_146, %ge3A : i32
          %convert_element_type3A_217 = arith.extui %ge3A_216 : i1 to i32
          %cond3A_218 = arith.constant 0 : i32
          %cond3A_219 = arith.cmpi ne, %convert_element_type3A_217, %cond3A_218 : i32
          scf.if %cond3A_219 {
            %dma_wait3A_239 = arith.constant 0 : i32
            %dma_wait3A_240 = arith.constant 0 : i32
            %dma_wait3A_241 = tpu.memref_slice %arg2[%dma_wait3A_239, %dma_wait3A_240] : memref<10000x128xf32, #tpu.memory_space<hbm>> -> memref<40x128xf32, #tpu.memory_space<hbm>>
            %dma_wait3A_242 = arith.constant 0 : i32
            %dma_wait3A_243 = arith.constant 0 : i32
            %dma_wait3A_244 = tpu.memref_slice %arg2[%dma_wait3A_242, %dma_wait3A_243] : memref<10000x128xf32, #tpu.memory_space<hbm>> -> memref<40x128xf32, #tpu.memory_space<hbm>>
            tpu.wait_dma2 semaphore(%arg30 : memref<!tpu.dma_semaphore, #tpu.memory_space<semaphore_mem>>) src(%dma_wait3A_244 : memref<40x128xf32, #tpu.memory_space<hbm>>) dst(%arg15 : memref<40x128xf32, #tpu.memory_space<vmem>>)
          } else {
          }
          %add3A_220 = arith.constant 7 : i32
          %add3A_221 = arith.addi %scan3A_146, %add3A_220 : i32
          %sub3A_222 = arith.constant 1 : i32
          %sub3A_223 = arith.subi %add3A_221, %sub3A_222 : i32
          %mul3A_224 = arith.constant 10000 : i32
          %mul3A_225 = arith.muli %add3A, %mul3A_224 : i32
          %mul3A_226 = arith.constant 40 : i32
          %mul3A_227 = arith.muli %sub3A_223, %mul3A_226 : i32
          %add3A_228 = arith.addi %mul3A_225, %mul3A_227 : i32
          %multiple_of3A_229 = tpu.assume_multiple %add3A_228, 8 : i32
          %dma_start3A_230 = tpu.memref_slice %arg4[%multiple_of3A_229] : memref<320000xi32, #tpu.memory_space<hbm>> -> memref<40xi32, #tpu.memory_space<hbm>>
          %dma_start3A_231 = tpu.memref_slice %arg4[%multiple_of3A_229] : memref<320000xi32, #tpu.memory_space<hbm>> -> memref<40xi32, #tpu.memory_space<hbm>>
          tpu.enqueue_dma source(%dma_start3A_231 : memref<40xi32, #tpu.memory_space<hbm>>) target(%arg8 : memref<40xi32, #tpu.memory_space<vmem>>) target_semaphore(%arg23 : memref<!tpu.dma_semaphore, #tpu.memory_space<semaphore_mem>>)
          %mul3A_232 = arith.constant 40 : i32
          %mul3A_233 = arith.muli %sub3A_223, %mul3A_232 : i32
          %multiple_of3A_234 = tpu.assume_multiple %mul3A_233, 8 : i32
          %dma_start3A_235 = tpu.memref_slice %arg7[%multiple_of3A_234] : memref<10000xi32, #tpu.memory_space<vmem>> -> memref<40xi32, #tpu.memory_space<vmem>>
          %dma_start3A_236 = arith.constant 0 : i32
          %dma_start3A_237 = arith.constant 0 : i32
          %dma_start3A_238 = tpu.memref_slice %arg2[%dma_start3A_236, %dma_start3A_237] : memref<10000x128xf32, #tpu.memory_space<hbm>> -> memref<10000x128xf32, #tpu.memory_space<hbm>>
          tpu.enqueue_indirect_dma source(%dma_start3A_238 : memref<10000x128xf32, #tpu.memory_space<hbm>>) target(%arg15 : memref<40x128xf32, #tpu.memory_space<vmem>>) offsets(%dma_start3A_235 : memref<40xi32, #tpu.memory_space<vmem>>) semaphore(%arg23 : memref<!tpu.dma_semaphore, #tpu.memory_space<semaphore_mem>>)
        } else {
        }
      } else {
      }
      %rem3A_160 = arith.constant 7 : i32
      %rem3A_161 = arith.remsi %scan3A_146, %rem3A_160 : i32
      %eq3A_162 = arith.constant 2 : i32
      %eq3A_163 = arith.cmpi eq, %rem3A_161, %eq3A_162 : i32
      %convert_element_type3A_164 = arith.extui %eq3A_163 : i1 to i32
      %cond3A_165 = arith.constant 0 : i32
      %cond3A_166 = arith.cmpi ne, %convert_element_type3A_164, %cond3A_165 : i32
      scf.if %cond3A_166 {
        %dma_wait3A_195 = arith.constant 0 : i32
        %dma_wait3A_196 = tpu.memref_slice %arg4[%dma_wait3A_195] : memref<320000xi32, #tpu.memory_space<hbm>> -> memref<40xi32, #tpu.memory_space<hbm>>
        %dma_wait3A_197 = arith.constant 0 : i32
        %dma_wait3A_198 = tpu.memref_slice %arg4[%dma_wait3A_197] : memref<320000xi32, #tpu.memory_space<hbm>> -> memref<40xi32, #tpu.memory_space<hbm>>
        tpu.wait_dma2 semaphore(%arg25 : memref<!tpu.dma_semaphore, #tpu.memory_space<semaphore_mem>>) src(%dma_wait3A_198 : memref<40xi32, #tpu.memory_space<hbm>>) dst(%arg10 : memref<40xi32, #tpu.memory_space<vmem>>)
        %dma_wait3A_199 = arith.constant 0 : i32
        %dma_wait3A_200 = arith.constant 0 : i32
        %dma_wait3A_201 = tpu.memref_slice %arg2[%dma_wait3A_199, %dma_wait3A_200] : memref<10000x128xf32, #tpu.memory_space<hbm>> -> memref<40x128xf32, #tpu.memory_space<hbm>>
        %dma_wait3A_202 = arith.constant 0 : i32
        %dma_wait3A_203 = arith.constant 0 : i32
        %dma_wait3A_204 = tpu.memref_slice %arg2[%dma_wait3A_202, %dma_wait3A_203] : memref<10000x128xf32, #tpu.memory_space<hbm>> -> memref<40x128xf32, #tpu.memory_space<hbm>>
        tpu.wait_dma2 semaphore(%arg25 : memref<!tpu.dma_semaphore, #tpu.memory_space<semaphore_mem>>) src(%dma_wait3A_204 : memref<40x128xf32, #tpu.memory_space<hbm>>) dst(%arg17 : memref<40x128xf32, #tpu.memory_space<vmem>>)
        %dma_start3A_205 = arith.constant 0 : i32
        %dma_start3A_206 = arith.constant 0 : i32
        %dma_start3A_207 = tpu.memref_slice %arg22[%dma_start3A_205, %dma_start3A_206] : memref<10000x128xf32, #tpu.memory_space<vmem_shared>> -> memref<10000x128xf32, #tpu.memory_space<vmem_shared>>
        tpu.enqueue_indirect_dma source(%arg17 : memref<40x128xf32, #tpu.memory_space<vmem>>) target(%dma_start3A_207 : memref<10000x128xf32, #tpu.memory_space<vmem_shared>>) offsets(%arg10 : memref<40xi32, #tpu.memory_space<vmem>>) semaphore(%arg32 : memref<!tpu.dma_semaphore, #tpu.memory_space<semaphore_mem>>) {add = true}
        %add3A_208 = arith.constant 7 : i32
        %add3A_209 = arith.addi %scan3A_146, %add3A_208 : i32
        %sub3A = arith.constant 1 : i32
        %sub3A_210 = arith.subi %add3A_209, %sub3A : i32
        %lt3A_211 = arith.constant 250 : i32
        %lt3A_212 = arith.cmpi slt, %sub3A_210, %lt3A_211 : i32
        %convert_element_type3A_213 = arith.extui %lt3A_212 : i1 to i32
        %cond3A_214 = arith.constant 0 : i32
        %cond3A_215 = arith.cmpi ne, %convert_element_type3A_213, %cond3A_214 : i32
        scf.if %cond3A_215 {
          %ge3A = arith.constant 1 : i32
          %ge3A_216 = arith.cmpi sge, %scan3A_146, %ge3A : i32
          %convert_element_type3A_217 = arith.extui %ge3A_216 : i1 to i32
          %cond3A_218 = arith.constant 0 : i32
          %cond3A_219 = arith.cmpi ne, %convert_element_type3A_217, %cond3A_218 : i32
          scf.if %cond3A_219 {
            %dma_wait3A_239 = arith.constant 0 : i32
            %dma_wait3A_240 = arith.constant 0 : i32
            %dma_wait3A_241 = tpu.memref_slice %arg2[%dma_wait3A_239, %dma_wait3A_240] : memref<10000x128xf32, #tpu.memory_space<hbm>> -> memref<40x128xf32, #tpu.memory_space<hbm>>
            %dma_wait3A_242 = arith.constant 0 : i32
            %dma_wait3A_243 = arith.constant 0 : i32
            %dma_wait3A_244 = tpu.memref_slice %arg2[%dma_wait3A_242, %dma_wait3A_243] : memref<10000x128xf32, #tpu.memory_space<hbm>> -> memref<40x128xf32, #tpu.memory_space<hbm>>
            tpu.wait_dma2 semaphore(%arg31 : memref<!tpu.dma_semaphore, #tpu.memory_space<semaphore_mem>>) src(%dma_wait3A_244 : memref<40x128xf32, #tpu.memory_space<hbm>>) dst(%arg16 : memref<40x128xf32, #tpu.memory_space<vmem>>)
          } else {
          }
          %add3A_220 = arith.constant 7 : i32
          %add3A_221 = arith.addi %scan3A_146, %add3A_220 : i32
          %sub3A_222 = arith.constant 1 : i32
          %sub3A_223 = arith.subi %add3A_221, %sub3A_222 : i32
          %mul3A_224 = arith.constant 10000 : i32
          %mul3A_225 = arith.muli %add3A, %mul3A_224 : i32
          %mul3A_226 = arith.constant 40 : i32
          %mul3A_227 = arith.muli %sub3A_223, %mul3A_226 : i32
          %add3A_228 = arith.addi %mul3A_225, %mul3A_227 : i32
          %multiple_of3A_229 = tpu.assume_multiple %add3A_228, 8 : i32
          %dma_start3A_230 = tpu.memref_slice %arg4[%multiple_of3A_229] : memref<320000xi32, #tpu.memory_space<hbm>> -> memref<40xi32, #tpu.memory_space<hbm>>
          %dma_start3A_231 = tpu.memref_slice %arg4[%multiple_of3A_229] : memref<320000xi32, #tpu.memory_space<hbm>> -> memref<40xi32, #tpu.memory_space<hbm>>
          tpu.enqueue_dma source(%dma_start3A_231 : memref<40xi32, #tpu.memory_space<hbm>>) target(%arg9 : memref<40xi32, #tpu.memory_space<vmem>>) target_semaphore(%arg24 : memref<!tpu.dma_semaphore, #tpu.memory_space<semaphore_mem>>)
          %mul3A_232 = arith.constant 40 : i32
          %mul3A_233 = arith.muli %sub3A_223, %mul3A_232 : i32
          %multiple_of3A_234 = tpu.assume_multiple %mul3A_233, 8 : i32
          %dma_start3A_235 = tpu.memref_slice %arg7[%multiple_of3A_234] : memref<10000xi32, #tpu.memory_space<vmem>> -> memref<40xi32, #tpu.memory_space<vmem>>
          %dma_start3A_236 = arith.constant 0 : i32
          %dma_start3A_237 = arith.constant 0 : i32
          %dma_start3A_238 = tpu.memref_slice %arg2[%dma_start3A_236, %dma_start3A_237] : memref<10000x128xf32, #tpu.memory_space<hbm>> -> memref<10000x128xf32, #tpu.memory_space<hbm>>
          tpu.enqueue_indirect_dma source(%dma_start3A_238 : memref<10000x128xf32, #tpu.memory_space<hbm>>) target(%arg16 : memref<40x128xf32, #tpu.memory_space<vmem>>) offsets(%dma_start3A_235 : memref<40xi32, #tpu.memory_space<vmem>>) semaphore(%arg24 : memref<!tpu.dma_semaphore, #tpu.memory_space<semaphore_mem>>)
        } else {
        }
      } else {
      }
      %rem3A_167 = arith.constant 7 : i32
      %rem3A_168 = arith.remsi %scan3A_146, %rem3A_167 : i32
      %eq3A_169 = arith.constant 3 : i32
      %eq3A_170 = arith.cmpi eq, %rem3A_168, %eq3A_169 : i32
      %convert_element_type3A_171 = arith.extui %eq3A_170 : i1 to i32
      %cond3A_172 = arith.constant 0 : i32
      %cond3A_173 = arith.cmpi ne, %convert_element_type3A_171, %cond3A_172 : i32
      scf.if %cond3A_173 {
        %dma_wait3A_195 = arith.constant 0 : i32
        %dma_wait3A_196 = tpu.memref_slice %arg4[%dma_wait3A_195] : memref<320000xi32, #tpu.memory_space<hbm>> -> memref<40xi32, #tpu.memory_space<hbm>>
        %dma_wait3A_197 = arith.constant 0 : i32
        %dma_wait3A_198 = tpu.memref_slice %arg4[%dma_wait3A_197] : memref<320000xi32, #tpu.memory_space<hbm>> -> memref<40xi32, #tpu.memory_space<hbm>>
        tpu.wait_dma2 semaphore(%arg26 : memref<!tpu.dma_semaphore, #tpu.memory_space<semaphore_mem>>) src(%dma_wait3A_198 : memref<40xi32, #tpu.memory_space<hbm>>) dst(%arg11 : memref<40xi32, #tpu.memory_space<vmem>>)
        %dma_wait3A_199 = arith.constant 0 : i32
        %dma_wait3A_200 = arith.constant 0 : i32
        %dma_wait3A_201 = tpu.memref_slice %arg2[%dma_wait3A_199, %dma_wait3A_200] : memref<10000x128xf32, #tpu.memory_space<hbm>> -> memref<40x128xf32, #tpu.memory_space<hbm>>
        %dma_wait3A_202 = arith.constant 0 : i32
        %dma_wait3A_203 = arith.constant 0 : i32
        %dma_wait3A_204 = tpu.memref_slice %arg2[%dma_wait3A_202, %dma_wait3A_203] : memref<10000x128xf32, #tpu.memory_space<hbm>> -> memref<40x128xf32, #tpu.memory_space<hbm>>
        tpu.wait_dma2 semaphore(%arg26 : memref<!tpu.dma_semaphore, #tpu.memory_space<semaphore_mem>>) src(%dma_wait3A_204 : memref<40x128xf32, #tpu.memory_space<hbm>>) dst(%arg18 : memref<40x128xf32, #tpu.memory_space<vmem>>)
        %dma_start3A_205 = arith.constant 0 : i32
        %dma_start3A_206 = arith.constant 0 : i32
        %dma_start3A_207 = tpu.memref_slice %arg22[%dma_start3A_205, %dma_start3A_206] : memref<10000x128xf32, #tpu.memory_space<vmem_shared>> -> memref<10000x128xf32, #tpu.memory_space<vmem_shared>>
        tpu.enqueue_indirect_dma source(%arg18 : memref<40x128xf32, #tpu.memory_space<vmem>>) target(%dma_start3A_207 : memref<10000x128xf32, #tpu.memory_space<vmem_shared>>) offsets(%arg11 : memref<40xi32, #tpu.memory_space<vmem>>) semaphore(%arg33 : memref<!tpu.dma_semaphore, #tpu.memory_space<semaphore_mem>>) {add = true}
        %add3A_208 = arith.constant 7 : i32
        %add3A_209 = arith.addi %scan3A_146, %add3A_208 : i32
        %sub3A = arith.constant 1 : i32
        %sub3A_210 = arith.subi %add3A_209, %sub3A : i32
        %lt3A_211 = arith.constant 250 : i32
        %lt3A_212 = arith.cmpi slt, %sub3A_210, %lt3A_211 : i32
        %convert_element_type3A_213 = arith.extui %lt3A_212 : i1 to i32
        %cond3A_214 = arith.constant 0 : i32
        %cond3A_215 = arith.cmpi ne, %convert_element_type3A_213, %cond3A_214 : i32
        scf.if %cond3A_215 {
          %ge3A = arith.constant 1 : i32
          %ge3A_216 = arith.cmpi sge, %scan3A_146, %ge3A : i32
          %convert_element_type3A_217 = arith.extui %ge3A_216 : i1 to i32
          %cond3A_218 = arith.constant 0 : i32
          %cond3A_219 = arith.cmpi ne, %convert_element_type3A_217, %cond3A_218 : i32
          scf.if %cond3A_219 {
            %dma_wait3A_239 = arith.constant 0 : i32
            %dma_wait3A_240 = arith.constant 0 : i32
            %dma_wait3A_241 = tpu.memref_slice %arg2[%dma_wait3A_239, %dma_wait3A_240] : memref<10000x128xf32, #tpu.memory_space<hbm>> -> memref<40x128xf32, #tpu.memory_space<hbm>>
            %dma_wait3A_242 = arith.constant 0 : i32
            %dma_wait3A_243 = arith.constant 0 : i32
            %dma_wait3A_244 = tpu.memref_slice %arg2[%dma_wait3A_242, %dma_wait3A_243] : memref<10000x128xf32, #tpu.memory_space<hbm>> -> memref<40x128xf32, #tpu.memory_space<hbm>>
            tpu.wait_dma2 semaphore(%arg32 : memref<!tpu.dma_semaphore, #tpu.memory_space<semaphore_mem>>) src(%dma_wait3A_244 : memref<40x128xf32, #tpu.memory_space<hbm>>) dst(%arg17 : memref<40x128xf32, #tpu.memory_space<vmem>>)
          } else {
          }
          %add3A_220 = arith.constant 7 : i32
          %add3A_221 = arith.addi %scan3A_146, %add3A_220 : i32
          %sub3A_222 = arith.constant 1 : i32
          %sub3A_223 = arith.subi %add3A_221, %sub3A_222 : i32
          %mul3A_224 = arith.constant 10000 : i32
          %mul3A_225 = arith.muli %add3A, %mul3A_224 : i32
          %mul3A_226 = arith.constant 40 : i32
          %mul3A_227 = arith.muli %sub3A_223, %mul3A_226 : i32
          %add3A_228 = arith.addi %mul3A_225, %mul3A_227 : i32
          %multiple_of3A_229 = tpu.assume_multiple %add3A_228, 8 : i32
          %dma_start3A_230 = tpu.memref_slice %arg4[%multiple_of3A_229] : memref<320000xi32, #tpu.memory_space<hbm>> -> memref<40xi32, #tpu.memory_space<hbm>>
          %dma_start3A_231 = tpu.memref_slice %arg4[%multiple_of3A_229] : memref<320000xi32, #tpu.memory_space<hbm>> -> memref<40xi32, #tpu.memory_space<hbm>>
          tpu.enqueue_dma source(%dma_start3A_231 : memref<40xi32, #tpu.memory_space<hbm>>) target(%arg10 : memref<40xi32, #tpu.memory_space<vmem>>) target_semaphore(%arg25 : memref<!tpu.dma_semaphore, #tpu.memory_space<semaphore_mem>>)
          %mul3A_232 = arith.constant 40 : i32
          %mul3A_233 = arith.muli %sub3A_223, %mul3A_232 : i32
          %multiple_of3A_234 = tpu.assume_multiple %mul3A_233, 8 : i32
          %dma_start3A_235 = tpu.memref_slice %arg7[%multiple_of3A_234] : memref<10000xi32, #tpu.memory_space<vmem>> -> memref<40xi32, #tpu.memory_space<vmem>>
          %dma_start3A_236 = arith.constant 0 : i32
          %dma_start3A_237 = arith.constant 0 : i32
          %dma_start3A_238 = tpu.memref_slice %arg2[%dma_start3A_236, %dma_start3A_237] : memref<10000x128xf32, #tpu.memory_space<hbm>> -> memref<10000x128xf32, #tpu.memory_space<hbm>>
          tpu.enqueue_indirect_dma source(%dma_start3A_238 : memref<10000x128xf32, #tpu.memory_space<hbm>>) target(%arg17 : memref<40x128xf32, #tpu.memory_space<vmem>>) offsets(%dma_start3A_235 : memref<40xi32, #tpu.memory_space<vmem>>) semaphore(%arg25 : memref<!tpu.dma_semaphore, #tpu.memory_space<semaphore_mem>>)
        } else {
        }
      } else {
      }
      %rem3A_174 = arith.constant 7 : i32
      %rem3A_175 = arith.remsi %scan3A_146, %rem3A_174 : i32
      %eq3A_176 = arith.constant 4 : i32
      %eq3A_177 = arith.cmpi eq, %rem3A_175, %eq3A_176 : i32
      %convert_element_type3A_178 = arith.extui %eq3A_177 : i1 to i32
      %cond3A_179 = arith.constant 0 : i32
      %cond3A_180 = arith.cmpi ne, %convert_element_type3A_178, %cond3A_179 : i32
      scf.if %cond3A_180 {
        %dma_wait3A_195 = arith.constant 0 : i32
        %dma_wait3A_196 = tpu.memref_slice %arg4[%dma_wait3A_195] : memref<320000xi32, #tpu.memory_space<hbm>> -> memref<40xi32, #tpu.memory_space<hbm>>
        %dma_wait3A_197 = arith.constant 0 : i32
        %dma_wait3A_198 = tpu.memref_slice %arg4[%dma_wait3A_197] : memref<320000xi32, #tpu.memory_space<hbm>> -> memref<40xi32, #tpu.memory_space<hbm>>
        tpu.wait_dma2 semaphore(%arg27 : memref<!tpu.dma_semaphore, #tpu.memory_space<semaphore_mem>>) src(%dma_wait3A_198 : memref<40xi32, #tpu.memory_space<hbm>>) dst(%arg12 : memref<40xi32, #tpu.memory_space<vmem>>)
        %dma_wait3A_199 = arith.constant 0 : i32
        %dma_wait3A_200 = arith.constant 0 : i32
        %dma_wait3A_201 = tpu.memref_slice %arg2[%dma_wait3A_199, %dma_wait3A_200] : memref<10000x128xf32, #tpu.memory_space<hbm>> -> memref<40x128xf32, #tpu.memory_space<hbm>>
        %dma_wait3A_202 = arith.constant 0 : i32
        %dma_wait3A_203 = arith.constant 0 : i32
        %dma_wait3A_204 = tpu.memref_slice %arg2[%dma_wait3A_202, %dma_wait3A_203] : memref<10000x128xf32, #tpu.memory_space<hbm>> -> memref<40x128xf32, #tpu.memory_space<hbm>>
        tpu.wait_dma2 semaphore(%arg27 : memref<!tpu.dma_semaphore, #tpu.memory_space<semaphore_mem>>) src(%dma_wait3A_204 : memref<40x128xf32, #tpu.memory_space<hbm>>) dst(%arg19 : memref<40x128xf32, #tpu.memory_space<vmem>>)
        %dma_start3A_205 = arith.constant 0 : i32
        %dma_start3A_206 = arith.constant 0 : i32
        %dma_start3A_207 = tpu.memref_slice %arg22[%dma_start3A_205, %dma_start3A_206] : memref<10000x128xf32, #tpu.memory_space<vmem_shared>> -> memref<10000x128xf32, #tpu.memory_space<vmem_shared>>
        tpu.enqueue_indirect_dma source(%arg19 : memref<40x128xf32, #tpu.memory_space<vmem>>) target(%dma_start3A_207 : memref<10000x128xf32, #tpu.memory_space<vmem_shared>>) offsets(%arg12 : memref<40xi32, #tpu.memory_space<vmem>>) semaphore(%arg34 : memref<!tpu.dma_semaphore, #tpu.memory_space<semaphore_mem>>) {add = true}
        %add3A_208 = arith.constant 7 : i32
        %add3A_209 = arith.addi %scan3A_146, %add3A_208 : i32
        %sub3A = arith.constant 1 : i32
        %sub3A_210 = arith.subi %add3A_209, %sub3A : i32
        %lt3A_211 = arith.constant 250 : i32
        %lt3A_212 = arith.cmpi slt, %sub3A_210, %lt3A_211 : i32
        %convert_element_type3A_213 = arith.extui %lt3A_212 : i1 to i32
        %cond3A_214 = arith.constant 0 : i32
        %cond3A_215 = arith.cmpi ne, %convert_element_type3A_213, %cond3A_214 : i32
        scf.if %cond3A_215 {
          %ge3A = arith.constant 1 : i32
          %ge3A_216 = arith.cmpi sge, %scan3A_146, %ge3A : i32
          %convert_element_type3A_217 = arith.extui %ge3A_216 : i1 to i32
          %cond3A_218 = arith.constant 0 : i32
          %cond3A_219 = arith.cmpi ne, %convert_element_type3A_217, %cond3A_218 : i32
          scf.if %cond3A_219 {
            %dma_wait3A_239 = arith.constant 0 : i32
            %dma_wait3A_240 = arith.constant 0 : i32
            %dma_wait3A_241 = tpu.memref_slice %arg2[%dma_wait3A_239, %dma_wait3A_240] : memref<10000x128xf32, #tpu.memory_space<hbm>> -> memref<40x128xf32, #tpu.memory_space<hbm>>
            %dma_wait3A_242 = arith.constant 0 : i32
            %dma_wait3A_243 = arith.constant 0 : i32
            %dma_wait3A_244 = tpu.memref_slice %arg2[%dma_wait3A_242, %dma_wait3A_243] : memref<10000x128xf32, #tpu.memory_space<hbm>> -> memref<40x128xf32, #tpu.memory_space<hbm>>
            tpu.wait_dma2 semaphore(%arg33 : memref<!tpu.dma_semaphore, #tpu.memory_space<semaphore_mem>>) src(%dma_wait3A_244 : memref<40x128xf32, #tpu.memory_space<hbm>>) dst(%arg18 : memref<40x128xf32, #tpu.memory_space<vmem>>)
          } else {
          }
          %add3A_220 = arith.constant 7 : i32
          %add3A_221 = arith.addi %scan3A_146, %add3A_220 : i32
          %sub3A_222 = arith.constant 1 : i32
          %sub3A_223 = arith.subi %add3A_221, %sub3A_222 : i32
          %mul3A_224 = arith.constant 10000 : i32
          %mul3A_225 = arith.muli %add3A, %mul3A_224 : i32
          %mul3A_226 = arith.constant 40 : i32
          %mul3A_227 = arith.muli %sub3A_223, %mul3A_226 : i32
          %add3A_228 = arith.addi %mul3A_225, %mul3A_227 : i32
          %multiple_of3A_229 = tpu.assume_multiple %add3A_228, 8 : i32
          %dma_start3A_230 = tpu.memref_slice %arg4[%multiple_of3A_229] : memref<320000xi32, #tpu.memory_space<hbm>> -> memref<40xi32, #tpu.memory_space<hbm>>
          %dma_start3A_231 = tpu.memref_slice %arg4[%multiple_of3A_229] : memref<320000xi32, #tpu.memory_space<hbm>> -> memref<40xi32, #tpu.memory_space<hbm>>
          tpu.enqueue_dma source(%dma_start3A_231 : memref<40xi32, #tpu.memory_space<hbm>>) target(%arg11 : memref<40xi32, #tpu.memory_space<vmem>>) target_semaphore(%arg26 : memref<!tpu.dma_semaphore, #tpu.memory_space<semaphore_mem>>)
          %mul3A_232 = arith.constant 40 : i32
          %mul3A_233 = arith.muli %sub3A_223, %mul3A_232 : i32
          %multiple_of3A_234 = tpu.assume_multiple %mul3A_233, 8 : i32
          %dma_start3A_235 = tpu.memref_slice %arg7[%multiple_of3A_234] : memref<10000xi32, #tpu.memory_space<vmem>> -> memref<40xi32, #tpu.memory_space<vmem>>
          %dma_start3A_236 = arith.constant 0 : i32
          %dma_start3A_237 = arith.constant 0 : i32
          %dma_start3A_238 = tpu.memref_slice %arg2[%dma_start3A_236, %dma_start3A_237] : memref<10000x128xf32, #tpu.memory_space<hbm>> -> memref<10000x128xf32, #tpu.memory_space<hbm>>
          tpu.enqueue_indirect_dma source(%dma_start3A_238 : memref<10000x128xf32, #tpu.memory_space<hbm>>) target(%arg18 : memref<40x128xf32, #tpu.memory_space<vmem>>) offsets(%dma_start3A_235 : memref<40xi32, #tpu.memory_space<vmem>>) semaphore(%arg26 : memref<!tpu.dma_semaphore, #tpu.memory_space<semaphore_mem>>)
        } else {
        }
      } else {
      }
      %rem3A_181 = arith.constant 7 : i32
      %rem3A_182 = arith.remsi %scan3A_146, %rem3A_181 : i32
      %eq3A_183 = arith.constant 5 : i32
      %eq3A_184 = arith.cmpi eq, %rem3A_182, %eq3A_183 : i32
      %convert_element_type3A_185 = arith.extui %eq3A_184 : i1 to i32
      %cond3A_186 = arith.constant 0 : i32
      %cond3A_187 = arith.cmpi ne, %convert_element_type3A_185, %cond3A_186 : i32
      scf.if %cond3A_187 {
        %dma_wait3A_195 = arith.constant 0 : i32
        %dma_wait3A_196 = tpu.memref_slice %arg4[%dma_wait3A_195] : memref<320000xi32, #tpu.memory_space<hbm>> -> memref<40xi32, #tpu.memory_space<hbm>>
        %dma_wait3A_197 = arith.constant 0 : i32
        %dma_wait3A_198 = tpu.memref_slice %arg4[%dma_wait3A_197] : memref<320000xi32, #tpu.memory_space<hbm>> -> memref<40xi32, #tpu.memory_space<hbm>>
        tpu.wait_dma2 semaphore(%arg28 : memref<!tpu.dma_semaphore, #tpu.memory_space<semaphore_mem>>) src(%dma_wait3A_198 : memref<40xi32, #tpu.memory_space<hbm>>) dst(%arg13 : memref<40xi32, #tpu.memory_space<vmem>>)
        %dma_wait3A_199 = arith.constant 0 : i32
        %dma_wait3A_200 = arith.constant 0 : i32
        %dma_wait3A_201 = tpu.memref_slice %arg2[%dma_wait3A_199, %dma_wait3A_200] : memref<10000x128xf32, #tpu.memory_space<hbm>> -> memref<40x128xf32, #tpu.memory_space<hbm>>
        %dma_wait3A_202 = arith.constant 0 : i32
        %dma_wait3A_203 = arith.constant 0 : i32
        %dma_wait3A_204 = tpu.memref_slice %arg2[%dma_wait3A_202, %dma_wait3A_203] : memref<10000x128xf32, #tpu.memory_space<hbm>> -> memref<40x128xf32, #tpu.memory_space<hbm>>
        tpu.wait_dma2 semaphore(%arg28 : memref<!tpu.dma_semaphore, #tpu.memory_space<semaphore_mem>>) src(%dma_wait3A_204 : memref<40x128xf32, #tpu.memory_space<hbm>>) dst(%arg20 : memref<40x128xf32, #tpu.memory_space<vmem>>)
        %dma_start3A_205 = arith.constant 0 : i32
        %dma_start3A_206 = arith.constant 0 : i32
        %dma_start3A_207 = tpu.memref_slice %arg22[%dma_start3A_205, %dma_start3A_206] : memref<10000x128xf32, #tpu.memory_space<vmem_shared>> -> memref<10000x128xf32, #tpu.memory_space<vmem_shared>>
        tpu.enqueue_indirect_dma source(%arg20 : memref<40x128xf32, #tpu.memory_space<vmem>>) target(%dma_start3A_207 : memref<10000x128xf32, #tpu.memory_space<vmem_shared>>) offsets(%arg13 : memref<40xi32, #tpu.memory_space<vmem>>) semaphore(%arg35 : memref<!tpu.dma_semaphore, #tpu.memory_space<semaphore_mem>>) {add = true}
        %add3A_208 = arith.constant 7 : i32
        %add3A_209 = arith.addi %scan3A_146, %add3A_208 : i32
        %sub3A = arith.constant 1 : i32
        %sub3A_210 = arith.subi %add3A_209, %sub3A : i32
        %lt3A_211 = arith.constant 250 : i32
        %lt3A_212 = arith.cmpi slt, %sub3A_210, %lt3A_211 : i32
        %convert_element_type3A_213 = arith.extui %lt3A_212 : i1 to i32
        %cond3A_214 = arith.constant 0 : i32
        %cond3A_215 = arith.cmpi ne, %convert_element_type3A_213, %cond3A_214 : i32
        scf.if %cond3A_215 {
          %ge3A = arith.constant 1 : i32
          %ge3A_216 = arith.cmpi sge, %scan3A_146, %ge3A : i32
          %convert_element_type3A_217 = arith.extui %ge3A_216 : i1 to i32
          %cond3A_218 = arith.constant 0 : i32
          %cond3A_219 = arith.cmpi ne, %convert_element_type3A_217, %cond3A_218 : i32
          scf.if %cond3A_219 {
            %dma_wait3A_239 = arith.constant 0 : i32
            %dma_wait3A_240 = arith.constant 0 : i32
            %dma_wait3A_241 = tpu.memref_slice %arg2[%dma_wait3A_239, %dma_wait3A_240] : memref<10000x128xf32, #tpu.memory_space<hbm>> -> memref<40x128xf32, #tpu.memory_space<hbm>>
            %dma_wait3A_242 = arith.constant 0 : i32
            %dma_wait3A_243 = arith.constant 0 : i32
            %dma_wait3A_244 = tpu.memref_slice %arg2[%dma_wait3A_242, %dma_wait3A_243] : memref<10000x128xf32, #tpu.memory_space<hbm>> -> memref<40x128xf32, #tpu.memory_space<hbm>>
            tpu.wait_dma2 semaphore(%arg34 : memref<!tpu.dma_semaphore, #tpu.memory_space<semaphore_mem>>) src(%dma_wait3A_244 : memref<40x128xf32, #tpu.memory_space<hbm>>) dst(%arg19 : memref<40x128xf32, #tpu.memory_space<vmem>>)
          } else {
          }
          %add3A_220 = arith.constant 7 : i32
          %add3A_221 = arith.addi %scan3A_146, %add3A_220 : i32
          %sub3A_222 = arith.constant 1 : i32
          %sub3A_223 = arith.subi %add3A_221, %sub3A_222 : i32
          %mul3A_224 = arith.constant 10000 : i32
          %mul3A_225 = arith.muli %add3A, %mul3A_224 : i32
          %mul3A_226 = arith.constant 40 : i32
          %mul3A_227 = arith.muli %sub3A_223, %mul3A_226 : i32
          %add3A_228 = arith.addi %mul3A_225, %mul3A_227 : i32
          %multiple_of3A_229 = tpu.assume_multiple %add3A_228, 8 : i32
          %dma_start3A_230 = tpu.memref_slice %arg4[%multiple_of3A_229] : memref<320000xi32, #tpu.memory_space<hbm>> -> memref<40xi32, #tpu.memory_space<hbm>>
          %dma_start3A_231 = tpu.memref_slice %arg4[%multiple_of3A_229] : memref<320000xi32, #tpu.memory_space<hbm>> -> memref<40xi32, #tpu.memory_space<hbm>>
          tpu.enqueue_dma source(%dma_start3A_231 : memref<40xi32, #tpu.memory_space<hbm>>) target(%arg12 : memref<40xi32, #tpu.memory_space<vmem>>) target_semaphore(%arg27 : memref<!tpu.dma_semaphore, #tpu.memory_space<semaphore_mem>>)
          %mul3A_232 = arith.constant 40 : i32
          %mul3A_233 = arith.muli %sub3A_223, %mul3A_232 : i32
          %multiple_of3A_234 = tpu.assume_multiple %mul3A_233, 8 : i32
          %dma_start3A_235 = tpu.memref_slice %arg7[%multiple_of3A_234] : memref<10000xi32, #tpu.memory_space<vmem>> -> memref<40xi32, #tpu.memory_space<vmem>>
          %dma_start3A_236 = arith.constant 0 : i32
          %dma_start3A_237 = arith.constant 0 : i32
          %dma_start3A_238 = tpu.memref_slice %arg2[%dma_start3A_236, %dma_start3A_237] : memref<10000x128xf32, #tpu.memory_space<hbm>> -> memref<10000x128xf32, #tpu.memory_space<hbm>>
          tpu.enqueue_indirect_dma source(%dma_start3A_238 : memref<10000x128xf32, #tpu.memory_space<hbm>>) target(%arg19 : memref<40x128xf32, #tpu.memory_space<vmem>>) offsets(%dma_start3A_235 : memref<40xi32, #tpu.memory_space<vmem>>) semaphore(%arg27 : memref<!tpu.dma_semaphore, #tpu.memory_space<semaphore_mem>>)
        } else {
        }
      } else {
      }
      %rem3A_188 = arith.constant 7 : i32
      %rem3A_189 = arith.remsi %scan3A_146, %rem3A_188 : i32
      %eq3A_190 = arith.constant 6 : i32
      %eq3A_191 = arith.cmpi eq, %rem3A_189, %eq3A_190 : i32
      %convert_element_type3A_192 = arith.extui %eq3A_191 : i1 to i32
      %cond3A_193 = arith.constant 0 : i32
      %cond3A_194 = arith.cmpi ne, %convert_element_type3A_192, %cond3A_193 : i32
      scf.if %cond3A_194 {
        %dma_wait3A_195 = arith.constant 0 : i32
        %dma_wait3A_196 = tpu.memref_slice %arg4[%dma_wait3A_195] : memref<320000xi32, #tpu.memory_space<hbm>> -> memref<40xi32, #tpu.memory_space<hbm>>
        %dma_wait3A_197 = arith.constant 0 : i32
        %dma_wait3A_198 = tpu.memref_slice %arg4[%dma_wait3A_197] : memref<320000xi32, #tpu.memory_space<hbm>> -> memref<40xi32, #tpu.memory_space<hbm>>
        tpu.wait_dma2 semaphore(%arg29 : memref<!tpu.dma_semaphore, #tpu.memory_space<semaphore_mem>>) src(%dma_wait3A_198 : memref<40xi32, #tpu.memory_space<hbm>>) dst(%arg14 : memref<40xi32, #tpu.memory_space<vmem>>)
        %dma_wait3A_199 = arith.constant 0 : i32
        %dma_wait3A_200 = arith.constant 0 : i32
        %dma_wait3A_201 = tpu.memref_slice %arg2[%dma_wait3A_199, %dma_wait3A_200] : memref<10000x128xf32, #tpu.memory_space<hbm>> -> memref<40x128xf32, #tpu.memory_space<hbm>>
        %dma_wait3A_202 = arith.constant 0 : i32
        %dma_wait3A_203 = arith.constant 0 : i32
        %dma_wait3A_204 = tpu.memref_slice %arg2[%dma_wait3A_202, %dma_wait3A_203] : memref<10000x128xf32, #tpu.memory_space<hbm>> -> memref<40x128xf32, #tpu.memory_space<hbm>>
        tpu.wait_dma2 semaphore(%arg29 : memref<!tpu.dma_semaphore, #tpu.memory_space<semaphore_mem>>) src(%dma_wait3A_204 : memref<40x128xf32, #tpu.memory_space<hbm>>) dst(%arg21 : memref<40x128xf32, #tpu.memory_space<vmem>>)
        %dma_start3A_205 = arith.constant 0 : i32
        %dma_start3A_206 = arith.constant 0 : i32
        %dma_start3A_207 = tpu.memref_slice %arg22[%dma_start3A_205, %dma_start3A_206] : memref<10000x128xf32, #tpu.memory_space<vmem_shared>> -> memref<10000x128xf32, #tpu.memory_space<vmem_shared>>
        tpu.enqueue_indirect_dma source(%arg21 : memref<40x128xf32, #tpu.memory_space<vmem>>) target(%dma_start3A_207 : memref<10000x128xf32, #tpu.memory_space<vmem_shared>>) offsets(%arg14 : memref<40xi32, #tpu.memory_space<vmem>>) semaphore(%arg36 : memref<!tpu.dma_semaphore, #tpu.memory_space<semaphore_mem>>) {add = true}
        %add3A_208 = arith.constant 7 : i32
        %add3A_209 = arith.addi %scan3A_146, %add3A_208 : i32
        %sub3A = arith.constant 1 : i32
        %sub3A_210 = arith.subi %add3A_209, %sub3A : i32
        %lt3A_211 = arith.constant 250 : i32
        %lt3A_212 = arith.cmpi slt, %sub3A_210, %lt3A_211 : i32
        %convert_element_type3A_213 = arith.extui %lt3A_212 : i1 to i32
        %cond3A_214 = arith.constant 0 : i32
        %cond3A_215 = arith.cmpi ne, %convert_element_type3A_213, %cond3A_214 : i32
        scf.if %cond3A_215 {
          %ge3A = arith.constant 1 : i32
          %ge3A_216 = arith.cmpi sge, %scan3A_146, %ge3A : i32
          %convert_element_type3A_217 = arith.extui %ge3A_216 : i1 to i32
          %cond3A_218 = arith.constant 0 : i32
          %cond3A_219 = arith.cmpi ne, %convert_element_type3A_217, %cond3A_218 : i32
          scf.if %cond3A_219 {
            %dma_wait3A_239 = arith.constant 0 : i32
            %dma_wait3A_240 = arith.constant 0 : i32
            %dma_wait3A_241 = tpu.memref_slice %arg2[%dma_wait3A_239, %dma_wait3A_240] : memref<10000x128xf32, #tpu.memory_space<hbm>> -> memref<40x128xf32, #tpu.memory_space<hbm>>
            %dma_wait3A_242 = arith.constant 0 : i32
            %dma_wait3A_243 = arith.constant 0 : i32
            %dma_wait3A_244 = tpu.memref_slice %arg2[%dma_wait3A_242, %dma_wait3A_243] : memref<10000x128xf32, #tpu.memory_space<hbm>> -> memref<40x128xf32, #tpu.memory_space<hbm>>
            tpu.wait_dma2 semaphore(%arg35 : memref<!tpu.dma_semaphore, #tpu.memory_space<semaphore_mem>>) src(%dma_wait3A_244 : memref<40x128xf32, #tpu.memory_space<hbm>>) dst(%arg20 : memref<40x128xf32, #tpu.memory_space<vmem>>)
          } else {
          }
          %add3A_220 = arith.constant 7 : i32
          %add3A_221 = arith.addi %scan3A_146, %add3A_220 : i32
          %sub3A_222 = arith.constant 1 : i32
          %sub3A_223 = arith.subi %add3A_221, %sub3A_222 : i32
          %mul3A_224 = arith.constant 10000 : i32
          %mul3A_225 = arith.muli %add3A, %mul3A_224 : i32
          %mul3A_226 = arith.constant 40 : i32
          %mul3A_227 = arith.muli %sub3A_223, %mul3A_226 : i32
          %add3A_228 = arith.addi %mul3A_225, %mul3A_227 : i32
          %multiple_of3A_229 = tpu.assume_multiple %add3A_228, 8 : i32
          %dma_start3A_230 = tpu.memref_slice %arg4[%multiple_of3A_229] : memref<320000xi32, #tpu.memory_space<hbm>> -> memref<40xi32, #tpu.memory_space<hbm>>
          %dma_start3A_231 = tpu.memref_slice %arg4[%multiple_of3A_229] : memref<320000xi32, #tpu.memory_space<hbm>> -> memref<40xi32, #tpu.memory_space<hbm>>
          tpu.enqueue_dma source(%dma_start3A_231 : memref<40xi32, #tpu.memory_space<hbm>>) target(%arg13 : memref<40xi32, #tpu.memory_space<vmem>>) target_semaphore(%arg28 : memref<!tpu.dma_semaphore, #tpu.memory_space<semaphore_mem>>)
          %mul3A_232 = arith.constant 40 : i32
          %mul3A_233 = arith.muli %sub3A_223, %mul3A_232 : i32
          %multiple_of3A_234 = tpu.assume_multiple %mul3A_233, 8 : i32
          %dma_start3A_235 = tpu.memref_slice %arg7[%multiple_of3A_234] : memref<10000xi32, #tpu.memory_space<vmem>> -> memref<40xi32, #tpu.memory_space<vmem>>
          %dma_start3A_236 = arith.constant 0 : i32
          %dma_start3A_237 = arith.constant 0 : i32
          %dma_start3A_238 = tpu.memref_slice %arg2[%dma_start3A_236, %dma_start3A_237] : memref<10000x128xf32, #tpu.memory_space<hbm>> -> memref<10000x128xf32, #tpu.memory_space<hbm>>
          tpu.enqueue_indirect_dma source(%dma_start3A_238 : memref<10000x128xf32, #tpu.memory_space<hbm>>) target(%arg20 : memref<40x128xf32, #tpu.memory_space<vmem>>) offsets(%dma_start3A_235 : memref<40xi32, #tpu.memory_space<vmem>>) semaphore(%arg28 : memref<!tpu.dma_semaphore, #tpu.memory_space<semaphore_mem>>)
        } else {
        }
      } else {
      }
    }
    %scan3A_93 = arith.constant 250 : i32
    %dma_wait3A = arith.constant 0 : i32
    %dma_wait3A_94 = arith.constant 0 : i32
    %dma_wait3A_95 = tpu.memref_slice %arg2[%dma_wait3A, %dma_wait3A_94] : memref<10000x128xf32, #tpu.memory_space<hbm>> -> memref<40x128xf32, #tpu.memory_space<hbm>>
    %dma_wait3A_96 = arith.constant 0 : i32
    %dma_wait3A_97 = arith.constant 0 : i32
    %dma_wait3A_98 = tpu.memref_slice %arg2[%dma_wait3A_96, %dma_wait3A_97] : memref<10000x128xf32, #tpu.memory_space<hbm>> -> memref<40x128xf32, #tpu.memory_space<hbm>>
    tpu.wait_dma2 semaphore(%arg30 : memref<!tpu.dma_semaphore, #tpu.memory_space<semaphore_mem>>) src(%dma_wait3A_98 : memref<40x128xf32, #tpu.memory_space<hbm>>) dst(%arg15 : memref<40x128xf32, #tpu.memory_space<vmem>>)
    %dma_wait3A_99 = arith.constant 0 : i32
    %dma_wait3A_100 = arith.constant 0 : i32
    %dma_wait3A_101 = tpu.memref_slice %arg2[%dma_wait3A_99, %dma_wait3A_100] : memref<10000x128xf32, #tpu.memory_space<hbm>> -> memref<40x128xf32, #tpu.memory_space<hbm>>
    %dma_wait3A_102 = arith.constant 0 : i32
    %dma_wait3A_103 = arith.constant 0 : i32
    %dma_wait3A_104 = tpu.memref_slice %arg2[%dma_wait3A_102, %dma_wait3A_103] : memref<10000x128xf32, #tpu.memory_space<hbm>> -> memref<40x128xf32, #tpu.memory_space<hbm>>
    tpu.wait_dma2 semaphore(%arg31 : memref<!tpu.dma_semaphore, #tpu.memory_space<semaphore_mem>>) src(%dma_wait3A_104 : memref<40x128xf32, #tpu.memory_space<hbm>>) dst(%arg16 : memref<40x128xf32, #tpu.memory_space<vmem>>)
    %dma_wait3A_105 = arith.constant 0 : i32
    %dma_wait3A_106 = arith.constant 0 : i32
    %dma_wait3A_107 = tpu.memref_slice %arg2[%dma_wait3A_105, %dma_wait3A_106] : memref<10000x128xf32, #tpu.memory_space<hbm>> -> memref<40x128xf32, #tpu.memory_space<hbm>>
    %dma_wait3A_108 = arith.constant 0 : i32
    %dma_wait3A_109 = arith.constant 0 : i32
    %dma_wait3A_110 = tpu.memref_slice %arg2[%dma_wait3A_108, %dma_wait3A_109] : memref<10000x128xf32, #tpu.memory_space<hbm>> -> memref<40x128xf32, #tpu.memory_space<hbm>>
    tpu.wait_dma2 semaphore(%arg32 : memref<!tpu.dma_semaphore, #tpu.memory_space<semaphore_mem>>) src(%dma_wait3A_110 : memref<40x128xf32, #tpu.memory_space<hbm>>) dst(%arg17 : memref<40x128xf32, #tpu.memory_space<vmem>>)
    %dma_wait3A_111 = arith.constant 0 : i32
    %dma_wait3A_112 = arith.constant 0 : i32
    %dma_wait3A_113 = tpu.memref_slice %arg2[%dma_wait3A_111, %dma_wait3A_112] : memref<10000x128xf32, #tpu.memory_space<hbm>> -> memref<40x128xf32, #tpu.memory_space<hbm>>
    %dma_wait3A_114 = arith.constant 0 : i32
    %dma_wait3A_115 = arith.constant 0 : i32
    %dma_wait3A_116 = tpu.memref_slice %arg2[%dma_wait3A_114, %dma_wait3A_115] : memref<10000x128xf32, #tpu.memory_space<hbm>> -> memref<40x128xf32, #tpu.memory_space<hbm>>
    tpu.wait_dma2 semaphore(%arg33 : memref<!tpu.dma_semaphore, #tpu.memory_space<semaphore_mem>>) src(%dma_wait3A_116 : memref<40x128xf32, #tpu.memory_space<hbm>>) dst(%arg18 : memref<40x128xf32, #tpu.memory_space<vmem>>)
    %dma_wait3A_117 = arith.constant 0 : i32
    %dma_wait3A_118 = arith.constant 0 : i32
    %dma_wait3A_119 = tpu.memref_slice %arg2[%dma_wait3A_117, %dma_wait3A_118] : memref<10000x128xf32, #tpu.memory_space<hbm>> -> memref<40x128xf32, #tpu.memory_space<hbm>>
    %dma_wait3A_120 = arith.constant 0 : i32
    %dma_wait3A_121 = arith.constant 0 : i32
    %dma_wait3A_122 = tpu.memref_slice %arg2[%dma_wait3A_120, %dma_wait3A_121] : memref<10000x128xf32, #tpu.memory_space<hbm>> -> memref<40x128xf32, #tpu.memory_space<hbm>>
    tpu.wait_dma2 semaphore(%arg34 : memref<!tpu.dma_semaphore, #tpu.memory_space<semaphore_mem>>) src(%dma_wait3A_122 : memref<40x128xf32, #tpu.memory_space<hbm>>) dst(%arg19 : memref<40x128xf32, #tpu.memory_space<vmem>>)
    %dma_wait3A_123 = arith.constant 0 : i32
    %dma_wait3A_124 = arith.constant 0 : i32
    %dma_wait3A_125 = tpu.memref_slice %arg2[%dma_wait3A_123, %dma_wait3A_124] : memref<10000x128xf32, #tpu.memory_space<hbm>> -> memref<40x128xf32, #tpu.memory_space<hbm>>
    %dma_wait3A_126 = arith.constant 0 : i32
    %dma_wait3A_127 = arith.constant 0 : i32
    %dma_wait3A_128 = tpu.memref_slice %arg2[%dma_wait3A_126, %dma_wait3A_127] : memref<10000x128xf32, #tpu.memory_space<hbm>> -> memref<40x128xf32, #tpu.memory_space<hbm>>
    tpu.wait_dma2 semaphore(%arg35 : memref<!tpu.dma_semaphore, #tpu.memory_space<semaphore_mem>>) src(%dma_wait3A_128 : memref<40x128xf32, #tpu.memory_space<hbm>>) dst(%arg20 : memref<40x128xf32, #tpu.memory_space<vmem>>)
    %dma_wait3A_129 = arith.constant 0 : i32
    %dma_wait3A_130 = arith.constant 0 : i32
    %dma_wait3A_131 = tpu.memref_slice %arg2[%dma_wait3A_129, %dma_wait3A_130] : memref<10000x128xf32, #tpu.memory_space<hbm>> -> memref<40x128xf32, #tpu.memory_space<hbm>>
    %dma_wait3A_132 = arith.constant 0 : i32
    %dma_wait3A_133 = arith.constant 0 : i32
    %dma_wait3A_134 = tpu.memref_slice %arg2[%dma_wait3A_132, %dma_wait3A_133] : memref<10000x128xf32, #tpu.memory_space<hbm>> -> memref<40x128xf32, #tpu.memory_space<hbm>>
    tpu.wait_dma2 semaphore(%arg36 : memref<!tpu.dma_semaphore, #tpu.memory_space<semaphore_mem>>) src(%dma_wait3A_134 : memref<40x128xf32, #tpu.memory_space<hbm>>) dst(%arg21 : memref<40x128xf32, #tpu.memory_space<vmem>>)
    %barrier3A_135 = arith.constant 0 : index
    tpu.barrier barrier_id(%barrier3A_135)
    %lt3A_136 = arith.constant 15 : i32
    %lt3A_137 = arith.cmpi slt, %arg1, %lt3A_136 : i32
    %convert_element_type3A_138 = arith.extui %lt3A_137 : i1 to i32
    %cond3A_139 = arith.constant 0 : i32
    %cond3A_140 = arith.cmpi ne, %convert_element_type3A_138, %cond3A_139 : i32
    scf.if %cond3A_140 {
      "tpu.region"() ({
        %run_scoped3A = tpu.sem_alloc : memref<!tpu.dma_semaphore, #tpu.memory_space<semaphore_mem>>
        %dma_start3A_146 = arith.constant 0 : i32
        %dma_start3A_147 = tpu.memref_slice %arg6[%arg0, %multiple_of3A_5, %dma_start3A_146] : memref<2x10000x128xf32, #tpu.memory_space<hbm>> -> memref<1x624x128xf32, #tpu.memory_space<hbm>>
        %dma_start3A_148 = tpu.memref_squeeze %dma_start3A_147 : memref<1x624x128xf32, #tpu.memory_space<hbm>> -> memref<624x128xf32, #tpu.memory_space<hbm>>
        %dma_start3A_149 = arith.constant 0 : i32
        %dma_start3A_150 = tpu.memref_slice %arg22[%multiple_of3A_5, %dma_start3A_149] : memref<10000x128xf32, #tpu.memory_space<vmem_shared>> -> memref<624x128xf32, #tpu.memory_space<vmem_shared>>
        tpu.enqueue_dma source(%dma_start3A_150 : memref<624x128xf32, #tpu.memory_space<vmem_shared>>) target(%dma_start3A_148 : memref<624x128xf32, #tpu.memory_space<hbm>>) target_semaphore(%run_scoped3A : memref<!tpu.dma_semaphore, #tpu.memory_space<semaphore_mem>>)
        %dma_wait3A_151 = arith.constant 0 : i32
        %dma_wait3A_152 = tpu.memref_slice %arg6[%arg0, %multiple_of3A_5, %dma_wait3A_151] : memref<2x10000x128xf32, #tpu.memory_space<hbm>> -> memref<1x624x128xf32, #tpu.memory_space<hbm>>
        %dma_wait3A_153 = tpu.memref_squeeze %dma_wait3A_152 : memref<1x624x128xf32, #tpu.memory_space<hbm>> -> memref<624x128xf32, #tpu.memory_space<hbm>>
        %dma_wait3A_154 = arith.constant 0 : i32
        %dma_wait3A_155 = tpu.memref_slice %arg22[%multiple_of3A_5, %dma_wait3A_154] : memref<10000x128xf32, #tpu.memory_space<vmem_shared>> -> memref<624x128xf32, #tpu.memory_space<vmem_shared>>
        tpu.wait_dma2 semaphore(%run_scoped3A : memref<!tpu.dma_semaphore, #tpu.memory_space<semaphore_mem>>) src(%dma_wait3A_155 : memref<624x128xf32, #tpu.memory_space<vmem_shared>>) dst(%dma_wait3A_153 : memref<624x128xf32, #tpu.memory_space<hbm>>)
        tpu.yield
      }) : () -> ()
    } else {
    }
    %eq3A_141 = arith.constant 15 : i32
    %eq3A_142 = arith.cmpi eq, %arg1, %eq3A_141 : i32
    %convert_element_type3A_143 = arith.extui %eq3A_142 : i1 to i32
    %cond3A_144 = arith.constant 0 : i32
    %cond3A_145 = arith.cmpi ne, %convert_element_type3A_143, %cond3A_144 : i32
    scf.if %cond3A_145 {
      "tpu.region"() ({
        %run_scoped3A = tpu.sem_alloc : memref<!tpu.dma_semaphore, #tpu.memory_space<semaphore_mem>>
        %dma_start3A_146 = arith.constant 9360 : i32
        %dma_start3A_147 = arith.constant 0 : i32
        %dma_start3A_148 = tpu.memref_slice %arg6[%arg0, %dma_start3A_146, %dma_start3A_147] : memref<2x10000x128xf32, #tpu.memory_space<hbm>> -> memref<1x640x128xf32, #tpu.memory_space<hbm>>
        %dma_start3A_149 = tpu.memref_squeeze %dma_start3A_148 : memref<1x640x128xf32, #tpu.memory_space<hbm>> -> memref<640x128xf32, #tpu.memory_space<hbm>>
        %dma_start3A_150 = arith.constant 9360 : i32
        %dma_start3A_151 = arith.constant 0 : i32
        %dma_start3A_152 = tpu.memref_slice %arg22[%dma_start3A_150, %dma_start3A_151] : memref<10000x128xf32, #tpu.memory_space<vmem_shared>> -> memref<640x128xf32, #tpu.memory_space<vmem_shared>>
        tpu.enqueue_dma source(%dma_start3A_152 : memref<640x128xf32, #tpu.memory_space<vmem_shared>>) target(%dma_start3A_149 : memref<640x128xf32, #tpu.memory_space<hbm>>) target_semaphore(%run_scoped3A : memref<!tpu.dma_semaphore, #tpu.memory_space<semaphore_mem>>)
        %dma_wait3A_153 = arith.constant 9360 : i32
        %dma_wait3A_154 = arith.constant 0 : i32
        %dma_wait3A_155 = tpu.memref_slice %arg6[%arg0, %dma_wait3A_153, %dma_wait3A_154] : memref<2x10000x128xf32, #tpu.memory_space<hbm>> -> memref<1x640x128xf32, #tpu.memory_space<hbm>>
        %dma_wait3A_156 = tpu.memref_squeeze %dma_wait3A_155 : memref<1x640x128xf32, #tpu.memory_space<hbm>> -> memref<640x128xf32, #tpu.memory_space<hbm>>
        %dma_wait3A_157 = arith.constant 9360 : i32
        %dma_wait3A_158 = arith.constant 0 : i32
        %dma_wait3A_159 = tpu.memref_slice %arg22[%dma_wait3A_157, %dma_wait3A_158] : memref<10000x128xf32, #tpu.memory_space<vmem_shared>> -> memref<640x128xf32, #tpu.memory_space<vmem_shared>>
        tpu.wait_dma2 semaphore(%run_scoped3A : memref<!tpu.dma_semaphore, #tpu.memory_space<semaphore_mem>>) src(%dma_wait3A_159 : memref<640x128xf32, #tpu.memory_space<vmem_shared>>) dst(%dma_wait3A_156 : memref<640x128xf32, #tpu.memory_space<hbm>>)
        tpu.yield
      }) : () -> ()
    } else {
    }
    return
  }
}

#map = affine_map<(d0, d1) -> (0, 0)>
#map1 = affine_map<(d0, d1) -> (0)>
#map2 = affine_map<(d0, d1) -> (0, 0, 0)>
module attributes {stable_mosaic.version = 14 : i64} {
  func.func @agg_kernel(%arg0: i32, %arg1: i32, %arg2: memref<10000x128xf32, #tpu.memory_space<hbm>>, %arg3: memref<320000xi32, #tpu.memory_space<hbm>>, %arg4: memref<320000xi32, #tpu.memory_space<hbm>>, %arg5: memref<10000x128xf32, #tpu.memory_space<hbm>>, %arg6: memref<2x10000x128xf32, #tpu.memory_space<hbm>>, %arg7: memref<10000xi32, #tpu.memory_space<vmem>>, %arg8: memref<40xi32, #tpu.memory_space<vmem>>, %arg9: memref<40xi32, #tpu.memory_space<vmem>>, %arg10: memref<40xi32, #tpu.memory_space<vmem>>, %arg11: memref<40xi32, #tpu.memory_space<vmem>>, %arg12: memref<40xi32, #tpu.memory_space<vmem>>, %arg13: memref<40xi32, #tpu.memory_space<vmem>>, %arg14: memref<40xi32, #tpu.memory_space<vmem>>, %arg15: memref<40x128xf32, #tpu.memory_space<vmem>>, %arg16: memref<40x128xf32, #tpu.memory_space<vmem>>, %arg17: memref<40x128xf32, #tpu.memory_space<vmem>>, %arg18: memref<40x128xf32, #tpu.memory_space<vmem>>, %arg19: memref<40x128xf32, #tpu.memory_space<vmem>>, %arg20: memref<40x128xf32, #tpu.memory_space<vmem>>, %arg21: memref<40x128xf32, #tpu.memory_space<vmem>>, %arg22: memref<10000x128xf32, #tpu.memory_space<vmem_shared>>, %arg23: memref<!tpu.dma_semaphore, #tpu.memory_space<semaphore_mem>>, %arg24: memref<!tpu.dma_semaphore, #tpu.memory_space<semaphore_mem>>, %arg25: memref<!tpu.dma_semaphore, #tpu.memory_space<semaphore_mem>>, %arg26: memref<!tpu.dma_semaphore, #tpu.memory_space<semaphore_mem>>, %arg27: memref<!tpu.dma_semaphore, #tpu.memory_space<semaphore_mem>>, %arg28: memref<!tpu.dma_semaphore, #tpu.memory_space<semaphore_mem>>, %arg29: memref<!tpu.dma_semaphore, #tpu.memory_space<semaphore_mem>>, %arg30: memref<!tpu.dma_semaphore, #tpu.memory_space<semaphore_mem>>, %arg31: memref<!tpu.dma_semaphore, #tpu.memory_space<semaphore_mem>>, %arg32: memref<!tpu.dma_semaphore, #tpu.memory_space<semaphore_mem>>, %arg33: memref<!tpu.dma_semaphore, #tpu.memory_space<semaphore_mem>>, %arg34: memref<!tpu.dma_semaphore, #tpu.memory_space<semaphore_mem>>, %arg35: memref<!tpu.dma_semaphore, #tpu.memory_space<semaphore_mem>>, %arg36: memref<!tpu.dma_semaphore, #tpu.memory_space<semaphore_mem>>) attributes {dimension_semantics = [#tpu.dimension_semantics<core_parallel>, #tpu.dimension_semantics<subcore_parallel>], iteration_bounds = array<i64: 2, 16>, scalar_prefetch = 0 : i64, scratch_operands = 30 : i64, tpu.core_type = #tpu.core_type<sc_vector_subcore>, window_params = [{transform_indices = #map}, {transform_indices = #map1}, {transform_indices = #map1}, {transform_indices = #map}, {transform_indices = #map2}]} {
    %mul3A = arith.constant 2 : i32
    %mul3A_0 = arith.muli %arg1, %mul3A : i32
    %add3A = arith.addi %mul3A_0, %arg0 : i32
    %mul3A_1 = arith.constant 10000 : i32
    %mul3A_2 = arith.muli %add3A, %mul3A_1 : i32
    %multiple_of3A = tpu.assume_multiple %mul3A_2, 8 : i32
    "tpu.region"() ({
      %run_scoped3A = tpu.sem_alloc : memref<!tpu.dma_semaphore, #tpu.memory_space<semaphore_mem>>
      %dma_start3A_146 = tpu.memref_slice %arg3[%multiple_of3A] : memref<320000xi32, #tpu.memory_space<hbm>> -> memref<10000xi32, #tpu.memory_space<hbm>>
      %dma_start3A_147 = tpu.memref_slice %arg3[%multiple_of3A] : memref<320000xi32, #tpu.memory_space<hbm>> -> memref<10000xi32, #tpu.memory_space<hbm>>
      tpu.enqueue_dma source(%dma_start3A_147 : memref<10000xi32, #tpu.memory_space<hbm>>) target(%arg7 : memref<10000xi32, #tpu.memory_space<vmem>>) target_semaphore(%run_scoped3A : memref<!tpu.dma_semaphore, #tpu.memory_space<semaphore_mem>>)
      %dma_wait3A_148 = tpu.memref_slice %arg3[%multiple_of3A] : memref<320000xi32, #tpu.memory_space<hbm>> -> memref<10000xi32, #tpu.memory_space<hbm>>
      %dma_wait3A_149 = tpu.memref_slice %arg3[%multiple_of3A] : memref<320000xi32, #tpu.memory_space<hbm>> -> memref<10000xi32, #tpu.memory_space<hbm>>
      tpu.wait_dma2 semaphore(%run_scoped3A : memref<!tpu.dma_semaphore, #tpu.memory_space<semaphore_mem>>) src(%dma_wait3A_149 : memref<10000xi32, #tpu.memory_space<hbm>>) dst(%arg7 : memref<10000xi32, #tpu.memory_space<vmem>>)
      tpu.yield
    }) : () -> ()
    %mul3A_3 = arith.constant 624 : i32
    %mul3A_4 = arith.muli %arg1, %mul3A_3 : i32
    %multiple_of3A_5 = tpu.assume_multiple %mul3A_4, 8 : i32
    %lt3A = arith.constant 15 : i32
    %lt3A_6 = arith.cmpi slt, %arg1, %lt3A : i32
    %convert_element_type3A = arith.extui %lt3A_6 : i1 to i32
    %cond3A = arith.constant 0 : i32
    %cond3A_7 = arith.cmpi ne, %convert_element_type3A, %cond3A : i32
    scf.if %cond3A_7 {
      "tpu.region"() ({
        %run_scoped3A = tpu.sem_alloc : memref<!tpu.dma_semaphore, #tpu.memory_space<semaphore_mem>>
        %dma_start3A_146 = arith.constant 0 : i32
        %dma_start3A_147 = tpu.memref_slice %arg22[%multiple_of3A_5, %dma_start3A_146] : memref<10000x128xf32, #tpu.memory_space<vmem_shared>> -> memref<624x128xf32, #tpu.memory_space<vmem_shared>>
        %dma_start3A_148 = arith.constant 0 : i32
        %dma_start3A_149 = tpu.memref_slice %arg5[%multiple_of3A_5, %dma_start3A_148] : memref<10000x128xf32, #tpu.memory_space<hbm>> -> memref<624x128xf32, #tpu.memory_space<hbm>>
        tpu.enqueue_dma source(%dma_start3A_149 : memref<624x128xf32, #tpu.memory_space<hbm>>) target(%dma_start3A_147 : memref<624x128xf32, #tpu.memory_space<vmem_shared>>) target_semaphore(%run_scoped3A : memref<!tpu.dma_semaphore, #tpu.memory_space<semaphore_mem>>)
        %dma_wait3A_150 = arith.constant 0 : i32
        %dma_wait3A_151 = tpu.memref_slice %arg22[%multiple_of3A_5, %dma_wait3A_150] : memref<10000x128xf32, #tpu.memory_space<vmem_shared>> -> memref<624x128xf32, #tpu.memory_space<vmem_shared>>
        %dma_wait3A_152 = arith.constant 0 : i32
        %dma_wait3A_153 = tpu.memref_slice %arg5[%multiple_of3A_5, %dma_wait3A_152] : memref<10000x128xf32, #tpu.memory_space<hbm>> -> memref<624x128xf32, #tpu.memory_space<hbm>>
        tpu.wait_dma2 semaphore(%run_scoped3A : memref<!tpu.dma_semaphore, #tpu.memory_space<semaphore_mem>>) src(%dma_wait3A_153 : memref<624x128xf32, #tpu.memory_space<hbm>>) dst(%dma_wait3A_151 : memref<624x128xf32, #tpu.memory_space<vmem_shared>>)
        tpu.yield
      }) : () -> ()
    } else {
    }
    %eq3A = arith.constant 15 : i32
    %eq3A_8 = arith.cmpi eq, %arg1, %eq3A : i32
    %convert_element_type3A_9 = arith.extui %eq3A_8 : i1 to i32
    %cond3A_10 = arith.constant 0 : i32
    %cond3A_11 = arith.cmpi ne, %convert_element_type3A_9, %cond3A_10 : i32
    scf.if %cond3A_11 {
      "tpu.region"() ({
        %run_scoped3A = tpu.sem_alloc : memref<!tpu.dma_semaphore, #tpu.memory_space<semaphore_mem>>
        %dma_start3A_146 = arith.constant 9360 : i32
        %dma_start3A_147 = arith.constant 0 : i32
        %dma_start3A_148 = tpu.memref_slice %arg22[%dma_start3A_146, %dma_start3A_147] : memref<10000x128xf32, #tpu.memory_space<vmem_shared>> -> memref<640x128xf32, #tpu.memory_space<vmem_shared>>
        %dma_start3A_149 = arith.constant 9360 : i32
        %dma_start3A_150 = arith.constant 0 : i32
        %dma_start3A_151 = tpu.memref_slice %arg5[%dma_start3A_149, %dma_start3A_150] : memref<10000x128xf32, #tpu.memory_space<hbm>> -> memref<640x128xf32, #tpu.memory_space<hbm>>
        tpu.enqueue_dma source(%dma_start3A_151 : memref<640x128xf32, #tpu.memory_space<hbm>>) target(%dma_start3A_148 : memref<640x128xf32, #tpu.memory_space<vmem_shared>>) target_semaphore(%run_scoped3A : memref<!tpu.dma_semaphore, #tpu.memory_space<semaphore_mem>>)
        %dma_wait3A_152 = arith.constant 9360 : i32
        %dma_wait3A_153 = arith.constant 0 : i32
        %dma_wait3A_154 = tpu.memref_slice %arg22[%dma_wait3A_152, %dma_wait3A_153] : memref<10000x128xf32, #tpu.memory_space<vmem_shared>> -> memref<640x128xf32, #tpu.memory_space<vmem_shared>>
        %dma_wait3A_155 = arith.constant 9360 : i32
        %dma_wait3A_156 = arith.constant 0 : i32
        %dma_wait3A_157 = tpu.memref_slice %arg5[%dma_wait3A_155, %dma_wait3A_156] : memref<10000x128xf32, #tpu.memory_space<hbm>> -> memref<640x128xf32, #tpu.memory_space<hbm>>
        tpu.wait_dma2 semaphore(%run_scoped3A : memref<!tpu.dma_semaphore, #tpu.memory_space<semaphore_mem>>) src(%dma_wait3A_157 : memref<640x128xf32, #tpu.memory_space<hbm>>) dst(%dma_wait3A_154 : memref<640x128xf32, #tpu.memory_space<vmem_shared>>)
        tpu.yield
      }) : () -> ()
    } else {
    }
    %barrier3A = arith.constant 0 : index
    tpu.barrier barrier_id(%barrier3A)
    %mul3A_12 = arith.constant 10000 : i32
    %mul3A_13 = arith.muli %add3A, %mul3A_12 : i32
    %add3A_14 = arith.constant 0 : i32
    %add3A_15 = arith.addi %mul3A_13, %add3A_14 : i32
    %multiple_of3A_16 = tpu.assume_multiple %add3A_15, 8 : i32
    %dma_start3A = tpu.memref_slice %arg4[%multiple_of3A_16] : memref<320000xi32, #tpu.memory_space<hbm>> -> memref<40xi32, #tpu.memory_space<hbm>>
    %dma_start3A_17 = tpu.memref_slice %arg4[%multiple_of3A_16] : memref<320000xi32, #tpu.memory_space<hbm>> -> memref<40xi32, #tpu.memory_space<hbm>>
    tpu.enqueue_dma source(%dma_start3A_17 : memref<40xi32, #tpu.memory_space<hbm>>) target(%arg8 : memref<40xi32, #tpu.memory_space<vmem>>) target_semaphore(%arg23 : memref<!tpu.dma_semaphore, #tpu.memory_space<semaphore_mem>>)
    %multiple_of3A_18 = arith.constant 0 : i32
    %multiple_of3A_19 = tpu.assume_multiple %multiple_of3A_18, 8 : i32
    %dma_start3A_20 = tpu.memref_slice %arg7[%multiple_of3A_19] : memref<10000xi32, #tpu.memory_space<vmem>> -> memref<40xi32, #tpu.memory_space<vmem>>
    %dma_start3A_21 = arith.constant 0 : i32
    %dma_start3A_22 = arith.constant 0 : i32
    %dma_start3A_23 = tpu.memref_slice %arg2[%dma_start3A_21, %dma_start3A_22] : memref<10000x128xf32, #tpu.memory_space<hbm>> -> memref<10000x128xf32, #tpu.memory_space<hbm>>
    tpu.enqueue_indirect_dma source(%dma_start3A_23 : memref<10000x128xf32, #tpu.memory_space<hbm>>) target(%arg15 : memref<40x128xf32, #tpu.memory_space<vmem>>) offsets(%dma_start3A_20 : memref<40xi32, #tpu.memory_space<vmem>>) semaphore(%arg23 : memref<!tpu.dma_semaphore, #tpu.memory_space<semaphore_mem>>)
    %mul3A_24 = arith.constant 10000 : i32
    %mul3A_25 = arith.muli %add3A, %mul3A_24 : i32
    %add3A_26 = arith.constant 40 : i32
    %add3A_27 = arith.addi %mul3A_25, %add3A_26 : i32
    %multiple_of3A_28 = tpu.assume_multiple %add3A_27, 8 : i32
    %dma_start3A_29 = tpu.memref_slice %arg4[%multiple_of3A_28] : memref<320000xi32, #tpu.memory_space<hbm>> -> memref<40xi32, #tpu.memory_space<hbm>>
    %dma_start3A_30 = tpu.memref_slice %arg4[%multiple_of3A_28] : memref<320000xi32, #tpu.memory_space<hbm>> -> memref<40xi32, #tpu.memory_space<hbm>>
    tpu.enqueue_dma source(%dma_start3A_30 : memref<40xi32, #tpu.memory_space<hbm>>) target(%arg9 : memref<40xi32, #tpu.memory_space<vmem>>) target_semaphore(%arg24 : memref<!tpu.dma_semaphore, #tpu.memory_space<semaphore_mem>>)
    %multiple_of3A_31 = arith.constant 40 : i32
    %multiple_of3A_32 = tpu.assume_multiple %multiple_of3A_31, 8 : i32
    %dma_start3A_33 = tpu.memref_slice %arg7[%multiple_of3A_32] : memref<10000xi32, #tpu.memory_space<vmem>> -> memref<40xi32, #tpu.memory_space<vmem>>
    %dma_start3A_34 = arith.constant 0 : i32
    %dma_start3A_35 = arith.constant 0 : i32
    %dma_start3A_36 = tpu.memref_slice %arg2[%dma_start3A_34, %dma_start3A_35] : memref<10000x128xf32, #tpu.memory_space<hbm>> -> memref<10000x128xf32, #tpu.memory_space<hbm>>
    tpu.enqueue_indirect_dma source(%dma_start3A_36 : memref<10000x128xf32, #tpu.memory_space<hbm>>) target(%arg16 : memref<40x128xf32, #tpu.memory_space<vmem>>) offsets(%dma_start3A_33 : memref<40xi32, #tpu.memory_space<vmem>>) semaphore(%arg24 : memref<!tpu.dma_semaphore, #tpu.memory_space<semaphore_mem>>)
    %mul3A_37 = arith.constant 10000 : i32
    %mul3A_38 = arith.muli %add3A, %mul3A_37 : i32
    %add3A_39 = arith.constant 80 : i32
    %add3A_40 = arith.addi %mul3A_38, %add3A_39 : i32
    %multiple_of3A_41 = tpu.assume_multiple %add3A_40, 8 : i32
    %dma_start3A_42 = tpu.memref_slice %arg4[%multiple_of3A_41] : memref<320000xi32, #tpu.memory_space<hbm>> -> memref<40xi32, #tpu.memory_space<hbm>>
    %dma_start3A_43 = tpu.memref_slice %arg4[%multiple_of3A_41] : memref<320000xi32, #tpu.memory_space<hbm>> -> memref<40xi32, #tpu.memory_space<hbm>>
    tpu.enqueue_dma source(%dma_start3A_43 : memref<40xi32, #tpu.memory_space<hbm>>) target(%arg10 : memref<40xi32, #tpu.memory_space<vmem>>) target_semaphore(%arg25 : memref<!tpu.dma_semaphore, #tpu.memory_space<semaphore_mem>>)
    %multiple_of3A_44 = arith.constant 80 : i32
    %multiple_of3A_45 = tpu.assume_multiple %multiple_of3A_44, 8 : i32
    %dma_start3A_46 = tpu.memref_slice %arg7[%multiple_of3A_45] : memref<10000xi32, #tpu.memory_space<vmem>> -> memref<40xi32, #tpu.memory_space<vmem>>
    %dma_start3A_47 = arith.constant 0 : i32
    %dma_start3A_48 = arith.constant 0 : i32
    %dma_start3A_49 = tpu.memref_slice %arg2[%dma_start3A_47, %dma_start3A_48] : memref<10000x128xf32, #tpu.memory_space<hbm>> -> memref<10000x128xf32, #tpu.memory_space<hbm>>
    tpu.enqueue_indirect_dma source(%dma_start3A_49 : memref<10000x128xf32, #tpu.memory_space<hbm>>) target(%arg17 : memref<40x128xf32, #tpu.memory_space<vmem>>) offsets(%dma_start3A_46 : memref<40xi32, #tpu.memory_space<vmem>>) semaphore(%arg25 : memref<!tpu.dma_semaphore, #tpu.memory_space<semaphore_mem>>)
    %mul3A_50 = arith.constant 10000 : i32
    %mul3A_51 = arith.muli %add3A, %mul3A_50 : i32
    %add3A_52 = arith.constant 120 : i32
    %add3A_53 = arith.addi %mul3A_51, %add3A_52 : i32
    %multiple_of3A_54 = tpu.assume_multiple %add3A_53, 8 : i32
    %dma_start3A_55 = tpu.memref_slice %arg4[%multiple_of3A_54] : memref<320000xi32, #tpu.memory_space<hbm>> -> memref<40xi32, #tpu.memory_space<hbm>>
    %dma_start3A_56 = tpu.memref_slice %arg4[%multiple_of3A_54] : memref<320000xi32, #tpu.memory_space<hbm>> -> memref<40xi32, #tpu.memory_space<hbm>>
    tpu.enqueue_dma source(%dma_start3A_56 : memref<40xi32, #tpu.memory_space<hbm>>) target(%arg11 : memref<40xi32, #tpu.memory_space<vmem>>) target_semaphore(%arg26 : memref<!tpu.dma_semaphore, #tpu.memory_space<semaphore_mem>>)
    %multiple_of3A_57 = arith.constant 120 : i32
    %multiple_of3A_58 = tpu.assume_multiple %multiple_of3A_57, 8 : i32
    %dma_start3A_59 = tpu.memref_slice %arg7[%multiple_of3A_58] : memref<10000xi32, #tpu.memory_space<vmem>> -> memref<40xi32, #tpu.memory_space<vmem>>
    %dma_start3A_60 = arith.constant 0 : i32
    %dma_start3A_61 = arith.constant 0 : i32
    %dma_start3A_62 = tpu.memref_slice %arg2[%dma_start3A_60, %dma_start3A_61] : memref<10000x128xf32, #tpu.memory_space<hbm>> -> memref<10000x128xf32, #tpu.memory_space<hbm>>
    tpu.enqueue_indirect_dma source(%dma_start3A_62 : memref<10000x128xf32, #tpu.memory_space<hbm>>) target(%arg18 : memref<40x128xf32, #tpu.memory_space<vmem>>) offsets(%dma_start3A_59 : memref<40xi32, #tpu.memory_space<vmem>>) semaphore(%arg26 : memref<!tpu.dma_semaphore, #tpu.memory_space<semaphore_mem>>)
    %mul3A_63 = arith.constant 10000 : i32
    %mul3A_64 = arith.muli %add3A, %mul3A_63 : i32
    %add3A_65 = arith.constant 160 : i32
    %add3A_66 = arith.addi %mul3A_64, %add3A_65 : i32
    %multiple_of3A_67 = tpu.assume_multiple %add3A_66, 8 : i32
    %dma_start3A_68 = tpu.memref_slice %arg4[%multiple_of3A_67] : memref<320000xi32, #tpu.memory_space<hbm>> -> memref<40xi32, #tpu.memory_space<hbm>>
    %dma_start3A_69 = tpu.memref_slice %arg4[%multiple_of3A_67] : memref<320000xi32, #tpu.memory_space<hbm>> -> memref<40xi32, #tpu.memory_space<hbm>>
    tpu.enqueue_dma source(%dma_start3A_69 : memref<40xi32, #tpu.memory_space<hbm>>) target(%arg12 : memref<40xi32, #tpu.memory_space<vmem>>) target_semaphore(%arg27 : memref<!tpu.dma_semaphore, #tpu.memory_space<semaphore_mem>>)
    %multiple_of3A_70 = arith.constant 160 : i32
    %multiple_of3A_71 = tpu.assume_multiple %multiple_of3A_70, 8 : i32
    %dma_start3A_72 = tpu.memref_slice %arg7[%multiple_of3A_71] : memref<10000xi32, #tpu.memory_space<vmem>> -> memref<40xi32, #tpu.memory_space<vmem>>
    %dma_start3A_73 = arith.constant 0 : i32
    %dma_start3A_74 = arith.constant 0 : i32
    %dma_start3A_75 = tpu.memref_slice %arg2[%dma_start3A_73, %dma_start3A_74] : memref<10000x128xf32, #tpu.memory_space<hbm>> -> memref<10000x128xf32, #tpu.memory_space<hbm>>
    tpu.enqueue_indirect_dma source(%dma_start3A_75 : memref<10000x128xf32, #tpu.memory_space<hbm>>) target(%arg19 : memref<40x128xf32, #tpu.memory_space<vmem>>) offsets(%dma_start3A_72 : memref<40xi32, #tpu.memory_space<vmem>>) semaphore(%arg27 : memref<!tpu.dma_semaphore, #tpu.memory_space<semaphore_mem>>)
    %mul3A_76 = arith.constant 10000 : i32
    %mul3A_77 = arith.muli %add3A, %mul3A_76 : i32
    %add3A_78 = arith.constant 200 : i32
    %add3A_79 = arith.addi %mul3A_77, %add3A_78 : i32
    %multiple_of3A_80 = tpu.assume_multiple %add3A_79, 8 : i32
    %dma_start3A_81 = tpu.memref_slice %arg4[%multiple_of3A_80] : memref<320000xi32, #tpu.memory_space<hbm>> -> memref<40xi32, #tpu.memory_space<hbm>>
    %dma_start3A_82 = tpu.memref_slice %arg4[%multiple_of3A_80] : memref<320000xi32, #tpu.memory_space<hbm>> -> memref<40xi32, #tpu.memory_space<hbm>>
    tpu.enqueue_dma source(%dma_start3A_82 : memref<40xi32, #tpu.memory_space<hbm>>) target(%arg13 : memref<40xi32, #tpu.memory_space<vmem>>) target_semaphore(%arg28 : memref<!tpu.dma_semaphore, #tpu.memory_space<semaphore_mem>>)
    %multiple_of3A_83 = arith.constant 200 : i32
    %multiple_of3A_84 = tpu.assume_multiple %multiple_of3A_83, 8 : i32
    %dma_start3A_85 = tpu.memref_slice %arg7[%multiple_of3A_84] : memref<10000xi32, #tpu.memory_space<vmem>> -> memref<40xi32, #tpu.memory_space<vmem>>
    %dma_start3A_86 = arith.constant 0 : i32
    %dma_start3A_87 = arith.constant 0 : i32
    %dma_start3A_88 = tpu.memref_slice %arg2[%dma_start3A_86, %dma_start3A_87] : memref<10000x128xf32, #tpu.memory_space<hbm>> -> memref<10000x128xf32, #tpu.memory_space<hbm>>
    tpu.enqueue_indirect_dma source(%dma_start3A_88 : memref<10000x128xf32, #tpu.memory_space<hbm>>) target(%arg20 : memref<40x128xf32, #tpu.memory_space<vmem>>) offsets(%dma_start3A_85 : memref<40xi32, #tpu.memory_space<vmem>>) semaphore(%arg28 : memref<!tpu.dma_semaphore, #tpu.memory_space<semaphore_mem>>)
    %scan3A = arith.constant 0 : i32
    %scan3A_89 = arith.constant 0 : i32
    %scan3A_90 = arith.constant 250 : i32
    %scan3A_91 = arith.addi %scan3A_89, %scan3A_90 : i32
    %scan3A_92 = arith.constant 1 : i32
    scf.for %scan3A_146 = %scan3A_89 to %scan3A_91 step %scan3A_92  : i32 {
      %rem3A = arith.constant 7 : i32
      %rem3A_147 = arith.remsi %scan3A_146, %rem3A : i32
      %eq3A_148 = arith.constant 0 : i32
      %eq3A_149 = arith.cmpi eq, %rem3A_147, %eq3A_148 : i32
      %convert_element_type3A_150 = arith.extui %eq3A_149 : i1 to i32
      %cond3A_151 = arith.constant 0 : i32
      %cond3A_152 = arith.cmpi ne, %convert_element_type3A_150, %cond3A_151 : i32
      scf.if %cond3A_152 {
        %dma_wait3A_195 = arith.constant 0 : i32
        %dma_wait3A_196 = tpu.memref_slice %arg4[%dma_wait3A_195] : memref<320000xi32, #tpu.memory_space<hbm>> -> memref<40xi32, #tpu.memory_space<hbm>>
        %dma_wait3A_197 = arith.constant 0 : i32
        %dma_wait3A_198 = tpu.memref_slice %arg4[%dma_wait3A_197] : memref<320000xi32, #tpu.memory_space<hbm>> -> memref<40xi32, #tpu.memory_space<hbm>>
        tpu.wait_dma2 semaphore(%arg23 : memref<!tpu.dma_semaphore, #tpu.memory_space<semaphore_mem>>) src(%dma_wait3A_198 : memref<40xi32, #tpu.memory_space<hbm>>) dst(%arg8 : memref<40xi32, #tpu.memory_space<vmem>>)
        %dma_wait3A_199 = arith.constant 0 : i32
        %dma_wait3A_200 = arith.constant 0 : i32
        %dma_wait3A_201 = tpu.memref_slice %arg2[%dma_wait3A_199, %dma_wait3A_200] : memref<10000x128xf32, #tpu.memory_space<hbm>> -> memref<40x128xf32, #tpu.memory_space<hbm>>
        %dma_wait3A_202 = arith.constant 0 : i32
        %dma_wait3A_203 = arith.constant 0 : i32
        %dma_wait3A_204 = tpu.memref_slice %arg2[%dma_wait3A_202, %dma_wait3A_203] : memref<10000x128xf32, #tpu.memory_space<hbm>> -> memref<40x128xf32, #tpu.memory_space<hbm>>
        tpu.wait_dma2 semaphore(%arg23 : memref<!tpu.dma_semaphore, #tpu.memory_space<semaphore_mem>>) src(%dma_wait3A_204 : memref<40x128xf32, #tpu.memory_space<hbm>>) dst(%arg15 : memref<40x128xf32, #tpu.memory_space<vmem>>)
        %dma_start3A_205 = arith.constant 0 : i32
        %dma_start3A_206 = arith.constant 0 : i32
        %dma_start3A_207 = tpu.memref_slice %arg22[%dma_start3A_205, %dma_start3A_206] : memref<10000x128xf32, #tpu.memory_space<vmem_shared>> -> memref<10000x128xf32, #tpu.memory_space<vmem_shared>>
        tpu.enqueue_indirect_dma source(%arg15 : memref<40x128xf32, #tpu.memory_space<vmem>>) target(%dma_start3A_207 : memref<10000x128xf32, #tpu.memory_space<vmem_shared>>) offsets(%arg8 : memref<40xi32, #tpu.memory_space<vmem>>) semaphore(%arg30 : memref<!tpu.dma_semaphore, #tpu.memory_space<semaphore_mem>>) {add = true}
        %add3A_208 = arith.constant 7 : i32
        %add3A_209 = arith.addi %scan3A_146, %add3A_208 : i32
        %sub3A = arith.constant 1 : i32
        %sub3A_210 = arith.subi %add3A_209, %sub3A : i32
        %lt3A_211 = arith.constant 250 : i32
        %lt3A_212 = arith.cmpi slt, %sub3A_210, %lt3A_211 : i32
        %convert_element_type3A_213 = arith.extui %lt3A_212 : i1 to i32
        %cond3A_214 = arith.constant 0 : i32
        %cond3A_215 = arith.cmpi ne, %convert_element_type3A_213, %cond3A_214 : i32
        scf.if %cond3A_215 {
          %ge3A = arith.constant 1 : i32
          %ge3A_216 = arith.cmpi sge, %scan3A_146, %ge3A : i32
          %convert_element_type3A_217 = arith.extui %ge3A_216 : i1 to i32
          %cond3A_218 = arith.constant 0 : i32
          %cond3A_219 = arith.cmpi ne, %convert_element_type3A_217, %cond3A_218 : i32
          scf.if %cond3A_219 {
            %dma_wait3A_239 = arith.constant 0 : i32
            %dma_wait3A_240 = arith.constant 0 : i32
            %dma_wait3A_241 = tpu.memref_slice %arg2[%dma_wait3A_239, %dma_wait3A_240] : memref<10000x128xf32, #tpu.memory_space<hbm>> -> memref<40x128xf32, #tpu.memory_space<hbm>>
            %dma_wait3A_242 = arith.constant 0 : i32
            %dma_wait3A_243 = arith.constant 0 : i32
            %dma_wait3A_244 = tpu.memref_slice %arg2[%dma_wait3A_242, %dma_wait3A_243] : memref<10000x128xf32, #tpu.memory_space<hbm>> -> memref<40x128xf32, #tpu.memory_space<hbm>>
            tpu.wait_dma2 semaphore(%arg36 : memref<!tpu.dma_semaphore, #tpu.memory_space<semaphore_mem>>) src(%dma_wait3A_244 : memref<40x128xf32, #tpu.memory_space<hbm>>) dst(%arg21 : memref<40x128xf32, #tpu.memory_space<vmem>>)
          } else {
          }
          %add3A_220 = arith.constant 7 : i32
          %add3A_221 = arith.addi %scan3A_146, %add3A_220 : i32
          %sub3A_222 = arith.constant 1 : i32
          %sub3A_223 = arith.subi %add3A_221, %sub3A_222 : i32
          %mul3A_224 = arith.constant 10000 : i32
          %mul3A_225 = arith.muli %add3A, %mul3A_224 : i32
          %mul3A_226 = arith.constant 40 : i32
          %mul3A_227 = arith.muli %sub3A_223, %mul3A_226 : i32
          %add3A_228 = arith.addi %mul3A_225, %mul3A_227 : i32
          %multiple_of3A_229 = tpu.assume_multiple %add3A_228, 8 : i32
          %dma_start3A_230 = tpu.memref_slice %arg4[%multiple_of3A_229] : memref<320000xi32, #tpu.memory_space<hbm>> -> memref<40xi32, #tpu.memory_space<hbm>>
          %dma_start3A_231 = tpu.memref_slice %arg4[%multiple_of3A_229] : memref<320000xi32, #tpu.memory_space<hbm>> -> memref<40xi32, #tpu.memory_space<hbm>>
          tpu.enqueue_dma source(%dma_start3A_231 : memref<40xi32, #tpu.memory_space<hbm>>) target(%arg14 : memref<40xi32, #tpu.memory_space<vmem>>) target_semaphore(%arg29 : memref<!tpu.dma_semaphore, #tpu.memory_space<semaphore_mem>>)
          %mul3A_232 = arith.constant 40 : i32
          %mul3A_233 = arith.muli %sub3A_223, %mul3A_232 : i32
          %multiple_of3A_234 = tpu.assume_multiple %mul3A_233, 8 : i32
          %dma_start3A_235 = tpu.memref_slice %arg7[%multiple_of3A_234] : memref<10000xi32, #tpu.memory_space<vmem>> -> memref<40xi32, #tpu.memory_space<vmem>>
          %dma_start3A_236 = arith.constant 0 : i32
          %dma_start3A_237 = arith.constant 0 : i32
          %dma_start3A_238 = tpu.memref_slice %arg2[%dma_start3A_236, %dma_start3A_237] : memref<10000x128xf32, #tpu.memory_space<hbm>> -> memref<10000x128xf32, #tpu.memory_space<hbm>>
          tpu.enqueue_indirect_dma source(%dma_start3A_238 : memref<10000x128xf32, #tpu.memory_space<hbm>>) target(%arg21 : memref<40x128xf32, #tpu.memory_space<vmem>>) offsets(%dma_start3A_235 : memref<40xi32, #tpu.memory_space<vmem>>) semaphore(%arg29 : memref<!tpu.dma_semaphore, #tpu.memory_space<semaphore_mem>>)
        } else {
        }
      } else {
      }
      %rem3A_153 = arith.constant 7 : i32
      %rem3A_154 = arith.remsi %scan3A_146, %rem3A_153 : i32
      %eq3A_155 = arith.constant 1 : i32
      %eq3A_156 = arith.cmpi eq, %rem3A_154, %eq3A_155 : i32
      %convert_element_type3A_157 = arith.extui %eq3A_156 : i1 to i32
      %cond3A_158 = arith.constant 0 : i32
      %cond3A_159 = arith.cmpi ne, %convert_element_type3A_157, %cond3A_158 : i32
      scf.if %cond3A_159 {
        %dma_wait3A_195 = arith.constant 0 : i32
        %dma_wait3A_196 = tpu.memref_slice %arg4[%dma_wait3A_195] : memref<320000xi32, #tpu.memory_space<hbm>> -> memref<40xi32, #tpu.memory_space<hbm>>
        %dma_wait3A_197 = arith.constant 0 : i32
        %dma_wait3A_198 = tpu.memref_slice %arg4[%dma_wait3A_197] : memref<320000xi32, #tpu.memory_space<hbm>> -> memref<40xi32, #tpu.memory_space<hbm>>
        tpu.wait_dma2 semaphore(%arg24 : memref<!tpu.dma_semaphore, #tpu.memory_space<semaphore_mem>>) src(%dma_wait3A_198 : memref<40xi32, #tpu.memory_space<hbm>>) dst(%arg9 : memref<40xi32, #tpu.memory_space<vmem>>)
        %dma_wait3A_199 = arith.constant 0 : i32
        %dma_wait3A_200 = arith.constant 0 : i32
        %dma_wait3A_201 = tpu.memref_slice %arg2[%dma_wait3A_199, %dma_wait3A_200] : memref<10000x128xf32, #tpu.memory_space<hbm>> -> memref<40x128xf32, #tpu.memory_space<hbm>>
        %dma_wait3A_202 = arith.constant 0 : i32
        %dma_wait3A_203 = arith.constant 0 : i32
        %dma_wait3A_204 = tpu.memref_slice %arg2[%dma_wait3A_202, %dma_wait3A_203] : memref<10000x128xf32, #tpu.memory_space<hbm>> -> memref<40x128xf32, #tpu.memory_space<hbm>>
        tpu.wait_dma2 semaphore(%arg24 : memref<!tpu.dma_semaphore, #tpu.memory_space<semaphore_mem>>) src(%dma_wait3A_204 : memref<40x128xf32, #tpu.memory_space<hbm>>) dst(%arg16 : memref<40x128xf32, #tpu.memory_space<vmem>>)
        %dma_start3A_205 = arith.constant 0 : i32
        %dma_start3A_206 = arith.constant 0 : i32
        %dma_start3A_207 = tpu.memref_slice %arg22[%dma_start3A_205, %dma_start3A_206] : memref<10000x128xf32, #tpu.memory_space<vmem_shared>> -> memref<10000x128xf32, #tpu.memory_space<vmem_shared>>
        tpu.enqueue_indirect_dma source(%arg16 : memref<40x128xf32, #tpu.memory_space<vmem>>) target(%dma_start3A_207 : memref<10000x128xf32, #tpu.memory_space<vmem_shared>>) offsets(%arg9 : memref<40xi32, #tpu.memory_space<vmem>>) semaphore(%arg31 : memref<!tpu.dma_semaphore, #tpu.memory_space<semaphore_mem>>) {add = true}
        %add3A_208 = arith.constant 7 : i32
        %add3A_209 = arith.addi %scan3A_146, %add3A_208 : i32
        %sub3A = arith.constant 1 : i32
        %sub3A_210 = arith.subi %add3A_209, %sub3A : i32
        %lt3A_211 = arith.constant 250 : i32
        %lt3A_212 = arith.cmpi slt, %sub3A_210, %lt3A_211 : i32
        %convert_element_type3A_213 = arith.extui %lt3A_212 : i1 to i32
        %cond3A_214 = arith.constant 0 : i32
        %cond3A_215 = arith.cmpi ne, %convert_element_type3A_213, %cond3A_214 : i32
        scf.if %cond3A_215 {
          %ge3A = arith.constant 1 : i32
          %ge3A_216 = arith.cmpi sge, %scan3A_146, %ge3A : i32
          %convert_element_type3A_217 = arith.extui %ge3A_216 : i1 to i32
          %cond3A_218 = arith.constant 0 : i32
          %cond3A_219 = arith.cmpi ne, %convert_element_type3A_217, %cond3A_218 : i32
          scf.if %cond3A_219 {
            %dma_wait3A_239 = arith.constant 0 : i32
            %dma_wait3A_240 = arith.constant 0 : i32
            %dma_wait3A_241 = tpu.memref_slice %arg2[%dma_wait3A_239, %dma_wait3A_240] : memref<10000x128xf32, #tpu.memory_space<hbm>> -> memref<40x128xf32, #tpu.memory_space<hbm>>
            %dma_wait3A_242 = arith.constant 0 : i32
            %dma_wait3A_243 = arith.constant 0 : i32
            %dma_wait3A_244 = tpu.memref_slice %arg2[%dma_wait3A_242, %dma_wait3A_243] : memref<10000x128xf32, #tpu.memory_space<hbm>> -> memref<40x128xf32, #tpu.memory_space<hbm>>
            tpu.wait_dma2 semaphore(%arg30 : memref<!tpu.dma_semaphore, #tpu.memory_space<semaphore_mem>>) src(%dma_wait3A_244 : memref<40x128xf32, #tpu.memory_space<hbm>>) dst(%arg15 : memref<40x128xf32, #tpu.memory_space<vmem>>)
          } else {
          }
          %add3A_220 = arith.constant 7 : i32
          %add3A_221 = arith.addi %scan3A_146, %add3A_220 : i32
          %sub3A_222 = arith.constant 1 : i32
          %sub3A_223 = arith.subi %add3A_221, %sub3A_222 : i32
          %mul3A_224 = arith.constant 10000 : i32
          %mul3A_225 = arith.muli %add3A, %mul3A_224 : i32
          %mul3A_226 = arith.constant 40 : i32
          %mul3A_227 = arith.muli %sub3A_223, %mul3A_226 : i32
          %add3A_228 = arith.addi %mul3A_225, %mul3A_227 : i32
          %multiple_of3A_229 = tpu.assume_multiple %add3A_228, 8 : i32
          %dma_start3A_230 = tpu.memref_slice %arg4[%multiple_of3A_229] : memref<320000xi32, #tpu.memory_space<hbm>> -> memref<40xi32, #tpu.memory_space<hbm>>
          %dma_start3A_231 = tpu.memref_slice %arg4[%multiple_of3A_229] : memref<320000xi32, #tpu.memory_space<hbm>> -> memref<40xi32, #tpu.memory_space<hbm>>
          tpu.enqueue_dma source(%dma_start3A_231 : memref<40xi32, #tpu.memory_space<hbm>>) target(%arg8 : memref<40xi32, #tpu.memory_space<vmem>>) target_semaphore(%arg23 : memref<!tpu.dma_semaphore, #tpu.memory_space<semaphore_mem>>)
          %mul3A_232 = arith.constant 40 : i32
          %mul3A_233 = arith.muli %sub3A_223, %mul3A_232 : i32
          %multiple_of3A_234 = tpu.assume_multiple %mul3A_233, 8 : i32
          %dma_start3A_235 = tpu.memref_slice %arg7[%multiple_of3A_234] : memref<10000xi32, #tpu.memory_space<vmem>> -> memref<40xi32, #tpu.memory_space<vmem>>
          %dma_start3A_236 = arith.constant 0 : i32
          %dma_start3A_237 = arith.constant 0 : i32
          %dma_start3A_238 = tpu.memref_slice %arg2[%dma_start3A_236, %dma_start3A_237] : memref<10000x128xf32, #tpu.memory_space<hbm>> -> memref<10000x128xf32, #tpu.memory_space<hbm>>
          tpu.enqueue_indirect_dma source(%dma_start3A_238 : memref<10000x128xf32, #tpu.memory_space<hbm>>) target(%arg15 : memref<40x128xf32, #tpu.memory_space<vmem>>) offsets(%dma_start3A_235 : memref<40xi32, #tpu.memory_space<vmem>>) semaphore(%arg23 : memref<!tpu.dma_semaphore, #tpu.memory_space<semaphore_mem>>)
        } else {
        }
      } else {
      }
      %rem3A_160 = arith.constant 7 : i32
      %rem3A_161 = arith.remsi %scan3A_146, %rem3A_160 : i32
      %eq3A_162 = arith.constant 2 : i32
      %eq3A_163 = arith.cmpi eq, %rem3A_161, %eq3A_162 : i32
      %convert_element_type3A_164 = arith.extui %eq3A_163 : i1 to i32
      %cond3A_165 = arith.constant 0 : i32
      %cond3A_166 = arith.cmpi ne, %convert_element_type3A_164, %cond3A_165 : i32
      scf.if %cond3A_166 {
        %dma_wait3A_195 = arith.constant 0 : i32
        %dma_wait3A_196 = tpu.memref_slice %arg4[%dma_wait3A_195] : memref<320000xi32, #tpu.memory_space<hbm>> -> memref<40xi32, #tpu.memory_space<hbm>>
        %dma_wait3A_197 = arith.constant 0 : i32
        %dma_wait3A_198 = tpu.memref_slice %arg4[%dma_wait3A_197] : memref<320000xi32, #tpu.memory_space<hbm>> -> memref<40xi32, #tpu.memory_space<hbm>>
        tpu.wait_dma2 semaphore(%arg25 : memref<!tpu.dma_semaphore, #tpu.memory_space<semaphore_mem>>) src(%dma_wait3A_198 : memref<40xi32, #tpu.memory_space<hbm>>) dst(%arg10 : memref<40xi32, #tpu.memory_space<vmem>>)
        %dma_wait3A_199 = arith.constant 0 : i32
        %dma_wait3A_200 = arith.constant 0 : i32
        %dma_wait3A_201 = tpu.memref_slice %arg2[%dma_wait3A_199, %dma_wait3A_200] : memref<10000x128xf32, #tpu.memory_space<hbm>> -> memref<40x128xf32, #tpu.memory_space<hbm>>
        %dma_wait3A_202 = arith.constant 0 : i32
        %dma_wait3A_203 = arith.constant 0 : i32
        %dma_wait3A_204 = tpu.memref_slice %arg2[%dma_wait3A_202, %dma_wait3A_203] : memref<10000x128xf32, #tpu.memory_space<hbm>> -> memref<40x128xf32, #tpu.memory_space<hbm>>
        tpu.wait_dma2 semaphore(%arg25 : memref<!tpu.dma_semaphore, #tpu.memory_space<semaphore_mem>>) src(%dma_wait3A_204 : memref<40x128xf32, #tpu.memory_space<hbm>>) dst(%arg17 : memref<40x128xf32, #tpu.memory_space<vmem>>)
        %dma_start3A_205 = arith.constant 0 : i32
        %dma_start3A_206 = arith.constant 0 : i32
        %dma_start3A_207 = tpu.memref_slice %arg22[%dma_start3A_205, %dma_start3A_206] : memref<10000x128xf32, #tpu.memory_space<vmem_shared>> -> memref<10000x128xf32, #tpu.memory_space<vmem_shared>>
        tpu.enqueue_indirect_dma source(%arg17 : memref<40x128xf32, #tpu.memory_space<vmem>>) target(%dma_start3A_207 : memref<10000x128xf32, #tpu.memory_space<vmem_shared>>) offsets(%arg10 : memref<40xi32, #tpu.memory_space<vmem>>) semaphore(%arg32 : memref<!tpu.dma_semaphore, #tpu.memory_space<semaphore_mem>>) {add = true}
        %add3A_208 = arith.constant 7 : i32
        %add3A_209 = arith.addi %scan3A_146, %add3A_208 : i32
        %sub3A = arith.constant 1 : i32
        %sub3A_210 = arith.subi %add3A_209, %sub3A : i32
        %lt3A_211 = arith.constant 250 : i32
        %lt3A_212 = arith.cmpi slt, %sub3A_210, %lt3A_211 : i32
        %convert_element_type3A_213 = arith.extui %lt3A_212 : i1 to i32
        %cond3A_214 = arith.constant 0 : i32
        %cond3A_215 = arith.cmpi ne, %convert_element_type3A_213, %cond3A_214 : i32
        scf.if %cond3A_215 {
          %ge3A = arith.constant 1 : i32
          %ge3A_216 = arith.cmpi sge, %scan3A_146, %ge3A : i32
          %convert_element_type3A_217 = arith.extui %ge3A_216 : i1 to i32
          %cond3A_218 = arith.constant 0 : i32
          %cond3A_219 = arith.cmpi ne, %convert_element_type3A_217, %cond3A_218 : i32
          scf.if %cond3A_219 {
            %dma_wait3A_239 = arith.constant 0 : i32
            %dma_wait3A_240 = arith.constant 0 : i32
            %dma_wait3A_241 = tpu.memref_slice %arg2[%dma_wait3A_239, %dma_wait3A_240] : memref<10000x128xf32, #tpu.memory_space<hbm>> -> memref<40x128xf32, #tpu.memory_space<hbm>>
            %dma_wait3A_242 = arith.constant 0 : i32
            %dma_wait3A_243 = arith.constant 0 : i32
            %dma_wait3A_244 = tpu.memref_slice %arg2[%dma_wait3A_242, %dma_wait3A_243] : memref<10000x128xf32, #tpu.memory_space<hbm>> -> memref<40x128xf32, #tpu.memory_space<hbm>>
            tpu.wait_dma2 semaphore(%arg31 : memref<!tpu.dma_semaphore, #tpu.memory_space<semaphore_mem>>) src(%dma_wait3A_244 : memref<40x128xf32, #tpu.memory_space<hbm>>) dst(%arg16 : memref<40x128xf32, #tpu.memory_space<vmem>>)
          } else {
          }
          %add3A_220 = arith.constant 7 : i32
          %add3A_221 = arith.addi %scan3A_146, %add3A_220 : i32
          %sub3A_222 = arith.constant 1 : i32
          %sub3A_223 = arith.subi %add3A_221, %sub3A_222 : i32
          %mul3A_224 = arith.constant 10000 : i32
          %mul3A_225 = arith.muli %add3A, %mul3A_224 : i32
          %mul3A_226 = arith.constant 40 : i32
          %mul3A_227 = arith.muli %sub3A_223, %mul3A_226 : i32
          %add3A_228 = arith.addi %mul3A_225, %mul3A_227 : i32
          %multiple_of3A_229 = tpu.assume_multiple %add3A_228, 8 : i32
          %dma_start3A_230 = tpu.memref_slice %arg4[%multiple_of3A_229] : memref<320000xi32, #tpu.memory_space<hbm>> -> memref<40xi32, #tpu.memory_space<hbm>>
          %dma_start3A_231 = tpu.memref_slice %arg4[%multiple_of3A_229] : memref<320000xi32, #tpu.memory_space<hbm>> -> memref<40xi32, #tpu.memory_space<hbm>>
          tpu.enqueue_dma source(%dma_start3A_231 : memref<40xi32, #tpu.memory_space<hbm>>) target(%arg9 : memref<40xi32, #tpu.memory_space<vmem>>) target_semaphore(%arg24 : memref<!tpu.dma_semaphore, #tpu.memory_space<semaphore_mem>>)
          %mul3A_232 = arith.constant 40 : i32
          %mul3A_233 = arith.muli %sub3A_223, %mul3A_232 : i32
          %multiple_of3A_234 = tpu.assume_multiple %mul3A_233, 8 : i32
          %dma_start3A_235 = tpu.memref_slice %arg7[%multiple_of3A_234] : memref<10000xi32, #tpu.memory_space<vmem>> -> memref<40xi32, #tpu.memory_space<vmem>>
          %dma_start3A_236 = arith.constant 0 : i32
          %dma_start3A_237 = arith.constant 0 : i32
          %dma_start3A_238 = tpu.memref_slice %arg2[%dma_start3A_236, %dma_start3A_237] : memref<10000x128xf32, #tpu.memory_space<hbm>> -> memref<10000x128xf32, #tpu.memory_space<hbm>>
          tpu.enqueue_indirect_dma source(%dma_start3A_238 : memref<10000x128xf32, #tpu.memory_space<hbm>>) target(%arg16 : memref<40x128xf32, #tpu.memory_space<vmem>>) offsets(%dma_start3A_235 : memref<40xi32, #tpu.memory_space<vmem>>) semaphore(%arg24 : memref<!tpu.dma_semaphore, #tpu.memory_space<semaphore_mem>>)
        } else {
        }
      } else {
      }
      %rem3A_167 = arith.constant 7 : i32
      %rem3A_168 = arith.remsi %scan3A_146, %rem3A_167 : i32
      %eq3A_169 = arith.constant 3 : i32
      %eq3A_170 = arith.cmpi eq, %rem3A_168, %eq3A_169 : i32
      %convert_element_type3A_171 = arith.extui %eq3A_170 : i1 to i32
      %cond3A_172 = arith.constant 0 : i32
      %cond3A_173 = arith.cmpi ne, %convert_element_type3A_171, %cond3A_172 : i32
      scf.if %cond3A_173 {
        %dma_wait3A_195 = arith.constant 0 : i32
        %dma_wait3A_196 = tpu.memref_slice %arg4[%dma_wait3A_195] : memref<320000xi32, #tpu.memory_space<hbm>> -> memref<40xi32, #tpu.memory_space<hbm>>
        %dma_wait3A_197 = arith.constant 0 : i32
        %dma_wait3A_198 = tpu.memref_slice %arg4[%dma_wait3A_197] : memref<320000xi32, #tpu.memory_space<hbm>> -> memref<40xi32, #tpu.memory_space<hbm>>
        tpu.wait_dma2 semaphore(%arg26 : memref<!tpu.dma_semaphore, #tpu.memory_space<semaphore_mem>>) src(%dma_wait3A_198 : memref<40xi32, #tpu.memory_space<hbm>>) dst(%arg11 : memref<40xi32, #tpu.memory_space<vmem>>)
        %dma_wait3A_199 = arith.constant 0 : i32
        %dma_wait3A_200 = arith.constant 0 : i32
        %dma_wait3A_201 = tpu.memref_slice %arg2[%dma_wait3A_199, %dma_wait3A_200] : memref<10000x128xf32, #tpu.memory_space<hbm>> -> memref<40x128xf32, #tpu.memory_space<hbm>>
        %dma_wait3A_202 = arith.constant 0 : i32
        %dma_wait3A_203 = arith.constant 0 : i32
        %dma_wait3A_204 = tpu.memref_slice %arg2[%dma_wait3A_202, %dma_wait3A_203] : memref<10000x128xf32, #tpu.memory_space<hbm>> -> memref<40x128xf32, #tpu.memory_space<hbm>>
        tpu.wait_dma2 semaphore(%arg26 : memref<!tpu.dma_semaphore, #tpu.memory_space<semaphore_mem>>) src(%dma_wait3A_204 : memref<40x128xf32, #tpu.memory_space<hbm>>) dst(%arg18 : memref<40x128xf32, #tpu.memory_space<vmem>>)
        %dma_start3A_205 = arith.constant 0 : i32
        %dma_start3A_206 = arith.constant 0 : i32
        %dma_start3A_207 = tpu.memref_slice %arg22[%dma_start3A_205, %dma_start3A_206] : memref<10000x128xf32, #tpu.memory_space<vmem_shared>> -> memref<10000x128xf32, #tpu.memory_space<vmem_shared>>
        tpu.enqueue_indirect_dma source(%arg18 : memref<40x128xf32, #tpu.memory_space<vmem>>) target(%dma_start3A_207 : memref<10000x128xf32, #tpu.memory_space<vmem_shared>>) offsets(%arg11 : memref<40xi32, #tpu.memory_space<vmem>>) semaphore(%arg33 : memref<!tpu.dma_semaphore, #tpu.memory_space<semaphore_mem>>) {add = true}
        %add3A_208 = arith.constant 7 : i32
        %add3A_209 = arith.addi %scan3A_146, %add3A_208 : i32
        %sub3A = arith.constant 1 : i32
        %sub3A_210 = arith.subi %add3A_209, %sub3A : i32
        %lt3A_211 = arith.constant 250 : i32
        %lt3A_212 = arith.cmpi slt, %sub3A_210, %lt3A_211 : i32
        %convert_element_type3A_213 = arith.extui %lt3A_212 : i1 to i32
        %cond3A_214 = arith.constant 0 : i32
        %cond3A_215 = arith.cmpi ne, %convert_element_type3A_213, %cond3A_214 : i32
        scf.if %cond3A_215 {
          %ge3A = arith.constant 1 : i32
          %ge3A_216 = arith.cmpi sge, %scan3A_146, %ge3A : i32
          %convert_element_type3A_217 = arith.extui %ge3A_216 : i1 to i32
          %cond3A_218 = arith.constant 0 : i32
          %cond3A_219 = arith.cmpi ne, %convert_element_type3A_217, %cond3A_218 : i32
          scf.if %cond3A_219 {
            %dma_wait3A_239 = arith.constant 0 : i32
            %dma_wait3A_240 = arith.constant 0 : i32
            %dma_wait3A_241 = tpu.memref_slice %arg2[%dma_wait3A_239, %dma_wait3A_240] : memref<10000x128xf32, #tpu.memory_space<hbm>> -> memref<40x128xf32, #tpu.memory_space<hbm>>
            %dma_wait3A_242 = arith.constant 0 : i32
            %dma_wait3A_243 = arith.constant 0 : i32
            %dma_wait3A_244 = tpu.memref_slice %arg2[%dma_wait3A_242, %dma_wait3A_243] : memref<10000x128xf32, #tpu.memory_space<hbm>> -> memref<40x128xf32, #tpu.memory_space<hbm>>
            tpu.wait_dma2 semaphore(%arg32 : memref<!tpu.dma_semaphore, #tpu.memory_space<semaphore_mem>>) src(%dma_wait3A_244 : memref<40x128xf32, #tpu.memory_space<hbm>>) dst(%arg17 : memref<40x128xf32, #tpu.memory_space<vmem>>)
          } else {
          }
          %add3A_220 = arith.constant 7 : i32
          %add3A_221 = arith.addi %scan3A_146, %add3A_220 : i32
          %sub3A_222 = arith.constant 1 : i32
          %sub3A_223 = arith.subi %add3A_221, %sub3A_222 : i32
          %mul3A_224 = arith.constant 10000 : i32
          %mul3A_225 = arith.muli %add3A, %mul3A_224 : i32
          %mul3A_226 = arith.constant 40 : i32
          %mul3A_227 = arith.muli %sub3A_223, %mul3A_226 : i32
          %add3A_228 = arith.addi %mul3A_225, %mul3A_227 : i32
          %multiple_of3A_229 = tpu.assume_multiple %add3A_228, 8 : i32
          %dma_start3A_230 = tpu.memref_slice %arg4[%multiple_of3A_229] : memref<320000xi32, #tpu.memory_space<hbm>> -> memref<40xi32, #tpu.memory_space<hbm>>
          %dma_start3A_231 = tpu.memref_slice %arg4[%multiple_of3A_229] : memref<320000xi32, #tpu.memory_space<hbm>> -> memref<40xi32, #tpu.memory_space<hbm>>
          tpu.enqueue_dma source(%dma_start3A_231 : memref<40xi32, #tpu.memory_space<hbm>>) target(%arg10 : memref<40xi32, #tpu.memory_space<vmem>>) target_semaphore(%arg25 : memref<!tpu.dma_semaphore, #tpu.memory_space<semaphore_mem>>)
          %mul3A_232 = arith.constant 40 : i32
          %mul3A_233 = arith.muli %sub3A_223, %mul3A_232 : i32
          %multiple_of3A_234 = tpu.assume_multiple %mul3A_233, 8 : i32
          %dma_start3A_235 = tpu.memref_slice %arg7[%multiple_of3A_234] : memref<10000xi32, #tpu.memory_space<vmem>> -> memref<40xi32, #tpu.memory_space<vmem>>
          %dma_start3A_236 = arith.constant 0 : i32
          %dma_start3A_237 = arith.constant 0 : i32
          %dma_start3A_238 = tpu.memref_slice %arg2[%dma_start3A_236, %dma_start3A_237] : memref<10000x128xf32, #tpu.memory_space<hbm>> -> memref<10000x128xf32, #tpu.memory_space<hbm>>
          tpu.enqueue_indirect_dma source(%dma_start3A_238 : memref<10000x128xf32, #tpu.memory_space<hbm>>) target(%arg17 : memref<40x128xf32, #tpu.memory_space<vmem>>) offsets(%dma_start3A_235 : memref<40xi32, #tpu.memory_space<vmem>>) semaphore(%arg25 : memref<!tpu.dma_semaphore, #tpu.memory_space<semaphore_mem>>)
        } else {
        }
      } else {
      }
      %rem3A_174 = arith.constant 7 : i32
      %rem3A_175 = arith.remsi %scan3A_146, %rem3A_174 : i32
      %eq3A_176 = arith.constant 4 : i32
      %eq3A_177 = arith.cmpi eq, %rem3A_175, %eq3A_176 : i32
      %convert_element_type3A_178 = arith.extui %eq3A_177 : i1 to i32
      %cond3A_179 = arith.constant 0 : i32
      %cond3A_180 = arith.cmpi ne, %convert_element_type3A_178, %cond3A_179 : i32
      scf.if %cond3A_180 {
        %dma_wait3A_195 = arith.constant 0 : i32
        %dma_wait3A_196 = tpu.memref_slice %arg4[%dma_wait3A_195] : memref<320000xi32, #tpu.memory_space<hbm>> -> memref<40xi32, #tpu.memory_space<hbm>>
        %dma_wait3A_197 = arith.constant 0 : i32
        %dma_wait3A_198 = tpu.memref_slice %arg4[%dma_wait3A_197] : memref<320000xi32, #tpu.memory_space<hbm>> -> memref<40xi32, #tpu.memory_space<hbm>>
        tpu.wait_dma2 semaphore(%arg27 : memref<!tpu.dma_semaphore, #tpu.memory_space<semaphore_mem>>) src(%dma_wait3A_198 : memref<40xi32, #tpu.memory_space<hbm>>) dst(%arg12 : memref<40xi32, #tpu.memory_space<vmem>>)
        %dma_wait3A_199 = arith.constant 0 : i32
        %dma_wait3A_200 = arith.constant 0 : i32
        %dma_wait3A_201 = tpu.memref_slice %arg2[%dma_wait3A_199, %dma_wait3A_200] : memref<10000x128xf32, #tpu.memory_space<hbm>> -> memref<40x128xf32, #tpu.memory_space<hbm>>
        %dma_wait3A_202 = arith.constant 0 : i32
        %dma_wait3A_203 = arith.constant 0 : i32
        %dma_wait3A_204 = tpu.memref_slice %arg2[%dma_wait3A_202, %dma_wait3A_203] : memref<10000x128xf32, #tpu.memory_space<hbm>> -> memref<40x128xf32, #tpu.memory_space<hbm>>
        tpu.wait_dma2 semaphore(%arg27 : memref<!tpu.dma_semaphore, #tpu.memory_space<semaphore_mem>>) src(%dma_wait3A_204 : memref<40x128xf32, #tpu.memory_space<hbm>>) dst(%arg19 : memref<40x128xf32, #tpu.memory_space<vmem>>)
        %dma_start3A_205 = arith.constant 0 : i32
        %dma_start3A_206 = arith.constant 0 : i32
        %dma_start3A_207 = tpu.memref_slice %arg22[%dma_start3A_205, %dma_start3A_206] : memref<10000x128xf32, #tpu.memory_space<vmem_shared>> -> memref<10000x128xf32, #tpu.memory_space<vmem_shared>>
        tpu.enqueue_indirect_dma source(%arg19 : memref<40x128xf32, #tpu.memory_space<vmem>>) target(%dma_start3A_207 : memref<10000x128xf32, #tpu.memory_space<vmem_shared>>) offsets(%arg12 : memref<40xi32, #tpu.memory_space<vmem>>) semaphore(%arg34 : memref<!tpu.dma_semaphore, #tpu.memory_space<semaphore_mem>>) {add = true}
        %add3A_208 = arith.constant 7 : i32
        %add3A_209 = arith.addi %scan3A_146, %add3A_208 : i32
        %sub3A = arith.constant 1 : i32
        %sub3A_210 = arith.subi %add3A_209, %sub3A : i32
        %lt3A_211 = arith.constant 250 : i32
        %lt3A_212 = arith.cmpi slt, %sub3A_210, %lt3A_211 : i32
        %convert_element_type3A_213 = arith.extui %lt3A_212 : i1 to i32
        %cond3A_214 = arith.constant 0 : i32
        %cond3A_215 = arith.cmpi ne, %convert_element_type3A_213, %cond3A_214 : i32
        scf.if %cond3A_215 {
          %ge3A = arith.constant 1 : i32
          %ge3A_216 = arith.cmpi sge, %scan3A_146, %ge3A : i32
          %convert_element_type3A_217 = arith.extui %ge3A_216 : i1 to i32
          %cond3A_218 = arith.constant 0 : i32
          %cond3A_219 = arith.cmpi ne, %convert_element_type3A_217, %cond3A_218 : i32
          scf.if %cond3A_219 {
            %dma_wait3A_239 = arith.constant 0 : i32
            %dma_wait3A_240 = arith.constant 0 : i32
            %dma_wait3A_241 = tpu.memref_slice %arg2[%dma_wait3A_239, %dma_wait3A_240] : memref<10000x128xf32, #tpu.memory_space<hbm>> -> memref<40x128xf32, #tpu.memory_space<hbm>>
            %dma_wait3A_242 = arith.constant 0 : i32
            %dma_wait3A_243 = arith.constant 0 : i32
            %dma_wait3A_244 = tpu.memref_slice %arg2[%dma_wait3A_242, %dma_wait3A_243] : memref<10000x128xf32, #tpu.memory_space<hbm>> -> memref<40x128xf32, #tpu.memory_space<hbm>>
            tpu.wait_dma2 semaphore(%arg33 : memref<!tpu.dma_semaphore, #tpu.memory_space<semaphore_mem>>) src(%dma_wait3A_244 : memref<40x128xf32, #tpu.memory_space<hbm>>) dst(%arg18 : memref<40x128xf32, #tpu.memory_space<vmem>>)
          } else {
          }
          %add3A_220 = arith.constant 7 : i32
          %add3A_221 = arith.addi %scan3A_146, %add3A_220 : i32
          %sub3A_222 = arith.constant 1 : i32
          %sub3A_223 = arith.subi %add3A_221, %sub3A_222 : i32
          %mul3A_224 = arith.constant 10000 : i32
          %mul3A_225 = arith.muli %add3A, %mul3A_224 : i32
          %mul3A_226 = arith.constant 40 : i32
          %mul3A_227 = arith.muli %sub3A_223, %mul3A_226 : i32
          %add3A_228 = arith.addi %mul3A_225, %mul3A_227 : i32
          %multiple_of3A_229 = tpu.assume_multiple %add3A_228, 8 : i32
          %dma_start3A_230 = tpu.memref_slice %arg4[%multiple_of3A_229] : memref<320000xi32, #tpu.memory_space<hbm>> -> memref<40xi32, #tpu.memory_space<hbm>>
          %dma_start3A_231 = tpu.memref_slice %arg4[%multiple_of3A_229] : memref<320000xi32, #tpu.memory_space<hbm>> -> memref<40xi32, #tpu.memory_space<hbm>>
          tpu.enqueue_dma source(%dma_start3A_231 : memref<40xi32, #tpu.memory_space<hbm>>) target(%arg11 : memref<40xi32, #tpu.memory_space<vmem>>) target_semaphore(%arg26 : memref<!tpu.dma_semaphore, #tpu.memory_space<semaphore_mem>>)
          %mul3A_232 = arith.constant 40 : i32
          %mul3A_233 = arith.muli %sub3A_223, %mul3A_232 : i32
          %multiple_of3A_234 = tpu.assume_multiple %mul3A_233, 8 : i32
          %dma_start3A_235 = tpu.memref_slice %arg7[%multiple_of3A_234] : memref<10000xi32, #tpu.memory_space<vmem>> -> memref<40xi32, #tpu.memory_space<vmem>>
          %dma_start3A_236 = arith.constant 0 : i32
          %dma_start3A_237 = arith.constant 0 : i32
          %dma_start3A_238 = tpu.memref_slice %arg2[%dma_start3A_236, %dma_start3A_237] : memref<10000x128xf32, #tpu.memory_space<hbm>> -> memref<10000x128xf32, #tpu.memory_space<hbm>>
          tpu.enqueue_indirect_dma source(%dma_start3A_238 : memref<10000x128xf32, #tpu.memory_space<hbm>>) target(%arg18 : memref<40x128xf32, #tpu.memory_space<vmem>>) offsets(%dma_start3A_235 : memref<40xi32, #tpu.memory_space<vmem>>) semaphore(%arg26 : memref<!tpu.dma_semaphore, #tpu.memory_space<semaphore_mem>>)
        } else {
        }
      } else {
      }
      %rem3A_181 = arith.constant 7 : i32
      %rem3A_182 = arith.remsi %scan3A_146, %rem3A_181 : i32
      %eq3A_183 = arith.constant 5 : i32
      %eq3A_184 = arith.cmpi eq, %rem3A_182, %eq3A_183 : i32
      %convert_element_type3A_185 = arith.extui %eq3A_184 : i1 to i32
      %cond3A_186 = arith.constant 0 : i32
      %cond3A_187 = arith.cmpi ne, %convert_element_type3A_185, %cond3A_186 : i32
      scf.if %cond3A_187 {
        %dma_wait3A_195 = arith.constant 0 : i32
        %dma_wait3A_196 = tpu.memref_slice %arg4[%dma_wait3A_195] : memref<320000xi32, #tpu.memory_space<hbm>> -> memref<40xi32, #tpu.memory_space<hbm>>
        %dma_wait3A_197 = arith.constant 0 : i32
        %dma_wait3A_198 = tpu.memref_slice %arg4[%dma_wait3A_197] : memref<320000xi32, #tpu.memory_space<hbm>> -> memref<40xi32, #tpu.memory_space<hbm>>
        tpu.wait_dma2 semaphore(%arg28 : memref<!tpu.dma_semaphore, #tpu.memory_space<semaphore_mem>>) src(%dma_wait3A_198 : memref<40xi32, #tpu.memory_space<hbm>>) dst(%arg13 : memref<40xi32, #tpu.memory_space<vmem>>)
        %dma_wait3A_199 = arith.constant 0 : i32
        %dma_wait3A_200 = arith.constant 0 : i32
        %dma_wait3A_201 = tpu.memref_slice %arg2[%dma_wait3A_199, %dma_wait3A_200] : memref<10000x128xf32, #tpu.memory_space<hbm>> -> memref<40x128xf32, #tpu.memory_space<hbm>>
        %dma_wait3A_202 = arith.constant 0 : i32
        %dma_wait3A_203 = arith.constant 0 : i32
        %dma_wait3A_204 = tpu.memref_slice %arg2[%dma_wait3A_202, %dma_wait3A_203] : memref<10000x128xf32, #tpu.memory_space<hbm>> -> memref<40x128xf32, #tpu.memory_space<hbm>>
        tpu.wait_dma2 semaphore(%arg28 : memref<!tpu.dma_semaphore, #tpu.memory_space<semaphore_mem>>) src(%dma_wait3A_204 : memref<40x128xf32, #tpu.memory_space<hbm>>) dst(%arg20 : memref<40x128xf32, #tpu.memory_space<vmem>>)
        %dma_start3A_205 = arith.constant 0 : i32
        %dma_start3A_206 = arith.constant 0 : i32
        %dma_start3A_207 = tpu.memref_slice %arg22[%dma_start3A_205, %dma_start3A_206] : memref<10000x128xf32, #tpu.memory_space<vmem_shared>> -> memref<10000x128xf32, #tpu.memory_space<vmem_shared>>
        tpu.enqueue_indirect_dma source(%arg20 : memref<40x128xf32, #tpu.memory_space<vmem>>) target(%dma_start3A_207 : memref<10000x128xf32, #tpu.memory_space<vmem_shared>>) offsets(%arg13 : memref<40xi32, #tpu.memory_space<vmem>>) semaphore(%arg35 : memref<!tpu.dma_semaphore, #tpu.memory_space<semaphore_mem>>) {add = true}
        %add3A_208 = arith.constant 7 : i32
        %add3A_209 = arith.addi %scan3A_146, %add3A_208 : i32
        %sub3A = arith.constant 1 : i32
        %sub3A_210 = arith.subi %add3A_209, %sub3A : i32
        %lt3A_211 = arith.constant 250 : i32
        %lt3A_212 = arith.cmpi slt, %sub3A_210, %lt3A_211 : i32
        %convert_element_type3A_213 = arith.extui %lt3A_212 : i1 to i32
        %cond3A_214 = arith.constant 0 : i32
        %cond3A_215 = arith.cmpi ne, %convert_element_type3A_213, %cond3A_214 : i32
        scf.if %cond3A_215 {
          %ge3A = arith.constant 1 : i32
          %ge3A_216 = arith.cmpi sge, %scan3A_146, %ge3A : i32
          %convert_element_type3A_217 = arith.extui %ge3A_216 : i1 to i32
          %cond3A_218 = arith.constant 0 : i32
          %cond3A_219 = arith.cmpi ne, %convert_element_type3A_217, %cond3A_218 : i32
          scf.if %cond3A_219 {
            %dma_wait3A_239 = arith.constant 0 : i32
            %dma_wait3A_240 = arith.constant 0 : i32
            %dma_wait3A_241 = tpu.memref_slice %arg2[%dma_wait3A_239, %dma_wait3A_240] : memref<10000x128xf32, #tpu.memory_space<hbm>> -> memref<40x128xf32, #tpu.memory_space<hbm>>
            %dma_wait3A_242 = arith.constant 0 : i32
            %dma_wait3A_243 = arith.constant 0 : i32
            %dma_wait3A_244 = tpu.memref_slice %arg2[%dma_wait3A_242, %dma_wait3A_243] : memref<10000x128xf32, #tpu.memory_space<hbm>> -> memref<40x128xf32, #tpu.memory_space<hbm>>
            tpu.wait_dma2 semaphore(%arg34 : memref<!tpu.dma_semaphore, #tpu.memory_space<semaphore_mem>>) src(%dma_wait3A_244 : memref<40x128xf32, #tpu.memory_space<hbm>>) dst(%arg19 : memref<40x128xf32, #tpu.memory_space<vmem>>)
          } else {
          }
          %add3A_220 = arith.constant 7 : i32
          %add3A_221 = arith.addi %scan3A_146, %add3A_220 : i32
          %sub3A_222 = arith.constant 1 : i32
          %sub3A_223 = arith.subi %add3A_221, %sub3A_222 : i32
          %mul3A_224 = arith.constant 10000 : i32
          %mul3A_225 = arith.muli %add3A, %mul3A_224 : i32
          %mul3A_226 = arith.constant 40 : i32
          %mul3A_227 = arith.muli %sub3A_223, %mul3A_226 : i32
          %add3A_228 = arith.addi %mul3A_225, %mul3A_227 : i32
          %multiple_of3A_229 = tpu.assume_multiple %add3A_228, 8 : i32
          %dma_start3A_230 = tpu.memref_slice %arg4[%multiple_of3A_229] : memref<320000xi32, #tpu.memory_space<hbm>> -> memref<40xi32, #tpu.memory_space<hbm>>
          %dma_start3A_231 = tpu.memref_slice %arg4[%multiple_of3A_229] : memref<320000xi32, #tpu.memory_space<hbm>> -> memref<40xi32, #tpu.memory_space<hbm>>
          tpu.enqueue_dma source(%dma_start3A_231 : memref<40xi32, #tpu.memory_space<hbm>>) target(%arg12 : memref<40xi32, #tpu.memory_space<vmem>>) target_semaphore(%arg27 : memref<!tpu.dma_semaphore, #tpu.memory_space<semaphore_mem>>)
          %mul3A_232 = arith.constant 40 : i32
          %mul3A_233 = arith.muli %sub3A_223, %mul3A_232 : i32
          %multiple_of3A_234 = tpu.assume_multiple %mul3A_233, 8 : i32
          %dma_start3A_235 = tpu.memref_slice %arg7[%multiple_of3A_234] : memref<10000xi32, #tpu.memory_space<vmem>> -> memref<40xi32, #tpu.memory_space<vmem>>
          %dma_start3A_236 = arith.constant 0 : i32
          %dma_start3A_237 = arith.constant 0 : i32
          %dma_start3A_238 = tpu.memref_slice %arg2[%dma_start3A_236, %dma_start3A_237] : memref<10000x128xf32, #tpu.memory_space<hbm>> -> memref<10000x128xf32, #tpu.memory_space<hbm>>
          tpu.enqueue_indirect_dma source(%dma_start3A_238 : memref<10000x128xf32, #tpu.memory_space<hbm>>) target(%arg19 : memref<40x128xf32, #tpu.memory_space<vmem>>) offsets(%dma_start3A_235 : memref<40xi32, #tpu.memory_space<vmem>>) semaphore(%arg27 : memref<!tpu.dma_semaphore, #tpu.memory_space<semaphore_mem>>)
        } else {
        }
      } else {
      }
      %rem3A_188 = arith.constant 7 : i32
      %rem3A_189 = arith.remsi %scan3A_146, %rem3A_188 : i32
      %eq3A_190 = arith.constant 6 : i32
      %eq3A_191 = arith.cmpi eq, %rem3A_189, %eq3A_190 : i32
      %convert_element_type3A_192 = arith.extui %eq3A_191 : i1 to i32
      %cond3A_193 = arith.constant 0 : i32
      %cond3A_194 = arith.cmpi ne, %convert_element_type3A_192, %cond3A_193 : i32
      scf.if %cond3A_194 {
        %dma_wait3A_195 = arith.constant 0 : i32
        %dma_wait3A_196 = tpu.memref_slice %arg4[%dma_wait3A_195] : memref<320000xi32, #tpu.memory_space<hbm>> -> memref<40xi32, #tpu.memory_space<hbm>>
        %dma_wait3A_197 = arith.constant 0 : i32
        %dma_wait3A_198 = tpu.memref_slice %arg4[%dma_wait3A_197] : memref<320000xi32, #tpu.memory_space<hbm>> -> memref<40xi32, #tpu.memory_space<hbm>>
        tpu.wait_dma2 semaphore(%arg29 : memref<!tpu.dma_semaphore, #tpu.memory_space<semaphore_mem>>) src(%dma_wait3A_198 : memref<40xi32, #tpu.memory_space<hbm>>) dst(%arg14 : memref<40xi32, #tpu.memory_space<vmem>>)
        %dma_wait3A_199 = arith.constant 0 : i32
        %dma_wait3A_200 = arith.constant 0 : i32
        %dma_wait3A_201 = tpu.memref_slice %arg2[%dma_wait3A_199, %dma_wait3A_200] : memref<10000x128xf32, #tpu.memory_space<hbm>> -> memref<40x128xf32, #tpu.memory_space<hbm>>
        %dma_wait3A_202 = arith.constant 0 : i32
        %dma_wait3A_203 = arith.constant 0 : i32
        %dma_wait3A_204 = tpu.memref_slice %arg2[%dma_wait3A_202, %dma_wait3A_203] : memref<10000x128xf32, #tpu.memory_space<hbm>> -> memref<40x128xf32, #tpu.memory_space<hbm>>
        tpu.wait_dma2 semaphore(%arg29 : memref<!tpu.dma_semaphore, #tpu.memory_space<semaphore_mem>>) src(%dma_wait3A_204 : memref<40x128xf32, #tpu.memory_space<hbm>>) dst(%arg21 : memref<40x128xf32, #tpu.memory_space<vmem>>)
        %dma_start3A_205 = arith.constant 0 : i32
        %dma_start3A_206 = arith.constant 0 : i32
        %dma_start3A_207 = tpu.memref_slice %arg22[%dma_start3A_205, %dma_start3A_206] : memref<10000x128xf32, #tpu.memory_space<vmem_shared>> -> memref<10000x128xf32, #tpu.memory_space<vmem_shared>>
        tpu.enqueue_indirect_dma source(%arg21 : memref<40x128xf32, #tpu.memory_space<vmem>>) target(%dma_start3A_207 : memref<10000x128xf32, #tpu.memory_space<vmem_shared>>) offsets(%arg14 : memref<40xi32, #tpu.memory_space<vmem>>) semaphore(%arg36 : memref<!tpu.dma_semaphore, #tpu.memory_space<semaphore_mem>>) {add = true}
        %add3A_208 = arith.constant 7 : i32
        %add3A_209 = arith.addi %scan3A_146, %add3A_208 : i32
        %sub3A = arith.constant 1 : i32
        %sub3A_210 = arith.subi %add3A_209, %sub3A : i32
        %lt3A_211 = arith.constant 250 : i32
        %lt3A_212 = arith.cmpi slt, %sub3A_210, %lt3A_211 : i32
        %convert_element_type3A_213 = arith.extui %lt3A_212 : i1 to i32
        %cond3A_214 = arith.constant 0 : i32
        %cond3A_215 = arith.cmpi ne, %convert_element_type3A_213, %cond3A_214 : i32
        scf.if %cond3A_215 {
          %ge3A = arith.constant 1 : i32
          %ge3A_216 = arith.cmpi sge, %scan3A_146, %ge3A : i32
          %convert_element_type3A_217 = arith.extui %ge3A_216 : i1 to i32
          %cond3A_218 = arith.constant 0 : i32
          %cond3A_219 = arith.cmpi ne, %convert_element_type3A_217, %cond3A_218 : i32
          scf.if %cond3A_219 {
            %dma_wait3A_239 = arith.constant 0 : i32
            %dma_wait3A_240 = arith.constant 0 : i32
            %dma_wait3A_241 = tpu.memref_slice %arg2[%dma_wait3A_239, %dma_wait3A_240] : memref<10000x128xf32, #tpu.memory_space<hbm>> -> memref<40x128xf32, #tpu.memory_space<hbm>>
            %dma_wait3A_242 = arith.constant 0 : i32
            %dma_wait3A_243 = arith.constant 0 : i32
            %dma_wait3A_244 = tpu.memref_slice %arg2[%dma_wait3A_242, %dma_wait3A_243] : memref<10000x128xf32, #tpu.memory_space<hbm>> -> memref<40x128xf32, #tpu.memory_space<hbm>>
            tpu.wait_dma2 semaphore(%arg35 : memref<!tpu.dma_semaphore, #tpu.memory_space<semaphore_mem>>) src(%dma_wait3A_244 : memref<40x128xf32, #tpu.memory_space<hbm>>) dst(%arg20 : memref<40x128xf32, #tpu.memory_space<vmem>>)
          } else {
          }
          %add3A_220 = arith.constant 7 : i32
          %add3A_221 = arith.addi %scan3A_146, %add3A_220 : i32
          %sub3A_222 = arith.constant 1 : i32
          %sub3A_223 = arith.subi %add3A_221, %sub3A_222 : i32
          %mul3A_224 = arith.constant 10000 : i32
          %mul3A_225 = arith.muli %add3A, %mul3A_224 : i32
          %mul3A_226 = arith.constant 40 : i32
          %mul3A_227 = arith.muli %sub3A_223, %mul3A_226 : i32
          %add3A_228 = arith.addi %mul3A_225, %mul3A_227 : i32
          %multiple_of3A_229 = tpu.assume_multiple %add3A_228, 8 : i32
          %dma_start3A_230 = tpu.memref_slice %arg4[%multiple_of3A_229] : memref<320000xi32, #tpu.memory_space<hbm>> -> memref<40xi32, #tpu.memory_space<hbm>>
          %dma_start3A_231 = tpu.memref_slice %arg4[%multiple_of3A_229] : memref<320000xi32, #tpu.memory_space<hbm>> -> memref<40xi32, #tpu.memory_space<hbm>>
          tpu.enqueue_dma source(%dma_start3A_231 : memref<40xi32, #tpu.memory_space<hbm>>) target(%arg13 : memref<40xi32, #tpu.memory_space<vmem>>) target_semaphore(%arg28 : memref<!tpu.dma_semaphore, #tpu.memory_space<semaphore_mem>>)
          %mul3A_232 = arith.constant 40 : i32
          %mul3A_233 = arith.muli %sub3A_223, %mul3A_232 : i32
          %multiple_of3A_234 = tpu.assume_multiple %mul3A_233, 8 : i32
          %dma_start3A_235 = tpu.memref_slice %arg7[%multiple_of3A_234] : memref<10000xi32, #tpu.memory_space<vmem>> -> memref<40xi32, #tpu.memory_space<vmem>>
          %dma_start3A_236 = arith.constant 0 : i32
          %dma_start3A_237 = arith.constant 0 : i32
          %dma_start3A_238 = tpu.memref_slice %arg2[%dma_start3A_236, %dma_start3A_237] : memref<10000x128xf32, #tpu.memory_space<hbm>> -> memref<10000x128xf32, #tpu.memory_space<hbm>>
          tpu.enqueue_indirect_dma source(%dma_start3A_238 : memref<10000x128xf32, #tpu.memory_space<hbm>>) target(%arg20 : memref<40x128xf32, #tpu.memory_space<vmem>>) offsets(%dma_start3A_235 : memref<40xi32, #tpu.memory_space<vmem>>) semaphore(%arg28 : memref<!tpu.dma_semaphore, #tpu.memory_space<semaphore_mem>>)
        } else {
        }
      } else {
      }
    }
    %scan3A_93 = arith.constant 250 : i32
    %dma_wait3A = arith.constant 0 : i32
    %dma_wait3A_94 = arith.constant 0 : i32
    %dma_wait3A_95 = tpu.memref_slice %arg2[%dma_wait3A, %dma_wait3A_94] : memref<10000x128xf32, #tpu.memory_space<hbm>> -> memref<40x128xf32, #tpu.memory_space<hbm>>
    %dma_wait3A_96 = arith.constant 0 : i32
    %dma_wait3A_97 = arith.constant 0 : i32
    %dma_wait3A_98 = tpu.memref_slice %arg2[%dma_wait3A_96, %dma_wait3A_97] : memref<10000x128xf32, #tpu.memory_space<hbm>> -> memref<40x128xf32, #tpu.memory_space<hbm>>
    tpu.wait_dma2 semaphore(%arg30 : memref<!tpu.dma_semaphore, #tpu.memory_space<semaphore_mem>>) src(%dma_wait3A_98 : memref<40x128xf32, #tpu.memory_space<hbm>>) dst(%arg15 : memref<40x128xf32, #tpu.memory_space<vmem>>)
    %dma_wait3A_99 = arith.constant 0 : i32
    %dma_wait3A_100 = arith.constant 0 : i32
    %dma_wait3A_101 = tpu.memref_slice %arg2[%dma_wait3A_99, %dma_wait3A_100] : memref<10000x128xf32, #tpu.memory_space<hbm>> -> memref<40x128xf32, #tpu.memory_space<hbm>>
    %dma_wait3A_102 = arith.constant 0 : i32
    %dma_wait3A_103 = arith.constant 0 : i32
    %dma_wait3A_104 = tpu.memref_slice %arg2[%dma_wait3A_102, %dma_wait3A_103] : memref<10000x128xf32, #tpu.memory_space<hbm>> -> memref<40x128xf32, #tpu.memory_space<hbm>>
    tpu.wait_dma2 semaphore(%arg31 : memref<!tpu.dma_semaphore, #tpu.memory_space<semaphore_mem>>) src(%dma_wait3A_104 : memref<40x128xf32, #tpu.memory_space<hbm>>) dst(%arg16 : memref<40x128xf32, #tpu.memory_space<vmem>>)
    %dma_wait3A_105 = arith.constant 0 : i32
    %dma_wait3A_106 = arith.constant 0 : i32
    %dma_wait3A_107 = tpu.memref_slice %arg2[%dma_wait3A_105, %dma_wait3A_106] : memref<10000x128xf32, #tpu.memory_space<hbm>> -> memref<40x128xf32, #tpu.memory_space<hbm>>
    %dma_wait3A_108 = arith.constant 0 : i32
    %dma_wait3A_109 = arith.constant 0 : i32
    %dma_wait3A_110 = tpu.memref_slice %arg2[%dma_wait3A_108, %dma_wait3A_109] : memref<10000x128xf32, #tpu.memory_space<hbm>> -> memref<40x128xf32, #tpu.memory_space<hbm>>
    tpu.wait_dma2 semaphore(%arg32 : memref<!tpu.dma_semaphore, #tpu.memory_space<semaphore_mem>>) src(%dma_wait3A_110 : memref<40x128xf32, #tpu.memory_space<hbm>>) dst(%arg17 : memref<40x128xf32, #tpu.memory_space<vmem>>)
    %dma_wait3A_111 = arith.constant 0 : i32
    %dma_wait3A_112 = arith.constant 0 : i32
    %dma_wait3A_113 = tpu.memref_slice %arg2[%dma_wait3A_111, %dma_wait3A_112] : memref<10000x128xf32, #tpu.memory_space<hbm>> -> memref<40x128xf32, #tpu.memory_space<hbm>>
    %dma_wait3A_114 = arith.constant 0 : i32
    %dma_wait3A_115 = arith.constant 0 : i32
    %dma_wait3A_116 = tpu.memref_slice %arg2[%dma_wait3A_114, %dma_wait3A_115] : memref<10000x128xf32, #tpu.memory_space<hbm>> -> memref<40x128xf32, #tpu.memory_space<hbm>>
    tpu.wait_dma2 semaphore(%arg33 : memref<!tpu.dma_semaphore, #tpu.memory_space<semaphore_mem>>) src(%dma_wait3A_116 : memref<40x128xf32, #tpu.memory_space<hbm>>) dst(%arg18 : memref<40x128xf32, #tpu.memory_space<vmem>>)
    %dma_wait3A_117 = arith.constant 0 : i32
    %dma_wait3A_118 = arith.constant 0 : i32
    %dma_wait3A_119 = tpu.memref_slice %arg2[%dma_wait3A_117, %dma_wait3A_118] : memref<10000x128xf32, #tpu.memory_space<hbm>> -> memref<40x128xf32, #tpu.memory_space<hbm>>
    %dma_wait3A_120 = arith.constant 0 : i32
    %dma_wait3A_121 = arith.constant 0 : i32
    %dma_wait3A_122 = tpu.memref_slice %arg2[%dma_wait3A_120, %dma_wait3A_121] : memref<10000x128xf32, #tpu.memory_space<hbm>> -> memref<40x128xf32, #tpu.memory_space<hbm>>
    tpu.wait_dma2 semaphore(%arg34 : memref<!tpu.dma_semaphore, #tpu.memory_space<semaphore_mem>>) src(%dma_wait3A_122 : memref<40x128xf32, #tpu.memory_space<hbm>>) dst(%arg19 : memref<40x128xf32, #tpu.memory_space<vmem>>)
    %dma_wait3A_123 = arith.constant 0 : i32
    %dma_wait3A_124 = arith.constant 0 : i32
    %dma_wait3A_125 = tpu.memref_slice %arg2[%dma_wait3A_123, %dma_wait3A_124] : memref<10000x128xf32, #tpu.memory_space<hbm>> -> memref<40x128xf32, #tpu.memory_space<hbm>>
    %dma_wait3A_126 = arith.constant 0 : i32
    %dma_wait3A_127 = arith.constant 0 : i32
    %dma_wait3A_128 = tpu.memref_slice %arg2[%dma_wait3A_126, %dma_wait3A_127] : memref<10000x128xf32, #tpu.memory_space<hbm>> -> memref<40x128xf32, #tpu.memory_space<hbm>>
    tpu.wait_dma2 semaphore(%arg35 : memref<!tpu.dma_semaphore, #tpu.memory_space<semaphore_mem>>) src(%dma_wait3A_128 : memref<40x128xf32, #tpu.memory_space<hbm>>) dst(%arg20 : memref<40x128xf32, #tpu.memory_space<vmem>>)
    %dma_wait3A_129 = arith.constant 0 : i32
    %dma_wait3A_130 = arith.constant 0 : i32
    %dma_wait3A_131 = tpu.memref_slice %arg2[%dma_wait3A_129, %dma_wait3A_130] : memref<10000x128xf32, #tpu.memory_space<hbm>> -> memref<40x128xf32, #tpu.memory_space<hbm>>
    %dma_wait3A_132 = arith.constant 0 : i32
    %dma_wait3A_133 = arith.constant 0 : i32
    %dma_wait3A_134 = tpu.memref_slice %arg2[%dma_wait3A_132, %dma_wait3A_133] : memref<10000x128xf32, #tpu.memory_space<hbm>> -> memref<40x128xf32, #tpu.memory_space<hbm>>
    tpu.wait_dma2 semaphore(%arg36 : memref<!tpu.dma_semaphore, #tpu.memory_space<semaphore_mem>>) src(%dma_wait3A_134 : memref<40x128xf32, #tpu.memory_space<hbm>>) dst(%arg21 : memref<40x128xf32, #tpu.memory_space<vmem>>)
    %barrier3A_135 = arith.constant 0 : index
    tpu.barrier barrier_id(%barrier3A_135)
    %lt3A_136 = arith.constant 15 : i32
    %lt3A_137 = arith.cmpi slt, %arg1, %lt3A_136 : i32
    %convert_element_type3A_138 = arith.extui %lt3A_137 : i1 to i32
    %cond3A_139 = arith.constant 0 : i32
    %cond3A_140 = arith.cmpi ne, %convert_element_type3A_138, %cond3A_139 : i32
    scf.if %cond3A_140 {
      "tpu.region"() ({
        %run_scoped3A = tpu.sem_alloc : memref<!tpu.dma_semaphore, #tpu.memory_space<semaphore_mem>>
        %dma_start3A_146 = arith.constant 0 : i32
        %dma_start3A_147 = tpu.memref_slice %arg6[%arg0, %multiple_of3A_5, %dma_start3A_146] : memref<2x10000x128xf32, #tpu.memory_space<hbm>> -> memref<1x624x128xf32, #tpu.memory_space<hbm>>
        %dma_start3A_148 = tpu.memref_squeeze %dma_start3A_147 : memref<1x624x128xf32, #tpu.memory_space<hbm>> -> memref<624x128xf32, #tpu.memory_space<hbm>>
        %dma_start3A_149 = arith.constant 0 : i32
        %dma_start3A_150 = tpu.memref_slice %arg22[%multiple_of3A_5, %dma_start3A_149] : memref<10000x128xf32, #tpu.memory_space<vmem_shared>> -> memref<624x128xf32, #tpu.memory_space<vmem_shared>>
        tpu.enqueue_dma source(%dma_start3A_150 : memref<624x128xf32, #tpu.memory_space<vmem_shared>>) target(%dma_start3A_148 : memref<624x128xf32, #tpu.memory_space<hbm>>) target_semaphore(%run_scoped3A : memref<!tpu.dma_semaphore, #tpu.memory_space<semaphore_mem>>)
        %dma_wait3A_151 = arith.constant 0 : i32
        %dma_wait3A_152 = tpu.memref_slice %arg6[%arg0, %multiple_of3A_5, %dma_wait3A_151] : memref<2x10000x128xf32, #tpu.memory_space<hbm>> -> memref<1x624x128xf32, #tpu.memory_space<hbm>>
        %dma_wait3A_153 = tpu.memref_squeeze %dma_wait3A_152 : memref<1x624x128xf32, #tpu.memory_space<hbm>> -> memref<624x128xf32, #tpu.memory_space<hbm>>
        %dma_wait3A_154 = arith.constant 0 : i32
        %dma_wait3A_155 = tpu.memref_slice %arg22[%multiple_of3A_5, %dma_wait3A_154] : memref<10000x128xf32, #tpu.memory_space<vmem_shared>> -> memref<624x128xf32, #tpu.memory_space<vmem_shared>>
        tpu.wait_dma2 semaphore(%run_scoped3A : memref<!tpu.dma_semaphore, #tpu.memory_space<semaphore_mem>>) src(%dma_wait3A_155 : memref<624x128xf32, #tpu.memory_space<vmem_shared>>) dst(%dma_wait3A_153 : memref<624x128xf32, #tpu.memory_space<hbm>>)
        tpu.yield
      }) : () -> ()
    } else {
    }
    %eq3A_141 = arith.constant 15 : i32
    %eq3A_142 = arith.cmpi eq, %arg1, %eq3A_141 : i32
    %convert_element_type3A_143 = arith.extui %eq3A_142 : i1 to i32
    %cond3A_144 = arith.constant 0 : i32
    %cond3A_145 = arith.cmpi ne, %convert_element_type3A_143, %cond3A_144 : i32
    scf.if %cond3A_145 {
      "tpu.region"() ({
        %run_scoped3A = tpu.sem_alloc : memref<!tpu.dma_semaphore, #tpu.memory_space<semaphore_mem>>
        %dma_start3A_146 = arith.constant 9360 : i32
        %dma_start3A_147 = arith.constant 0 : i32
        %dma_start3A_148 = tpu.memref_slice %arg6[%arg0, %dma_start3A_146, %dma_start3A_147] : memref<2x10000x128xf32, #tpu.memory_space<hbm>> -> memref<1x640x128xf32, #tpu.memory_space<hbm>>
        %dma_start3A_149 = tpu.memref_squeeze %dma_start3A_148 : memref<1x640x128xf32, #tpu.memory_space<hbm>> -> memref<640x128xf32, #tpu.memory_space<hbm>>
        %dma_start3A_150 = arith.constant 9360 : i32
        %dma_start3A_151 = arith.constant 0 : i32
        %dma_start3A_152 = tpu.memref_slice %arg22[%dma_start3A_150, %dma_start3A_151] : memref<10000x128xf32, #tpu.memory_space<vmem_shared>> -> memref<640x128xf32, #tpu.memory_space<vmem_shared>>
        tpu.enqueue_dma source(%dma_start3A_152 : memref<640x128xf32, #tpu.memory_space<vmem_shared>>) target(%dma_start3A_149 : memref<640x128xf32, #tpu.memory_space<hbm>>) target_semaphore(%run_scoped3A : memref<!tpu.dma_semaphore, #tpu.memory_space<semaphore_mem>>)
        %dma_wait3A_153 = arith.constant 9360 : i32
        %dma_wait3A_154 = arith.constant 0 : i32
        %dma_wait3A_155 = tpu.memref_slice %arg6[%arg0, %dma_wait3A_153, %dma_wait3A_154] : memref<2x10000x128xf32, #tpu.memory_space<hbm>> -> memref<1x640x128xf32, #tpu.memory_space<hbm>>
        %dma_wait3A_156 = tpu.memref_squeeze %dma_wait3A_155 : memref<1x640x128xf32, #tpu.memory_space<hbm>> -> memref<640x128xf32, #tpu.memory_space<hbm>>
        %dma_wait3A_157 = arith.constant 9360 : i32
        %dma_wait3A_158 = arith.constant 0 : i32
        %dma_wait3A_159 = tpu.memref_slice %arg22[%dma_wait3A_157, %dma_wait3A_158] : memref<10000x128xf32, #tpu.memory_space<vmem_shared>> -> memref<640x128xf32, #tpu.memory_space<vmem_shared>>
        tpu.wait_dma2 semaphore(%run_scoped3A : memref<!tpu.dma_semaphore, #tpu.memory_space<semaphore_mem>>) src(%dma_wait3A_159 : memref<640x128xf32, #tpu.memory_space<vmem_shared>>) dst(%dma_wait3A_156 : memref<640x128xf32, #tpu.memory_space<hbm>>)
        tpu.yield
      }) : () -> ()
    } else {
    }
    return
  }
}

module attributes {stable_mosaic.version = 14 : i64} {
  func.func @body(%arg0: i32, %arg1: memref<32x2048xf32, #tpu.memory_space<vmem>>, %arg2: memref<2048x128xf32, #tpu.memory_space<vmem>>, %arg3: memref<2048x128xf32, #tpu.memory_space<vmem>>, %arg4: memref<2048x1xf32, #tpu.memory_space<vmem>>) attributes {dimension_semantics = [#tpu.dimension_semantics<arbitrary>], iteration_bounds = array<i64: 5>, scalar_prefetch = 0 : i64, scratch_operands = 0 : i64, tpu.core_type = #tpu.core_type<tc>, window_params = [{transform_indices = @transform_0, window_bounds = array<i64: 32, 2048>}, {transform_indices = @transform_1, window_bounds = array<i64: 2048, 128>}, {transform_indices = @transform_2, window_bounds = array<i64: 2048, 128>}, {transform_indices = @transform_3, window_bounds = array<i64: 2048, 1>}]} {
    %get3A = arith.constant 0 : index
    %get3A_0 = arith.constant 0 : index
    %get3A_1 = vector.load %arg1[%get3A, %get3A_0] : memref<32x2048xf32, #tpu.memory_space<vmem>>, vector<32x2048xf32>
    %reduce_sum3A = arith.constant dense<0.000000e+00> : vector<2048xf32>
    %reduce_sum3A_2 = vector.multi_reduction <add>, %get3A_1, %reduce_sum3A [0] : vector<32x2048xf32> to vector<2048xf32>
    %add3A = arith.constant 1.000000e+00 : f32
    %add3A_3 = vector.broadcast %add3A : f32 to vector<2048xf32>
    %add3A_4 = arith.addf %reduce_sum3A_2, %add3A_3 : vector<2048xf32>
    %rsqrt3A = math.rsqrt %add3A_4 : vector<2048xf32>
    %broadcast_in_dim3A = vector.shape_cast %rsqrt3A : vector<2048xf32> to vector<2048x1xf32>
    %swap3A = arith.constant 0 : index
    %swap3A_5 = arith.constant 0 : index
    %swap3A_6 = vector.load %arg4[%swap3A, %swap3A_5] : memref<2048x1xf32, #tpu.memory_space<vmem>>, vector<2048x1xf32>
    tpu.vector_store %arg4[%swap3A, %swap3A_5], %broadcast_in_dim3A {strides = array<i32>} : memref<2048x1xf32, #tpu.memory_space<vmem>>, vector<2048x1xf32>,
    %get3A_7 = arith.constant 0 : index
    %get3A_8 = arith.constant 0 : index
    %get3A_9 = vector.load %arg2[%get3A_7, %get3A_8] : memref<2048x128xf32, #tpu.memory_space<vmem>>, vector<2048x128xf32>
    %mul3A = vector.broadcast %broadcast_in_dim3A : vector<2048x1xf32> to vector<2048x128xf32>
    %mul3A_10 = arith.mulf %get3A_9, %mul3A : vector<2048x128xf32>
    %swap3A_11 = arith.constant 0 : index
    %swap3A_12 = arith.constant 0 : index
    %swap3A_13 = vector.load %arg3[%swap3A_11, %swap3A_12] : memref<2048x128xf32, #tpu.memory_space<vmem>>, vector<2048x128xf32>
    tpu.vector_store %arg3[%swap3A_11, %swap3A_12], %mul3A_10 {strides = array<i32>} : memref<2048x128xf32, #tpu.memory_space<vmem>>, vector<2048x128xf32>,
    return
  }
  func.func @transform_0(%arg0: i32) -> (i32, i32) {
    %c0_i32 = arith.constant 0 : i32
    %c0_i32_0 = arith.constant 0 : i32
    return %c0_i32, %arg0 : i32, i32
  }
  func.func @transform_1(%arg0: i32) -> (i32, i32) {
    %c0_i32 = arith.constant 0 : i32
    %c0_i32_0 = arith.constant 0 : i32
    return %arg0, %c0_i32 : i32, i32
  }
  func.func @transform_2(%arg0: i32) -> (i32, i32) {
    %c0_i32 = arith.constant 0 : i32
    %c0_i32_0 = arith.constant 0 : i32
    return %arg0, %c0_i32 : i32, i32
  }
  func.func @transform_3(%arg0: i32) -> (i32, i32) {
    %c0_i32 = arith.constant 0 : i32
    %c0_i32_0 = arith.constant 0 : i32
    return %arg0, %c0_i32 : i32, i32
  }
}

module attributes {stable_mosaic.version = 14 : i64} {
  func.func @body(%arg0: i32, %arg1: memref<2x1000x128xf32, #tpu.memory_space<vmem>>, %arg2: memref<1000x128xf32, #tpu.memory_space<vmem>>, %arg3: memref<1000x1xf32, #tpu.memory_space<vmem>>, %arg4: memref<128x256xf32, #tpu.memory_space<vmem>>, %arg5: memref<1x256xf32, #tpu.memory_space<vmem>>, %arg6: memref<1000x128xf32, #tpu.memory_space<vmem>>, %arg7: memref<1000x128xf32, #tpu.memory_space<vmem>>) attributes {dimension_semantics = [#tpu.dimension_semantics<arbitrary>], iteration_bounds = array<i64: 10>, scalar_prefetch = 0 : i64, scratch_operands = 0 : i64, tpu.core_type = #tpu.core_type<tc>, window_params = [{transform_indices = @transform_0, window_bounds = array<i64: 2, 1000, 128>}, {transform_indices = @transform_1, window_bounds = array<i64: 1000, 128>}, {transform_indices = @transform_2, window_bounds = array<i64: 1000, 1>}, {pipeline_mode = #tpu.pipeline_mode<synchronous>, transform_indices = @transform_3, window_bounds = array<i64: 128, 256>}, {pipeline_mode = #tpu.pipeline_mode<synchronous>, transform_indices = @transform_4, window_bounds = array<i64: 1, 256>}, {transform_indices = @transform_5, window_bounds = array<i64: 1000, 128>}, {transform_indices = @transform_6, window_bounds = array<i64: 1000, 128>}]} {
    %get3A = arith.constant 0 : index
    %get3A_0 = arith.constant 0 : index
    %get3A_1 = arith.constant 0 : index
    %get3A_2 = vector.load %arg1[%get3A, %get3A_0, %get3A_1] : memref<2x1000x128xf32, #tpu.memory_space<vmem>>, vector<1x1000x128xf32>
    %get3A_3 = vector.shape_cast %get3A_2 : vector<1x1000x128xf32> to vector<1000x128xf32>
    %get3A_4 = arith.constant 1 : index
    %get3A_5 = arith.constant 0 : index
    %get3A_6 = arith.constant 0 : index
    %get3A_7 = vector.load %arg1[%get3A_4, %get3A_5, %get3A_6] : memref<2x1000x128xf32, #tpu.memory_space<vmem>>, vector<1x1000x128xf32>
    %get3A_8 = vector.shape_cast %get3A_7 : vector<1x1000x128xf32> to vector<1000x128xf32>
    %add3A = arith.addf %get3A_3, %get3A_8 : vector<1000x128xf32>
    %get3A_9 = arith.constant 0 : index
    %get3A_10 = arith.constant 0 : index
    %get3A_11 = vector.load %arg2[%get3A_9, %get3A_10] : memref<1000x128xf32, #tpu.memory_space<vmem>>, vector<1000x128xf32>
    %add3A_12 = arith.addf %add3A, %get3A_11 : vector<1000x128xf32>
    %get3A_13 = arith.constant 0 : index
    %get3A_14 = arith.constant 0 : index
    %get3A_15 = vector.load %arg3[%get3A_13, %get3A_14] : memref<1000x1xf32, #tpu.memory_space<vmem>>, vector<1000x1xf32>
    %mul3A = vector.broadcast %get3A_15 : vector<1000x1xf32> to vector<1000x128xf32>
    %mul3A_16 = arith.mulf %add3A_12, %mul3A : vector<1000x128xf32>
    %get3A_17 = arith.constant 0 : index
    %get3A_18 = arith.constant 0 : index
    %get3A_19 = vector.load %arg4[%get3A_17, %get3A_18] : memref<128x256xf32, #tpu.memory_space<vmem>>, vector<128x256xf32>
    %dot_general3A = arith.constant dense<0.000000e+00> : vector<1000x256xf32>
    %dot_general3A_20 = tpu.matmul %mul3A_16, %get3A_19, %dot_general3A {dimension_numbers = #tpu.dot_dimension_numbers<[1], [0], [0], [1], [0, 0, 1, 1], [], []>, transpose_lhs_hint = false} : vector<1000x128xf32>, vector<128x256xf32>, vector<1000x256xf32> -> vector<1000x256xf32>
    %get3A_21 = arith.constant 0 : index
    %get3A_22 = arith.constant 0 : index
    %get3A_23 = vector.load %arg5[%get3A_21, %get3A_22] : memref<1x256xf32, #tpu.memory_space<vmem>>, vector<1x256xf32>
    %add3A_24 = vector.broadcast %get3A_23 : vector<1x256xf32> to vector<1000x256xf32>
    %add3A_25 = arith.addf %dot_general3A_20, %add3A_24 : vector<1000x256xf32>
    %max3A = arith.constant 0.000000e+00 : f32
    %max3A_26 = vector.broadcast %max3A : f32 to vector<1000x256xf32>
    %max3A_27 = arith.maximumf %add3A_25, %max3A_26 : vector<1000x256xf32>
    %get3A_28 = arith.constant 0 : index
    %get3A_29 = arith.constant 0 : index
    %get3A_30 = vector.load %arg3[%get3A_28, %get3A_29] : memref<1000x1xf32, #tpu.memory_space<vmem>>, vector<1000x1xf32>
    %mul3A_31 = vector.broadcast %get3A_30 : vector<1000x1xf32> to vector<1000x256xf32>
    %mul3A_32 = arith.mulf %max3A_27, %mul3A_31 : vector<1000x256xf32>
    %slice3A = vector.extract_strided_slice %mul3A_32 {offsets = [0, 0], sizes = [1000, 128], strides = [1, 1]} : vector<1000x256xf32> to vector<1000x128xf32>
    %swap3A = arith.constant 0 : index
    %swap3A_33 = arith.constant 0 : index
    %swap3A_34 = vector.load %arg6[%swap3A, %swap3A_33] : memref<1000x128xf32, #tpu.memory_space<vmem>>, vector<1000x128xf32>
    tpu.vector_store %arg6[%swap3A, %swap3A_33], %slice3A {strides = array<i32>} : memref<1000x128xf32, #tpu.memory_space<vmem>>, vector<1000x128xf32>,
    %slice3A_35 = vector.extract_strided_slice %mul3A_32 {offsets = [0, 128], sizes = [1000, 128], strides = [1, 1]} : vector<1000x256xf32> to vector<1000x128xf32>
    %swap3A_36 = arith.constant 0 : index
    %swap3A_37 = arith.constant 0 : index
    %swap3A_38 = vector.load %arg7[%swap3A_36, %swap3A_37] : memref<1000x128xf32, #tpu.memory_space<vmem>>, vector<1000x128xf32>
    tpu.vector_store %arg7[%swap3A_36, %swap3A_37], %slice3A_35 {strides = array<i32>} : memref<1000x128xf32, #tpu.memory_space<vmem>>, vector<1000x128xf32>,
    return
  }
  func.func @transform_0(%arg0: i32) -> (i32, i32, i32) {
    %c0_i32 = arith.constant 0 : i32
    %c0_i32_0 = arith.constant 0 : i32
    %c0_i32_1 = arith.constant 0 : i32
    return %c0_i32, %arg0, %c0_i32_0 : i32, i32, i32
  }
  func.func @transform_1(%arg0: i32) -> (i32, i32) {
    %c0_i32 = arith.constant 0 : i32
    %c0_i32_0 = arith.constant 0 : i32
    return %arg0, %c0_i32 : i32, i32
  }
  func.func @transform_2(%arg0: i32) -> (i32, i32) {
    %c0_i32 = arith.constant 0 : i32
    %c0_i32_0 = arith.constant 0 : i32
    return %arg0, %c0_i32 : i32, i32
  }
  func.func @transform_3(%arg0: i32) -> (i32, i32) {
    %c0_i32 = arith.constant 0 : i32
    %c0_i32_0 = arith.constant 0 : i32
    %c0_i32_1 = arith.constant 0 : i32
    return %c0_i32, %c0_i32_0 : i32, i32
  }
  func.func @transform_4(%arg0: i32) -> (i32, i32) {
    %c0_i32 = arith.constant 0 : i32
    %c0_i32_0 = arith.constant 0 : i32
    %c0_i32_1 = arith.constant 0 : i32
    return %c0_i32, %c0_i32_0 : i32, i32
  }
  func.func @transform_5(%arg0: i32) -> (i32, i32) {
    %c0_i32 = arith.constant 0 : i32
    %c0_i32_0 = arith.constant 0 : i32
    return %arg0, %c0_i32 : i32, i32
  }
  func.func @transform_6(%arg0: i32) -> (i32, i32) {
    %c0_i32 = arith.constant 0 : i32
    %c0_i32_0 = arith.constant 0 : i32
    return %arg0, %c0_i32 : i32, i32
  }
}

module attributes {stable_mosaic.version = 14 : i64} {
  func.func @body(%arg0: i32, %arg1: memref<2x1000x128xf32, #tpu.memory_space<vmem>>, %arg2: memref<2x1000x128xf32, #tpu.memory_space<vmem>>, %arg3: memref<1000x128xf32, #tpu.memory_space<vmem>>, %arg4: memref<1000x128xf32, #tpu.memory_space<vmem>>, %arg5: memref<1000x1xf32, #tpu.memory_space<vmem>>, %arg6: memref<256x256xf32, #tpu.memory_space<vmem>>, %arg7: memref<1x256xf32, #tpu.memory_space<vmem>>, %arg8: memref<256x128xf32, #tpu.memory_space<vmem>>, %arg9: memref<1000x128xf32, #tpu.memory_space<vmem>>) attributes {dimension_semantics = [#tpu.dimension_semantics<arbitrary>], iteration_bounds = array<i64: 10>, scalar_prefetch = 0 : i64, scratch_operands = 0 : i64, tpu.core_type = #tpu.core_type<tc>, window_params = [{transform_indices = @transform_0, window_bounds = array<i64: 2, 1000, 128>}, {transform_indices = @transform_1, window_bounds = array<i64: 2, 1000, 128>}, {transform_indices = @transform_2, window_bounds = array<i64: 1000, 128>}, {transform_indices = @transform_3, window_bounds = array<i64: 1000, 128>}, {transform_indices = @transform_4, window_bounds = array<i64: 1000, 1>}, {pipeline_mode = #tpu.pipeline_mode<synchronous>, transform_indices = @transform_5, window_bounds = array<i64: 256, 256>}, {pipeline_mode = #tpu.pipeline_mode<synchronous>, transform_indices = @transform_6, window_bounds = array<i64: 1, 256>}, {pipeline_mode = #tpu.pipeline_mode<synchronous>, transform_indices = @transform_7, window_bounds = array<i64: 256, 128>}, {transform_indices = @transform_8, window_bounds = array<i64: 1000, 128>}]} {
    %get3A = arith.constant 0 : index
    %get3A_0 = arith.constant 0 : index
    %get3A_1 = arith.constant 0 : index
    %get3A_2 = vector.load %arg1[%get3A, %get3A_0, %get3A_1] : memref<2x1000x128xf32, #tpu.memory_space<vmem>>, vector<1x1000x128xf32>
    %get3A_3 = vector.shape_cast %get3A_2 : vector<1x1000x128xf32> to vector<1000x128xf32>
    %get3A_4 = arith.constant 1 : index
    %get3A_5 = arith.constant 0 : index
    %get3A_6 = arith.constant 0 : index
    %get3A_7 = vector.load %arg1[%get3A_4, %get3A_5, %get3A_6] : memref<2x1000x128xf32, #tpu.memory_space<vmem>>, vector<1x1000x128xf32>
    %get3A_8 = vector.shape_cast %get3A_7 : vector<1x1000x128xf32> to vector<1000x128xf32>
    %add3A = arith.addf %get3A_3, %get3A_8 : vector<1000x128xf32>
    %get3A_9 = arith.constant 0 : index
    %get3A_10 = arith.constant 0 : index
    %get3A_11 = vector.load %arg3[%get3A_9, %get3A_10] : memref<1000x128xf32, #tpu.memory_space<vmem>>, vector<1000x128xf32>
    %add3A_12 = arith.addf %add3A, %get3A_11 : vector<1000x128xf32>
    %get3A_13 = arith.constant 0 : index
    %get3A_14 = arith.constant 0 : index
    %get3A_15 = vector.load %arg5[%get3A_13, %get3A_14] : memref<1000x1xf32, #tpu.memory_space<vmem>>, vector<1000x1xf32>
    %mul3A = vector.broadcast %get3A_15 : vector<1000x1xf32> to vector<1000x128xf32>
    %mul3A_16 = arith.mulf %add3A_12, %mul3A : vector<1000x128xf32>
    %get3A_17 = arith.constant 0 : index
    %get3A_18 = arith.constant 0 : index
    %get3A_19 = arith.constant 0 : index
    %get3A_20 = vector.load %arg2[%get3A_17, %get3A_18, %get3A_19] : memref<2x1000x128xf32, #tpu.memory_space<vmem>>, vector<1x1000x128xf32>
    %get3A_21 = vector.shape_cast %get3A_20 : vector<1x1000x128xf32> to vector<1000x128xf32>
    %get3A_22 = arith.constant 1 : index
    %get3A_23 = arith.constant 0 : index
    %get3A_24 = arith.constant 0 : index
    %get3A_25 = vector.load %arg2[%get3A_22, %get3A_23, %get3A_24] : memref<2x1000x128xf32, #tpu.memory_space<vmem>>, vector<1x1000x128xf32>
    %get3A_26 = vector.shape_cast %get3A_25 : vector<1x1000x128xf32> to vector<1000x128xf32>
    %add3A_27 = arith.addf %get3A_21, %get3A_26 : vector<1000x128xf32>
    %get3A_28 = arith.constant 0 : index
    %get3A_29 = arith.constant 0 : index
    %get3A_30 = vector.load %arg4[%get3A_28, %get3A_29] : memref<1000x128xf32, #tpu.memory_space<vmem>>, vector<1000x128xf32>
    %add3A_31 = arith.addf %add3A_27, %get3A_30 : vector<1000x128xf32>
    %get3A_32 = arith.constant 0 : index
    %get3A_33 = arith.constant 0 : index
    %get3A_34 = vector.load %arg5[%get3A_32, %get3A_33] : memref<1000x1xf32, #tpu.memory_space<vmem>>, vector<1000x1xf32>
    %mul3A_35 = vector.broadcast %get3A_34 : vector<1000x1xf32> to vector<1000x128xf32>
    %mul3A_36 = arith.mulf %add3A_31, %mul3A_35 : vector<1000x128xf32>
    %concatenate3A = tpu.concatenate %mul3A_16, %mul3A_36 in 1 : vector<1000x128xf32>, vector<1000x128xf32> -> vector<1000x256xf32>
    %get3A_37 = arith.constant 0 : index
    %get3A_38 = arith.constant 0 : index
    %get3A_39 = vector.load %arg6[%get3A_37, %get3A_38] : memref<256x256xf32, #tpu.memory_space<vmem>>, vector<256x256xf32>
    %dot_general3A = arith.constant dense<0.000000e+00> : vector<1000x256xf32>
    %dot_general3A_40 = tpu.matmul %concatenate3A, %get3A_39, %dot_general3A {dimension_numbers = #tpu.dot_dimension_numbers<[1], [0], [0], [1], [0, 0, 1, 1], [], []>, transpose_lhs_hint = false} : vector<1000x256xf32>, vector<256x256xf32>, vector<1000x256xf32> -> vector<1000x256xf32>
    %get3A_41 = arith.constant 0 : index
    %get3A_42 = arith.constant 0 : index
    %get3A_43 = vector.load %arg7[%get3A_41, %get3A_42] : memref<1x256xf32, #tpu.memory_space<vmem>>, vector<1x256xf32>
    %add3A_44 = vector.broadcast %get3A_43 : vector<1x256xf32> to vector<1000x256xf32>
    %add3A_45 = arith.addf %dot_general3A_40, %add3A_44 : vector<1000x256xf32>
    %max3A = arith.constant 0.000000e+00 : f32
    %max3A_46 = vector.broadcast %max3A : f32 to vector<1000x256xf32>
    %max3A_47 = arith.maximumf %add3A_45, %max3A_46 : vector<1000x256xf32>
    %get3A_48 = arith.constant 0 : index
    %get3A_49 = arith.constant 0 : index
    %get3A_50 = vector.load %arg8[%get3A_48, %get3A_49] : memref<256x128xf32, #tpu.memory_space<vmem>>, vector<256x128xf32>
    %dot_general3A_51 = arith.constant dense<0.000000e+00> : vector<1000x128xf32>
    %dot_general3A_52 = tpu.matmul %max3A_47, %get3A_50, %dot_general3A_51 {dimension_numbers = #tpu.dot_dimension_numbers<[1], [0], [0], [1], [0, 0, 1, 1], [], []>, transpose_lhs_hint = false} : vector<1000x256xf32>, vector<256x128xf32>, vector<1000x128xf32> -> vector<1000x128xf32>
    %get3A_53 = arith.constant 0 : index
    %get3A_54 = arith.constant 0 : index
    %get3A_55 = vector.load %arg5[%get3A_53, %get3A_54] : memref<1000x1xf32, #tpu.memory_space<vmem>>, vector<1000x1xf32>
    %mul3A_56 = vector.broadcast %get3A_55 : vector<1000x1xf32> to vector<1000x128xf32>
    %mul3A_57 = arith.mulf %dot_general3A_52, %mul3A_56 : vector<1000x128xf32>
    %swap3A = arith.constant 0 : index
    %swap3A_58 = arith.constant 0 : index
    %swap3A_59 = vector.load %arg9[%swap3A, %swap3A_58] : memref<1000x128xf32, #tpu.memory_space<vmem>>, vector<1000x128xf32>
    tpu.vector_store %arg9[%swap3A, %swap3A_58], %mul3A_57 {strides = array<i32>} : memref<1000x128xf32, #tpu.memory_space<vmem>>, vector<1000x128xf32>,
    return
  }
  func.func @transform_0(%arg0: i32) -> (i32, i32, i32) {
    %c0_i32 = arith.constant 0 : i32
    %c0_i32_0 = arith.constant 0 : i32
    %c0_i32_1 = arith.constant 0 : i32
    return %c0_i32, %arg0, %c0_i32_0 : i32, i32, i32
  }
  func.func @transform_1(%arg0: i32) -> (i32, i32, i32) {
    %c0_i32 = arith.constant 0 : i32
    %c0_i32_0 = arith.constant 0 : i32
    %c0_i32_1 = arith.constant 0 : i32
    return %c0_i32, %arg0, %c0_i32_0 : i32, i32, i32
  }
  func.func @transform_2(%arg0: i32) -> (i32, i32) {
    %c0_i32 = arith.constant 0 : i32
    %c0_i32_0 = arith.constant 0 : i32
    return %arg0, %c0_i32 : i32, i32
  }
  func.func @transform_3(%arg0: i32) -> (i32, i32) {
    %c0_i32 = arith.constant 0 : i32
    %c0_i32_0 = arith.constant 0 : i32
    return %arg0, %c0_i32 : i32, i32
  }
  func.func @transform_4(%arg0: i32) -> (i32, i32) {
    %c0_i32 = arith.constant 0 : i32
    %c0_i32_0 = arith.constant 0 : i32
    return %arg0, %c0_i32 : i32, i32
  }
  func.func @transform_5(%arg0: i32) -> (i32, i32) {
    %c0_i32 = arith.constant 0 : i32
    %c0_i32_0 = arith.constant 0 : i32
    %c0_i32_1 = arith.constant 0 : i32
    return %c0_i32, %c0_i32_0 : i32, i32
  }
  func.func @transform_6(%arg0: i32) -> (i32, i32) {
    %c0_i32 = arith.constant 0 : i32
    %c0_i32_0 = arith.constant 0 : i32
    %c0_i32_1 = arith.constant 0 : i32
    return %c0_i32, %c0_i32_0 : i32, i32
  }
  func.func @transform_7(%arg0: i32) -> (i32, i32) {
    %c0_i32 = arith.constant 0 : i32
    %c0_i32_0 = arith.constant 0 : i32
    %c0_i32_1 = arith.constant 0 : i32
    return %c0_i32, %c0_i32_0 : i32, i32
  }
  func.func @transform_8(%arg0: i32) -> (i32, i32) {
    %c0_i32 = arith.constant 0 : i32
    %c0_i32_0 = arith.constant 0 : i32
    return %arg0, %c0_i32 : i32, i32
  }
}

module attributes {stable_mosaic.version = 14 : i64} {
  func.func @body(%arg0: i32, %arg1: memref<2x1000x128xf32, #tpu.memory_space<vmem>>, %arg2: memref<1000x128xf32, #tpu.memory_space<vmem>>, %arg3: memref<1000x1xf32, #tpu.memory_space<vmem>>, %arg4: memref<1x128xf32, #tpu.memory_space<vmem>>, %arg5: memref<128x128xf32, #tpu.memory_space<vmem>>, %arg6: memref<1x128xf32, #tpu.memory_space<vmem>>, %arg7: memref<1000x128xf32, #tpu.memory_space<vmem>>, %arg8: memref<1000x128xf32, #tpu.memory_space<vmem>>) attributes {dimension_semantics = [#tpu.dimension_semantics<arbitrary>], iteration_bounds = array<i64: 10>, scalar_prefetch = 0 : i64, scratch_operands = 0 : i64, tpu.core_type = #tpu.core_type<tc>, window_params = [{transform_indices = @transform_0, window_bounds = array<i64: 2, 1000, 128>}, {transform_indices = @transform_1, window_bounds = array<i64: 1000, 128>}, {transform_indices = @transform_2, window_bounds = array<i64: 1000, 1>}, {pipeline_mode = #tpu.pipeline_mode<synchronous>, transform_indices = @transform_3, window_bounds = array<i64: 1, 128>}, {pipeline_mode = #tpu.pipeline_mode<synchronous>, transform_indices = @transform_4, window_bounds = array<i64: 128, 128>}, {pipeline_mode = #tpu.pipeline_mode<synchronous>, transform_indices = @transform_5, window_bounds = array<i64: 1, 128>}, {transform_indices = @transform_6, window_bounds = array<i64: 1000, 128>}, {transform_indices = @transform_7, window_bounds = array<i64: 1000, 128>}]} {
    %get3A = arith.constant 0 : index
    %get3A_0 = arith.constant 0 : index
    %get3A_1 = arith.constant 0 : index
    %get3A_2 = vector.load %arg1[%get3A, %get3A_0, %get3A_1] : memref<2x1000x128xf32, #tpu.memory_space<vmem>>, vector<1x1000x128xf32>
    %get3A_3 = vector.shape_cast %get3A_2 : vector<1x1000x128xf32> to vector<1000x128xf32>
    %get3A_4 = arith.constant 1 : index
    %get3A_5 = arith.constant 0 : index
    %get3A_6 = arith.constant 0 : index
    %get3A_7 = vector.load %arg1[%get3A_4, %get3A_5, %get3A_6] : memref<2x1000x128xf32, #tpu.memory_space<vmem>>, vector<1x1000x128xf32>
    %get3A_8 = vector.shape_cast %get3A_7 : vector<1x1000x128xf32> to vector<1000x128xf32>
    %add3A = arith.addf %get3A_3, %get3A_8 : vector<1000x128xf32>
    %get3A_9 = arith.constant 0 : index
    %get3A_10 = arith.constant 0 : index
    %get3A_11 = vector.load %arg2[%get3A_9, %get3A_10] : memref<1000x128xf32, #tpu.memory_space<vmem>>, vector<1000x128xf32>
    %add3A_12 = arith.addf %add3A, %get3A_11 : vector<1000x128xf32>
    %get3A_13 = arith.constant 0 : index
    %get3A_14 = arith.constant 0 : index
    %get3A_15 = vector.load %arg3[%get3A_13, %get3A_14] : memref<1000x1xf32, #tpu.memory_space<vmem>>, vector<1000x1xf32>
    %mul3A = vector.broadcast %get3A_15 : vector<1000x1xf32> to vector<1000x128xf32>
    %mul3A_16 = arith.mulf %add3A_12, %mul3A : vector<1000x128xf32>
    %get3A_17 = arith.constant 0 : index
    %get3A_18 = arith.constant 0 : index
    %get3A_19 = vector.load %arg4[%get3A_17, %get3A_18] : memref<1x128xf32, #tpu.memory_space<vmem>>, vector<1x128xf32>
    %add3A_20 = vector.broadcast %get3A_19 : vector<1x128xf32> to vector<1000x128xf32>
    %add3A_21 = arith.addf %mul3A_16, %add3A_20 : vector<1000x128xf32>
    %max3A = arith.constant 0.000000e+00 : f32
    %max3A_22 = vector.broadcast %max3A : f32 to vector<1000x128xf32>
    %max3A_23 = arith.maximumf %add3A_21, %max3A_22 : vector<1000x128xf32>
    %swap3A = arith.constant 0 : index
    %swap3A_24 = arith.constant 0 : index
    %swap3A_25 = vector.load %arg7[%swap3A, %swap3A_24] : memref<1000x128xf32, #tpu.memory_space<vmem>>, vector<1000x128xf32>
    tpu.vector_store %arg7[%swap3A, %swap3A_24], %max3A_23 {strides = array<i32>} : memref<1000x128xf32, #tpu.memory_space<vmem>>, vector<1000x128xf32>,
    %get3A_26 = arith.constant 0 : index
    %get3A_27 = arith.constant 0 : index
    %get3A_28 = vector.load %arg5[%get3A_26, %get3A_27] : memref<128x128xf32, #tpu.memory_space<vmem>>, vector<128x128xf32>
    %dot_general3A = arith.constant dense<0.000000e+00> : vector<1000x128xf32>
    %dot_general3A_29 = tpu.matmul %max3A_23, %get3A_28, %dot_general3A {dimension_numbers = #tpu.dot_dimension_numbers<[1], [0], [0], [1], [0, 0, 1, 1], [], []>, transpose_lhs_hint = false} : vector<1000x128xf32>, vector<128x128xf32>, vector<1000x128xf32> -> vector<1000x128xf32>
    %get3A_30 = arith.constant 0 : index
    %get3A_31 = arith.constant 0 : index
    %get3A_32 = vector.load %arg6[%get3A_30, %get3A_31] : memref<1x128xf32, #tpu.memory_space<vmem>>, vector<1x128xf32>
    %add3A_33 = vector.broadcast %get3A_32 : vector<1x128xf32> to vector<1000x128xf32>
    %add3A_34 = arith.addf %dot_general3A_29, %add3A_33 : vector<1000x128xf32>
    %swap3A_35 = arith.constant 0 : index
    %swap3A_36 = arith.constant 0 : index
    %swap3A_37 = vector.load %arg8[%swap3A_35, %swap3A_36] : memref<1000x128xf32, #tpu.memory_space<vmem>>, vector<1000x128xf32>
    tpu.vector_store %arg8[%swap3A_35, %swap3A_36], %add3A_34 {strides = array<i32>} : memref<1000x128xf32, #tpu.memory_space<vmem>>, vector<1000x128xf32>,
    return
  }
  func.func @transform_0(%arg0: i32) -> (i32, i32, i32) {
    %c0_i32 = arith.constant 0 : i32
    %c0_i32_0 = arith.constant 0 : i32
    %c0_i32_1 = arith.constant 0 : i32
    return %c0_i32, %arg0, %c0_i32_0 : i32, i32, i32
  }
  func.func @transform_1(%arg0: i32) -> (i32, i32) {
    %c0_i32 = arith.constant 0 : i32
    %c0_i32_0 = arith.constant 0 : i32
    return %arg0, %c0_i32 : i32, i32
  }
  func.func @transform_2(%arg0: i32) -> (i32, i32) {
    %c0_i32 = arith.constant 0 : i32
    %c0_i32_0 = arith.constant 0 : i32
    return %arg0, %c0_i32 : i32, i32
  }
  func.func @transform_3(%arg0: i32) -> (i32, i32) {
    %c0_i32 = arith.constant 0 : i32
    %c0_i32_0 = arith.constant 0 : i32
    %c0_i32_1 = arith.constant 0 : i32
    return %c0_i32, %c0_i32_0 : i32, i32
  }
  func.func @transform_4(%arg0: i32) -> (i32, i32) {
    %c0_i32 = arith.constant 0 : i32
    %c0_i32_0 = arith.constant 0 : i32
    %c0_i32_1 = arith.constant 0 : i32
    return %c0_i32, %c0_i32_0 : i32, i32
  }
  func.func @transform_5(%arg0: i32) -> (i32, i32) {
    %c0_i32 = arith.constant 0 : i32
    %c0_i32_0 = arith.constant 0 : i32
    %c0_i32_1 = arith.constant 0 : i32
    return %c0_i32, %c0_i32_0 : i32, i32
  }
  func.func @transform_6(%arg0: i32) -> (i32, i32) {
    %c0_i32 = arith.constant 0 : i32
    %c0_i32_0 = arith.constant 0 : i32
    return %arg0, %c0_i32 : i32, i32
  }
  func.func @transform_7(%arg0: i32) -> (i32, i32) {
    %c0_i32 = arith.constant 0 : i32
    %c0_i32_0 = arith.constant 0 : i32
    return %arg0, %c0_i32 : i32, i32
  }
}

</mosaic_0001>

<sc_bundles>
// kernel: kernel.10.cloned.1.call-start
scs
__scs_entry_jumppad:
0x0: {  	(pc) =	sbr.rel $0x88, $3  }
0x1: {  	(tag) =	ssettag $0x0;
	lr =	simm.s32 $0x1  }
0x2: {  	[smem:$0x3F97] =	sst lr;
	_ =	strace $0xD0000000  }
0x3: {  	_ = 	snop  }
0x4: {  	_ = 	snop  }
0x5: {  	_ = 	snop  }
0x6: {  	_ = 	snop  }
0x7: {  	_ = 	snop  }
__scs_overlays_trampoline_lowered:
0x8: {  	[smem:$0x3FA6] =	sst s0  }
0x9: {  	[smem:$0x3FA7] =	sst s1  }
0xa: {  	[smem:$0x3FA8] =	sst s2  }
0xb: {  	[smem:$0x3FA9] =	sst s3  }
0xc: {  	[smem:$0x3FAA] =	sst s4  }
0xd: {  	[smem:$0x3FAB] =	sst s5  }
0xe: {  	[smem:$0x3FAC] =	sst s6  }
0xf: {  	[smem:$0x3FAD] =	sst s7  }
0x10: {  	[smem:$0x3FAE] =	sst s8  }
0x11: {  	[smem:$0x3FAF] =	sst s9;
	s0 =	simm.s32 @!p0 $0x0  }
0x12: {  	s1 =	sld [smem:$0x3F95];
	s0 =	simm.s32 @p0 $0x1  }
0x13: {  	[smem:$0x3FB0] =	sst s0;
	s0 =	simm.s32 @!p1 $0x0  }
0x14: {  	s2 =	sld [smem:$0x3F94];
	s0 =	simm.s32 @p1 $0x1  }
0x15: {  	[smem:$0x3FB1] =	sst s0;
	s0 =	simm.s32 @!p2 $0x0  }
0x16: {  	s3 =	sld [smem:$0x3FDB];
	s0 =	simm.s32 @p2 $0x1  }
0x17: {  	s4 =	simm.s32 $0x1BF5;
	[smem:$0x3FB3] =	sst s0  }
0x18: {  	s0 =	sld [smem:$0x3F96];
	_ =	swait.ge [sflag:s4], $0x0  }
0x19: {  	s7 =	sld [smem:$0x3F97]  }
0x1a: {  	s8 =	sadd.s32 $0xFFFFE003, lr  }
0x1b: {  	s9 =	sadd.s32 $0xFFFFFEF7, lr;
	s5 =	simm.s32 $0xFFFFFFFF;
	p2 =	slt.u32 s8, $0xFFFFF086  }
0x1c: {  	p1 =	slt.u32 s9, $0xF7A;
	s5 =	simm.s32 @!p2 $0x0  }
0x1d: {  	s5 =	simm.s32 @p1 $0x1;
	p0 =	seq.s32 s7, s2  }
0x1e: {  	s7 =	smul.u32 @!p0 $0xF7A, s2;
	p2 =	seq.s32 @!p0 s5, $0x0  }
0x1f: {  	s9 =	smul.u32 $0xF7A, s1;
	s8 =	simm.s32 @!p0 $0x1BF5;
	p2 =	por !p2, p0  }
0x20: {  	[sflag:s8] =	ssyncset.s32 @!p0 $0xFFFFF086;
	s6 =	sadd.s32 @!p0 s3, s7;
	s7 =	simm.s32 @!p0 $0x108  }
0x21: {  	s3 =	sadd.s32 s3, s9;
	s6 =	sadd.s32 @!p0 $0x88, s6;
	s7 =	simm.s32 @p2 $0x1082  }
0x22: {  	[simem:s7], [sflag:s8] =	dma.local @!p0 [hbm:s6], $0xF7A  }
0x23: {  	s9 =	sor.u32 $0xD0000000, s2;
	s6 =	simm.s32 $0x108;
	_ =	swait.ge @!p0 [sflag:s8], $0x0  }
0x24: {  	s3 =	sadd.s32 $0x88, s3;
	s6 =	simm.s32 @!p1 $0x1082;
	[sflag:s4] =	ssyncset.s32 $0xFFFFF086  }
0x25: {  	[simem:s6], [sflag:s4] =	dma.local [hbm:s3], $0xF7A  }
0x26: {  	[smem:$0x3F97] =	sst s1;
	(tag) =	ssettag s2;
	_ =	strace s9  }
0x27: {  	s1 =	sld [smem:$0x3FA7]  }
0x28: {  	s2 =	sld [smem:$0x3FA8]  }
0x29: {  	s4 =	sld [smem:$0x3FAA]  }
0x2a: {  	p0 =	seq.s32 s5, $0x0;
	s5 =	sld [smem:$0x3FAB]  }
0x2b: {  	s6 =	sld [smem:$0x3FAC]  }
0x2c: {  	s7 =	sld [smem:$0x3FAD]  }
0x2d: {  	s3 =	simm.s32 $0x108;
	s8 =	sld [smem:$0x3FAE]  }
0x2e: {  	s3 =	simm.s32 @!p0 $0x1082;
	s9 =	sld [smem:$0x3FAF]  }
0x2f: {  	lr =	sadd.s32 s0, s3;
	s0 =	sld [smem:$0x3FA6]  }
0x30: {  	s3 =	sld [smem:$0x3FA9]  }
0x31: {  	[smem:$0x3FB2] =	sst s10  }
0x32: {  	s10 =	sld [smem:$0x3FB0];
	_ =	sdelay $0x3  }
0x33: {  	p0 =	seq.s32 s10, $0x1;
	s10 =	sld [smem:$0x3FB2];
	_ =	sdelay $0x3  }
0x34: {  	[smem:$0x3FB2] =	sst s10  }
0x35: {  	s10 =	sld [smem:$0x3FB1];
	_ =	sdelay $0x3  }
0x36: {  	p1 =	seq.s32 s10, $0x1;
	s10 =	sld [smem:$0x3FB2];
	_ =	sdelay $0x3  }
0x37: {  	[smem:$0x3FB2] =	sst s10  }
0x38: {  	s10 =	sld [smem:$0x3FB3]  }
0x39: {  	_ = 	snop;
	(pc) =	sbr.ind lr, $3  }
0x3a: {  	_ = 	snop  }
0x3b: {  	_ = 	snop  }
0x3c: {  	p2 =	seq.s32 s10, $0x1;
	s10 =	sld [smem:$0x3FB2]  }
0x3d: {  	_ =	shalt  }
0x3e: {  	_ =	shalt  }
0x3f: {  	_ =	shalt  }
0x40: {  	_ =	shalt  }
0x41: {  	_ =	shalt  }
0x42: {  	_ =	shalt  }
0x43: {  	_ =	shalt  }
0x44: {  	_ =	shalt  }
0x45: {  	_ =	shalt  }
0x46: {  	_ =	shalt  }
0x47: {  	_ =	shalt  }
0x48: {  	_ =	shalt  }
0x49: {  	_ =	shalt  }
0x4a: {  	_ =	shalt  }
0x4b: {  	_ =	shalt  }
0x4c: {  	_ =	shalt  }
0x4d: {  	_ =	shalt  }
0x4e: {  	_ =	shalt  }
0x4f: {  	_ =	shalt  }
0x50: {  	_ =	shalt  }
0x51: {  	_ =	shalt  }
0x52: {  	_ =	shalt  }
0x53: {  	_ =	shalt  }
0x54: {  	_ =	shalt  }
0x55: {  	_ =	shalt  }
0x56: {  	_ =	shalt  }
0x57: {  	_ =	shalt  }
0x58: {  	_ =	shalt  }
0x59: {  	_ =	shalt  }
0x5a: {  	_ =	shalt  }
0x5b: {  	_ =	shalt  }
0x5c: {  	_ =	shalt  }
0x5d: {  	_ =	shalt  }
0x5e: {  	_ =	shalt  }
0x5f: {  	_ =	shalt  }
0x60: {  	_ =	shalt  }
0x61: {  	_ =	shalt  }
0x62: {  	_ =	shalt  }
0x63: {  	_ =	shalt  }
0x64: {  	_ =	shalt  }
0x65: {  	_ =	shalt  }
0x66: {  	_ =	shalt  }
0x67: {  	_ =	shalt  }
0x68: {  	_ =	shalt  }
0x69: {  	_ =	shalt  }
0x6a: {  	_ =	shalt  }
0x6b: {  	_ =	shalt  }
0x6c: {  	_ =	shalt  }
0x6d: {  	_ =	shalt  }
0x6e: {  	_ =	shalt  }
0x6f: {  	_ =	shalt  }
0x70: {  	_ =	shalt  }
0x71: {  	_ =	shalt  }
0x72: {  	_ =	shalt  }
0x73: {  	_ =	shalt  }
0x74: {  	_ =	shalt  }
0x75: {  	_ =	shalt  }
0x76: {  	_ =	shalt  }
0x77: {  	_ =	shalt  }
0x78: {  	_ =	shalt  }
0x79: {  	_ =	shalt  }
0x7a: {  	_ =	shalt  }
0x7b: {  	_ =	shalt  }
0x7c: {  	_ =	shalt  }
0x7d: {  	_ =	shalt  }
0x7e: {  	_ =	shalt  }
0x7f: {  	_ =	shalt  }
0x80: {  	_ =	shalt  }
0x81: {  	_ =	shalt  }
0x82: {  	_ =	shalt  }
0x83: {  	_ =	shalt  }
0x84: {  	_ =	shalt  }
0x85: {  	_ =	shalt  }
0x86: {  	_ =	shalt  }
0x87: {  	_ =	shalt  }
.Lfunc_end0:
.L_simem_size_0:
called_computation_lowered:
.L_overlay_start_0:
0x88: {  	s2 =	sld [smem:$0x3FD9]  }
0x89: {  	s3 =	sld [smem:$0x3FFE];
	_ =	sdelay $0x1  }
0x8a: {  	s1 =	srdreg.scid  }
0x8b: {  	s0 =	sand.u32 $0x1, s1  }
0x8c: {  	s14 =	sshll.u32 s0, $0xA;
	s2 =	sadd.s32 s3, s2  }
0x8d: {  	s2 =	sadd.s32 s2, s14  }
0x8e: {  	[smem:$0x3FBE] =	sst s2  }
0x8f: {  	_ = 	snop  }
0x90: {  	s2 =	sld [smem:$0x3FD0];
	_ =	sdelay $0x2  }
0x91: {  	s15 =	simm.s32 $0xA;
	s4 =	simm.s32 $0x10  }
0x92: {  	[smem:s4], [sflag:s15] =	dma.local [hbm:s2], $0x1  }
0x93: {  	_ =	swait.eq [sflag:s15], $0x1  }
0x94: {  	[sflag:s15] =	ssyncset.done $0x0  }
0x95: {  	s16 =	sld [smem:$0x10];
	[sflag:s15] =	ssyncadd.s32 $0xFFFFFFFF  }
0x96: {  	s17 =	sld [smem:$0x11];
	(tm) =	ssettm $0x1  }
0x97: {  	s18 =	sld [smem:$0x3FFB];
	_ =	sdelay $0x3  }
0x98: {  	_ =	strace s18  }
0x99: {  	s4 =	sld [smem:$0x3FFC];
	_ =	sdelay $0x3  }
0x9a: {  	_ =	strace s4  }
0x9b: {  	s4 =	sld [smem:$0x3FFD];
	_ =	sdelay $0x3  }
0x9c: {  	_ =	strace s4  }
0x9d: {  	_ =	strace $0x8FFFFFFF  }
0x9e: {  	s19 =	sld [smem:$0x3FDB];
	_ =	sdelay $0x1  }
0x9f: {  	s5 =	simm.s32 $_scs_section_size  }
0xa0: {  	s6 =	simm.s32 $_size__tile_overlayer_lowered;
	s7 =	simm.s32 $_tile_overlayer_lowered  }
0xa1: {  	s22 =	simm.s32 $0x1BFF;
	s21 =	sshll.u32 s7, $0x1;
	s4 =	sadd.s32 s5, s19  }
0xa2: {  	s8 =	simm.s32 $0x0;
	s20 =	sshll.u32 s6, $0x1;
	s6 =	sadd.s32 s21, s4  }
0xa3: {  	[timem:s8], [sflag:s22] =	dma.local [hbm:s6], s20  }
0xa4: {  	_ =	swait.ge [sflag:s22], s20  }
0xa5: {  	s5 =	ssub.s32 $0x0, s20;
	[sflag:s22] =	ssyncset.done $0x0  }
0xa6: {  	[sflag:s22] =	ssyncadd.s32 s5;
	_ =	sdelay $0x1  }
0xa7: {  	s23 =	simm.s32 $0x1B8B  }
0xa8: {  	_ =	swait.ge [sflag:s23], $0x1  }
0xa9: {  	[sflag:s23] =	ssyncset.done $0x0  }
0xaa: {  	s25 =	simm.s32 $0x1B8E;
	s24 =	sld [smem:$0x3FFE];
	[sflag:s23] =	ssyncadd.s32 $0xFFFFFFFF  }
0xab: {  	s26 =	simm.s32 $execute0_lowered;
	[smem:$0x3FD2] =	sst s25  }
0xac: {  	s6 =	sshll.u32 s26, $0x1;
	_ =	strace $0x80000046;
	[dreg:$0x1] =	wrdreg $0xFFFFFFFF  }
0xad: {  	s28 =	simm.s32 $_size_execute0_lowered;
	s4 =	sadd.s32 s4, s6;
	[dreg:$0x0] =	wrdreg $0x0  }
0xae: {  	s6 =	sshll.u32 s28, $0x1;
	[dreg:$0x2] =	wrdreg s4  }
0xaf: {  	[dreg:$0x3] =	wrdreg s6  }
0xb0: {  	[dreg:$0x4] =	wrdreg $0xC0  }
0xb1: {  	_ =	task [dreg:s8], $0x5FFFF  }
0xb2: {  	[dreg:$0x1] =	wrdreg $0xFFFFFFFF  }
0xb3: {  	[dreg:$0x0] =	wrdreg $0x60  }
0xb4: {  	[dreg:$0x2] =	wrdreg s24  }
0xb5: {  	[dreg:$0x3] =	wrdreg s16  }
0xb6: {  	[dreg:$0x4] =	wrdreg s17  }
0xb7: {  	[dreg:$0x5] =	wrdreg $0x9  }
0xb8: {  	_ =	task.clear_ibuf [dreg:s8], $0x6FFFF;
	_ =	strace $0x90000046  }
0xb9: {  	s29 =	simm.s32 $0x9;
	_ =	strace $0x80000048  }
0xba: {  	_ =	swait.ge [sflag:s29], $0x1  }
0xbb: {  	[sflag:s29] =	ssyncadd.s32 $0xFFFFFFFF  }
0xbc: {  	_ =	strace $0x90000048  }
0xbd: {  	_ =	sfence  }
0xbe: {  	s30 =	sld [smem:$0x0];
	_ =	sdelay $0x2  }
0xbf: {  	s31 =	sshll.u32 s1, $0xD;
	s1 =	sshrl.u32 s1, $0x2  }
0xc0: {  	s3 =	sand.u32 $0x4000, s31;
	s1 =	sadd.s32 s1, s30  }
0xc1: {  	s0 =	sor.u32 s3, s0;
	s1 =	sshll.u32 s1, $0x11  }
0xc2: {  	s0 =	sor.u32 s1, s0  }
0xc3: {  	s0 =	sadd.s32 $0x8F2B, s0  }
0xc4: {  	[sflag:s0] =	ssyncadd.remote.s32 $0x1  }
0xc5: {  	_ =	sfence.sel $0xFFFF  }
0xc6: {  	[dreg:$0x0] =	wrdreg $0xFFFFFFFF;
	(pc) =	sbr.abs _section_cstart, $3  }
0xc7: {  	[dreg:$0x1] =	wrdreg $0xFFFFFFFF  }
0xc8: {  	_ =	task.clear_ibuf [dreg:s8], $0x2FFFF;
	_ =	strace $0x9FFFFFFF  }
0xc9: {  	(tm) =	ssettm $0x7FFFFFFF  }
tec
execute0_lowered:
.L_overlay_start_1:
0x0: {  	(tag) =	ssettag $0x1  }
0x1: {  	s4 =	rddreg [dreg:$0x0]  }
0x2: {  	s2 =	rddreg [dreg:$0x1];
	s1 =	srdreg.scid  }
0x3: {  	s0 =	stileid.u32;
	s5 =	rddreg [dreg:$0x2];
	s3 =	simm.s32 $0x0  }
0x4: {  	s6 =	sand.u32 $0x1, s1;
	s7 =	smul.u32 $0x4E20, s0;
	s1 =	rddreg [dreg:$0x3]  }
0x5: {  	[smem:$0x7FF] =	sst s3;
	s9 =	sshll.u32 s0, $0x1;
	s8 =	smul.u32 $0x2710, s6  }
0x6: {  	s30 =	ssub.s32 $0x2, s6;
	s6 =	sor.u32 s6, s9;
	_ =	strace $0x80000047  }
0x7: {  	s31 =	sshrl.u32 s30, $0x1;
	s6 =	smul.u32 $0x4E2, s6;
	s7 =	sadd.s32 s8, s7  }
0x8: {  	s9 =	simm.s32 $0x0;
	s8 =	ssub.s32 s30, s31;
	s7 =	sshrl.u32 s7, $0x3  }
0x9: {  	s7 =	sadd.s32 s7, s4;
	s4 =	sadd.s32 s5, s6;
	s5 =	smax.u32 s8, $0x1  }
0xa: {  	v0 =	vimm.f32 $1.000000000e+00;
	s8 =	simm.s32 $0x1;
	s6 =	sadd.s32 $0xD800, s7;
	s7 =	simm.s32 $0x800  }
.LBB2_1:
0xb: {  	[tilespmem:s7], [sflag:$0x1] =	stream.linear.gather [hbm4b:s2+s3], $0x2780, $0x38;
	[tilespmem:$0x2F80] =	vst v63  }
0xc: {  	_ =	swait.ge [sflag:s8], $0x2780  }
0xd: {  	[sflag:s8] =	ssyncset.done $0x0  }
0xe: {  	s10 =	simm.s32 $0x0;
	[sflag:s8] =	ssyncadd.s32 $0xFFFFD880  }
.LBB2_2:
0xf: {  	s11 =	sadd.s32 s10, s6  }
0x10: {  	[tilespmem:s3], [sflag:$0x1] =	stream.linear.gather [hbm4b:s11+s3], $0x7D0, $0x38;
	[tilespmem:$0x2F80] =	vst v63  }
0x11: {  	_ =	swait.ge [sflag:s8], $0x7D0  }
0x12: {  	[sflag:s8] =	ssyncset.done $0x0  }
0x13: {  	[sflag:s8] =	ssyncadd.s32 $0xFFFFF830  }
0x14: {  	v1 =	vld [tilespmem:$0x0];
	_ =	sdelay $0x7  }
0x15: {  	[tilespmem:v1+s7+$0x0] =	vst.idx.add.f32.msk $0xffff, v0  }
0x16: {  	v1 =	vld [tilespmem:$0x10];
	_ =	sdelay $0x7  }
0x17: {  	[tilespmem:v1+s7+$0x0] =	vst.idx.add.f32.msk $0xffff, v0  }
0x18: {  	v1 =	vld [tilespmem:$0x20];
	_ =	sdelay $0x7  }
0x19: {  	[tilespmem:v1+s7+$0x0] =	vst.idx.add.f32.msk $0xffff, v0  }
0x1a: {  	v1 =	vld [tilespmem:$0x30];
	_ =	sdelay $0x7  }
0x1b: {  	[tilespmem:v1+s7+$0x0] =	vst.idx.add.f32.msk $0xffff, v0  }
0x1c: {  	v1 =	vld [tilespmem:$0x40];
	_ =	sdelay $0x7  }
0x1d: {  	[tilespmem:v1+s7+$0x0] =	vst.idx.add.f32.msk $0xffff, v0  }
0x1e: {  	v1 =	vld [tilespmem:$0x50];
	_ =	sdelay $0x7  }
0x1f: {  	[tilespmem:v1+s7+$0x0] =	vst.idx.add.f32.msk $0xffff, v0  }
0x20: {  	v1 =	vld [tilespmem:$0x60];
	_ =	sdelay $0x7  }
0x21: {  	[tilespmem:v1+s7+$0x0] =	vst.idx.add.f32.msk $0xffff, v0  }
0x22: {  	v1 =	vld [tilespmem:$0x70];
	_ =	sdelay $0x7  }
0x23: {  	[tilespmem:v1+s7+$0x0] =	vst.idx.add.f32.msk $0xffff, v0  }
0x24: {  	v1 =	vld [tilespmem:$0x80];
	_ =	sdelay $0x7  }
0x25: {  	[tilespmem:v1+s7+$0x0] =	vst.idx.add.f32.msk $0xffff, v0  }
0x26: {  	v1 =	vld [tilespmem:$0x90];
	_ =	sdelay $0x7  }
0x27: {  	[tilespmem:v1+s7+$0x0] =	vst.idx.add.f32.msk $0xffff, v0  }
0x28: {  	v1 =	vld [tilespmem:$0xA0];
	_ =	sdelay $0x7  }
0x29: {  	[tilespmem:v1+s7+$0x0] =	vst.idx.add.f32.msk $0xffff, v0  }
0x2a: {  	v1 =	vld [tilespmem:$0xB0];
	_ =	sdelay $0x7  }
0x2b: {  	[tilespmem:v1+s7+$0x0] =	vst.idx.add.f32.msk $0xffff, v0  }
0x2c: {  	v1 =	vld [tilespmem:$0xC0];
	_ =	sdelay $0x7  }
0x2d: {  	[tilespmem:v1+s7+$0x0] =	vst.idx.add.f32.msk $0xffff, v0  }
0x2e: {  	v1 =	vld [tilespmem:$0xD0];
	_ =	sdelay $0x7  }
0x2f: {  	[tilespmem:v1+s7+$0x0] =	vst.idx.add.f32.msk $0xffff, v0  }
0x30: {  	v1 =	vld [tilespmem:$0xE0];
	_ =	sdelay $0x7  }
0x31: {  	[tilespmem:v1+s7+$0x0] =	vst.idx.add.f32.msk $0xffff, v0  }
0x32: {  	v1 =	vld [tilespmem:$0xF0];
	_ =	sdelay $0x7  }
0x33: {  	[tilespmem:v1+s7+$0x0] =	vst.idx.add.f32.msk $0xffff, v0  }
0x34: {  	v1 =	vld [tilespmem:$0x100];
	_ =	sdelay $0x7  }
0x35: {  	[tilespmem:v1+s7+$0x0] =	vst.idx.add.f32.msk $0xffff, v0  }
0x36: {  	v1 =	vld [tilespmem:$0x110];
	_ =	sdelay $0x7  }
0x37: {  	[tilespmem:v1+s7+$0x0] =	vst.idx.add.f32.msk $0xffff, v0  }
0x38: {  	v1 =	vld [tilespmem:$0x120];
	_ =	sdelay $0x7  }
0x39: {  	[tilespmem:v1+s7+$0x0] =	vst.idx.add.f32.msk $0xffff, v0  }
0x3a: {  	v1 =	vld [tilespmem:$0x130];
	_ =	sdelay $0x7  }
0x3b: {  	[tilespmem:v1+s7+$0x0] =	vst.idx.add.f32.msk $0xffff, v0  }
0x3c: {  	v1 =	vld [tilespmem:$0x140];
	_ =	sdelay $0x7  }
0x3d: {  	[tilespmem:v1+s7+$0x0] =	vst.idx.add.f32.msk $0xffff, v0  }
0x3e: {  	v1 =	vld [tilespmem:$0x150];
	_ =	sdelay $0x7  }
0x3f: {  	[tilespmem:v1+s7+$0x0] =	vst.idx.add.f32.msk $0xffff, v0  }
0x40: {  	v1 =	vld [tilespmem:$0x160];
	_ =	sdelay $0x7  }
0x41: {  	[tilespmem:v1+s7+$0x0] =	vst.idx.add.f32.msk $0xffff, v0  }
0x42: {  	v1 =	vld [tilespmem:$0x170];
	_ =	sdelay $0x7  }
0x43: {  	[tilespmem:v1+s7+$0x0] =	vst.idx.add.f32.msk $0xffff, v0  }
0x44: {  	v1 =	vld [tilespmem:$0x180];
	_ =	sdelay $0x7  }
0x45: {  	[tilespmem:v1+s7+$0x0] =	vst.idx.add.f32.msk $0xffff, v0  }
0x46: {  	v1 =	vld [tilespmem:$0x190];
	_ =	sdelay $0x7  }
0x47: {  	[tilespmem:v1+s7+$0x0] =	vst.idx.add.f32.msk $0xffff, v0  }
0x48: {  	v1 =	vld [tilespmem:$0x1A0];
	_ =	sdelay $0x7  }
0x49: {  	[tilespmem:v1+s7+$0x0] =	vst.idx.add.f32.msk $0xffff, v0  }
0x4a: {  	v1 =	vld [tilespmem:$0x1B0];
	_ =	sdelay $0x7  }
0x4b: {  	[tilespmem:v1+s7+$0x0] =	vst.idx.add.f32.msk $0xffff, v0  }
0x4c: {  	v1 =	vld [tilespmem:$0x1C0];
	_ =	sdelay $0x7  }
0x4d: {  	[tilespmem:v1+s7+$0x0] =	vst.idx.add.f32.msk $0xffff, v0  }
0x4e: {  	v1 =	vld [tilespmem:$0x1D0];
	_ =	sdelay $0x7  }
0x4f: {  	[tilespmem:v1+s7+$0x0] =	vst.idx.add.f32.msk $0xffff, v0  }
0x50: {  	v1 =	vld [tilespmem:$0x1E0];
	_ =	sdelay $0x7  }
0x51: {  	[tilespmem:v1+s7+$0x0] =	vst.idx.add.f32.msk $0xffff, v0  }
0x52: {  	v1 =	vld [tilespmem:$0x1F0];
	_ =	sdelay $0x7  }
0x53: {  	[tilespmem:v1+s7+$0x0] =	vst.idx.add.f32.msk $0xffff, v0  }
0x54: {  	v1 =	vld [tilespmem:$0x200];
	_ =	sdelay $0x7  }
0x55: {  	[tilespmem:v1+s7+$0x0] =	vst.idx.add.f32.msk $0xffff, v0  }
0x56: {  	v1 =	vld [tilespmem:$0x210];
	_ =	sdelay $0x7  }
0x57: {  	[tilespmem:v1+s7+$0x0] =	vst.idx.add.f32.msk $0xffff, v0  }
0x58: {  	v1 =	vld [tilespmem:$0x220];
	_ =	sdelay $0x7  }
0x59: {  	[tilespmem:v1+s7+$0x0] =	vst.idx.add.f32.msk $0xffff, v0  }
0x5a: {  	v1 =	vld [tilespmem:$0x230];
	_ =	sdelay $0x7  }
0x5b: {  	[tilespmem:v1+s7+$0x0] =	vst.idx.add.f32.msk $0xffff, v0  }
0x5c: {  	v1 =	vld [tilespmem:$0x240];
	_ =	sdelay $0x7  }
0x5d: {  	[tilespmem:v1+s7+$0x0] =	vst.idx.add.f32.msk $0xffff, v0  }
0x5e: {  	v1 =	vld [tilespmem:$0x250];
	_ =	sdelay $0x7  }
0x5f: {  	[tilespmem:v1+s7+$0x0] =	vst.idx.add.f32.msk $0xffff, v0  }
0x60: {  	v1 =	vld [tilespmem:$0x260];
	_ =	sdelay $0x7  }
0x61: {  	[tilespmem:v1+s7+$0x0] =	vst.idx.add.f32.msk $0xffff, v0  }
0x62: {  	v1 =	vld [tilespmem:$0x270];
	_ =	sdelay $0x7  }
0x63: {  	[tilespmem:v1+s7+$0x0] =	vst.idx.add.f32.msk $0xffff, v0  }
0x64: {  	v1 =	vld [tilespmem:$0x280];
	_ =	sdelay $0x7  }
0x65: {  	[tilespmem:v1+s7+$0x0] =	vst.idx.add.f32.msk $0xffff, v0  }
0x66: {  	v1 =	vld [tilespmem:$0x290];
	_ =	sdelay $0x7  }
0x67: {  	[tilespmem:v1+s7+$0x0] =	vst.idx.add.f32.msk $0xffff, v0  }
0x68: {  	v1 =	vld [tilespmem:$0x2A0];
	_ =	sdelay $0x7  }
0x69: {  	[tilespmem:v1+s7+$0x0] =	vst.idx.add.f32.msk $0xffff, v0  }
0x6a: {  	v1 =	vld [tilespmem:$0x2B0];
	_ =	sdelay $0x7  }
0x6b: {  	[tilespmem:v1+s7+$0x0] =	vst.idx.add.f32.msk $0xffff, v0  }
0x6c: {  	v1 =	vld [tilespmem:$0x2C0];
	_ =	sdelay $0x7  }
0x6d: {  	[tilespmem:v1+s7+$0x0] =	vst.idx.add.f32.msk $0xffff, v0  }
0x6e: {  	v1 =	vld [tilespmem:$0x2D0];
	_ =	sdelay $0x7  }
0x6f: {  	[tilespmem:v1+s7+$0x0] =	vst.idx.add.f32.msk $0xffff, v0  }
0x70: {  	v1 =	vld [tilespmem:$0x2E0];
	_ =	sdelay $0x7  }
0x71: {  	[tilespmem:v1+s7+$0x0] =	vst.idx.add.f32.msk $0xffff, v0  }
0x72: {  	v1 =	vld [tilespmem:$0x2F0];
	_ =	sdelay $0x7  }
0x73: {  	[tilespmem:v1+s7+$0x0] =	vst.idx.add.f32.msk $0xffff, v0  }
0x74: {  	v1 =	vld [tilespmem:$0x300];
	_ =	sdelay $0x7  }
0x75: {  	[tilespmem:v1+s7+$0x0] =	vst.idx.add.f32.msk $0xffff, v0  }
0x76: {  	v1 =	vld [tilespmem:$0x310];
	_ =	sdelay $0x7  }
0x77: {  	[tilespmem:v1+s7+$0x0] =	vst.idx.add.f32.msk $0xffff, v0  }
0x78: {  	v1 =	vld [tilespmem:$0x320];
	_ =	sdelay $0x7  }
0x79: {  	[tilespmem:v1+s7+$0x0] =	vst.idx.add.f32.msk $0xffff, v0  }
0x7a: {  	v1 =	vld [tilespmem:$0x330];
	_ =	sdelay $0x7  }
0x7b: {  	[tilespmem:v1+s7+$0x0] =	vst.idx.add.f32.msk $0xffff, v0  }
0x7c: {  	v1 =	vld [tilespmem:$0x340];
	_ =	sdelay $0x7  }
0x7d: {  	[tilespmem:v1+s7+$0x0] =	vst.idx.add.f32.msk $0xffff, v0  }
0x7e: {  	v1 =	vld [tilespmem:$0x350];
	_ =	sdelay $0x7  }
0x7f: {  	[tilespmem:v1+s7+$0x0] =	vst.idx.add.f32.msk $0xffff, v0  }
0x80: {  	v1 =	vld [tilespmem:$0x360];
	_ =	sdelay $0x7  }
0x81: {  	[tilespmem:v1+s7+$0x0] =	vst.idx.add.f32.msk $0xffff, v0  }
0x82: {  	v1 =	vld [tilespmem:$0x370];
	_ =	sdelay $0x7  }
0x83: {  	[tilespmem:v1+s7+$0x0] =	vst.idx.add.f32.msk $0xffff, v0  }
0x84: {  	v1 =	vld [tilespmem:$0x380];
	_ =	sdelay $0x7  }
0x85: {  	[tilespmem:v1+s7+$0x0] =	vst.idx.add.f32.msk $0xffff, v0  }
0x86: {  	v1 =	vld [tilespmem:$0x390];
	_ =	sdelay $0x7  }
0x87: {  	[tilespmem:v1+s7+$0x0] =	vst.idx.add.f32.msk $0xffff, v0  }
0x88: {  	v1 =	vld [tilespmem:$0x3A0];
	_ =	sdelay $0x7  }
0x89: {  	[tilespmem:v1+s7+$0x0] =	vst.idx.add.f32.msk $0xffff, v0  }
0x8a: {  	v1 =	vld [tilespmem:$0x3B0];
	_ =	sdelay $0x7  }
0x8b: {  	[tilespmem:v1+s7+$0x0] =	vst.idx.add.f32.msk $0xffff, v0  }
0x8c: {  	v1 =	vld [tilespmem:$0x3C0];
	_ =	sdelay $0x7  }
0x8d: {  	[tilespmem:v1+s7+$0x0] =	vst.idx.add.f32.msk $0xffff, v0  }
0x8e: {  	v1 =	vld [tilespmem:$0x3D0];
	_ =	sdelay $0x7  }
0x8f: {  	[tilespmem:v1+s7+$0x0] =	vst.idx.add.f32.msk $0xffff, v0  }
0x90: {  	v1 =	vld [tilespmem:$0x3E0];
	_ =	sdelay $0x7  }
0x91: {  	[tilespmem:v1+s7+$0x0] =	vst.idx.add.f32.msk $0xffff, v0  }
0x92: {  	v1 =	vld [tilespmem:$0x3F0];
	_ =	sdelay $0x7  }
0x93: {  	[tilespmem:v1+s7+$0x0] =	vst.idx.add.f32.msk $0xffff, v0  }
0x94: {  	v1 =	vld [tilespmem:$0x400];
	_ =	sdelay $0x7  }
0x95: {  	[tilespmem:v1+s7+$0x0] =	vst.idx.add.f32.msk $0xffff, v0  }
0x96: {  	v1 =	vld [tilespmem:$0x410];
	_ =	sdelay $0x7  }
0x97: {  	[tilespmem:v1+s7+$0x0] =	vst.idx.add.f32.msk $0xffff, v0  }
0x98: {  	v1 =	vld [tilespmem:$0x420];
	_ =	sdelay $0x7  }
0x99: {  	[tilespmem:v1+s7+$0x0] =	vst.idx.add.f32.msk $0xffff, v0  }
0x9a: {  	v1 =	vld [tilespmem:$0x430];
	_ =	sdelay $0x7  }
0x9b: {  	[tilespmem:v1+s7+$0x0] =	vst.idx.add.f32.msk $0xffff, v0  }
0x9c: {  	v1 =	vld [tilespmem:$0x440];
	_ =	sdelay $0x7  }
0x9d: {  	[tilespmem:v1+s7+$0x0] =	vst.idx.add.f32.msk $0xffff, v0  }
0x9e: {  	v1 =	vld [tilespmem:$0x450];
	_ =	sdelay $0x7  }
0x9f: {  	[tilespmem:v1+s7+$0x0] =	vst.idx.add.f32.msk $0xffff, v0  }
0xa0: {  	v1 =	vld [tilespmem:$0x460];
	_ =	sdelay $0x7  }
0xa1: {  	[tilespmem:v1+s7+$0x0] =	vst.idx.add.f32.msk $0xffff, v0  }
0xa2: {  	v1 =	vld [tilespmem:$0x470];
	_ =	sdelay $0x7  }
0xa3: {  	[tilespmem:v1+s7+$0x0] =	vst.idx.add.f32.msk $0xffff, v0  }
0xa4: {  	v1 =	vld [tilespmem:$0x480];
	_ =	sdelay $0x7  }
0xa5: {  	[tilespmem:v1+s7+$0x0] =	vst.idx.add.f32.msk $0xffff, v0  }
0xa6: {  	v1 =	vld [tilespmem:$0x490];
	_ =	sdelay $0x7  }
0xa7: {  	[tilespmem:v1+s7+$0x0] =	vst.idx.add.f32.msk $0xffff, v0  }
0xa8: {  	v1 =	vld [tilespmem:$0x4A0];
	_ =	sdelay $0x7  }
0xa9: {  	[tilespmem:v1+s7+$0x0] =	vst.idx.add.f32.msk $0xffff, v0  }
0xaa: {  	v1 =	vld [tilespmem:$0x4B0];
	_ =	sdelay $0x7  }
0xab: {  	[tilespmem:v1+s7+$0x0] =	vst.idx.add.f32.msk $0xffff, v0  }
0xac: {  	v1 =	vld [tilespmem:$0x4C0];
	_ =	sdelay $0x7  }
0xad: {  	[tilespmem:v1+s7+$0x0] =	vst.idx.add.f32.msk $0xffff, v0  }
0xae: {  	v1 =	vld [tilespmem:$0x4D0];
	_ =	sdelay $0x7  }
0xaf: {  	[tilespmem:v1+s7+$0x0] =	vst.idx.add.f32.msk $0xffff, v0  }
0xb0: {  	v1 =	vld [tilespmem:$0x4E0];
	_ =	sdelay $0x7  }
0xb1: {  	[tilespmem:v1+s7+$0x0] =	vst.idx.add.f32.msk $0xffff, v0  }
0xb2: {  	v1 =	vld [tilespmem:$0x4F0];
	_ =	sdelay $0x7  }
0xb3: {  	[tilespmem:v1+s7+$0x0] =	vst.idx.add.f32.msk $0xffff, v0  }
0xb4: {  	v1 =	vld [tilespmem:$0x500];
	_ =	sdelay $0x7  }
0xb5: {  	[tilespmem:v1+s7+$0x0] =	vst.idx.add.f32.msk $0xffff, v0  }
0xb6: {  	v1 =	vld [tilespmem:$0x510];
	_ =	sdelay $0x7  }
0xb7: {  	[tilespmem:v1+s7+$0x0] =	vst.idx.add.f32.msk $0xffff, v0  }
0xb8: {  	v1 =	vld [tilespmem:$0x520];
	_ =	sdelay $0x7  }
0xb9: {  	[tilespmem:v1+s7+$0x0] =	vst.idx.add.f32.msk $0xffff, v0  }
0xba: {  	v1 =	vld [tilespmem:$0x530];
	_ =	sdelay $0x7  }
0xbb: {  	[tilespmem:v1+s7+$0x0] =	vst.idx.add.f32.msk $0xffff, v0  }
0xbc: {  	v1 =	vld [tilespmem:$0x540];
	_ =	sdelay $0x7  }
0xbd: {  	[tilespmem:v1+s7+$0x0] =	vst.idx.add.f32.msk $0xffff, v0  }
0xbe: {  	v1 =	vld [tilespmem:$0x550];
	_ =	sdelay $0x7  }
0xbf: {  	[tilespmem:v1+s7+$0x0] =	vst.idx.add.f32.msk $0xffff, v0  }
0xc0: {  	v1 =	vld [tilespmem:$0x560];
	_ =	sdelay $0x7  }
0xc1: {  	[tilespmem:v1+s7+$0x0] =	vst.idx.add.f32.msk $0xffff, v0  }
0xc2: {  	v1 =	vld [tilespmem:$0x570];
	_ =	sdelay $0x7  }
0xc3: {  	[tilespmem:v1+s7+$0x0] =	vst.idx.add.f32.msk $0xffff, v0  }
0xc4: {  	v1 =	vld [tilespmem:$0x580];
	_ =	sdelay $0x7  }
0xc5: {  	[tilespmem:v1+s7+$0x0] =	vst.idx.add.f32.msk $0xffff, v0  }
0xc6: {  	v1 =	vld [tilespmem:$0x590];
	_ =	sdelay $0x7  }
0xc7: {  	[tilespmem:v1+s7+$0x0] =	vst.idx.add.f32.msk $0xffff, v0  }
0xc8: {  	v1 =	vld [tilespmem:$0x5A0];
	_ =	sdelay $0x7  }
0xc9: {  	[tilespmem:v1+s7+$0x0] =	vst.idx.add.f32.msk $0xffff, v0  }
0xca: {  	v1 =	vld [tilespmem:$0x5B0];
	_ =	sdelay $0x7  }
0xcb: {  	[tilespmem:v1+s7+$0x0] =	vst.idx.add.f32.msk $0xffff, v0  }
0xcc: {  	v1 =	vld [tilespmem:$0x5C0];
	_ =	sdelay $0x7  }
0xcd: {  	[tilespmem:v1+s7+$0x0] =	vst.idx.add.f32.msk $0xffff, v0  }
0xce: {  	v1 =	vld [tilespmem:$0x5D0];
	_ =	sdelay $0x7  }
0xcf: {  	[tilespmem:v1+s7+$0x0] =	vst.idx.add.f32.msk $0xffff, v0  }
0xd0: {  	v1 =	vld [tilespmem:$0x5E0];
	_ =	sdelay $0x7  }
0xd1: {  	[tilespmem:v1+s7+$0x0] =	vst.idx.add.f32.msk $0xffff, v0  }
0xd2: {  	v1 =	vld [tilespmem:$0x5F0];
	_ =	sdelay $0x7  }
0xd3: {  	[tilespmem:v1+s7+$0x0] =	vst.idx.add.f32.msk $0xffff, v0  }
0xd4: {  	v1 =	vld [tilespmem:$0x600];
	_ =	sdelay $0x7  }
0xd5: {  	[tilespmem:v1+s7+$0x0] =	vst.idx.add.f32.msk $0xffff, v0  }
0xd6: {  	v1 =	vld [tilespmem:$0x610];
	_ =	sdelay $0x7  }
0xd7: {  	[tilespmem:v1+s7+$0x0] =	vst.idx.add.f32.msk $0xffff, v0  }
0xd8: {  	v1 =	vld [tilespmem:$0x620];
	_ =	sdelay $0x7  }
0xd9: {  	[tilespmem:v1+s7+$0x0] =	vst.idx.add.f32.msk $0xffff, v0  }
0xda: {  	v1 =	vld [tilespmem:$0x630];
	_ =	sdelay $0x7  }
0xdb: {  	[tilespmem:v1+s7+$0x0] =	vst.idx.add.f32.msk $0xffff, v0  }
0xdc: {  	v1 =	vld [tilespmem:$0x640];
	_ =	sdelay $0x7  }
0xdd: {  	[tilespmem:v1+s7+$0x0] =	vst.idx.add.f32.msk $0xffff, v0  }
0xde: {  	v1 =	vld [tilespmem:$0x650];
	_ =	sdelay $0x7  }
0xdf: {  	[tilespmem:v1+s7+$0x0] =	vst.idx.add.f32.msk $0xffff, v0  }
0xe0: {  	v1 =	vld [tilespmem:$0x660];
	_ =	sdelay $0x7  }
0xe1: {  	[tilespmem:v1+s7+$0x0] =	vst.idx.add.f32.msk $0xffff, v0  }
0xe2: {  	v1 =	vld [tilespmem:$0x670];
	_ =	sdelay $0x7  }
0xe3: {  	[tilespmem:v1+s7+$0x0] =	vst.idx.add.f32.msk $0xffff, v0  }
0xe4: {  	v1 =	vld [tilespmem:$0x680];
	_ =	sdelay $0x7  }
0xe5: {  	[tilespmem:v1+s7+$0x0] =	vst.idx.add.f32.msk $0xffff, v0  }
0xe6: {  	v1 =	vld [tilespmem:$0x690];
	_ =	sdelay $0x7  }
0xe7: {  	[tilespmem:v1+s7+$0x0] =	vst.idx.add.f32.msk $0xffff, v0  }
0xe8: {  	v1 =	vld [tilespmem:$0x6A0];
	_ =	sdelay $0x7  }
0xe9: {  	[tilespmem:v1+s7+$0x0] =	vst.idx.add.f32.msk $0xffff, v0  }
0xea: {  	v1 =	vld [tilespmem:$0x6B0];
	_ =	sdelay $0x7  }
0xeb: {  	[tilespmem:v1+s7+$0x0] =	vst.idx.add.f32.msk $0xffff, v0  }
0xec: {  	v1 =	vld [tilespmem:$0x6C0];
	_ =	sdelay $0x7  }
0xed: {  	[tilespmem:v1+s7+$0x0] =	vst.idx.add.f32.msk $0xffff, v0  }
0xee: {  	v1 =	vld [tilespmem:$0x6D0];
	_ =	sdelay $0x7  }
0xef: {  	[tilespmem:v1+s7+$0x0] =	vst.idx.add.f32.msk $0xffff, v0  }
0xf0: {  	v1 =	vld [tilespmem:$0x6E0];
	_ =	sdelay $0x7  }
0xf1: {  	[tilespmem:v1+s7+$0x0] =	vst.idx.add.f32.msk $0xffff, v0  }
0xf2: {  	v1 =	vld [tilespmem:$0x6F0];
	_ =	sdelay $0x7  }
0xf3: {  	[tilespmem:v1+s7+$0x0] =	vst.idx.add.f32.msk $0xffff, v0  }
0xf4: {  	v1 =	vld [tilespmem:$0x700];
	_ =	sdelay $0x7  }
0xf5: {  	[tilespmem:v1+s7+$0x0] =	vst.idx.add.f32.msk $0xffff, v0  }
0xf6: {  	v1 =	vld [tilespmem:$0x710];
	_ =	sdelay $0x7  }
0xf7: {  	[tilespmem:v1+s7+$0x0] =	vst.idx.add.f32.msk $0xffff, v0  }
0xf8: {  	v1 =	vld [tilespmem:$0x720];
	_ =	sdelay $0x7  }
0xf9: {  	[tilespmem:v1+s7+$0x0] =	vst.idx.add.f32.msk $0xffff, v0  }
0xfa: {  	v1 =	vld [tilespmem:$0x730];
	_ =	sdelay $0x7  }
0xfb: {  	[tilespmem:v1+s7+$0x0] =	vst.idx.add.f32.msk $0xffff, v0  }
0xfc: {  	v1 =	vld [tilespmem:$0x740];
	_ =	sdelay $0x7  }
0xfd: {  	[tilespmem:v1+s7+$0x0] =	vst.idx.add.f32.msk $0xffff, v0  }
0xfe: {  	v1 =	vld [tilespmem:$0x750];
	_ =	sdelay $0x7  }
0xff: {  	[tilespmem:v1+s7+$0x0] =	vst.idx.add.f32.msk $0xffff, v0  }
0x100: {  	v1 =	vld [tilespmem:$0x760];
	_ =	sdelay $0x7  }
0x101: {  	[tilespmem:v1+s7+$0x0] =	vst.idx.add.f32.msk $0xffff, v0  }
0x102: {  	v1 =	vld [tilespmem:$0x770];
	_ =	sdelay $0x7  }
0x103: {  	[tilespmem:v1+s7+$0x0] =	vst.idx.add.f32.msk $0xffff, v0  }
0x104: {  	v1 =	vld [tilespmem:$0x780];
	_ =	sdelay $0x7  }
0x105: {  	[tilespmem:v1+s7+$0x0] =	vst.idx.add.f32.msk $0xffff, v0  }
0x106: {  	v1 =	vld [tilespmem:$0x790];
	_ =	sdelay $0x7  }
0x107: {  	[tilespmem:v1+s7+$0x0] =	vst.idx.add.f32.msk $0xffff, v0  }
0x108: {  	v1 =	vld [tilespmem:$0x7A0];
	_ =	sdelay $0x7  }
0x109: {  	[tilespmem:v1+s7+$0x0] =	vst.idx.add.f32.msk $0xffff, v0  }
0x10a: {  	v1 =	vld [tilespmem:$0x7B0];
	_ =	sdelay $0x7  }
0x10b: {  	[tilespmem:v1+s7+$0x0] =	vst.idx.add.f32.msk $0xffff, v0  }
0x10c: {  	v1 =	vld [tilespmem:$0x7C0];
	_ =	sdelay $0x2  }
0x10d: {  	p0 =	sne.s32 s10, $0x3E8  }
.Ltmp0:
0x10e: {  	_ = 	snop;
	(pc) =	sbr.rel @p0 .LBB2_2-.Ltmp0, $2  }
0x10f: {  	_ =	sdelay $0x2  }
0x110: {  	s10 =	sadd.s32 $0xFA, s10;
	[tilespmem:v1+s7+$0x0] =	vst.idx.add.f32.msk $0xffff, v0  }
0x111: {  	s9 =	sadd.s32 $0x1, s9  }
0x112: {  	p0 =	sne.s32 s9, s5  }
.Ltmp1:
0x113: {  	_ = 	snop;
	(pc) =	sbr.rel @p0 .LBB2_1-.Ltmp1, $4  }
0x114: {  	[hbm4b:s4+s3] =	stream.linear.scatter [tilespmem:s7], [sflag:$0x1], $0x2710, $0x38;
	[tilespmem:$0x2F80] =	vst v63  }
0x115: {  	_ =	swait.ge [sflag:s8], $0x2710  }
0x116: {  	[sflag:s8] =	ssyncset.done $0x0  }
0x117: {  	[sflag:s8] =	ssyncadd.s32 $0xFFFFD8F0  }
0x118: {  	_ =	sfence.sel $0x180000  }
0x119: {  	[bflag:$0x0] =	sbarrier.arrive $0xFFFF  }
0x11a: {  	p0 =	sne.s32 s0, $0x0;
	_ =	strace $0x90000047  }
0x11b: {  	s0 =	sadd.s32 @!p0 $0x100000, s1;
	[bflag:$0x2] =	sbarrier.arrive $0xFFFF  }
0x11c: {  	[sflag:s0] =	ssyncadd.tile.s32 @!p0 $0x1;
	_ =	shalt  }
.Lfunc_end2:
_tile_overlayer_lowered:
.L_overlay_start_2:
0x11d: {  	(tag) =	ssettag $0x2  }
0x11e: {  	s0 =	rddreg [dreg:$0x0];
	s2 =	stileid.u32  }
0x11f: {  	s1 =	rddreg [dreg:$0x1];
	p0 =	sne.s32 s2, $0x0  }
0x120: {  	s3 =	rddreg [dreg:$0x2];
	[bflag:$0x3] =	sbarrier.arrive $0xFFFF;
	s2 =	simm.s32 @!p0 $0x1C01  }
0x121: {  	[timem:s3], [sflag:s2] =	dma.local @!p0 [hbm:s0], s1  }
0x122: {  	s0 =	simm.s32 @!p0 $0x1  }
0x123: {  	_ =	swait.ge @!p0 [sflag:s0], s1  }
0x124: {  	s1 =	ssub.s32 @!p0 $0x0, s1;
	[sflag:s0] =	ssyncset.done @!p0 $0x0  }
0x125: {  	[sflag:s0] =	ssyncadd.s32 @!p0 s1  }
0x126: {  	[bflag:$0x3] =	sbarrier.arrive $0xFFFF  }
0x127: {  	_ =	shalt  }

// kernel: kernel.13.cloned.1.call-start
scs
__scs_entry_jumppad:
0x0: {  	(pc) =	sbr.rel $0x88, $3  }
0x1: {  	(tag) =	ssettag $0x0;
	lr =	simm.s32 $0x1  }
0x2: {  	[smem:$0x3F97] =	sst lr;
	_ =	strace $0xD0000000  }
0x3: {  	_ = 	snop  }
0x4: {  	_ = 	snop  }
0x5: {  	_ = 	snop  }
0x6: {  	_ = 	snop  }
0x7: {  	_ = 	snop  }
__scs_overlays_trampoline_lowered:
0x8: {  	[smem:$0x3FA6] =	sst s0  }
0x9: {  	[smem:$0x3FA7] =	sst s1  }
0xa: {  	[smem:$0x3FA8] =	sst s2  }
0xb: {  	[smem:$0x3FA9] =	sst s3  }
0xc: {  	[smem:$0x3FAA] =	sst s4  }
0xd: {  	[smem:$0x3FAB] =	sst s5  }
0xe: {  	[smem:$0x3FAC] =	sst s6  }
0xf: {  	[smem:$0x3FAD] =	sst s7  }
0x10: {  	[smem:$0x3FAE] =	sst s8  }
0x11: {  	[smem:$0x3FAF] =	sst s9;
	s0 =	simm.s32 @!p0 $0x0  }
0x12: {  	s1 =	sld [smem:$0x3F95];
	s0 =	simm.s32 @p0 $0x1  }
0x13: {  	[smem:$0x3FB0] =	sst s0;
	s0 =	simm.s32 @!p1 $0x0  }
0x14: {  	s2 =	sld [smem:$0x3F94];
	s0 =	simm.s32 @p1 $0x1  }
0x15: {  	[smem:$0x3FB1] =	sst s0;
	s0 =	simm.s32 @!p2 $0x0  }
0x16: {  	s3 =	sld [smem:$0x3FDB];
	s0 =	simm.s32 @p2 $0x1  }
0x17: {  	s4 =	simm.s32 $0x1BF5;
	[smem:$0x3FB3] =	sst s0  }
0x18: {  	s0 =	sld [smem:$0x3F96];
	_ =	swait.ge [sflag:s4], $0x0  }
0x19: {  	s7 =	sld [smem:$0x3F97]  }
0x1a: {  	s8 =	sadd.s32 $0xFFFFE003, lr  }
0x1b: {  	s9 =	sadd.s32 $0xFFFFFEF7, lr;
	s5 =	simm.s32 $0xFFFFFFFF;
	p2 =	slt.u32 s8, $0xFFFFF086  }
0x1c: {  	p1 =	slt.u32 s9, $0xF7A;
	s5 =	simm.s32 @!p2 $0x0  }
0x1d: {  	s5 =	simm.s32 @p1 $0x1;
	p0 =	seq.s32 s7, s2  }
0x1e: {  	s7 =	smul.u32 @!p0 $0xF7A, s2;
	p2 =	seq.s32 @!p0 s5, $0x0  }
0x1f: {  	s9 =	smul.u32 $0xF7A, s1;
	s8 =	simm.s32 @!p0 $0x1BF5;
	p2 =	por !p2, p0  }
0x20: {  	[sflag:s8] =	ssyncset.s32 @!p0 $0xFFFFF086;
	s6 =	sadd.s32 @!p0 s3, s7;
	s7 =	simm.s32 @!p0 $0x108  }
0x21: {  	s3 =	sadd.s32 s3, s9;
	s6 =	sadd.s32 @!p0 $0x88, s6;
	s7 =	simm.s32 @p2 $0x1082  }
0x22: {  	[simem:s7], [sflag:s8] =	dma.local @!p0 [hbm:s6], $0xF7A  }
0x23: {  	s9 =	sor.u32 $0xD0000000, s2;
	s6 =	simm.s32 $0x108;
	_ =	swait.ge @!p0 [sflag:s8], $0x0  }
0x24: {  	s3 =	sadd.s32 $0x88, s3;
	s6 =	simm.s32 @!p1 $0x1082;
	[sflag:s4] =	ssyncset.s32 $0xFFFFF086  }
0x25: {  	[simem:s6], [sflag:s4] =	dma.local [hbm:s3], $0xF7A  }
0x26: {  	[smem:$0x3F97] =	sst s1;
	(tag) =	ssettag s2;
	_ =	strace s9  }
0x27: {  	s1 =	sld [smem:$0x3FA7]  }
0x28: {  	s2 =	sld [smem:$0x3FA8]  }
0x29: {  	s4 =	sld [smem:$0x3FAA]  }
0x2a: {  	p0 =	seq.s32 s5, $0x0;
	s5 =	sld [smem:$0x3FAB]  }
0x2b: {  	s6 =	sld [smem:$0x3FAC]  }
0x2c: {  	s7 =	sld [smem:$0x3FAD]  }
0x2d: {  	s3 =	simm.s32 $0x108;
	s8 =	sld [smem:$0x3FAE]  }
0x2e: {  	s3 =	simm.s32 @!p0 $0x1082;
	s9 =	sld [smem:$0x3FAF]  }
0x2f: {  	lr =	sadd.s32 s0, s3;
	s0 =	sld [smem:$0x3FA6]  }
0x30: {  	s3 =	sld [smem:$0x3FA9]  }
0x31: {  	[smem:$0x3FB2] =	sst s10  }
0x32: {  	s10 =	sld [smem:$0x3FB0];
	_ =	sdelay $0x3  }
0x33: {  	p0 =	seq.s32 s10, $0x1;
	s10 =	sld [smem:$0x3FB2];
	_ =	sdelay $0x3  }
0x34: {  	[smem:$0x3FB2] =	sst s10  }
0x35: {  	s10 =	sld [smem:$0x3FB1];
	_ =	sdelay $0x3  }
0x36: {  	p1 =	seq.s32 s10, $0x1;
	s10 =	sld [smem:$0x3FB2];
	_ =	sdelay $0x3  }
0x37: {  	[smem:$0x3FB2] =	sst s10  }
0x38: {  	s10 =	sld [smem:$0x3FB3]  }
0x39: {  	_ = 	snop;
	(pc) =	sbr.ind lr, $3  }
0x3a: {  	_ = 	snop  }
0x3b: {  	_ = 	snop  }
0x3c: {  	p2 =	seq.s32 s10, $0x1;
	s10 =	sld [smem:$0x3FB2]  }
0x3d: {  	_ =	shalt  }
0x3e: {  	_ =	shalt  }
0x3f: {  	_ =	shalt  }
0x40: {  	_ =	shalt  }
0x41: {  	_ =	shalt  }
0x42: {  	_ =	shalt  }
0x43: {  	_ =	shalt  }
0x44: {  	_ =	shalt  }
0x45: {  	_ =	shalt  }
0x46: {  	_ =	shalt  }
0x47: {  	_ =	shalt  }
0x48: {  	_ =	shalt  }
0x49: {  	_ =	shalt  }
0x4a: {  	_ =	shalt  }
0x4b: {  	_ =	shalt  }
0x4c: {  	_ =	shalt  }
0x4d: {  	_ =	shalt  }
0x4e: {  	_ =	shalt  }
0x4f: {  	_ =	shalt  }
0x50: {  	_ =	shalt  }
0x51: {  	_ =	shalt  }
0x52: {  	_ =	shalt  }
0x53: {  	_ =	shalt  }
0x54: {  	_ =	shalt  }
0x55: {  	_ =	shalt  }
0x56: {  	_ =	shalt  }
0x57: {  	_ =	shalt  }
0x58: {  	_ =	shalt  }
0x59: {  	_ =	shalt  }
0x5a: {  	_ =	shalt  }
0x5b: {  	_ =	shalt  }
0x5c: {  	_ =	shalt  }
0x5d: {  	_ =	shalt  }
0x5e: {  	_ =	shalt  }
0x5f: {  	_ =	shalt  }
0x60: {  	_ =	shalt  }
0x61: {  	_ =	shalt  }
0x62: {  	_ =	shalt  }
0x63: {  	_ =	shalt  }
0x64: {  	_ =	shalt  }
0x65: {  	_ =	shalt  }
0x66: {  	_ =	shalt  }
0x67: {  	_ =	shalt  }
0x68: {  	_ =	shalt  }
0x69: {  	_ =	shalt  }
0x6a: {  	_ =	shalt  }
0x6b: {  	_ =	shalt  }
0x6c: {  	_ =	shalt  }
0x6d: {  	_ =	shalt  }
0x6e: {  	_ =	shalt  }
0x6f: {  	_ =	shalt  }
0x70: {  	_ =	shalt  }
0x71: {  	_ =	shalt  }
0x72: {  	_ =	shalt  }
0x73: {  	_ =	shalt  }
0x74: {  	_ =	shalt  }
0x75: {  	_ =	shalt  }
0x76: {  	_ =	shalt  }
0x77: {  	_ =	shalt  }
0x78: {  	_ =	shalt  }
0x79: {  	_ =	shalt  }
0x7a: {  	_ =	shalt  }
0x7b: {  	_ =	shalt  }
0x7c: {  	_ =	shalt  }
0x7d: {  	_ =	shalt  }
0x7e: {  	_ =	shalt  }
0x7f: {  	_ =	shalt  }
0x80: {  	_ =	shalt  }
0x81: {  	_ =	shalt  }
0x82: {  	_ =	shalt  }
0x83: {  	_ =	shalt  }
0x84: {  	_ =	shalt  }
0x85: {  	_ =	shalt  }
0x86: {  	_ =	shalt  }
0x87: {  	_ =	shalt  }
.Lfunc_end0:
.L_simem_size_0:
called_computation.1_lowered:
.L_overlay_start_0:
0x88: {  	s2 =	sld [smem:$0x3FD9]  }
0x89: {  	s3 =	sld [smem:$0x3FFE];
	_ =	sdelay $0x1  }
0x8a: {  	s1 =	srdreg.scid  }
0x8b: {  	s0 =	sand.u32 $0x1, s1  }
0x8c: {  	s14 =	sshll.u32 s0, $0xA;
	s2 =	sadd.s32 s3, s2  }
0x8d: {  	s2 =	sadd.s32 s2, s14  }
0x8e: {  	[smem:$0x3FBE] =	sst s2  }
0x8f: {  	_ = 	snop  }
0x90: {  	s2 =	sld [smem:$0x3FD0];
	_ =	sdelay $0x2  }
0x91: {  	s15 =	simm.s32 $0xA;
	s4 =	simm.s32 $0x10  }
0x92: {  	[smem:s4], [sflag:s15] =	dma.local [hbm:s2], $0x1  }
0x93: {  	_ =	swait.eq [sflag:s15], $0x1  }
0x94: {  	[sflag:s15] =	ssyncset.done $0x0  }
0x95: {  	s16 =	sld [smem:$0x10];
	[sflag:s15] =	ssyncadd.s32 $0xFFFFFFFF  }
0x96: {  	s17 =	sld [smem:$0x11];
	(tm) =	ssettm $0x1  }
0x97: {  	s18 =	sld [smem:$0x3FFB];
	_ =	sdelay $0x3  }
0x98: {  	_ =	strace s18  }
0x99: {  	s4 =	sld [smem:$0x3FFC];
	_ =	sdelay $0x3  }
0x9a: {  	_ =	strace s4  }
0x9b: {  	s4 =	sld [smem:$0x3FFD];
	_ =	sdelay $0x3  }
0x9c: {  	_ =	strace s4  }
0x9d: {  	_ =	strace $0x8FFFFFFF  }
0x9e: {  	s19 =	sld [smem:$0x3FDB];
	_ =	sdelay $0x1  }
0x9f: {  	s5 =	simm.s32 $_scs_section_size  }
0xa0: {  	s6 =	simm.s32 $_size__tile_overlayer_lowered;
	s7 =	simm.s32 $_tile_overlayer_lowered  }
0xa1: {  	s22 =	simm.s32 $0x1BFF;
	s21 =	sshll.u32 s7, $0x1;
	s4 =	sadd.s32 s5, s19  }
0xa2: {  	s8 =	simm.s32 $0x0;
	s20 =	sshll.u32 s6, $0x1;
	s6 =	sadd.s32 s21, s4  }
0xa3: {  	[timem:s8], [sflag:s22] =	dma.local [hbm:s6], s20  }
0xa4: {  	_ =	swait.ge [sflag:s22], s20  }
0xa5: {  	s5 =	ssub.s32 $0x0, s20;
	[sflag:s22] =	ssyncset.done $0x0  }
0xa6: {  	[sflag:s22] =	ssyncadd.s32 s5;
	_ =	sdelay $0x1  }
0xa7: {  	s23 =	simm.s32 $0x1B8B  }
0xa8: {  	_ =	swait.ge [sflag:s23], $0x1  }
0xa9: {  	[sflag:s23] =	ssyncset.done $0x0  }
0xaa: {  	s25 =	simm.s32 $0x1B8E;
	s24 =	sld [smem:$0x3FFE];
	[sflag:s23] =	ssyncadd.s32 $0xFFFFFFFF  }
0xab: {  	s26 =	simm.s32 $execute0_lowered;
	[smem:$0x3FD2] =	sst s25  }
0xac: {  	s6 =	sshll.u32 s26, $0x1;
	_ =	strace $0x80000049;
	[dreg:$0x1] =	wrdreg $0xFFFFFFFF  }
0xad: {  	s28 =	simm.s32 $_size_execute0_lowered;
	s4 =	sadd.s32 s4, s6;
	[dreg:$0x0] =	wrdreg $0x0  }
0xae: {  	s6 =	sshll.u32 s28, $0x1;
	[dreg:$0x2] =	wrdreg s4  }
0xaf: {  	[dreg:$0x3] =	wrdreg s6  }
0xb0: {  	[dreg:$0x4] =	wrdreg $0xC0  }
0xb1: {  	_ =	task [dreg:s8], $0x5FFFF  }
0xb2: {  	[dreg:$0x1] =	wrdreg $0xFFFFFFFF  }
0xb3: {  	[dreg:$0x0] =	wrdreg $0x60  }
0xb4: {  	[dreg:$0x2] =	wrdreg s17  }
0xb5: {  	[dreg:$0x3] =	wrdreg s24  }
0xb6: {  	[dreg:$0x4] =	wrdreg s16  }
0xb7: {  	[dreg:$0x5] =	wrdreg $0xB7000  }
0xb8: {  	[dreg:$0x6] =	wrdreg $0x9  }
0xb9: {  	_ =	task.clear_ibuf [dreg:s8], $0x7FFFF;
	_ =	strace $0x90000049  }
0xba: {  	s29 =	simm.s32 $0x9;
	_ =	strace $0x8000004B  }
0xbb: {  	_ =	swait.ge [sflag:s29], $0x1  }
0xbc: {  	[sflag:s29] =	ssyncadd.s32 $0xFFFFFFFF  }
0xbd: {  	_ =	strace $0x9000004B  }
0xbe: {  	_ =	sfence  }
0xbf: {  	s30 =	sld [smem:$0x0];
	_ =	sdelay $0x2  }
0xc0: {  	s31 =	sshll.u32 s1, $0xD;
	s1 =	sshrl.u32 s1, $0x2  }
0xc1: {  	s3 =	sand.u32 $0x4000, s31;
	s1 =	sadd.s32 s1, s30  }
0xc2: {  	s0 =	sor.u32 s3, s0;
	s1 =	sshll.u32 s1, $0x11  }
0xc3: {  	s0 =	sor.u32 s1, s0  }
0xc4: {  	s0 =	sadd.s32 $0x8F2B, s0  }
0xc5: {  	[sflag:s0] =	ssyncadd.remote.s32 $0x1  }
0xc6: {  	_ =	sfence.sel $0xFFFF  }
0xc7: {  	[dreg:$0x0] =	wrdreg $0xFFFFFFFF;
	(pc) =	sbr.abs _section_cstart, $3  }
0xc8: {  	[dreg:$0x1] =	wrdreg $0xFFFFFFFF  }
0xc9: {  	_ =	task.clear_ibuf [dreg:s8], $0x2FFFF;
	_ =	strace $0x9FFFFFFF  }
0xca: {  	(tm) =	ssettm $0x7FFFFFFF  }
0xcb: {  	_ =	shalt  }
tec
execute0_lowered:
.L_overlay_start_1:
0x0: {  	(tag) =	ssettag $0x1  }
0x1: {  	s1 =	rddreg [dreg:$0x0];
	s0 =	srdreg.scid  }
0x2: {  	s18 =	stileid.u32;
	s2 =	rddreg [dreg:$0x1]  }
0x3: {  	s5 =	rddreg [dreg:$0x2];
	s30 =	simm.s32 $0x1;
	s11 =	smul.u32 $0x4E000, s18  }
0x4: {  	s31 =	simm.s32 $0x8;
	s28 =	simm.s32 $0xD;
	s13 =	smul.u32 $0x2700, s18  }
0x5: {  	s29 =	simm.s32 $0x0;
	s0 =	sand.u32 $0x1, s0;
	s24 =	smul.u32 $0x13800, s18  }
0x6: {  	s3 =	sshll.u32 s18, $0x1;
	s10 =	sadd.s32 $0xD800, s2;
	s15 =	smul.u32 $0x4E20, s18  }
0x7: {  	p0 =	seq.s32 s18, $0xF;
	s4 =	sor.u32 s0, s3;
	s22 =	smul.u32 $0x138800, s0  }
0x8: {  	s3 =	rddreg [dreg:$0x3];
	s9 =	ssub.s32 $0x2, s0;
	s0 =	smul.u32 $0x2710, s0  }
0x9: {  	s6 =	smul.u32 $0x2710, s4;
	s4 =	simm.s32 $0x0;
	s12 =	sshrl.u32 s9, $0x1  }
0xa: {  	s16 =	sshrl.u32 s11, $0x2;
	s19 =	sadd.s32 s5, s13;
	s11 =	sadd.s32 $0x124800, s3  }
0xb: {  	s5 =	sadd.s32 $0x24900, s5;
	[smem:$0x7FF] =	sst s4;
	s17 =	ssub.s32 s9, s12  }
0xc: {  	s26 =	sadd.s32 s24, s22;
	s0 =	sadd.s32 s0, s15;
	s24 =	simm.s32 $0xA  }
0xd: {  	s7 =	sshrl.u32 s6, $0x3;
	_ =	strace $0x8000004A;
	[dreg:$0x7] =	wrdreg s19  }
0xe: {  	s20 =	sadd.s32 $0x28, s6;
	[dreg:$0x8] =	wrdreg s5;
	s23 =	sadd.s32 $0x78, s6  }
0xf: {  	s6 =	sadd.s32 $0xC8, s6;
	s0 =	sadd.s32 $0xF0, s0;
	s17 =	smax.u32 s17, $0x1  }
0x10: {  	s19 =	simm.s32 $0xF;
	s8 =	sadd.s32 s7, s2;
	s2 =	sadd.s32 $0x17600, s2  }
0x11: {  	s21 =	sshrl.u32 s20, $0x3;
	s9 =	sadd.s32 s10, s7;
	s6 =	sshrl.u32 s6, $0x3  }
0x12: {  	s0 =	sshrl.u32 s0, $0x3;
	s20 =	sshrl.u32 @p0 s11, $0x3;
	s8 =	sadd.s32 $0x3A00, s8  }
0x13: {  	s5 =	sadd.s32 s10, s21;
	s7 =	sadd.s32 $0xA, s9;
	s25 =	sadd.s32 $0x14, s9  }
0x14: {  	s14 =	sadd.s32 s10, s6;
	s6 =	sshrl.u32 s26, $0x3;
	[dreg:$0x5] =	wrdreg s8  }
0x15: {  	s21 =	simm.s32 $0x2780;
	s26 =	simm.s32 $0xC;
	[dreg:$0x9] =	wrdreg s5  }
0x16: {  	s8 =	sadd.s32 s16, s3;
	[dreg:$0xa] =	wrdreg s7;
	s7 =	sshrl.u32 s23, $0x3  }
.Ltmp0:
0x17: {  	[dreg:$0xc] =	wrdreg s25;
	s5 =	sshrl.u32 s22, $0x3;
	(pc) =	sbr.rel .LBB2_1-.Ltmp0, $4  }
0x18: {  	s15 =	sadd.s32 s2, s6;
	s22 =	simm.s32 $0x28;
	s23 =	simm.s32 $0x2B00  }
0x19: {  	s25 =	simm.s32 $0xB;
	[dreg:$0x6] =	wrdreg s8;
	s7 =	sadd.s32 s10, s7  }
0x1a: {  	s2 =	sadd.s32 s2, s5;
	s8 =	sadd.s32 s0, s10;
	s0 =	simm.s32 $0xE  }
0x1b: {  	[dreg:$0xb] =	wrdreg s7;
	s16 =	sadd.s32 $0x24900, s2;
	s2 =	simm.s32 $0x9  }
.LBB2_10:
0x1c: {  	_ =	swait.ge [sflag:s31], $0x1400  }
0x1d: {  	[sflag:s31] =	ssyncset.done $0x0  }
0x1e: {  	[sflag:s31] =	ssyncadd.s32 $0xFFFFEC00  }
0x1f: {  	_ =	swait.ge [sflag:s2], $0x1400  }
0x20: {  	[sflag:s2] =	ssyncset.done $0x0  }
0x21: {  	[sflag:s2] =	ssyncadd.s32 $0xFFFFEC00  }
0x22: {  	_ =	swait.ge [sflag:s24], $0x1400  }
0x23: {  	[sflag:s24] =	ssyncset.done $0x0  }
0x24: {  	[sflag:s24] =	ssyncadd.s32 $0xFFFFEC00  }
0x25: {  	_ =	swait.ge [sflag:s25], $0x1400  }
0x26: {  	[sflag:s25] =	ssyncset.done $0x0  }
0x27: {  	[sflag:s25] =	ssyncadd.s32 $0xFFFFEC00  }
0x28: {  	_ =	swait.ge [sflag:s26], $0x1400  }
0x29: {  	[sflag:s26] =	ssyncset.done $0x0  }
0x2a: {  	[sflag:s26] =	ssyncadd.s32 $0xFFFFEC00  }
0x2b: {  	_ =	swait.ge [sflag:s28], $0x1400  }
0x2c: {  	[sflag:s28] =	ssyncset.done $0x0  }
0x2d: {  	[sflag:s28] =	ssyncadd.s32 $0xFFFFEC00  }
0x2e: {  	_ =	swait.ge [sflag:s0], $0x1400  }
0x2f: {  	[sflag:s0] =	ssyncset.done $0x0  }
0x30: {  	[sflag:s0] =	ssyncadd.s32 $0xFFFFEC00  }
0x31: {  	s7 =	simm.s32 @p0 $0x1FCF;
	[bflag:$0x0] =	sbarrier.arrive $0xFFFF  }
0x32: {  	[hbm:s16], [sflag:s7] =	dma.local @p0 [spmem:s20], $0x2800  }
0x33: {  	s7 =	simm.s32 @p0 $0xF  }
0x34: {  	_ =	swait.ge @p0 [sflag:s7], $0x2800  }
0x35: {  	s29 =	sadd.s32 $0x1, s29;
	[sflag:s7] =	ssyncset.done @p0 $0x0  }
0x36: {  	p1 =	sne.s32 s29, s17;
	[sflag:s7] =	ssyncadd.s32 @p0 $0xFFFFD800  }
0x37: {  	[hbm:s15], [sflag:s5] =	dma.local @!p0 [spmem:s6], $0x2700  }
.Ltmp1:
0x38: {  	_ = 	snop;
	(pc) =	sbr.rel @!p1 .LBB2_11-.Ltmp1, $4  }
0x39: {  	s5 =	simm.s32 @!p0 $0xF  }
0x3a: {  	_ =	swait.ge @!p0 [sflag:s5], $0x2700  }
0x3b: {  	[sflag:s5] =	ssyncset.done @!p0 $0x0  }
0x3c: {  	[sflag:s5] =	ssyncadd.s32 @!p0 $0xFFFFD900  }
.LBB2_1:
0x3d: {  	s5 =	rddreg [dreg:$0x5]  }
0x3e: {  	[tilespmem:s4], [sflag:$0xF] =	stream.linear.gather [hbm4b:s5+s4], $0x2710, $0x38;
	[tilespmem:$0x1EF80] =	vst v63  }
0x3f: {  	_ =	swait.ge [sflag:s19], $0x2710  }
0x40: {  	[sflag:s19] =	ssyncset.done $0x0  }
0x41: {  	s5 =	simm.s32 @p0 $0x1FCF;
	s6 =	rddreg [dreg:$0x8];
	[sflag:s19] =	ssyncadd.s32 $0xFFFFD8F0  }
0x42: {  	[spmem:s20], [sflag:s5] =	dma.local @p0 [hbm:s6], $0x2800  }
0x43: {  	s5 =	simm.s32 @p0 $0xF  }
0x44: {  	s6 =	stileid.u32;
	_ =	swait.ge @p0 [sflag:s5], $0x2800  }
0x45: {  	s6 =	sshll.u32 @!p0 s6, $0x6;
	[sflag:s5] =	ssyncset.done @p0 $0x0  }
0x46: {  	[sflag:s5] =	ssyncadd.s32 @p0 $0xFFFFD800;
	s5 =	sor.u32 @!p0 $0x1C0F, s6;
	s6 =	rddreg [dreg:$0x6]  }
0x47: {  	s7 =	rddreg [dreg:$0x7];
	s6 =	sshrl.u32 @!p0 s6, $0x3  }
0x48: {  	[spmem:s6], [sflag:s5] =	dma.local @!p0 [hbm:s7], $0x2700  }
0x49: {  	s7 =	simm.s32 @!p0 $0xF  }
0x4a: {  	_ =	swait.ge @!p0 [sflag:s7], $0x2700  }
0x4b: {  	[sflag:s7] =	ssyncset.done @!p0 $0x0  }
0x4c: {  	[sflag:s7] =	ssyncadd.s32 @!p0 $0xFFFFD900  }
0x4d: {  	[bflag:$0x0] =	sbarrier.arrive $0xFFFF  }
0x4e: {  	[tilespmem:s21], [sflag:$0x1] =	stream.linear.gather [hbm4b:s9+s4], $0x28, $0x38;
	[tilespmem:$0x1EF80] =	vst v63  }
0x4f: {  	_ = 	snop  }
0x50: {  	[tilespmem:s23], [sflag:$0x1] =	stream.indirect.gather [hbm4b:s1+s22], $0x80, s4, s22, $0xb8;
	[tilespmem:$0x1EF80] =	vst v63  }
0x51: {  	s10 =	simm.s32 $0x2800;
	s11 =	rddreg [dreg:$0x9]  }
0x52: {  	[tilespmem:s10], [sflag:$0x2] =	stream.linear.gather [hbm4b:s11+s4], $0x28, $0x38;
	[tilespmem:$0x1EF80] =	vst v63  }
0x53: {  	s12 =	simm.s32 $0x3F00  }
0x54: {  	[tilespmem:s12], [sflag:$0x2] =	stream.indirect.gather [hbm4b:s1+s22], $0x80, s22, s22, $0xb8;
	[tilespmem:$0x1EF80] =	vst v63  }
0x55: {  	s18 =	simm.s32 $0x2880;
	s13 =	rddreg [dreg:$0xa]  }
0x56: {  	[tilespmem:s18], [sflag:$0x3] =	stream.linear.gather [hbm4b:s13+s4], $0x28, $0x38;
	[tilespmem:$0x1EF80] =	vst v63  }
0x57: {  	s11 =	simm.s32 $0x50;
	s12 =	simm.s32 $0x5300  }
0x58: {  	[tilespmem:s12], [sflag:$0x3] =	stream.indirect.gather [hbm4b:s1+s22], $0x80, s11, s22, $0xb8;
	[tilespmem:$0x1EF80] =	vst v63  }
0x59: {  	s13 =	rddreg [dreg:$0xb];
	s18 =	simm.s32 $0x2900  }
0x5a: {  	[tilespmem:s18], [sflag:$0x4] =	stream.linear.gather [hbm4b:s13+s4], $0x28, $0x38;
	[tilespmem:$0x1EF80] =	vst v63  }
0x5b: {  	s11 =	simm.s32 $0x78;
	s12 =	simm.s32 $0x6700  }
0x5c: {  	[tilespmem:s12], [sflag:$0x4] =	stream.indirect.gather [hbm4b:s1+s22], $0x80, s11, s22, $0xb8;
	[tilespmem:$0x1EF80] =	vst v63  }
0x5d: {  	s13 =	rddreg [dreg:$0xc];
	s18 =	simm.s32 $0x2980  }
0x5e: {  	[tilespmem:s18], [sflag:$0x5] =	stream.linear.gather [hbm4b:s13+s4], $0x28, $0x38;
	[tilespmem:$0x1EF80] =	vst v63  }
0x5f: {  	s10 =	simm.s32 $0xA0;
	s11 =	simm.s32 $0x7B00  }
0x60: {  	[tilespmem:s11], [sflag:$0x5] =	stream.indirect.gather [hbm4b:s1+s22], $0x80, s10, s22, $0xb8;
	[tilespmem:$0x1EF80] =	vst v63  }
.Ltmp2:
0x61: {  	s12 =	simm.s32 $0x2A00;
	(pc) =	sbr.rel .LBB2_2-.Ltmp2, $4  }
0x62: {  	[tilespmem:s12], [sflag:$0x6] =	stream.linear.gather [hbm4b:s14+s4], $0x28, $0x38;
	[tilespmem:$0x1EF80] =	vst v63  }
0x63: {  	s13 =	simm.s32 $0xC8;
	s18 =	simm.s32 $0x8F00  }
0x64: {  	[tilespmem:s18], [sflag:$0x6] =	stream.indirect.gather [hbm4b:s1+s22], $0x80, s13, s22, $0xb8;
	[tilespmem:$0x1EF80] =	vst v63  }
0x65: {  	s7 =	simm.s32 $0xF0;
	s10 =	simm.s32 $0x0;
	s18 =	smov.u32 s8  }
.LBB2_6:
0x66: {  	p1 =	seq.s32 s11, $0x3  }
0x67: {  	s11 =	simm.s32 @p1 $0x4  }
0x68: {  	_ =	swait.ge @p1 [sflag:s11], $0x28  }
0x69: {  	[sflag:s11] =	ssyncset.done @p1 $0x0  }
0x6a: {  	[sflag:s11] =	ssyncadd.s32 @p1 $0xFFFFFFD8  }
0x6b: {  	p2 =	sgt.u32 @p1 s10, $0xF3;
	_ =	swait.ge @p1 [sflag:s11], $0x1400  }
0x6c: {  	s12 =	simm.s32 @p1 $0x2900;
	s13 =	simm.s32 @p1 $0x6700;
	[sflag:s11] =	ssyncset.done @p1 $0x0  }
0x6d: {  	p2 =	por p2, !p1;
	[sflag:s11] =	ssyncadd.s32 @p1 $0xFFFFEC00;
	s11 =	simm.s32 @p1 $0x28  }
0x6e: {  	[spmem:s3] =	stream.indirect.scatter.add.f32 @p1 [tilespmem:s13], [sflag:$0xB], $0x80, s12, s11, $0xb8;
	[tilespmem:$0x1EF80] =	vst v63  }
0x6f: {  	s11 =	simm.s32 @!p2 $0xA  }
0x70: {  	_ =	swait.ge @!p2 [sflag:s11], $0x1400  }
0x71: {  	[sflag:s11] =	ssyncset.done @!p2 $0x0  }
0x72: {  	s12 =	simm.s32 @!p2 $0x2880;
	[sflag:s11] =	ssyncadd.s32 @!p2 $0xFFFFEC00;
	s11 =	simm.s32 @!p2 $0x0  }
0x73: {  	[tilespmem:s12], [sflag:$0x3] =	stream.linear.gather @!p2 [hbm4b:s18+s11], $0x28, $0x38;
	[tilespmem:$0x1EF80] =	vst v63  }
0x74: {  	s11 =	simm.s32 @!p2 $0x28;
	s12 =	simm.s32 @!p2 $0x5300  }
0x75: {  	[tilespmem:s12], [sflag:$0x3] =	stream.indirect.gather @!p2 [hbm4b:s1+s11], $0x80, s7, s11, $0xb8;
	[tilespmem:$0x1EF80] =	vst v63  }
0x76: {  	s11 =	simm.s32 @!p1 $0x5  }
0x77: {  	_ =	swait.ge @!p1 [sflag:s11], $0x28  }
0x78: {  	[sflag:s11] =	ssyncset.done @!p1 $0x0  }
0x79: {  	[sflag:s11] =	ssyncadd.s32 @!p1 $0xFFFFFFD8  }
0x7a: {  	_ =	swait.ge @!p1 [sflag:s11], $0x1400  }
0x7b: {  	s13 =	simm.s32 @!p1 $0x7B00;
	p2 =	sgt.u32 @!p1 s10, $0xF3;
	[sflag:s11] =	ssyncset.done @!p1 $0x0  }
0x7c: {  	s12 =	simm.s32 @!p1 $0x2980;
	[sflag:s11] =	ssyncadd.s32 @!p1 $0xFFFFEC00;
	s11 =	simm.s32 @!p1 $0x28  }
0x7d: {  	[spmem:s3] =	stream.indirect.scatter.add.f32 @!p1 [tilespmem:s13], [sflag:$0xC], $0x80, s12, s11, $0xb8;
	[tilespmem:$0x1EF80] =	vst v63  }
0x7e: {  	p1 =	por p2, p1  }
0x7f: {  	s11 =	simm.s32 @!p1 $0xB  }
0x80: {  	_ =	swait.ge @!p1 [sflag:s11], $0x1400  }
0x81: {  	[sflag:s11] =	ssyncset.done @!p1 $0x0  }
0x82: {  	s12 =	simm.s32 @!p1 $0x2900;
	[sflag:s11] =	ssyncadd.s32 @!p1 $0xFFFFEC00;
	s11 =	simm.s32 @!p1 $0x0  }
0x83: {  	[tilespmem:s12], [sflag:$0x4] =	stream.linear.gather @!p1 [hbm4b:s18+s11], $0x28, $0x38;
	[tilespmem:$0x1EF80] =	vst v63  }
0x84: {  	s11 =	simm.s32 @!p1 $0x28;
	s12 =	simm.s32 @!p1 $0x6700  }
0x85: {  	[tilespmem:s12], [sflag:$0x4] =	stream.indirect.gather @!p1 [hbm4b:s1+s11], $0x80, s7, s11, $0xb8;
	[tilespmem:$0x1EF80] =	vst v63  }
.LBB2_9:
0x86: {  	s10 =	sadd.s32 $0x1, s10  }
0x87: {  	p1 =	sne.s32 s10, $0xFA  }
.Ltmp3:
0x88: {  	_ = 	snop;
	(pc) =	sbr.rel @!p1 .LBB2_10-.Ltmp3, $2  }
0x89: {  	_ =	sdelay $0x2  }
0x8a: {  	s18 =	sadd.s32 $0x5, s18;
	s7 =	sadd.s32 $0x28, s7  }
.LBB2_2:
0x8b: {  	s11 =	smul.u32 $0x25, s10;
	_ =	sdelay $0x1  }
0x8c: {  	s11 =	sshrl.u32 s11, $0x8  }
0x8d: {  	s12 =	ssub.s32 s10, s11  }
0x8e: {  	s12 =	sand.u32 $0xFE, s12  }
0x8f: {  	s12 =	sshrl.u32 s12, $0x1  }
0x90: {  	s11 =	sadd.s32 s11, s12  }
0x91: {  	s11 =	sand.u32 $0xFC, s11  }
0x92: {  	s11 =	sshrl.u32 s11, $0x2  }
0x93: {  	s11 =	smul.u32 $0x7, s11;
	_ =	sdelay $0x1  }
0x94: {  	s11 =	ssub.s32 s10, s11  }
0x95: {  	s11 =	sand.u32 $0xFF, s11  }
0x96: {  	p1 =	sgt.s32 s11, $0x2  }
.Ltmp4:
0x97: {  	_ = 	snop;
	(pc) =	sbr.rel @!p1 .LBB2_3-.Ltmp4, $1  }
0x98: {  	_ =	sdelay $0x3  }
0x99: {  	p1 =	sgt.s32 s11, $0x4  }
.Ltmp5:
0x9a: {  	_ = 	snop;
	(pc) =	sbr.rel @!p1 .LBB2_6-.Ltmp5, $1  }
0x9b: {  	_ =	sdelay $0x3  }
0x9c: {  	p1 =	seq.s32 s11, $0x5  }
0x9d: {  	s11 =	simm.s32 @p1 $0x6  }
0x9e: {  	_ =	swait.ge @p1 [sflag:s11], $0x28  }
0x9f: {  	[sflag:s11] =	ssyncset.done @p1 $0x0  }
0xa0: {  	[sflag:s11] =	ssyncadd.s32 @p1 $0xFFFFFFD8  }
0xa1: {  	p2 =	sgt.u32 @p1 s10, $0xF3;
	_ =	swait.ge @p1 [sflag:s11], $0x1400  }
0xa2: {  	s12 =	simm.s32 @p1 $0x2A00;
	s13 =	simm.s32 @p1 $0x8F00;
	[sflag:s11] =	ssyncset.done @p1 $0x0  }
0xa3: {  	p2 =	por p2, !p1;
	[sflag:s11] =	ssyncadd.s32 @p1 $0xFFFFEC00;
	s11 =	simm.s32 @p1 $0x28  }
0xa4: {  	[spmem:s3] =	stream.indirect.scatter.add.f32 @p1 [tilespmem:s13], [sflag:$0xD], $0x80, s12, s11, $0xb8;
	[tilespmem:$0x1EF80] =	vst v63  }
0xa5: {  	s11 =	simm.s32 @!p2 $0xC  }
0xa6: {  	_ =	swait.ge @!p2 [sflag:s11], $0x1400  }
0xa7: {  	[sflag:s11] =	ssyncset.done @!p2 $0x0  }
0xa8: {  	s12 =	simm.s32 @!p2 $0x2980;
	[sflag:s11] =	ssyncadd.s32 @!p2 $0xFFFFEC00;
	s11 =	simm.s32 @!p2 $0x0  }
0xa9: {  	[tilespmem:s12], [sflag:$0x5] =	stream.linear.gather @!p2 [hbm4b:s18+s11], $0x28, $0x38;
	[tilespmem:$0x1EF80] =	vst v63  }
0xaa: {  	s11 =	simm.s32 @!p2 $0x28;
	s12 =	simm.s32 @!p2 $0x7B00  }
0xab: {  	[tilespmem:s12], [sflag:$0x5] =	stream.indirect.gather @!p2 [hbm4b:s1+s11], $0x80, s7, s11, $0xb8;
	[tilespmem:$0x1EF80] =	vst v63  }
0xac: {  	s11 =	simm.s32 @!p1 $0x7  }
0xad: {  	_ =	swait.ge @!p1 [sflag:s11], $0x28  }
0xae: {  	[sflag:s11] =	ssyncset.done @!p1 $0x0  }
0xaf: {  	[sflag:s11] =	ssyncadd.s32 @!p1 $0xFFFFFFD8  }
0xb0: {  	_ =	swait.ge @!p1 [sflag:s11], $0x1400  }
0xb1: {  	s13 =	simm.s32 @!p1 $0xA300;
	p2 =	sgt.u32 @!p1 s10, $0xF3;
	[sflag:s11] =	ssyncset.done @!p1 $0x0  }
0xb2: {  	s12 =	simm.s32 @!p1 $0x2A80;
	[sflag:s11] =	ssyncadd.s32 @!p1 $0xFFFFEC00;
	s11 =	simm.s32 @!p1 $0x28  }
0xb3: {  	[spmem:s3] =	stream.indirect.scatter.add.f32 @!p1 [tilespmem:s13], [sflag:$0xE], $0x80, s12, s11, $0xb8;
	[tilespmem:$0x1EF80] =	vst v63  }
0xb4: {  	p1 =	por p2, p1  }
0xb5: {  	s11 =	simm.s32 @!p1 $0xD  }
0xb6: {  	_ =	swait.ge @!p1 [sflag:s11], $0x1400  }
.Ltmp6:
0xb7: {  	[sflag:s11] =	ssyncset.done @!p1 $0x0;
	(pc) =	sbr.rel .LBB2_9-.Ltmp6, $4  }
0xb8: {  	s12 =	simm.s32 @!p1 $0x2A00;
	[sflag:s11] =	ssyncadd.s32 @!p1 $0xFFFFEC00;
	s11 =	simm.s32 @!p1 $0x0  }
0xb9: {  	[tilespmem:s12], [sflag:$0x6] =	stream.linear.gather @!p1 [hbm4b:s18+s11], $0x28, $0x38;
	[tilespmem:$0x1EF80] =	vst v63  }
0xba: {  	s11 =	simm.s32 @!p1 $0x28;
	s12 =	simm.s32 @!p1 $0x8F00  }
0xbb: {  	[tilespmem:s12], [sflag:$0x6] =	stream.indirect.gather @!p1 [hbm4b:s1+s11], $0x80, s7, s11, $0xb8;
	[tilespmem:$0x1EF80] =	vst v63  }
.LBB2_3:
0xbc: {  	p1 =	seq.s32 s11, $0x0  }
.Ltmp7:
0xbd: {  	_ = 	snop;
	(pc) =	sbr.rel @p1 .LBB2_8-.Ltmp7, $1  }
0xbe: {  	_ =	sdelay $0x3  }
0xbf: {  	p1 =	seq.s32 s11, $0x1  }
0xc0: {  	s11 =	simm.s32 @p1 $0x2  }
0xc1: {  	_ =	swait.ge @p1 [sflag:s11], $0x28  }
0xc2: {  	[sflag:s11] =	ssyncset.done @p1 $0x0  }
0xc3: {  	[sflag:s11] =	ssyncadd.s32 @p1 $0xFFFFFFD8  }
0xc4: {  	p2 =	sgt.u32 @p1 s10, $0xF3;
	_ =	swait.ge @p1 [sflag:s11], $0x1400  }
0xc5: {  	s12 =	simm.s32 @p1 $0x2800;
	s13 =	simm.s32 @p1 $0x3F00;
	[sflag:s11] =	ssyncset.done @p1 $0x0  }
0xc6: {  	p2 =	por p2, !p1;
	[sflag:s11] =	ssyncadd.s32 @p1 $0xFFFFEC00;
	s11 =	simm.s32 @p1 $0x28  }
0xc7: {  	[spmem:s3] =	stream.indirect.scatter.add.f32 @p1 [tilespmem:s13], [sflag:$0x9], $0x80, s12, s11, $0xb8;
	[tilespmem:$0x1EF80] =	vst v63  }
0xc8: {  	s11 =	simm.s32 @!p2 $0x8  }
0xc9: {  	_ =	swait.ge @!p2 [sflag:s11], $0x1400  }
0xca: {  	[sflag:s11] =	ssyncset.done @!p2 $0x0  }
0xcb: {  	s12 =	simm.s32 @!p2 $0x2780;
	[sflag:s11] =	ssyncadd.s32 @!p2 $0xFFFFEC00;
	s11 =	simm.s32 @!p2 $0x0  }
0xcc: {  	[tilespmem:s12], [sflag:$0x1] =	stream.linear.gather @!p2 [hbm4b:s18+s11], $0x28, $0x38;
	[tilespmem:$0x1EF80] =	vst v63  }
0xcd: {  	s11 =	simm.s32 @!p2 $0x28;
	s12 =	simm.s32 @!p2 $0x2B00  }
0xce: {  	[tilespmem:s12], [sflag:$0x1] =	stream.indirect.gather @!p2 [hbm4b:s1+s11], $0x80, s7, s11, $0xb8;
	[tilespmem:$0x1EF80] =	vst v63  }
0xcf: {  	s11 =	simm.s32 @!p1 $0x3  }
0xd0: {  	_ =	swait.ge @!p1 [sflag:s11], $0x28  }
0xd1: {  	[sflag:s11] =	ssyncset.done @!p1 $0x0  }
0xd2: {  	[sflag:s11] =	ssyncadd.s32 @!p1 $0xFFFFFFD8  }
0xd3: {  	_ =	swait.ge @!p1 [sflag:s11], $0x1400  }
0xd4: {  	s13 =	simm.s32 @!p1 $0x5300;
	p2 =	sgt.u32 @!p1 s10, $0xF3;
	[sflag:s11] =	ssyncset.done @!p1 $0x0  }
0xd5: {  	s12 =	simm.s32 @!p1 $0x2880;
	[sflag:s11] =	ssyncadd.s32 @!p1 $0xFFFFEC00;
	s11 =	simm.s32 @!p1 $0x28  }
0xd6: {  	[spmem:s3] =	stream.indirect.scatter.add.f32 @!p1 [tilespmem:s13], [sflag:$0xA], $0x80, s12, s11, $0xb8;
	[tilespmem:$0x1EF80] =	vst v63  }
0xd7: {  	p1 =	por p2, p1  }
0xd8: {  	s11 =	simm.s32 @!p1 $0x9  }
0xd9: {  	_ =	swait.ge @!p1 [sflag:s11], $0x1400  }
.Ltmp8:
0xda: {  	[sflag:s11] =	ssyncset.done @!p1 $0x0;
	(pc) =	sbr.rel .LBB2_9-.Ltmp8, $4  }
0xdb: {  	s12 =	simm.s32 @!p1 $0x2800;
	[sflag:s11] =	ssyncadd.s32 @!p1 $0xFFFFEC00;
	s11 =	simm.s32 @!p1 $0x0  }
0xdc: {  	[tilespmem:s12], [sflag:$0x2] =	stream.linear.gather @!p1 [hbm4b:s18+s11], $0x28, $0x38;
	[tilespmem:$0x1EF80] =	vst v63  }
0xdd: {  	s11 =	simm.s32 @!p1 $0x28;
	s12 =	simm.s32 @!p1 $0x3F00  }
0xde: {  	[tilespmem:s12], [sflag:$0x2] =	stream.indirect.gather @!p1 [hbm4b:s1+s11], $0x80, s7, s11, $0xb8;
	[tilespmem:$0x1EF80] =	vst v63  }
.LBB2_8:
0xdf: {  	_ =	swait.ge [sflag:s30], $0x28  }
0xe0: {  	[sflag:s30] =	ssyncset.done $0x0  }
0xe1: {  	p1 =	sgt.u32 s10, $0xF3;
	[sflag:s30] =	ssyncadd.s32 $0xFFFFFFD8  }
0xe2: {  	p2 =	seq.s32 @!p1 s10, $0x0;
	_ =	swait.ge [sflag:s30], $0x1400  }
0xe3: {  	p2 =	por p2, p1;
	[sflag:s30] =	ssyncset.done $0x0  }
0xe4: {  	s11 =	simm.s32 @!p2 $0xE;
	[sflag:s30] =	ssyncadd.s32 $0xFFFFEC00  }
0xe5: {  	[spmem:s3] =	stream.indirect.scatter.add.f32 [tilespmem:s23], [sflag:$0x8], $0x80, s21, s22, $0xb8;
	[tilespmem:$0x1EF80] =	vst v63  }
0xe6: {  	_ =	swait.ge @!p2 [sflag:s11], $0x1400  }
.Ltmp9:
0xe7: {  	[sflag:s11] =	ssyncset.done @!p2 $0x0;
	(pc) =	sbr.rel .LBB2_9-.Ltmp9, $4  }
0xe8: {  	s12 =	simm.s32 @!p1 $0x2A80;
	[sflag:s11] =	ssyncadd.s32 @!p2 $0xFFFFEC00;
	s11 =	simm.s32 @!p1 $0x0  }
0xe9: {  	[tilespmem:s12], [sflag:$0x7] =	stream.linear.gather @!p1 [hbm4b:s18+s11], $0x28, $0x38;
	[tilespmem:$0x1EF80] =	vst v63  }
0xea: {  	s11 =	simm.s32 @!p1 $0x28;
	s12 =	simm.s32 @!p1 $0xA300  }
0xeb: {  	[tilespmem:s12], [sflag:$0x7] =	stream.indirect.gather @!p1 [hbm4b:s1+s11], $0x80, s7, s11, $0xb8;
	[tilespmem:$0x1EF80] =	vst v63  }
.LBB2_11:
0xec: {  	_ =	sfence.sel $0x180000  }
0xed: {  	[bflag:$0x0] =	sbarrier.arrive $0xFFFF  }
0xee: {  	_ =	strace $0x9000004A  }
0xef: {  	s0 =	stileid.u32;
	[bflag:$0x2] =	sbarrier.arrive $0xFFFF  }
0xf0: {  	p0 =	sne.s32 s0, $0x0;
	s0 =	rddreg [dreg:$0x4]  }
0xf1: {  	s0 =	sadd.s32 @!p0 $0x100000, s0  }
0xf2: {  	[sflag:s0] =	ssyncadd.tile.s32 @!p0 $0x1;
	_ =	shalt  }
.Lfunc_end2:
_tile_overlayer_lowered:
.L_overlay_start_2:
0xf3: {  	(tag) =	ssettag $0x2  }
0xf4: {  	s0 =	rddreg [dreg:$0x0];
	s2 =	stileid.u32  }
0xf5: {  	s1 =	rddreg [dreg:$0x1];
	p0 =	sne.s32 s2, $0x0  }
0xf6: {  	s3 =	rddreg [dreg:$0x2];
	[bflag:$0x3] =	sbarrier.arrive $0xFFFF;
	s2 =	simm.s32 @!p0 $0x1C0F  }
0xf7: {  	[timem:s3], [sflag:s2] =	dma.local @!p0 [hbm:s0], s1  }
0xf8: {  	s0 =	simm.s32 @!p0 $0xF  }
0xf9: {  	_ =	swait.ge @!p0 [sflag:s0], s1  }
0xfa: {  	s1 =	ssub.s32 @!p0 $0x0, s1;
	[sflag:s0] =	ssyncset.done @!p0 $0x0  }
0xfb: {  	[sflag:s0] =	ssyncadd.s32 @!p0 s1  }
0xfc: {  	[bflag:$0x3] =	sbarrier.arrive $0xFFFF  }
0xfd: {  	_ =	shalt  }

// kernel: kernel.16.cloned.1.call-start
scs
__scs_entry_jumppad:
0x0: {  	(pc) =	sbr.rel $0x88, $3  }
0x1: {  	(tag) =	ssettag $0x0;
	lr =	simm.s32 $0x1  }
0x2: {  	[smem:$0x3F97] =	sst lr;
	_ =	strace $0xD0000000  }
0x3: {  	_ = 	snop  }
0x4: {  	_ = 	snop  }
0x5: {  	_ = 	snop  }
0x6: {  	_ = 	snop  }
0x7: {  	_ = 	snop  }
__scs_overlays_trampoline_lowered:
0x8: {  	[smem:$0x3FA6] =	sst s0  }
0x9: {  	[smem:$0x3FA7] =	sst s1  }
0xa: {  	[smem:$0x3FA8] =	sst s2  }
0xb: {  	[smem:$0x3FA9] =	sst s3  }
0xc: {  	[smem:$0x3FAA] =	sst s4  }
0xd: {  	[smem:$0x3FAB] =	sst s5  }
0xe: {  	[smem:$0x3FAC] =	sst s6  }
0xf: {  	[smem:$0x3FAD] =	sst s7  }
0x10: {  	[smem:$0x3FAE] =	sst s8  }
0x11: {  	[smem:$0x3FAF] =	sst s9;
	s0 =	simm.s32 @!p0 $0x0  }
0x12: {  	s1 =	sld [smem:$0x3F95];
	s0 =	simm.s32 @p0 $0x1  }
0x13: {  	[smem:$0x3FB0] =	sst s0;
	s0 =	simm.s32 @!p1 $0x0  }
0x14: {  	s2 =	sld [smem:$0x3F94];
	s0 =	simm.s32 @p1 $0x1  }
0x15: {  	[smem:$0x3FB1] =	sst s0;
	s0 =	simm.s32 @!p2 $0x0  }
0x16: {  	s3 =	sld [smem:$0x3FDB];
	s0 =	simm.s32 @p2 $0x1  }
0x17: {  	s4 =	simm.s32 $0x1BF5;
	[smem:$0x3FB3] =	sst s0  }
0x18: {  	s0 =	sld [smem:$0x3F96];
	_ =	swait.ge [sflag:s4], $0x0  }
0x19: {  	s7 =	sld [smem:$0x3F97]  }
0x1a: {  	s8 =	sadd.s32 $0xFFFFE003, lr  }
0x1b: {  	s9 =	sadd.s32 $0xFFFFFEF7, lr;
	s5 =	simm.s32 $0xFFFFFFFF;
	p2 =	slt.u32 s8, $0xFFFFF086  }
0x1c: {  	p1 =	slt.u32 s9, $0xF7A;
	s5 =	simm.s32 @!p2 $0x0  }
0x1d: {  	s5 =	simm.s32 @p1 $0x1;
	p0 =	seq.s32 s7, s2  }
0x1e: {  	s7 =	smul.u32 @!p0 $0xF7A, s2;
	p2 =	seq.s32 @!p0 s5, $0x0  }
0x1f: {  	s9 =	smul.u32 $0xF7A, s1;
	s8 =	simm.s32 @!p0 $0x1BF5;
	p2 =	por !p2, p0  }
0x20: {  	[sflag:s8] =	ssyncset.s32 @!p0 $0xFFFFF086;
	s6 =	sadd.s32 @!p0 s3, s7;
	s7 =	simm.s32 @!p0 $0x108  }
0x21: {  	s3 =	sadd.s32 s3, s9;
	s6 =	sadd.s32 @!p0 $0x88, s6;
	s7 =	simm.s32 @p2 $0x1082  }
0x22: {  	[simem:s7], [sflag:s8] =	dma.local @!p0 [hbm:s6], $0xF7A  }
0x23: {  	s9 =	sor.u32 $0xD0000000, s2;
	s6 =	simm.s32 $0x108;
	_ =	swait.ge @!p0 [sflag:s8], $0x0  }
0x24: {  	s3 =	sadd.s32 $0x88, s3;
	s6 =	simm.s32 @!p1 $0x1082;
	[sflag:s4] =	ssyncset.s32 $0xFFFFF086  }
0x25: {  	[simem:s6], [sflag:s4] =	dma.local [hbm:s3], $0xF7A  }
0x26: {  	[smem:$0x3F97] =	sst s1;
	(tag) =	ssettag s2;
	_ =	strace s9  }
0x27: {  	s1 =	sld [smem:$0x3FA7]  }
0x28: {  	s2 =	sld [smem:$0x3FA8]  }
0x29: {  	s4 =	sld [smem:$0x3FAA]  }
0x2a: {  	p0 =	seq.s32 s5, $0x0;
	s5 =	sld [smem:$0x3FAB]  }
0x2b: {  	s6 =	sld [smem:$0x3FAC]  }
0x2c: {  	s7 =	sld [smem:$0x3FAD]  }
0x2d: {  	s3 =	simm.s32 $0x108;
	s8 =	sld [smem:$0x3FAE]  }
0x2e: {  	s3 =	simm.s32 @!p0 $0x1082;
	s9 =	sld [smem:$0x3FAF]  }
0x2f: {  	lr =	sadd.s32 s0, s3;
	s0 =	sld [smem:$0x3FA6]  }
0x30: {  	s3 =	sld [smem:$0x3FA9]  }
0x31: {  	[smem:$0x3FB2] =	sst s10  }
0x32: {  	s10 =	sld [smem:$0x3FB0];
	_ =	sdelay $0x3  }
0x33: {  	p0 =	seq.s32 s10, $0x1;
	s10 =	sld [smem:$0x3FB2];
	_ =	sdelay $0x3  }
0x34: {  	[smem:$0x3FB2] =	sst s10  }
0x35: {  	s10 =	sld [smem:$0x3FB1];
	_ =	sdelay $0x3  }
0x36: {  	p1 =	seq.s32 s10, $0x1;
	s10 =	sld [smem:$0x3FB2];
	_ =	sdelay $0x3  }
0x37: {  	[smem:$0x3FB2] =	sst s10  }
0x38: {  	s10 =	sld [smem:$0x3FB3]  }
0x39: {  	_ = 	snop;
	(pc) =	sbr.ind lr, $3  }
0x3a: {  	_ = 	snop  }
0x3b: {  	_ = 	snop  }
0x3c: {  	p2 =	seq.s32 s10, $0x1;
	s10 =	sld [smem:$0x3FB2]  }
0x3d: {  	_ =	shalt  }
0x3e: {  	_ =	shalt  }
0x3f: {  	_ =	shalt  }
0x40: {  	_ =	shalt  }
0x41: {  	_ =	shalt  }
0x42: {  	_ =	shalt  }
0x43: {  	_ =	shalt  }
0x44: {  	_ =	shalt  }
0x45: {  	_ =	shalt  }
0x46: {  	_ =	shalt  }
0x47: {  	_ =	shalt  }
0x48: {  	_ =	shalt  }
0x49: {  	_ =	shalt  }
0x4a: {  	_ =	shalt  }
0x4b: {  	_ =	shalt  }
0x4c: {  	_ =	shalt  }
0x4d: {  	_ =	shalt  }
0x4e: {  	_ =	shalt  }
0x4f: {  	_ =	shalt  }
0x50: {  	_ =	shalt  }
0x51: {  	_ =	shalt  }
0x52: {  	_ =	shalt  }
0x53: {  	_ =	shalt  }
0x54: {  	_ =	shalt  }
0x55: {  	_ =	shalt  }
0x56: {  	_ =	shalt  }
0x57: {  	_ =	shalt  }
0x58: {  	_ =	shalt  }
0x59: {  	_ =	shalt  }
0x5a: {  	_ =	shalt  }
0x5b: {  	_ =	shalt  }
0x5c: {  	_ =	shalt  }
0x5d: {  	_ =	shalt  }
0x5e: {  	_ =	shalt  }
0x5f: {  	_ =	shalt  }
0x60: {  	_ =	shalt  }
0x61: {  	_ =	shalt  }
0x62: {  	_ =	shalt  }
0x63: {  	_ =	shalt  }
0x64: {  	_ =	shalt  }
0x65: {  	_ =	shalt  }
0x66: {  	_ =	shalt  }
0x67: {  	_ =	shalt  }
0x68: {  	_ =	shalt  }
0x69: {  	_ =	shalt  }
0x6a: {  	_ =	shalt  }
0x6b: {  	_ =	shalt  }
0x6c: {  	_ =	shalt  }
0x6d: {  	_ =	shalt  }
0x6e: {  	_ =	shalt  }
0x6f: {  	_ =	shalt  }
0x70: {  	_ =	shalt  }
0x71: {  	_ =	shalt  }
0x72: {  	_ =	shalt  }
0x73: {  	_ =	shalt  }
0x74: {  	_ =	shalt  }
0x75: {  	_ =	shalt  }
0x76: {  	_ =	shalt  }
0x77: {  	_ =	shalt  }
0x78: {  	_ =	shalt  }
0x79: {  	_ =	shalt  }
0x7a: {  	_ =	shalt  }
0x7b: {  	_ =	shalt  }
0x7c: {  	_ =	shalt  }
0x7d: {  	_ =	shalt  }
0x7e: {  	_ =	shalt  }
0x7f: {  	_ =	shalt  }
0x80: {  	_ =	shalt  }
0x81: {  	_ =	shalt  }
0x82: {  	_ =	shalt  }
0x83: {  	_ =	shalt  }
0x84: {  	_ =	shalt  }
0x85: {  	_ =	shalt  }
0x86: {  	_ =	shalt  }
0x87: {  	_ =	shalt  }
.Lfunc_end0:
.L_simem_size_0:
called_computation.2_lowered:
.L_overlay_start_0:
0x88: {  	s2 =	sld [smem:$0x3FD9]  }
0x89: {  	s3 =	sld [smem:$0x3FFE];
	_ =	sdelay $0x1  }
0x8a: {  	s1 =	srdreg.scid  }
0x8b: {  	s0 =	sand.u32 $0x1, s1  }
0x8c: {  	s14 =	sshll.u32 s0, $0xA;
	s2 =	sadd.s32 s3, s2  }
0x8d: {  	s2 =	sadd.s32 s2, s14  }
0x8e: {  	[smem:$0x3FBE] =	sst s2  }
0x8f: {  	_ = 	snop  }
0x90: {  	s2 =	sld [smem:$0x3FD0];
	_ =	sdelay $0x2  }
0x91: {  	s15 =	simm.s32 $0xA;
	s4 =	simm.s32 $0x10  }
0x92: {  	[smem:s4], [sflag:s15] =	dma.local [hbm:s2], $0x1  }
0x93: {  	_ =	swait.eq [sflag:s15], $0x1  }
0x94: {  	[sflag:s15] =	ssyncset.done $0x0  }
0x95: {  	s16 =	sld [smem:$0x10];
	[sflag:s15] =	ssyncadd.s32 $0xFFFFFFFF  }
0x96: {  	s17 =	sld [smem:$0x11];
	(tm) =	ssettm $0x1  }
0x97: {  	s18 =	sld [smem:$0x3FFB];
	_ =	sdelay $0x3  }
0x98: {  	_ =	strace s18  }
0x99: {  	s4 =	sld [smem:$0x3FFC];
	_ =	sdelay $0x3  }
0x9a: {  	_ =	strace s4  }
0x9b: {  	s4 =	sld [smem:$0x3FFD];
	_ =	sdelay $0x3  }
0x9c: {  	_ =	strace s4  }
0x9d: {  	_ =	strace $0x8FFFFFFF  }
0x9e: {  	s19 =	sld [smem:$0x3FDB];
	_ =	sdelay $0x1  }
0x9f: {  	s5 =	simm.s32 $_scs_section_size  }
0xa0: {  	s6 =	simm.s32 $_size__tile_overlayer_lowered;
	s7 =	simm.s32 $_tile_overlayer_lowered  }
0xa1: {  	s22 =	simm.s32 $0x1BFF;
	s21 =	sshll.u32 s7, $0x1;
	s4 =	sadd.s32 s5, s19  }
0xa2: {  	s8 =	simm.s32 $0x0;
	s20 =	sshll.u32 s6, $0x1;
	s6 =	sadd.s32 s21, s4  }
0xa3: {  	[timem:s8], [sflag:s22] =	dma.local [hbm:s6], s20  }
0xa4: {  	_ =	swait.ge [sflag:s22], s20  }
0xa5: {  	s5 =	ssub.s32 $0x0, s20;
	[sflag:s22] =	ssyncset.done $0x0  }
0xa6: {  	[sflag:s22] =	ssyncadd.s32 s5;
	_ =	sdelay $0x1  }
0xa7: {  	s23 =	simm.s32 $0x1B8B  }
0xa8: {  	_ =	swait.ge [sflag:s23], $0x1  }
0xa9: {  	[sflag:s23] =	ssyncset.done $0x0  }
0xaa: {  	s25 =	simm.s32 $0x1B8E;
	s24 =	sld [smem:$0x3FFE];
	[sflag:s23] =	ssyncadd.s32 $0xFFFFFFFF  }
0xab: {  	s26 =	simm.s32 $execute0_lowered;
	[smem:$0x3FD2] =	sst s25  }
0xac: {  	s6 =	sshll.u32 s26, $0x1;
	_ =	strace $0x8000004C;
	[dreg:$0x1] =	wrdreg $0xFFFFFFFF  }
0xad: {  	s28 =	simm.s32 $_size_execute0_lowered;
	s4 =	sadd.s32 s4, s6;
	[dreg:$0x0] =	wrdreg $0x0  }
0xae: {  	s6 =	sshll.u32 s28, $0x1;
	[dreg:$0x2] =	wrdreg s4  }
0xaf: {  	[dreg:$0x3] =	wrdreg s6  }
0xb0: {  	[dreg:$0x4] =	wrdreg $0xC0  }
0xb1: {  	_ =	task [dreg:s8], $0x5FFFF  }
0xb2: {  	[dreg:$0x1] =	wrdreg $0xFFFFFFFF  }
0xb3: {  	[dreg:$0x0] =	wrdreg $0x60  }
0xb4: {  	[dreg:$0x2] =	wrdreg s17  }
0xb5: {  	[dreg:$0x3] =	wrdreg s24  }
0xb6: {  	[dreg:$0x4] =	wrdreg s16  }
0xb7: {  	[dreg:$0x5] =	wrdreg $0xB7000  }
0xb8: {  	[dreg:$0x6] =	wrdreg $0x9  }
0xb9: {  	_ =	task.clear_ibuf [dreg:s8], $0x7FFFF;
	_ =	strace $0x9000004C  }
0xba: {  	s29 =	simm.s32 $0x9;
	_ =	strace $0x8000004E  }
0xbb: {  	_ =	swait.ge [sflag:s29], $0x1  }
0xbc: {  	[sflag:s29] =	ssyncadd.s32 $0xFFFFFFFF  }
0xbd: {  	_ =	strace $0x9000004E  }
0xbe: {  	_ =	sfence  }
0xbf: {  	s30 =	sld [smem:$0x0];
	_ =	sdelay $0x2  }
0xc0: {  	s31 =	sshll.u32 s1, $0xD;
	s1 =	sshrl.u32 s1, $0x2  }
0xc1: {  	s3 =	sand.u32 $0x4000, s31;
	s1 =	sadd.s32 s1, s30  }
0xc2: {  	s0 =	sor.u32 s3, s0;
	s1 =	sshll.u32 s1, $0x11  }
0xc3: {  	s0 =	sor.u32 s1, s0  }
0xc4: {  	s0 =	sadd.s32 $0x8F2B, s0  }
0xc5: {  	[sflag:s0] =	ssyncadd.remote.s32 $0x1  }
0xc6: {  	_ =	sfence.sel $0xFFFF  }
0xc7: {  	[dreg:$0x0] =	wrdreg $0xFFFFFFFF;
	(pc) =	sbr.abs _section_cstart, $3  }
0xc8: {  	[dreg:$0x1] =	wrdreg $0xFFFFFFFF  }
0xc9: {  	_ =	task.clear_ibuf [dreg:s8], $0x2FFFF;
	_ =	strace $0x9FFFFFFF  }
0xca: {  	(tm) =	ssettm $0x7FFFFFFF  }
0xcb: {  	_ =	shalt  }
tec
execute0_lowered:
.L_overlay_start_1:
0x0: {  	(tag) =	ssettag $0x1  }
0x1: {  	s1 =	rddreg [dreg:$0x0]  }
0x2: {  	s0 =	rddreg [dreg:$0x1]  }
0x3: {  	s2 =	srdreg.scid;
	s6 =	rddreg [dreg:$0x2]  }
0x4: {  	s20 =	stileid.u32;
	s3 =	rddreg [dreg:$0x3]  }
0x5: {  	s29 =	simm.s32 $0x1;
	s30 =	simm.s32 $0x9;
	s31 =	simm.s32 $0xA  }
0x6: {  	s2 =	sand.u32 $0x1, s2;
	s4 =	sshll.u32 s20, $0x1;
	s10 =	smul.u32 $0x4E000, s20  }
0x7: {  	s17 =	sadd.s32 $0xD800, s0;
	s18 =	sadd.s32 $0x3E800, s0;
	s13 =	smul.u32 $0x2700, s20  }
0x8: {  	s25 =	sadd.s32 $0x124800, s3;
	s21 =	smul.u32 $0x4E20, s20;
	p0 =	seq.s32 s20, $0xF  }
0x9: {  	s5 =	sor.u32 s2, s4;
	s4 =	simm.s32 $0x0;
	s11 =	ssub.s32 $0x2, s2  }
0xa: {  	s7 =	smul.u32 $0x2710, s5;
	[smem:$0x7FF] =	sst s4;
	s5 =	sadd.s32 $0x17600, s0  }
0xb: {  	s12 =	sshrl.u32 s11, $0x1;
	s10 =	sshrl.u32 s10, $0x2;
	s24 =	sadd.s32 s6, s13  }
0xc: {  	s6 =	sadd.s32 $0x24900, s6;
	_ =	strace $0x8000004D;
	[dreg:$0x7] =	wrdreg s24  }
0xd: {  	s23 =	sadd.s32 s10, s3;
	[dreg:$0x8] =	wrdreg s25;
	s10 =	smul.u32 $0x138800, s2  }
0xe: {  	s19 =	ssub.s32 s11, s12;
	[dreg:$0x9] =	wrdreg s6;
	s12 =	smul.u32 $0x13800, s20  }
0xf: {  	s2 =	smul.u32 $0x2710, s2;
	s8 =	sshrl.u32 s7, $0x3;
	[dreg:$0x6] =	wrdreg s23  }
0x10: {  	s26 =	sadd.s32 $0x28, s7;
	s16 =	sadd.s32 $0xC8, s7;
	s9 =	sadd.s32 s8, s0  }
0x11: {  	s0 =	sadd.s32 $0x8CA00, s0;
	s11 =	sadd.s32 s17, s8;
	s8 =	sshrl.u32 s26, $0x3  }
0x12: {  	s22 =	sadd.s32 s12, s10;
	s2 =	sadd.s32 s2, s21;
	s26 =	smax.u32 s19, $0x1  }
0x13: {  	s21 =	simm.s32 $0x8;
	s9 =	sadd.s32 $0x3A00, s9;
	s6 =	sadd.s32 s17, s8  }
0x14: {  	s13 =	sadd.s32 $0xA, s11;
	s15 =	sadd.s32 $0x14, s11;
	[dreg:$0xf] =	wrdreg s26  }
0x15: {  	s8 =	sshrl.u32 s10, $0x3;
	s2 =	sadd.s32 $0xF0, s2;
	[dreg:$0x5] =	wrdreg s9  }
0x16: {  	s26 =	simm.s32 $0x2B00;
	[dreg:$0xa] =	wrdreg s6;
	s9 =	sadd.s32 $0x78, s7  }
0x17: {  	s8 =	sadd.s32 $0x24900, s8;
	s25 =	sshrl.u32 s2, $0x3;
	s2 =	simm.s32 $0xB  }
0x18: {  	s7 =	simm.s32 $0xE;
	s6 =	sshrl.u32 s9, $0x3;
	s24 =	sadd.s32 s18, s8  }
0x19: {  	s28 =	sadd.s32 s25, s17;
	s14 =	sadd.s32 s17, s6;
	s6 =	sshrl.u32 s16, $0x3  }
.Ltmp0:
0x1a: {  	s16 =	sadd.s32 s17, s6;
	s6 =	sshrl.u32 s22, $0x3;
	(pc) =	sbr.rel .LBB2_1-.Ltmp0, $4  }
0x1b: {  	s25 =	simm.s32 $0x28;
	[dreg:$0xc] =	wrdreg s24;
	s23 =	sadd.s32 s18, s6  }
0x1c: {  	s9 =	simm.s32 $0x0;
	s6 =	sadd.s32 s0, s6;
	[dreg:$0xb] =	wrdreg s23  }
0x1d: {  	s24 =	simm.s32 $0x2780;
	s0 =	sadd.s32 s0, s8;
	[dreg:$0xd] =	wrdreg s6  }
0x1e: {  	[dreg:$0xe] =	wrdreg s0;
	s0 =	simm.s32 $0xC;
	s6 =	simm.s32 $0xD  }
.LBB2_19:
0x1f: {  	_ =	swait.ge [sflag:s21], $0x1400  }
0x20: {  	[sflag:s21] =	ssyncset.done $0x0  }
0x21: {  	[sflag:s21] =	ssyncadd.s32 $0xFFFFEC00  }
0x22: {  	_ =	swait.ge [sflag:s30], $0x1400  }
0x23: {  	[sflag:s30] =	ssyncset.done $0x0  }
0x24: {  	[sflag:s30] =	ssyncadd.s32 $0xFFFFEC00  }
0x25: {  	_ =	swait.ge [sflag:s31], $0x1400  }
0x26: {  	[sflag:s31] =	ssyncset.done $0x0  }
0x27: {  	[sflag:s31] =	ssyncadd.s32 $0xFFFFEC00  }
0x28: {  	_ =	swait.ge [sflag:s2], $0x1400  }
0x29: {  	[sflag:s2] =	ssyncset.done $0x0  }
0x2a: {  	[sflag:s2] =	ssyncadd.s32 $0xFFFFEC00  }
0x2b: {  	_ =	swait.ge [sflag:s0], $0x1400  }
0x2c: {  	[sflag:s0] =	ssyncset.done $0x0  }
0x2d: {  	[sflag:s0] =	ssyncadd.s32 $0xFFFFEC00  }
0x2e: {  	_ =	swait.ge [sflag:s6], $0x1400  }
0x2f: {  	[sflag:s6] =	ssyncset.done $0x0  }
0x30: {  	[sflag:s6] =	ssyncadd.s32 $0xFFFFEC00  }
0x31: {  	_ =	swait.ge [sflag:s7], $0x1400  }
0x32: {  	[sflag:s7] =	ssyncset.done $0x0  }
0x33: {  	[sflag:s7] =	ssyncadd.s32 $0xFFFFEC00  }
0x34: {  	[bflag:$0x0] =	sbarrier.arrive $0xFFFF  }
0x35: {  	s8 =	simm.s32 @p0 $0x1FCF;
	s10 =	rddreg [dreg:$0xe]  }
0x36: {  	[hbm:s10], [sflag:s8] =	dma.local @p0 [spmem:s17], $0x2800  }
0x37: {  	s8 =	simm.s32 @p0 $0xF  }
0x38: {  	_ =	swait.ge @p0 [sflag:s8], $0x2800  }
0x39: {  	[sflag:s8] =	ssyncset.done @p0 $0x0  }
0x3a: {  	[sflag:s8] =	ssyncadd.s32 @p0 $0xFFFFD800;
	s8 =	rddreg [dreg:$0xd]  }
0x3b: {  	[hbm:s8], [sflag:s18] =	dma.local @!p0 [spmem:s19], $0x2700  }
0x3c: {  	s8 =	simm.s32 @!p0 $0xF  }
0x3d: {  	_ =	swait.ge @!p0 [sflag:s8], $0x2700  }
0x3e: {  	s9 =	sadd.s32 $0x1, s9;
	s23 =	rddreg [dreg:$0xf]  }
0x3f: {  	p1 =	sne.s32 s9, s23  }
.Ltmp1:
0x40: {  	_ = 	snop;
	(pc) =	sbr.rel @!p1 .LBB2_20-.Ltmp1, $3  }
0x41: {  	_ =	sdelay $0x1  }
0x42: {  	[sflag:s8] =	ssyncset.done @!p0 $0x0  }
0x43: {  	[sflag:s8] =	ssyncadd.s32 @!p0 $0xFFFFD900  }
.LBB2_1:
0x44: {  	s8 =	rddreg [dreg:$0x5];
	s20 =	simm.s32 $0xF  }
0x45: {  	[tilespmem:s4], [sflag:$0xF] =	stream.linear.gather [hbm4b:s8+s4], $0x2710, $0x38;
	[tilespmem:$0x1EF80] =	vst v63  }
0x46: {  	_ =	swait.ge [sflag:s20], $0x2710  }
0x47: {  	s8 =	rddreg [dreg:$0x8]  }
0x48: {  	[sflag:s20] =	ssyncset.done $0x0;
	s10 =	rddreg [dreg:$0x9]  }
0x49: {  	[sflag:s20] =	ssyncadd.s32 $0xFFFFD8F0;
	s17 =	sshrl.u32 @p0 s8, $0x3;
	s8 =	simm.s32 @p0 $0x1FCF  }
0x4a: {  	[spmem:s17], [sflag:s8] =	dma.local @p0 [hbm:s10], $0x2800  }
0x4b: {  	s8 =	simm.s32 @p0 $0xF  }
0x4c: {  	_ =	swait.ge @p0 [sflag:s8], $0x2800  }
0x4d: {  	s10 =	stileid.u32;
	[sflag:s8] =	ssyncset.done @p0 $0x0  }
0x4e: {  	s18 =	sshll.u32 @!p0 s10, $0x6;
	[sflag:s8] =	ssyncadd.s32 @p0 $0xFFFFD800;
	s8 =	rddreg [dreg:$0x6]  }
0x4f: {  	s18 =	sor.u32 @!p0 $0x1C0F, s18;
	s19 =	sshrl.u32 @!p0 s8, $0x3;
	s8 =	rddreg [dreg:$0x7]  }
0x50: {  	[spmem:s19], [sflag:s18] =	dma.local @!p0 [hbm:s8], $0x2700  }
0x51: {  	s8 =	simm.s32 @!p0 $0xF  }
0x52: {  	_ =	swait.ge @!p0 [sflag:s8], $0x2700  }
0x53: {  	[sflag:s8] =	ssyncset.done @!p0 $0x0  }
0x54: {  	[sflag:s8] =	ssyncadd.s32 @!p0 $0xFFFFD900  }
0x55: {  	[bflag:$0x0] =	sbarrier.arrive $0xFFFF  }
0x56: {  	[tilespmem:s24], [sflag:$0x1] =	stream.linear.gather [hbm4b:s11+s4], $0x28, $0x38;
	[tilespmem:$0x1EF80] =	vst v63  }
0x57: {  	_ = 	snop  }
0x58: {  	[tilespmem:s26], [sflag:$0x1] =	stream.indirect.gather [hbm4b:s1+s25], $0x80, s4, s25, $0xb8;
	[tilespmem:$0x1EF80] =	vst v63  }
0x59: {  	s23 =	simm.s32 $0x2800;
	s22 =	rddreg [dreg:$0xa]  }
0x5a: {  	[tilespmem:s23], [sflag:$0x2] =	stream.linear.gather [hbm4b:s22+s4], $0x28, $0x38;
	[tilespmem:$0x1EF80] =	vst v63  }
0x5b: {  	s12 =	simm.s32 $0x3F00  }
0x5c: {  	[tilespmem:s12], [sflag:$0x2] =	stream.indirect.gather [hbm4b:s1+s25], $0x80, s25, s25, $0xb8;
	[tilespmem:$0x1EF80] =	vst v63  }
0x5d: {  	s20 =	simm.s32 $0x2880  }
0x5e: {  	[tilespmem:s20], [sflag:$0x3] =	stream.linear.gather [hbm4b:s13+s4], $0x28, $0x38;
	[tilespmem:$0x1EF80] =	vst v63  }
0x5f: {  	s22 =	simm.s32 $0x50;
	s23 =	simm.s32 $0x5300  }
0x60: {  	[tilespmem:s23], [sflag:$0x3] =	stream.indirect.gather [hbm4b:s1+s25], $0x80, s22, s25, $0xb8;
	[tilespmem:$0x1EF80] =	vst v63  }
0x61: {  	s12 =	simm.s32 $0x2900  }
0x62: {  	[tilespmem:s12], [sflag:$0x4] =	stream.linear.gather [hbm4b:s14+s4], $0x28, $0x38;
	[tilespmem:$0x1EF80] =	vst v63  }
0x63: {  	s20 =	simm.s32 $0x78;
	s22 =	simm.s32 $0x6700  }
0x64: {  	[tilespmem:s22], [sflag:$0x4] =	stream.indirect.gather [hbm4b:s1+s25], $0x80, s20, s25, $0xb8;
	[tilespmem:$0x1EF80] =	vst v63  }
0x65: {  	s23 =	simm.s32 $0x2980  }
0x66: {  	[tilespmem:s23], [sflag:$0x5] =	stream.linear.gather [hbm4b:s15+s4], $0x28, $0x38;
	[tilespmem:$0x1EF80] =	vst v63  }
0x67: {  	s10 =	simm.s32 $0xA0;
	s12 =	simm.s32 $0x7B00  }
0x68: {  	[tilespmem:s12], [sflag:$0x5] =	stream.indirect.gather [hbm4b:s1+s25], $0x80, s10, s25, $0xb8;
	[tilespmem:$0x1EF80] =	vst v63  }
.Ltmp2:
0x69: {  	s20 =	simm.s32 $0x2A00;
	(pc) =	sbr.rel .LBB2_2-.Ltmp2, $4  }
0x6a: {  	[tilespmem:s20], [sflag:$0x6] =	stream.linear.gather [hbm4b:s16+s4], $0x28, $0x38;
	[tilespmem:$0x1EF80] =	vst v63  }
0x6b: {  	s22 =	simm.s32 $0xC8;
	s23 =	simm.s32 $0x8F00  }
0x6c: {  	[tilespmem:s23], [sflag:$0x6] =	stream.indirect.gather [hbm4b:s1+s25], $0x80, s22, s25, $0xb8;
	[tilespmem:$0x1EF80] =	vst v63  }
0x6d: {  	s20 =	simm.s32 $0xF0;
	s22 =	smov.u32 s28;
	s23 =	simm.s32 $0x0  }
.LBB2_6:
0x6e: {  	p1 =	seq.s32 s8, $0x3  }
0x6f: {  	s8 =	simm.s32 @p1 $0x4  }
0x70: {  	_ =	swait.ge @p1 [sflag:s8], $0x28  }
0x71: {  	[sflag:s8] =	ssyncset.done @p1 $0x0  }
0x72: {  	[sflag:s8] =	ssyncadd.s32 @p1 $0xFFFFFFD8  }
0x73: {  	p2 =	sgt.u32 @p1 s23, $0xF3;
	_ =	swait.ge @p1 [sflag:s8], $0x1400  }
0x74: {  	s10 =	simm.s32 @p1 $0x2900;
	s12 =	simm.s32 @p1 $0x6700;
	[sflag:s8] =	ssyncset.done @p1 $0x0  }
0x75: {  	p2 =	por p2, !p1;
	[sflag:s8] =	ssyncadd.s32 @p1 $0xFFFFEC00;
	s8 =	simm.s32 @p1 $0x28  }
0x76: {  	[spmem:s3] =	stream.indirect.scatter.add.f32 @p1 [tilespmem:s12], [sflag:$0xB], $0x80, s10, s8, $0xb8;
	[tilespmem:$0x1EF80] =	vst v63  }
0x77: {  	s8 =	simm.s32 @!p2 $0xA  }
0x78: {  	_ =	swait.ge @!p2 [sflag:s8], $0x1400  }
0x79: {  	[sflag:s8] =	ssyncset.done @!p2 $0x0  }
0x7a: {  	s10 =	simm.s32 @!p2 $0x2880;
	[sflag:s8] =	ssyncadd.s32 @!p2 $0xFFFFEC00;
	s8 =	simm.s32 @!p2 $0x0  }
0x7b: {  	[tilespmem:s10], [sflag:$0x3] =	stream.linear.gather @!p2 [hbm4b:s22+s8], $0x28, $0x38;
	[tilespmem:$0x1EF80] =	vst v63  }
0x7c: {  	s8 =	simm.s32 @!p2 $0x28;
	s10 =	simm.s32 @!p2 $0x5300  }
0x7d: {  	[tilespmem:s10], [sflag:$0x3] =	stream.indirect.gather @!p2 [hbm4b:s1+s8], $0x80, s20, s8, $0xb8;
	[tilespmem:$0x1EF80] =	vst v63  }
0x7e: {  	s8 =	simm.s32 @!p1 $0x5  }
0x7f: {  	_ =	swait.ge @!p1 [sflag:s8], $0x28  }
0x80: {  	[sflag:s8] =	ssyncset.done @!p1 $0x0  }
0x81: {  	[sflag:s8] =	ssyncadd.s32 @!p1 $0xFFFFFFD8  }
0x82: {  	_ =	swait.ge @!p1 [sflag:s8], $0x1400  }
0x83: {  	s12 =	simm.s32 @!p1 $0x7B00;
	p2 =	sgt.u32 @!p1 s23, $0xF3;
	[sflag:s8] =	ssyncset.done @!p1 $0x0  }
0x84: {  	s10 =	simm.s32 @!p1 $0x2980;
	[sflag:s8] =	ssyncadd.s32 @!p1 $0xFFFFEC00;
	s8 =	simm.s32 @!p1 $0x28  }
0x85: {  	[spmem:s3] =	stream.indirect.scatter.add.f32 @!p1 [tilespmem:s12], [sflag:$0xC], $0x80, s10, s8, $0xb8;
	[tilespmem:$0x1EF80] =	vst v63  }
0x86: {  	p1 =	por p2, p1  }
0x87: {  	s8 =	simm.s32 @!p1 $0xB  }
0x88: {  	_ =	swait.ge @!p1 [sflag:s8], $0x1400  }
0x89: {  	[sflag:s8] =	ssyncset.done @!p1 $0x0  }
0x8a: {  	s10 =	simm.s32 @!p1 $0x2900;
	[sflag:s8] =	ssyncadd.s32 @!p1 $0xFFFFEC00;
	s8 =	simm.s32 @!p1 $0x0  }
0x8b: {  	[tilespmem:s10], [sflag:$0x4] =	stream.linear.gather @!p1 [hbm4b:s22+s8], $0x28, $0x38;
	[tilespmem:$0x1EF80] =	vst v63  }
0x8c: {  	s8 =	simm.s32 @!p1 $0x28;
	s10 =	simm.s32 @!p1 $0x6700  }
0x8d: {  	[tilespmem:s10], [sflag:$0x4] =	stream.indirect.gather @!p1 [hbm4b:s1+s8], $0x80, s20, s8, $0xb8;
	[tilespmem:$0x1EF80] =	vst v63  }
.LBB2_9:
0x8e: {  	s23 =	sadd.s32 $0x1, s23  }
0x8f: {  	p1 =	sne.s32 s23, $0xFA  }
.Ltmp3:
0x90: {  	_ = 	snop;
	(pc) =	sbr.rel @!p1 .LBB2_10-.Ltmp3, $2  }
0x91: {  	_ =	sdelay $0x2  }
0x92: {  	s22 =	sadd.s32 $0x5, s22;
	s20 =	sadd.s32 $0x28, s20  }
.LBB2_2:
0x93: {  	s8 =	smul.u32 $0x25, s23;
	_ =	sdelay $0x1  }
0x94: {  	s8 =	sshrl.u32 s8, $0x8  }
0x95: {  	s10 =	ssub.s32 s23, s8  }
0x96: {  	s10 =	sand.u32 $0xFE, s10  }
0x97: {  	s10 =	sshrl.u32 s10, $0x1  }
0x98: {  	s8 =	sadd.s32 s8, s10  }
0x99: {  	s8 =	sand.u32 $0xFC, s8  }
0x9a: {  	s8 =	sshrl.u32 s8, $0x2  }
0x9b: {  	s8 =	smul.u32 $0x7, s8;
	_ =	sdelay $0x1  }
0x9c: {  	s8 =	ssub.s32 s23, s8  }
0x9d: {  	s8 =	sand.u32 $0xFF, s8  }
0x9e: {  	p1 =	sgt.s32 s8, $0x2  }
.Ltmp4:
0x9f: {  	_ = 	snop;
	(pc) =	sbr.rel @!p1 .LBB2_3-.Ltmp4, $1  }
0xa0: {  	_ =	sdelay $0x3  }
0xa1: {  	p1 =	sgt.s32 s8, $0x4  }
.Ltmp5:
0xa2: {  	_ = 	snop;
	(pc) =	sbr.rel @!p1 .LBB2_6-.Ltmp5, $1  }
0xa3: {  	_ =	sdelay $0x3  }
0xa4: {  	p1 =	seq.s32 s8, $0x5  }
0xa5: {  	s8 =	simm.s32 @p1 $0x6  }
0xa6: {  	_ =	swait.ge @p1 [sflag:s8], $0x28  }
0xa7: {  	[sflag:s8] =	ssyncset.done @p1 $0x0  }
0xa8: {  	[sflag:s8] =	ssyncadd.s32 @p1 $0xFFFFFFD8  }
0xa9: {  	p2 =	sgt.u32 @p1 s23, $0xF3;
	_ =	swait.ge @p1 [sflag:s8], $0x1400  }
0xaa: {  	s10 =	simm.s32 @p1 $0x2A00;
	s12 =	simm.s32 @p1 $0x8F00;
	[sflag:s8] =	ssyncset.done @p1 $0x0  }
0xab: {  	p2 =	por p2, !p1;
	[sflag:s8] =	ssyncadd.s32 @p1 $0xFFFFEC00;
	s8 =	simm.s32 @p1 $0x28  }
0xac: {  	[spmem:s3] =	stream.indirect.scatter.add.f32 @p1 [tilespmem:s12], [sflag:$0xD], $0x80, s10, s8, $0xb8;
	[tilespmem:$0x1EF80] =	vst v63  }
0xad: {  	s8 =	simm.s32 @!p2 $0xC  }
0xae: {  	_ =	swait.ge @!p2 [sflag:s8], $0x1400  }
0xaf: {  	[sflag:s8] =	ssyncset.done @!p2 $0x0  }
0xb0: {  	s10 =	simm.s32 @!p2 $0x2980;
	[sflag:s8] =	ssyncadd.s32 @!p2 $0xFFFFEC00;
	s8 =	simm.s32 @!p2 $0x0  }
0xb1: {  	[tilespmem:s10], [sflag:$0x5] =	stream.linear.gather @!p2 [hbm4b:s22+s8], $0x28, $0x38;
	[tilespmem:$0x1EF80] =	vst v63  }
0xb2: {  	s8 =	simm.s32 @!p2 $0x28;
	s10 =	simm.s32 @!p2 $0x7B00  }
0xb3: {  	[tilespmem:s10], [sflag:$0x5] =	stream.indirect.gather @!p2 [hbm4b:s1+s8], $0x80, s20, s8, $0xb8;
	[tilespmem:$0x1EF80] =	vst v63  }
0xb4: {  	s8 =	simm.s32 @!p1 $0x7  }
0xb5: {  	_ =	swait.ge @!p1 [sflag:s8], $0x28  }
0xb6: {  	[sflag:s8] =	ssyncset.done @!p1 $0x0  }
0xb7: {  	[sflag:s8] =	ssyncadd.s32 @!p1 $0xFFFFFFD8  }
0xb8: {  	_ =	swait.ge @!p1 [sflag:s8], $0x1400  }
0xb9: {  	s12 =	simm.s32 @!p1 $0xA300;
	p2 =	sgt.u32 @!p1 s23, $0xF3;
	[sflag:s8] =	ssyncset.done @!p1 $0x0  }
0xba: {  	s10 =	simm.s32 @!p1 $0x2A80;
	[sflag:s8] =	ssyncadd.s32 @!p1 $0xFFFFEC00;
	s8 =	simm.s32 @!p1 $0x28  }
0xbb: {  	[spmem:s3] =	stream.indirect.scatter.add.f32 @!p1 [tilespmem:s12], [sflag:$0xE], $0x80, s10, s8, $0xb8;
	[tilespmem:$0x1EF80] =	vst v63  }
0xbc: {  	p1 =	por p2, p1  }
0xbd: {  	s8 =	simm.s32 @!p1 $0xD  }
0xbe: {  	_ =	swait.ge @!p1 [sflag:s8], $0x1400  }
.Ltmp6:
0xbf: {  	[sflag:s8] =	ssyncset.done @!p1 $0x0;
	(pc) =	sbr.rel .LBB2_9-.Ltmp6, $4  }
0xc0: {  	s10 =	simm.s32 @!p1 $0x2A00;
	[sflag:s8] =	ssyncadd.s32 @!p1 $0xFFFFEC00;
	s8 =	simm.s32 @!p1 $0x0  }
0xc1: {  	[tilespmem:s10], [sflag:$0x6] =	stream.linear.gather @!p1 [hbm4b:s22+s8], $0x28, $0x38;
	[tilespmem:$0x1EF80] =	vst v63  }
0xc2: {  	s8 =	simm.s32 @!p1 $0x28;
	s10 =	simm.s32 @!p1 $0x8F00  }
0xc3: {  	[tilespmem:s10], [sflag:$0x6] =	stream.indirect.gather @!p1 [hbm4b:s1+s8], $0x80, s20, s8, $0xb8;
	[tilespmem:$0x1EF80] =	vst v63  }
.LBB2_3:
0xc4: {  	p1 =	seq.s32 s8, $0x0  }
.Ltmp7:
0xc5: {  	_ = 	snop;
	(pc) =	sbr.rel @p1 .LBB2_8-.Ltmp7, $1  }
0xc6: {  	_ =	sdelay $0x3  }
0xc7: {  	p1 =	seq.s32 s8, $0x1  }
0xc8: {  	s8 =	simm.s32 @p1 $0x2  }
0xc9: {  	_ =	swait.ge @p1 [sflag:s8], $0x28  }
0xca: {  	[sflag:s8] =	ssyncset.done @p1 $0x0  }
0xcb: {  	[sflag:s8] =	ssyncadd.s32 @p1 $0xFFFFFFD8  }
0xcc: {  	p2 =	sgt.u32 @p1 s23, $0xF3;
	_ =	swait.ge @p1 [sflag:s8], $0x1400  }
0xcd: {  	s10 =	simm.s32 @p1 $0x2800;
	s12 =	simm.s32 @p1 $0x3F00;
	[sflag:s8] =	ssyncset.done @p1 $0x0  }
0xce: {  	p2 =	por p2, !p1;
	[sflag:s8] =	ssyncadd.s32 @p1 $0xFFFFEC00;
	s8 =	simm.s32 @p1 $0x28  }
0xcf: {  	[spmem:s3] =	stream.indirect.scatter.add.f32 @p1 [tilespmem:s12], [sflag:$0x9], $0x80, s10, s8, $0xb8;
	[tilespmem:$0x1EF80] =	vst v63  }
0xd0: {  	s8 =	simm.s32 @!p2 $0x8  }
0xd1: {  	_ =	swait.ge @!p2 [sflag:s8], $0x1400  }
0xd2: {  	[sflag:s8] =	ssyncset.done @!p2 $0x0  }
0xd3: {  	s10 =	simm.s32 @!p2 $0x2780;
	[sflag:s8] =	ssyncadd.s32 @!p2 $0xFFFFEC00;
	s8 =	simm.s32 @!p2 $0x0  }
0xd4: {  	[tilespmem:s10], [sflag:$0x1] =	stream.linear.gather @!p2 [hbm4b:s22+s8], $0x28, $0x38;
	[tilespmem:$0x1EF80] =	vst v63  }
0xd5: {  	s8 =	simm.s32 @!p2 $0x28;
	s10 =	simm.s32 @!p2 $0x2B00  }
0xd6: {  	[tilespmem:s10], [sflag:$0x1] =	stream.indirect.gather @!p2 [hbm4b:s1+s8], $0x80, s20, s8, $0xb8;
	[tilespmem:$0x1EF80] =	vst v63  }
0xd7: {  	s8 =	simm.s32 @!p1 $0x3  }
0xd8: {  	_ =	swait.ge @!p1 [sflag:s8], $0x28  }
0xd9: {  	[sflag:s8] =	ssyncset.done @!p1 $0x0  }
0xda: {  	[sflag:s8] =	ssyncadd.s32 @!p1 $0xFFFFFFD8  }
0xdb: {  	_ =	swait.ge @!p1 [sflag:s8], $0x1400  }
0xdc: {  	s12 =	simm.s32 @!p1 $0x5300;
	p2 =	sgt.u32 @!p1 s23, $0xF3;
	[sflag:s8] =	ssyncset.done @!p1 $0x0  }
0xdd: {  	s10 =	simm.s32 @!p1 $0x2880;
	[sflag:s8] =	ssyncadd.s32 @!p1 $0xFFFFEC00;
	s8 =	simm.s32 @!p1 $0x28  }
0xde: {  	[spmem:s3] =	stream.indirect.scatter.add.f32 @!p1 [tilespmem:s12], [sflag:$0xA], $0x80, s10, s8, $0xb8;
	[tilespmem:$0x1EF80] =	vst v63  }
0xdf: {  	p1 =	por p2, p1  }
0xe0: {  	s8 =	simm.s32 @!p1 $0x9  }
0xe1: {  	_ =	swait.ge @!p1 [sflag:s8], $0x1400  }
.Ltmp8:
0xe2: {  	[sflag:s8] =	ssyncset.done @!p1 $0x0;
	(pc) =	sbr.rel .LBB2_9-.Ltmp8, $4  }
0xe3: {  	s10 =	simm.s32 @!p1 $0x2800;
	[sflag:s8] =	ssyncadd.s32 @!p1 $0xFFFFEC00;
	s8 =	simm.s32 @!p1 $0x0  }
0xe4: {  	[tilespmem:s10], [sflag:$0x2] =	stream.linear.gather @!p1 [hbm4b:s22+s8], $0x28, $0x38;
	[tilespmem:$0x1EF80] =	vst v63  }
0xe5: {  	s8 =	simm.s32 @!p1 $0x28;
	s10 =	simm.s32 @!p1 $0x3F00  }
0xe6: {  	[tilespmem:s10], [sflag:$0x2] =	stream.indirect.gather @!p1 [hbm4b:s1+s8], $0x80, s20, s8, $0xb8;
	[tilespmem:$0x1EF80] =	vst v63  }
.LBB2_8:
0xe7: {  	_ =	swait.ge [sflag:s29], $0x28  }
0xe8: {  	[sflag:s29] =	ssyncset.done $0x0  }
0xe9: {  	p1 =	sgt.u32 s23, $0xF3;
	[sflag:s29] =	ssyncadd.s32 $0xFFFFFFD8  }
0xea: {  	p2 =	seq.s32 @!p1 s23, $0x0;
	_ =	swait.ge [sflag:s29], $0x1400  }
0xeb: {  	p2 =	por p2, p1;
	[sflag:s29] =	ssyncset.done $0x0  }
0xec: {  	s8 =	simm.s32 @!p2 $0xE;
	[sflag:s29] =	ssyncadd.s32 $0xFFFFEC00  }
0xed: {  	[spmem:s3] =	stream.indirect.scatter.add.f32 [tilespmem:s26], [sflag:$0x8], $0x80, s24, s25, $0xb8;
	[tilespmem:$0x1EF80] =	vst v63  }
0xee: {  	_ =	swait.ge @!p2 [sflag:s8], $0x1400  }
.Ltmp9:
0xef: {  	[sflag:s8] =	ssyncset.done @!p2 $0x0;
	(pc) =	sbr.rel .LBB2_9-.Ltmp9, $4  }
0xf0: {  	s10 =	simm.s32 @!p1 $0x2A80;
	[sflag:s8] =	ssyncadd.s32 @!p2 $0xFFFFEC00;
	s8 =	simm.s32 @!p1 $0x0  }
0xf1: {  	[tilespmem:s10], [sflag:$0x7] =	stream.linear.gather @!p1 [hbm4b:s22+s8], $0x28, $0x38;
	[tilespmem:$0x1EF80] =	vst v63  }
0xf2: {  	s8 =	simm.s32 @!p1 $0x28;
	s10 =	simm.s32 @!p1 $0xA300  }
0xf3: {  	[tilespmem:s10], [sflag:$0x7] =	stream.indirect.gather @!p1 [hbm4b:s1+s8], $0x80, s20, s8, $0xb8;
	[tilespmem:$0x1EF80] =	vst v63  }
.LBB2_10:
0xf4: {  	_ =	swait.ge [sflag:s21], $0x1400  }
0xf5: {  	[sflag:s21] =	ssyncset.done $0x0  }
0xf6: {  	[sflag:s21] =	ssyncadd.s32 $0xFFFFEC00  }
0xf7: {  	_ =	swait.ge [sflag:s30], $0x1400  }
0xf8: {  	[sflag:s30] =	ssyncset.done $0x0  }
0xf9: {  	[sflag:s30] =	ssyncadd.s32 $0xFFFFEC00  }
0xfa: {  	_ =	swait.ge [sflag:s31], $0x1400  }
0xfb: {  	[sflag:s31] =	ssyncset.done $0x0  }
0xfc: {  	[sflag:s31] =	ssyncadd.s32 $0xFFFFEC00  }
0xfd: {  	_ =	swait.ge [sflag:s2], $0x1400  }
0xfe: {  	[sflag:s2] =	ssyncset.done $0x0  }
0xff: {  	[sflag:s2] =	ssyncadd.s32 $0xFFFFEC00  }
0x100: {  	_ =	swait.ge [sflag:s0], $0x1400  }
0x101: {  	[sflag:s0] =	ssyncset.done $0x0  }
0x102: {  	[sflag:s0] =	ssyncadd.s32 $0xFFFFEC00  }
0x103: {  	_ =	swait.ge [sflag:s6], $0x1400  }
0x104: {  	[sflag:s6] =	ssyncset.done $0x0  }
0x105: {  	[sflag:s6] =	ssyncadd.s32 $0xFFFFEC00  }
0x106: {  	_ =	swait.ge [sflag:s7], $0x1400  }
0x107: {  	[sflag:s7] =	ssyncset.done $0x0  }
0x108: {  	[sflag:s7] =	ssyncadd.s32 $0xFFFFEC00  }
0x109: {  	[bflag:$0x0] =	sbarrier.arrive $0xFFFF  }
0x10a: {  	s8 =	simm.s32 @p0 $0x1FCF;
	s10 =	rddreg [dreg:$0xc]  }
0x10b: {  	[hbm:s10], [sflag:s8] =	dma.local @p0 [spmem:s17], $0x2800  }
0x10c: {  	s10 =	simm.s32 @p0 $0xF  }
0x10d: {  	_ =	swait.ge @p0 [sflag:s10], $0x2800  }
0x10e: {  	[sflag:s10] =	ssyncset.done @p0 $0x0  }
0x10f: {  	s12 =	rddreg [dreg:$0x9];
	[sflag:s10] =	ssyncadd.s32 @p0 $0xFFFFD800  }
0x110: {  	[spmem:s17], [sflag:s8] =	dma.local @p0 [hbm:s12], $0x2800  }
0x111: {  	_ =	swait.ge @p0 [sflag:s10], $0x2800  }
0x112: {  	[sflag:s10] =	ssyncset.done @p0 $0x0  }
0x113: {  	s8 =	rddreg [dreg:$0xb];
	[sflag:s10] =	ssyncadd.s32 @p0 $0xFFFFD800  }
0x114: {  	[hbm:s8], [sflag:s18] =	dma.local @!p0 [spmem:s19], $0x2700  }
0x115: {  	s8 =	simm.s32 @!p0 $0xF  }
0x116: {  	_ =	swait.ge @!p0 [sflag:s8], $0x2700  }
0x117: {  	[sflag:s8] =	ssyncset.done @!p0 $0x0  }
0x118: {  	s10 =	rddreg [dreg:$0x7];
	[sflag:s8] =	ssyncadd.s32 @!p0 $0xFFFFD900  }
0x119: {  	[spmem:s19], [sflag:s18] =	dma.local @!p0 [hbm:s10], $0x2700  }
0x11a: {  	_ =	swait.ge @!p0 [sflag:s8], $0x2700  }
0x11b: {  	[sflag:s8] =	ssyncset.done @!p0 $0x0  }
0x11c: {  	[sflag:s8] =	ssyncadd.s32 @!p0 $0xFFFFD900  }
0x11d: {  	s20 =	simm.s32 $0x0;
	[bflag:$0x0] =	sbarrier.arrive $0xFFFF  }
0x11e: {  	[tilespmem:s24], [sflag:$0x1] =	stream.linear.gather [hbm4b:s11+s20], $0x28, $0x38;
	[tilespmem:$0x1EF80] =	vst v63  }
0x11f: {  	_ = 	snop  }
0x120: {  	[tilespmem:s26], [sflag:$0x1] =	stream.indirect.gather [hbm4b:s5+s25], $0x80, s20, s25, $0xb8;
	[tilespmem:$0x1EF80] =	vst v63  }
0x121: {  	s23 =	simm.s32 $0x2800;
	s22 =	rddreg [dreg:$0xa]  }
0x122: {  	[tilespmem:s23], [sflag:$0x2] =	stream.linear.gather [hbm4b:s22+s20], $0x28, $0x38;
	[tilespmem:$0x1EF80] =	vst v63  }
0x123: {  	s10 =	simm.s32 $0x3F00  }
0x124: {  	[tilespmem:s10], [sflag:$0x2] =	stream.indirect.gather [hbm4b:s5+s25], $0x80, s25, s25, $0xb8;
	[tilespmem:$0x1EF80] =	vst v63  }
0x125: {  	s12 =	simm.s32 $0x2880  }
0x126: {  	[tilespmem:s12], [sflag:$0x3] =	stream.linear.gather [hbm4b:s13+s20], $0x28, $0x38;
	[tilespmem:$0x1EF80] =	vst v63  }
0x127: {  	s22 =	simm.s32 $0x50;
	s23 =	simm.s32 $0x5300  }
0x128: {  	[tilespmem:s23], [sflag:$0x3] =	stream.indirect.gather [hbm4b:s5+s25], $0x80, s22, s25, $0xb8;
	[tilespmem:$0x1EF80] =	vst v63  }
0x129: {  	s12 =	simm.s32 $0x2900  }
0x12a: {  	[tilespmem:s12], [sflag:$0x4] =	stream.linear.gather [hbm4b:s14+s20], $0x28, $0x38;
	[tilespmem:$0x1EF80] =	vst v63  }
0x12b: {  	s22 =	simm.s32 $0x78;
	s23 =	simm.s32 $0x6700  }
0x12c: {  	[tilespmem:s23], [sflag:$0x4] =	stream.indirect.gather [hbm4b:s5+s25], $0x80, s22, s25, $0xb8;
	[tilespmem:$0x1EF80] =	vst v63  }
0x12d: {  	s12 =	simm.s32 $0x2980  }
0x12e: {  	[tilespmem:s12], [sflag:$0x5] =	stream.linear.gather [hbm4b:s15+s20], $0x28, $0x38;
	[tilespmem:$0x1EF80] =	vst v63  }
0x12f: {  	s22 =	simm.s32 $0xA0;
	s23 =	simm.s32 $0x7B00  }
0x130: {  	[tilespmem:s23], [sflag:$0x5] =	stream.indirect.gather [hbm4b:s5+s25], $0x80, s22, s25, $0xb8;
	[tilespmem:$0x1EF80] =	vst v63  }
.Ltmp10:
0x131: {  	s12 =	simm.s32 $0x2A00;
	(pc) =	sbr.rel .LBB2_11-.Ltmp10, $4  }
0x132: {  	[tilespmem:s12], [sflag:$0x6] =	stream.linear.gather [hbm4b:s16+s20], $0x28, $0x38;
	[tilespmem:$0x1EF80] =	vst v63  }
0x133: {  	s22 =	simm.s32 $0xC8;
	s23 =	simm.s32 $0x8F00  }
0x134: {  	[tilespmem:s23], [sflag:$0x6] =	stream.indirect.gather [hbm4b:s5+s25], $0x80, s22, s25, $0xb8;
	[tilespmem:$0x1EF80] =	vst v63  }
0x135: {  	s22 =	simm.s32 $0xF0;
	s23 =	smov.u32 s28  }
.LBB2_15:
0x136: {  	p1 =	seq.s32 s8, $0x3  }
0x137: {  	s8 =	simm.s32 @p1 $0x4  }
0x138: {  	_ =	swait.ge @p1 [sflag:s8], $0x28  }
0x139: {  	[sflag:s8] =	ssyncset.done @p1 $0x0  }
0x13a: {  	[sflag:s8] =	ssyncadd.s32 @p1 $0xFFFFFFD8  }
0x13b: {  	p2 =	sgt.u32 @p1 s20, $0xF3;
	_ =	swait.ge @p1 [sflag:s8], $0x1400  }
0x13c: {  	s10 =	simm.s32 @p1 $0x2900;
	s12 =	simm.s32 @p1 $0x6700;
	[sflag:s8] =	ssyncset.done @p1 $0x0  }
0x13d: {  	p2 =	por p2, !p1;
	[sflag:s8] =	ssyncadd.s32 @p1 $0xFFFFEC00;
	s8 =	simm.s32 @p1 $0x28  }
0x13e: {  	[spmem:s3] =	stream.indirect.scatter.add.f32 @p1 [tilespmem:s12], [sflag:$0xB], $0x80, s10, s8, $0xb8;
	[tilespmem:$0x1EF80] =	vst v63  }
0x13f: {  	s8 =	simm.s32 @!p2 $0xA  }
0x140: {  	_ =	swait.ge @!p2 [sflag:s8], $0x1400  }
0x141: {  	[sflag:s8] =	ssyncset.done @!p2 $0x0  }
0x142: {  	s10 =	simm.s32 @!p2 $0x2880;
	[sflag:s8] =	ssyncadd.s32 @!p2 $0xFFFFEC00;
	s8 =	simm.s32 @!p2 $0x0  }
0x143: {  	[tilespmem:s10], [sflag:$0x3] =	stream.linear.gather @!p2 [hbm4b:s23+s8], $0x28, $0x38;
	[tilespmem:$0x1EF80] =	vst v63  }
0x144: {  	s8 =	simm.s32 @!p2 $0x28;
	s10 =	simm.s32 @!p2 $0x5300  }
0x145: {  	[tilespmem:s10], [sflag:$0x3] =	stream.indirect.gather @!p2 [hbm4b:s5+s8], $0x80, s22, s8, $0xb8;
	[tilespmem:$0x1EF80] =	vst v63  }
0x146: {  	s8 =	simm.s32 @!p1 $0x5  }
0x147: {  	_ =	swait.ge @!p1 [sflag:s8], $0x28  }
0x148: {  	[sflag:s8] =	ssyncset.done @!p1 $0x0  }
0x149: {  	[sflag:s8] =	ssyncadd.s32 @!p1 $0xFFFFFFD8  }
0x14a: {  	_ =	swait.ge @!p1 [sflag:s8], $0x1400  }
0x14b: {  	s12 =	simm.s32 @!p1 $0x7B00;
	p2 =	sgt.u32 @!p1 s20, $0xF3;
	[sflag:s8] =	ssyncset.done @!p1 $0x0  }
0x14c: {  	s10 =	simm.s32 @!p1 $0x2980;
	[sflag:s8] =	ssyncadd.s32 @!p1 $0xFFFFEC00;
	s8 =	simm.s32 @!p1 $0x28  }
0x14d: {  	[spmem:s3] =	stream.indirect.scatter.add.f32 @!p1 [tilespmem:s12], [sflag:$0xC], $0x80, s10, s8, $0xb8;
	[tilespmem:$0x1EF80] =	vst v63  }
0x14e: {  	p1 =	por p2, p1  }
0x14f: {  	s8 =	simm.s32 @!p1 $0xB  }
0x150: {  	_ =	swait.ge @!p1 [sflag:s8], $0x1400  }
0x151: {  	[sflag:s8] =	ssyncset.done @!p1 $0x0  }
0x152: {  	s10 =	simm.s32 @!p1 $0x2900;
	[sflag:s8] =	ssyncadd.s32 @!p1 $0xFFFFEC00;
	s8 =	simm.s32 @!p1 $0x0  }
0x153: {  	[tilespmem:s10], [sflag:$0x4] =	stream.linear.gather @!p1 [hbm4b:s23+s8], $0x28, $0x38;
	[tilespmem:$0x1EF80] =	vst v63  }
0x154: {  	s8 =	simm.s32 @!p1 $0x28;
	s10 =	simm.s32 @!p1 $0x6700  }
0x155: {  	[tilespmem:s10], [sflag:$0x4] =	stream.indirect.gather @!p1 [hbm4b:s5+s8], $0x80, s22, s8, $0xb8;
	[tilespmem:$0x1EF80] =	vst v63  }
.LBB2_18:
0x156: {  	s20 =	sadd.s32 $0x1, s20  }
0x157: {  	p1 =	sne.s32 s20, $0xFA  }
.Ltmp11:
0x158: {  	_ = 	snop;
	(pc) =	sbr.rel @!p1 .LBB2_19-.Ltmp11, $2  }
0x159: {  	_ =	sdelay $0x2  }
0x15a: {  	s23 =	sadd.s32 $0x5, s23;
	s22 =	sadd.s32 $0x28, s22  }
.LBB2_11:
0x15b: {  	s8 =	smul.u32 $0x25, s20;
	_ =	sdelay $0x1  }
0x15c: {  	s8 =	sshrl.u32 s8, $0x8  }
0x15d: {  	s10 =	ssub.s32 s20, s8  }
0x15e: {  	s10 =	sand.u32 $0xFE, s10  }
0x15f: {  	s10 =	sshrl.u32 s10, $0x1  }
0x160: {  	s8 =	sadd.s32 s8, s10  }
0x161: {  	s8 =	sand.u32 $0xFC, s8  }
0x162: {  	s8 =	sshrl.u32 s8, $0x2  }
0x163: {  	s8 =	smul.u32 $0x7, s8;
	_ =	sdelay $0x1  }
0x164: {  	s8 =	ssub.s32 s20, s8  }
0x165: {  	s8 =	sand.u32 $0xFF, s8  }
0x166: {  	p1 =	sgt.s32 s8, $0x2  }
.Ltmp12:
0x167: {  	_ = 	snop;
	(pc) =	sbr.rel @!p1 .LBB2_12-.Ltmp12, $1  }
0x168: {  	_ =	sdelay $0x3  }
0x169: {  	p1 =	sgt.s32 s8, $0x4  }
.Ltmp13:
0x16a: {  	_ = 	snop;
	(pc) =	sbr.rel @!p1 .LBB2_15-.Ltmp13, $1  }
0x16b: {  	_ =	sdelay $0x3  }
0x16c: {  	p1 =	seq.s32 s8, $0x5  }
0x16d: {  	s8 =	simm.s32 @p1 $0x6  }
0x16e: {  	_ =	swait.ge @p1 [sflag:s8], $0x28  }
0x16f: {  	[sflag:s8] =	ssyncset.done @p1 $0x0  }
0x170: {  	[sflag:s8] =	ssyncadd.s32 @p1 $0xFFFFFFD8  }
0x171: {  	p2 =	sgt.u32 @p1 s20, $0xF3;
	_ =	swait.ge @p1 [sflag:s8], $0x1400  }
0x172: {  	s10 =	simm.s32 @p1 $0x2A00;
	s12 =	simm.s32 @p1 $0x8F00;
	[sflag:s8] =	ssyncset.done @p1 $0x0  }
0x173: {  	p2 =	por p2, !p1;
	[sflag:s8] =	ssyncadd.s32 @p1 $0xFFFFEC00;
	s8 =	simm.s32 @p1 $0x28  }
0x174: {  	[spmem:s3] =	stream.indirect.scatter.add.f32 @p1 [tilespmem:s12], [sflag:$0xD], $0x80, s10, s8, $0xb8;
	[tilespmem:$0x1EF80] =	vst v63  }
0x175: {  	s8 =	simm.s32 @!p2 $0xC  }
0x176: {  	_ =	swait.ge @!p2 [sflag:s8], $0x1400  }
0x177: {  	[sflag:s8] =	ssyncset.done @!p2 $0x0  }
0x178: {  	s10 =	simm.s32 @!p2 $0x2980;
	[sflag:s8] =	ssyncadd.s32 @!p2 $0xFFFFEC00;
	s8 =	simm.s32 @!p2 $0x0  }
0x179: {  	[tilespmem:s10], [sflag:$0x5] =	stream.linear.gather @!p2 [hbm4b:s23+s8], $0x28, $0x38;
	[tilespmem:$0x1EF80] =	vst v63  }
0x17a: {  	s8 =	simm.s32 @!p2 $0x28;
	s10 =	simm.s32 @!p2 $0x7B00  }
0x17b: {  	[tilespmem:s10], [sflag:$0x5] =	stream.indirect.gather @!p2 [hbm4b:s5+s8], $0x80, s22, s8, $0xb8;
	[tilespmem:$0x1EF80] =	vst v63  }
0x17c: {  	s8 =	simm.s32 @!p1 $0x7  }
0x17d: {  	_ =	swait.ge @!p1 [sflag:s8], $0x28  }
0x17e: {  	[sflag:s8] =	ssyncset.done @!p1 $0x0  }
0x17f: {  	[sflag:s8] =	ssyncadd.s32 @!p1 $0xFFFFFFD8  }
0x180: {  	_ =	swait.ge @!p1 [sflag:s8], $0x1400  }
0x181: {  	s12 =	simm.s32 @!p1 $0xA300;
	p2 =	sgt.u32 @!p1 s20, $0xF3;
	[sflag:s8] =	ssyncset.done @!p1 $0x0  }
0x182: {  	s10 =	simm.s32 @!p1 $0x2A80;
	[sflag:s8] =	ssyncadd.s32 @!p1 $0xFFFFEC00;
	s8 =	simm.s32 @!p1 $0x28  }
0x183: {  	[spmem:s3] =	stream.indirect.scatter.add.f32 @!p1 [tilespmem:s12], [sflag:$0xE], $0x80, s10, s8, $0xb8;
	[tilespmem:$0x1EF80] =	vst v63  }
0x184: {  	p1 =	por p2, p1  }
0x185: {  	s8 =	simm.s32 @!p1 $0xD  }
0x186: {  	_ =	swait.ge @!p1 [sflag:s8], $0x1400  }
.Ltmp14:
0x187: {  	[sflag:s8] =	ssyncset.done @!p1 $0x0;
	(pc) =	sbr.rel .LBB2_18-.Ltmp14, $4  }
0x188: {  	s10 =	simm.s32 @!p1 $0x2A00;
	[sflag:s8] =	ssyncadd.s32 @!p1 $0xFFFFEC00;
	s8 =	simm.s32 @!p1 $0x0  }
0x189: {  	[tilespmem:s10], [sflag:$0x6] =	stream.linear.gather @!p1 [hbm4b:s23+s8], $0x28, $0x38;
	[tilespmem:$0x1EF80] =	vst v63  }
0x18a: {  	s8 =	simm.s32 @!p1 $0x28;
	s10 =	simm.s32 @!p1 $0x8F00  }
0x18b: {  	[tilespmem:s10], [sflag:$0x6] =	stream.indirect.gather @!p1 [hbm4b:s5+s8], $0x80, s22, s8, $0xb8;
	[tilespmem:$0x1EF80] =	vst v63  }
.LBB2_12:
0x18c: {  	p1 =	seq.s32 s8, $0x0  }
.Ltmp15:
0x18d: {  	_ = 	snop;
	(pc) =	sbr.rel @p1 .LBB2_17-.Ltmp15, $1  }
0x18e: {  	_ =	sdelay $0x3  }
0x18f: {  	p1 =	seq.s32 s8, $0x1  }
0x190: {  	s8 =	simm.s32 @p1 $0x2  }
0x191: {  	_ =	swait.ge @p1 [sflag:s8], $0x28  }
0x192: {  	[sflag:s8] =	ssyncset.done @p1 $0x0  }
0x193: {  	[sflag:s8] =	ssyncadd.s32 @p1 $0xFFFFFFD8  }
0x194: {  	p2 =	sgt.u32 @p1 s20, $0xF3;
	_ =	swait.ge @p1 [sflag:s8], $0x1400  }
0x195: {  	s10 =	simm.s32 @p1 $0x2800;
	s12 =	simm.s32 @p1 $0x3F00;
	[sflag:s8] =	ssyncset.done @p1 $0x0  }
0x196: {  	p2 =	por p2, !p1;
	[sflag:s8] =	ssyncadd.s32 @p1 $0xFFFFEC00;
	s8 =	simm.s32 @p1 $0x28  }
0x197: {  	[spmem:s3] =	stream.indirect.scatter.add.f32 @p1 [tilespmem:s12], [sflag:$0x9], $0x80, s10, s8, $0xb8;
	[tilespmem:$0x1EF80] =	vst v63  }
0x198: {  	s8 =	simm.s32 @!p2 $0x8  }
0x199: {  	_ =	swait.ge @!p2 [sflag:s8], $0x1400  }
0x19a: {  	[sflag:s8] =	ssyncset.done @!p2 $0x0  }
0x19b: {  	s10 =	simm.s32 @!p2 $0x2780;
	[sflag:s8] =	ssyncadd.s32 @!p2 $0xFFFFEC00;
	s8 =	simm.s32 @!p2 $0x0  }
0x19c: {  	[tilespmem:s10], [sflag:$0x1] =	stream.linear.gather @!p2 [hbm4b:s23+s8], $0x28, $0x38;
	[tilespmem:$0x1EF80] =	vst v63  }
0x19d: {  	s8 =	simm.s32 @!p2 $0x28;
	s10 =	simm.s32 @!p2 $0x2B00  }
0x19e: {  	[tilespmem:s10], [sflag:$0x1] =	stream.indirect.gather @!p2 [hbm4b:s5+s8], $0x80, s22, s8, $0xb8;
	[tilespmem:$0x1EF80] =	vst v63  }
0x19f: {  	s8 =	simm.s32 @!p1 $0x3  }
0x1a0: {  	_ =	swait.ge @!p1 [sflag:s8], $0x28  }
0x1a1: {  	[sflag:s8] =	ssyncset.done @!p1 $0x0  }
0x1a2: {  	[sflag:s8] =	ssyncadd.s32 @!p1 $0xFFFFFFD8  }
0x1a3: {  	_ =	swait.ge @!p1 [sflag:s8], $0x1400  }
0x1a4: {  	s12 =	simm.s32 @!p1 $0x5300;
	p2 =	sgt.u32 @!p1 s20, $0xF3;
	[sflag:s8] =	ssyncset.done @!p1 $0x0  }
0x1a5: {  	s10 =	simm.s32 @!p1 $0x2880;
	[sflag:s8] =	ssyncadd.s32 @!p1 $0xFFFFEC00;
	s8 =	simm.s32 @!p1 $0x28  }
0x1a6: {  	[spmem:s3] =	stream.indirect.scatter.add.f32 @!p1 [tilespmem:s12], [sflag:$0xA], $0x80, s10, s8, $0xb8;
	[tilespmem:$0x1EF80] =	vst v63  }
0x1a7: {  	p1 =	por p2, p1  }
0x1a8: {  	s8 =	simm.s32 @!p1 $0x9  }
0x1a9: {  	_ =	swait.ge @!p1 [sflag:s8], $0x1400  }
.Ltmp16:
0x1aa: {  	[sflag:s8] =	ssyncset.done @!p1 $0x0;
	(pc) =	sbr.rel .LBB2_18-.Ltmp16, $4  }
0x1ab: {  	s10 =	simm.s32 @!p1 $0x2800;
	[sflag:s8] =	ssyncadd.s32 @!p1 $0xFFFFEC00;
	s8 =	simm.s32 @!p1 $0x0  }
0x1ac: {  	[tilespmem:s10], [sflag:$0x2] =	stream.linear.gather @!p1 [hbm4b:s23+s8], $0x28, $0x38;
	[tilespmem:$0x1EF80] =	vst v63  }
0x1ad: {  	s8 =	simm.s32 @!p1 $0x28;
	s10 =	simm.s32 @!p1 $0x3F00  }
0x1ae: {  	[tilespmem:s10], [sflag:$0x2] =	stream.indirect.gather @!p1 [hbm4b:s5+s8], $0x80, s22, s8, $0xb8;
	[tilespmem:$0x1EF80] =	vst v63  }
.LBB2_17:
0x1af: {  	_ =	swait.ge [sflag:s29], $0x28  }
0x1b0: {  	[sflag:s29] =	ssyncset.done $0x0  }
0x1b1: {  	p1 =	sgt.u32 s20, $0xF3;
	[sflag:s29] =	ssyncadd.s32 $0xFFFFFFD8  }
0x1b2: {  	p2 =	seq.s32 @!p1 s20, $0x0;
	_ =	swait.ge [sflag:s29], $0x1400  }
0x1b3: {  	p2 =	por p2, p1;
	[sflag:s29] =	ssyncset.done $0x0  }
0x1b4: {  	s8 =	simm.s32 @!p2 $0xE;
	[sflag:s29] =	ssyncadd.s32 $0xFFFFEC00  }
0x1b5: {  	[spmem:s3] =	stream.indirect.scatter.add.f32 [tilespmem:s26], [sflag:$0x8], $0x80, s24, s25, $0xb8;
	[tilespmem:$0x1EF80] =	vst v63  }
0x1b6: {  	_ =	swait.ge @!p2 [sflag:s8], $0x1400  }
.Ltmp17:
0x1b7: {  	[sflag:s8] =	ssyncset.done @!p2 $0x0;
	(pc) =	sbr.rel .LBB2_18-.Ltmp17, $4  }
0x1b8: {  	s10 =	simm.s32 @!p1 $0x2A80;
	[sflag:s8] =	ssyncadd.s32 @!p2 $0xFFFFEC00;
	s8 =	simm.s32 @!p1 $0x0  }
0x1b9: {  	[tilespmem:s10], [sflag:$0x7] =	stream.linear.gather @!p1 [hbm4b:s23+s8], $0x28, $0x38;
	[tilespmem:$0x1EF80] =	vst v63  }
0x1ba: {  	s8 =	simm.s32 @!p1 $0x28;
	s10 =	simm.s32 @!p1 $0xA300  }
0x1bb: {  	[tilespmem:s10], [sflag:$0x7] =	stream.indirect.gather @!p1 [hbm4b:s5+s8], $0x80, s22, s8, $0xb8;
	[tilespmem:$0x1EF80] =	vst v63  }
.LBB2_20:
0x1bc: {  	_ =	sfence.sel $0x180000  }
0x1bd: {  	[bflag:$0x0] =	sbarrier.arrive $0xFFFF  }
0x1be: {  	_ =	strace $0x9000004D  }
0x1bf: {  	s0 =	stileid.u32;
	[bflag:$0x2] =	sbarrier.arrive $0xFFFF  }
0x1c0: {  	p0 =	sne.s32 s0, $0x0;
	s0 =	rddreg [dreg:$0x4]  }
0x1c1: {  	s0 =	sadd.s32 @!p0 $0x100000, s0  }
0x1c2: {  	[sflag:s0] =	ssyncadd.tile.s32 @!p0 $0x1;
	_ =	shalt  }
.Lfunc_end2:
_tile_overlayer_lowered:
.L_overlay_start_2:
0x1c3: {  	(tag) =	ssettag $0x2  }
0x1c4: {  	s0 =	rddreg [dreg:$0x0];
	s2 =	stileid.u32  }
0x1c5: {  	s1 =	rddreg [dreg:$0x1];
	p0 =	sne.s32 s2, $0x0  }
0x1c6: {  	s3 =	rddreg [dreg:$0x2];
	[bflag:$0x3] =	sbarrier.arrive $0xFFFF;
	s2 =	simm.s32 @!p0 $0x1C0F  }
0x1c7: {  	[timem:s3], [sflag:s2] =	dma.local @!p0 [hbm:s0], s1  }
0x1c8: {  	s0 =	simm.s32 @!p0 $0xF  }
0x1c9: {  	_ =	swait.ge @!p0 [sflag:s0], s1  }
0x1ca: {  	s1 =	ssub.s32 @!p0 $0x0, s1;
	[sflag:s0] =	ssyncset.done @!p0 $0x0  }
0x1cb: {  	[sflag:s0] =	ssyncadd.s32 @!p0 s1  }
0x1cc: {  	[bflag:$0x3] =	sbarrier.arrive $0xFFFF  }
0x1cd: {  	_ =	shalt  }

// kernel: kernel.19.cloned.1.call-start
scs
__scs_entry_jumppad:
0x0: {  	(pc) =	sbr.rel $0x88, $3  }
0x1: {  	(tag) =	ssettag $0x0;
	lr =	simm.s32 $0x1  }
0x2: {  	[smem:$0x3F97] =	sst lr;
	_ =	strace $0xD0000000  }
0x3: {  	_ = 	snop  }
0x4: {  	_ = 	snop  }
0x5: {  	_ = 	snop  }
0x6: {  	_ = 	snop  }
0x7: {  	_ = 	snop  }
__scs_overlays_trampoline_lowered:
0x8: {  	[smem:$0x3FA6] =	sst s0  }
0x9: {  	[smem:$0x3FA7] =	sst s1  }
0xa: {  	[smem:$0x3FA8] =	sst s2  }
0xb: {  	[smem:$0x3FA9] =	sst s3  }
0xc: {  	[smem:$0x3FAA] =	sst s4  }
0xd: {  	[smem:$0x3FAB] =	sst s5  }
0xe: {  	[smem:$0x3FAC] =	sst s6  }
0xf: {  	[smem:$0x3FAD] =	sst s7  }
0x10: {  	[smem:$0x3FAE] =	sst s8  }
0x11: {  	[smem:$0x3FAF] =	sst s9;
	s0 =	simm.s32 @!p0 $0x0  }
0x12: {  	s1 =	sld [smem:$0x3F95];
	s0 =	simm.s32 @p0 $0x1  }
0x13: {  	[smem:$0x3FB0] =	sst s0;
	s0 =	simm.s32 @!p1 $0x0  }
0x14: {  	s2 =	sld [smem:$0x3F94];
	s0 =	simm.s32 @p1 $0x1  }
0x15: {  	[smem:$0x3FB1] =	sst s0;
	s0 =	simm.s32 @!p2 $0x0  }
0x16: {  	s3 =	sld [smem:$0x3FDB];
	s0 =	simm.s32 @p2 $0x1  }
0x17: {  	s4 =	simm.s32 $0x1BF5;
	[smem:$0x3FB3] =	sst s0  }
0x18: {  	s0 =	sld [smem:$0x3F96];
	_ =	swait.ge [sflag:s4], $0x0  }
0x19: {  	s7 =	sld [smem:$0x3F97]  }
0x1a: {  	s8 =	sadd.s32 $0xFFFFE003, lr  }
0x1b: {  	s9 =	sadd.s32 $0xFFFFFEF7, lr;
	s5 =	simm.s32 $0xFFFFFFFF;
	p2 =	slt.u32 s8, $0xFFFFF086  }
0x1c: {  	p1 =	slt.u32 s9, $0xF7A;
	s5 =	simm.s32 @!p2 $0x0  }
0x1d: {  	s5 =	simm.s32 @p1 $0x1;
	p0 =	seq.s32 s7, s2  }
0x1e: {  	s7 =	smul.u32 @!p0 $0xF7A, s2;
	p2 =	seq.s32 @!p0 s5, $0x0  }
0x1f: {  	s9 =	smul.u32 $0xF7A, s1;
	s8 =	simm.s32 @!p0 $0x1BF5;
	p2 =	por !p2, p0  }
0x20: {  	[sflag:s8] =	ssyncset.s32 @!p0 $0xFFFFF086;
	s6 =	sadd.s32 @!p0 s3, s7;
	s7 =	simm.s32 @!p0 $0x108  }
0x21: {  	s3 =	sadd.s32 s3, s9;
	s6 =	sadd.s32 @!p0 $0x88, s6;
	s7 =	simm.s32 @p2 $0x1082  }
0x22: {  	[simem:s7], [sflag:s8] =	dma.local @!p0 [hbm:s6], $0xF7A  }
0x23: {  	s9 =	sor.u32 $0xD0000000, s2;
	s6 =	simm.s32 $0x108;
	_ =	swait.ge @!p0 [sflag:s8], $0x0  }
0x24: {  	s3 =	sadd.s32 $0x88, s3;
	s6 =	simm.s32 @!p1 $0x1082;
	[sflag:s4] =	ssyncset.s32 $0xFFFFF086  }
0x25: {  	[simem:s6], [sflag:s4] =	dma.local [hbm:s3], $0xF7A  }
0x26: {  	[smem:$0x3F97] =	sst s1;
	(tag) =	ssettag s2;
	_ =	strace s9  }
0x27: {  	s1 =	sld [smem:$0x3FA7]  }
0x28: {  	s2 =	sld [smem:$0x3FA8]  }
0x29: {  	s4 =	sld [smem:$0x3FAA]  }
0x2a: {  	p0 =	seq.s32 s5, $0x0;
	s5 =	sld [smem:$0x3FAB]  }
0x2b: {  	s6 =	sld [smem:$0x3FAC]  }
0x2c: {  	s7 =	sld [smem:$0x3FAD]  }
0x2d: {  	s3 =	simm.s32 $0x108;
	s8 =	sld [smem:$0x3FAE]  }
0x2e: {  	s3 =	simm.s32 @!p0 $0x1082;
	s9 =	sld [smem:$0x3FAF]  }
0x2f: {  	lr =	sadd.s32 s0, s3;
	s0 =	sld [smem:$0x3FA6]  }
0x30: {  	s3 =	sld [smem:$0x3FA9]  }
0x31: {  	[smem:$0x3FB2] =	sst s10  }
0x32: {  	s10 =	sld [smem:$0x3FB0];
	_ =	sdelay $0x3  }
0x33: {  	p0 =	seq.s32 s10, $0x1;
	s10 =	sld [smem:$0x3FB2];
	_ =	sdelay $0x3  }
0x34: {  	[smem:$0x3FB2] =	sst s10  }
0x35: {  	s10 =	sld [smem:$0x3FB1];
	_ =	sdelay $0x3  }
0x36: {  	p1 =	seq.s32 s10, $0x1;
	s10 =	sld [smem:$0x3FB2];
	_ =	sdelay $0x3  }
0x37: {  	[smem:$0x3FB2] =	sst s10  }
0x38: {  	s10 =	sld [smem:$0x3FB3]  }
0x39: {  	_ = 	snop;
	(pc) =	sbr.ind lr, $3  }
0x3a: {  	_ = 	snop  }
0x3b: {  	_ = 	snop  }
0x3c: {  	p2 =	seq.s32 s10, $0x1;
	s10 =	sld [smem:$0x3FB2]  }
0x3d: {  	_ =	shalt  }
0x3e: {  	_ =	shalt  }
0x3f: {  	_ =	shalt  }
0x40: {  	_ =	shalt  }
0x41: {  	_ =	shalt  }
0x42: {  	_ =	shalt  }
0x43: {  	_ =	shalt  }
0x44: {  	_ =	shalt  }
0x45: {  	_ =	shalt  }
0x46: {  	_ =	shalt  }
0x47: {  	_ =	shalt  }
0x48: {  	_ =	shalt  }
0x49: {  	_ =	shalt  }
0x4a: {  	_ =	shalt  }
0x4b: {  	_ =	shalt  }
0x4c: {  	_ =	shalt  }
0x4d: {  	_ =	shalt  }
0x4e: {  	_ =	shalt  }
0x4f: {  	_ =	shalt  }
0x50: {  	_ =	shalt  }
0x51: {  	_ =	shalt  }
0x52: {  	_ =	shalt  }
0x53: {  	_ =	shalt  }
0x54: {  	_ =	shalt  }
0x55: {  	_ =	shalt  }
0x56: {  	_ =	shalt  }
0x57: {  	_ =	shalt  }
0x58: {  	_ =	shalt  }
0x59: {  	_ =	shalt  }
0x5a: {  	_ =	shalt  }
0x5b: {  	_ =	shalt  }
0x5c: {  	_ =	shalt  }
0x5d: {  	_ =	shalt  }
0x5e: {  	_ =	shalt  }
0x5f: {  	_ =	shalt  }
0x60: {  	_ =	shalt  }
0x61: {  	_ =	shalt  }
0x62: {  	_ =	shalt  }
0x63: {  	_ =	shalt  }
0x64: {  	_ =	shalt  }
0x65: {  	_ =	shalt  }
0x66: {  	_ =	shalt  }
0x67: {  	_ =	shalt  }
0x68: {  	_ =	shalt  }
0x69: {  	_ =	shalt  }
0x6a: {  	_ =	shalt  }
0x6b: {  	_ =	shalt  }
0x6c: {  	_ =	shalt  }
0x6d: {  	_ =	shalt  }
0x6e: {  	_ =	shalt  }
0x6f: {  	_ =	shalt  }
0x70: {  	_ =	shalt  }
0x71: {  	_ =	shalt  }
0x72: {  	_ =	shalt  }
0x73: {  	_ =	shalt  }
0x74: {  	_ =	shalt  }
0x75: {  	_ =	shalt  }
0x76: {  	_ =	shalt  }
0x77: {  	_ =	shalt  }
0x78: {  	_ =	shalt  }
0x79: {  	_ =	shalt  }
0x7a: {  	_ =	shalt  }
0x7b: {  	_ =	shalt  }
0x7c: {  	_ =	shalt  }
0x7d: {  	_ =	shalt  }
0x7e: {  	_ =	shalt  }
0x7f: {  	_ =	shalt  }
0x80: {  	_ =	shalt  }
0x81: {  	_ =	shalt  }
0x82: {  	_ =	shalt  }
0x83: {  	_ =	shalt  }
0x84: {  	_ =	shalt  }
0x85: {  	_ =	shalt  }
0x86: {  	_ =	shalt  }
0x87: {  	_ =	shalt  }
.Lfunc_end0:
.L_simem_size_0:
called_computation.3_lowered:
.L_overlay_start_0:
0x88: {  	s2 =	sld [smem:$0x3FD9]  }
0x89: {  	s3 =	sld [smem:$0x3FFE];
	_ =	sdelay $0x1  }
0x8a: {  	s1 =	srdreg.scid  }
0x8b: {  	s0 =	sand.u32 $0x1, s1  }
0x8c: {  	s14 =	sshll.u32 s0, $0xA;
	s2 =	sadd.s32 s3, s2  }
0x8d: {  	s2 =	sadd.s32 s2, s14  }
0x8e: {  	[smem:$0x3FBE] =	sst s2  }
0x8f: {  	_ = 	snop  }
0x90: {  	s2 =	sld [smem:$0x3FD0];
	_ =	sdelay $0x2  }
0x91: {  	s15 =	simm.s32 $0xA;
	s4 =	simm.s32 $0x10  }
0x92: {  	[smem:s4], [sflag:s15] =	dma.local [hbm:s2], $0x1  }
0x93: {  	_ =	swait.eq [sflag:s15], $0x1  }
0x94: {  	[sflag:s15] =	ssyncset.done $0x0  }
0x95: {  	s16 =	sld [smem:$0x10];
	[sflag:s15] =	ssyncadd.s32 $0xFFFFFFFF  }
0x96: {  	s17 =	sld [smem:$0x11];
	(tm) =	ssettm $0x1  }
0x97: {  	s18 =	sld [smem:$0x3FFB];
	_ =	sdelay $0x3  }
0x98: {  	_ =	strace s18  }
0x99: {  	s4 =	sld [smem:$0x3FFC];
	_ =	sdelay $0x3  }
0x9a: {  	_ =	strace s4  }
0x9b: {  	s4 =	sld [smem:$0x3FFD];
	_ =	sdelay $0x3  }
0x9c: {  	_ =	strace s4  }
0x9d: {  	_ =	strace $0x8FFFFFFF  }
0x9e: {  	s19 =	sld [smem:$0x3FDB];
	_ =	sdelay $0x1  }
0x9f: {  	s5 =	simm.s32 $_scs_section_size  }
0xa0: {  	s6 =	simm.s32 $_size__tile_overlayer_lowered;
	s7 =	simm.s32 $_tile_overlayer_lowered  }
0xa1: {  	s22 =	simm.s32 $0x1BFF;
	s21 =	sshll.u32 s7, $0x1;
	s4 =	sadd.s32 s5, s19  }
0xa2: {  	s8 =	simm.s32 $0x0;
	s20 =	sshll.u32 s6, $0x1;
	s6 =	sadd.s32 s21, s4  }
0xa3: {  	[timem:s8], [sflag:s22] =	dma.local [hbm:s6], s20  }
0xa4: {  	_ =	swait.ge [sflag:s22], s20  }
0xa5: {  	s5 =	ssub.s32 $0x0, s20;
	[sflag:s22] =	ssyncset.done $0x0  }
0xa6: {  	[sflag:s22] =	ssyncadd.s32 s5;
	_ =	sdelay $0x1  }
0xa7: {  	s23 =	simm.s32 $0x1B8B  }
0xa8: {  	_ =	swait.ge [sflag:s23], $0x1  }
0xa9: {  	[sflag:s23] =	ssyncset.done $0x0  }
0xaa: {  	s25 =	simm.s32 $0x1B8E;
	s24 =	sld [smem:$0x3FFE];
	[sflag:s23] =	ssyncadd.s32 $0xFFFFFFFF  }
0xab: {  	s26 =	simm.s32 $execute0_lowered;
	[smem:$0x3FD2] =	sst s25  }
0xac: {  	s6 =	sshll.u32 s26, $0x1;
	_ =	strace $0x8000004F;
	[dreg:$0x1] =	wrdreg $0xFFFFFFFF  }
0xad: {  	s28 =	simm.s32 $_size_execute0_lowered;
	s4 =	sadd.s32 s4, s6;
	[dreg:$0x0] =	wrdreg $0x0  }
0xae: {  	s6 =	sshll.u32 s28, $0x1;
	[dreg:$0x2] =	wrdreg s4  }
0xaf: {  	[dreg:$0x3] =	wrdreg s6  }
0xb0: {  	[dreg:$0x4] =	wrdreg $0xC0  }
0xb1: {  	_ =	task [dreg:s8], $0x5FFFF  }
0xb2: {  	[dreg:$0x1] =	wrdreg $0xFFFFFFFF  }
0xb3: {  	[dreg:$0x0] =	wrdreg $0x60  }
0xb4: {  	[dreg:$0x2] =	wrdreg s17  }
0xb5: {  	[dreg:$0x3] =	wrdreg s24  }
0xb6: {  	[dreg:$0x4] =	wrdreg s16  }
0xb7: {  	[dreg:$0x5] =	wrdreg $0xB7000  }
0xb8: {  	[dreg:$0x6] =	wrdreg $0x9  }
0xb9: {  	_ =	task.clear_ibuf [dreg:s8], $0x7FFFF;
	_ =	strace $0x9000004F  }
0xba: {  	s29 =	simm.s32 $0x9;
	_ =	strace $0x80000051  }
0xbb: {  	_ =	swait.ge [sflag:s29], $0x1  }
0xbc: {  	[sflag:s29] =	ssyncadd.s32 $0xFFFFFFFF  }
0xbd: {  	_ =	strace $0x90000051  }
0xbe: {  	_ =	sfence  }
0xbf: {  	s30 =	sld [smem:$0x0];
	_ =	sdelay $0x2  }
0xc0: {  	s31 =	sshll.u32 s1, $0xD;
	s1 =	sshrl.u32 s1, $0x2  }
0xc1: {  	s3 =	sand.u32 $0x4000, s31;
	s1 =	sadd.s32 s1, s30  }
0xc2: {  	s0 =	sor.u32 s3, s0;
	s1 =	sshll.u32 s1, $0x11  }
0xc3: {  	s0 =	sor.u32 s1, s0  }
0xc4: {  	s0 =	sadd.s32 $0x8F2B, s0  }
0xc5: {  	[sflag:s0] =	ssyncadd.remote.s32 $0x1  }
0xc6: {  	_ =	sfence.sel $0xFFFF  }
0xc7: {  	[dreg:$0x0] =	wrdreg $0xFFFFFFFF;
	(pc) =	sbr.abs _section_cstart, $3  }
0xc8: {  	[dreg:$0x1] =	wrdreg $0xFFFFFFFF  }
0xc9: {  	_ =	task.clear_ibuf [dreg:s8], $0x2FFFF;
	_ =	strace $0x9FFFFFFF  }
0xca: {  	(tm) =	ssettm $0x7FFFFFFF  }
0xcb: {  	_ =	shalt  }
tec
execute0_lowered:
.L_overlay_start_1:
0x0: {  	(tag) =	ssettag $0x1  }
0x1: {  	s1 =	rddreg [dreg:$0x0];
	s0 =	srdreg.scid  }
0x2: {  	s18 =	stileid.u32;
	s2 =	rddreg [dreg:$0x1]  }
0x3: {  	s5 =	rddreg [dreg:$0x2];
	s30 =	simm.s32 $0x1;
	s11 =	smul.u32 $0x4E000, s18  }
0x4: {  	s31 =	simm.s32 $0x8;
	s28 =	simm.s32 $0xD;
	s13 =	smul.u32 $0x2700, s18  }
0x5: {  	s29 =	simm.s32 $0x0;
	s0 =	sand.u32 $0x1, s0;
	s24 =	smul.u32 $0x13800, s18  }
0x6: {  	s3 =	sshll.u32 s18, $0x1;
	s10 =	sadd.s32 $0xD800, s2;
	s15 =	smul.u32 $0x4E20, s18  }
0x7: {  	p0 =	seq.s32 s18, $0xF;
	s4 =	sor.u32 s0, s3;
	s22 =	smul.u32 $0x138800, s0  }
0x8: {  	s3 =	rddreg [dreg:$0x3];
	s9 =	ssub.s32 $0x2, s0;
	s0 =	smul.u32 $0x2710, s0  }
0x9: {  	s6 =	smul.u32 $0x2710, s4;
	s4 =	simm.s32 $0x0;
	s12 =	sshrl.u32 s9, $0x1  }
0xa: {  	s16 =	sshrl.u32 s11, $0x2;
	s19 =	sadd.s32 s5, s13;
	s11 =	sadd.s32 $0x124800, s3  }
0xb: {  	s5 =	sadd.s32 $0x24900, s5;
	[smem:$0x7FF] =	sst s4;
	s17 =	ssub.s32 s9, s12  }
0xc: {  	s26 =	sadd.s32 s24, s22;
	s0 =	sadd.s32 s0, s15;
	s24 =	simm.s32 $0xA  }
0xd: {  	s7 =	sshrl.u32 s6, $0x3;
	_ =	strace $0x80000050;
	[dreg:$0x7] =	wrdreg s19  }
0xe: {  	s20 =	sadd.s32 $0x28, s6;
	[dreg:$0x8] =	wrdreg s5;
	s23 =	sadd.s32 $0x78, s6  }
0xf: {  	s6 =	sadd.s32 $0xC8, s6;
	s0 =	sadd.s32 $0xF0, s0;
	s17 =	smax.u32 s17, $0x1  }
0x10: {  	s19 =	simm.s32 $0xF;
	s8 =	sadd.s32 s7, s2;
	s2 =	sadd.s32 $0x17600, s2  }
0x11: {  	s21 =	sshrl.u32 s20, $0x3;
	s9 =	sadd.s32 s10, s7;
	s6 =	sshrl.u32 s6, $0x3  }
0x12: {  	s0 =	sshrl.u32 s0, $0x3;
	s20 =	sshrl.u32 @p0 s11, $0x3;
	s8 =	sadd.s32 $0x3A00, s8  }
0x13: {  	s5 =	sadd.s32 s10, s21;
	s7 =	sadd.s32 $0xA, s9;
	s25 =	sadd.s32 $0x14, s9  }
0x14: {  	s14 =	sadd.s32 s10, s6;
	s6 =	sshrl.u32 s26, $0x3;
	[dreg:$0x5] =	wrdreg s8  }
0x15: {  	s21 =	simm.s32 $0x2780;
	s26 =	simm.s32 $0xC;
	[dreg:$0x9] =	wrdreg s5  }
0x16: {  	s8 =	sadd.s32 s16, s3;
	[dreg:$0xa] =	wrdreg s7;
	s7 =	sshrl.u32 s23, $0x3  }
.Ltmp0:
0x17: {  	[dreg:$0xc] =	wrdreg s25;
	s5 =	sshrl.u32 s22, $0x3;
	(pc) =	sbr.rel .LBB2_1-.Ltmp0, $4  }
0x18: {  	s15 =	sadd.s32 s2, s6;
	s22 =	simm.s32 $0x28;
	s23 =	simm.s32 $0x2B00  }
0x19: {  	s25 =	simm.s32 $0xB;
	[dreg:$0x6] =	wrdreg s8;
	s7 =	sadd.s32 s10, s7  }
0x1a: {  	s2 =	sadd.s32 s2, s5;
	s8 =	sadd.s32 s0, s10;
	s0 =	simm.s32 $0xE  }
0x1b: {  	[dreg:$0xb] =	wrdreg s7;
	s16 =	sadd.s32 $0x24900, s2;
	s2 =	simm.s32 $0x9  }
.LBB2_10:
0x1c: {  	_ =	swait.ge [sflag:s31], $0x1400  }
0x1d: {  	[sflag:s31] =	ssyncset.done $0x0  }
0x1e: {  	[sflag:s31] =	ssyncadd.s32 $0xFFFFEC00  }
0x1f: {  	_ =	swait.ge [sflag:s2], $0x1400  }
0x20: {  	[sflag:s2] =	ssyncset.done $0x0  }
0x21: {  	[sflag:s2] =	ssyncadd.s32 $0xFFFFEC00  }
0x22: {  	_ =	swait.ge [sflag:s24], $0x1400  }
0x23: {  	[sflag:s24] =	ssyncset.done $0x0  }
0x24: {  	[sflag:s24] =	ssyncadd.s32 $0xFFFFEC00  }
0x25: {  	_ =	swait.ge [sflag:s25], $0x1400  }
0x26: {  	[sflag:s25] =	ssyncset.done $0x0  }
0x27: {  	[sflag:s25] =	ssyncadd.s32 $0xFFFFEC00  }
0x28: {  	_ =	swait.ge [sflag:s26], $0x1400  }
0x29: {  	[sflag:s26] =	ssyncset.done $0x0  }
0x2a: {  	[sflag:s26] =	ssyncadd.s32 $0xFFFFEC00  }
0x2b: {  	_ =	swait.ge [sflag:s28], $0x1400  }
0x2c: {  	[sflag:s28] =	ssyncset.done $0x0  }
0x2d: {  	[sflag:s28] =	ssyncadd.s32 $0xFFFFEC00  }
0x2e: {  	_ =	swait.ge [sflag:s0], $0x1400  }
0x2f: {  	[sflag:s0] =	ssyncset.done $0x0  }
0x30: {  	[sflag:s0] =	ssyncadd.s32 $0xFFFFEC00  }
0x31: {  	s7 =	simm.s32 @p0 $0x1FCF;
	[bflag:$0x0] =	sbarrier.arrive $0xFFFF  }
0x32: {  	[hbm:s16], [sflag:s7] =	dma.local @p0 [spmem:s20], $0x2800  }
0x33: {  	s7 =	simm.s32 @p0 $0xF  }
0x34: {  	_ =	swait.ge @p0 [sflag:s7], $0x2800  }
0x35: {  	s29 =	sadd.s32 $0x1, s29;
	[sflag:s7] =	ssyncset.done @p0 $0x0  }
0x36: {  	p1 =	sne.s32 s29, s17;
	[sflag:s7] =	ssyncadd.s32 @p0 $0xFFFFD800  }
0x37: {  	[hbm:s15], [sflag:s5] =	dma.local @!p0 [spmem:s6], $0x2700  }
.Ltmp1:
0x38: {  	_ = 	snop;
	(pc) =	sbr.rel @!p1 .LBB2_11-.Ltmp1, $4  }
0x39: {  	s5 =	simm.s32 @!p0 $0xF  }
0x3a: {  	_ =	swait.ge @!p0 [sflag:s5], $0x2700  }
0x3b: {  	[sflag:s5] =	ssyncset.done @!p0 $0x0  }
0x3c: {  	[sflag:s5] =	ssyncadd.s32 @!p0 $0xFFFFD900  }
.LBB2_1:
0x3d: {  	s5 =	rddreg [dreg:$0x5]  }
0x3e: {  	[tilespmem:s4], [sflag:$0xF] =	stream.linear.gather [hbm4b:s5+s4], $0x2710, $0x38;
	[tilespmem:$0x1EF80] =	vst v63  }
0x3f: {  	_ =	swait.ge [sflag:s19], $0x2710  }
0x40: {  	[sflag:s19] =	ssyncset.done $0x0  }
0x41: {  	s5 =	simm.s32 @p0 $0x1FCF;
	s6 =	rddreg [dreg:$0x8];
	[sflag:s19] =	ssyncadd.s32 $0xFFFFD8F0  }
0x42: {  	[spmem:s20], [sflag:s5] =	dma.local @p0 [hbm:s6], $0x2800  }
0x43: {  	s5 =	simm.s32 @p0 $0xF  }
0x44: {  	s6 =	stileid.u32;
	_ =	swait.ge @p0 [sflag:s5], $0x2800  }
0x45: {  	s6 =	sshll.u32 @!p0 s6, $0x6;
	[sflag:s5] =	ssyncset.done @p0 $0x0  }
0x46: {  	[sflag:s5] =	ssyncadd.s32 @p0 $0xFFFFD800;
	s5 =	sor.u32 @!p0 $0x1C0F, s6;
	s6 =	rddreg [dreg:$0x6]  }
0x47: {  	s7 =	rddreg [dreg:$0x7];
	s6 =	sshrl.u32 @!p0 s6, $0x3  }
0x48: {  	[spmem:s6], [sflag:s5] =	dma.local @!p0 [hbm:s7], $0x2700  }
0x49: {  	s7 =	simm.s32 @!p0 $0xF  }
0x4a: {  	_ =	swait.ge @!p0 [sflag:s7], $0x2700  }
0x4b: {  	[sflag:s7] =	ssyncset.done @!p0 $0x0  }
0x4c: {  	[sflag:s7] =	ssyncadd.s32 @!p0 $0xFFFFD900  }
0x4d: {  	[bflag:$0x0] =	sbarrier.arrive $0xFFFF  }
0x4e: {  	[tilespmem:s21], [sflag:$0x1] =	stream.linear.gather [hbm4b:s9+s4], $0x28, $0x38;
	[tilespmem:$0x1EF80] =	vst v63  }
0x4f: {  	_ = 	snop  }
0x50: {  	[tilespmem:s23], [sflag:$0x1] =	stream.indirect.gather [hbm4b:s1+s22], $0x80, s4, s22, $0xb8;
	[tilespmem:$0x1EF80] =	vst v63  }
0x51: {  	s10 =	simm.s32 $0x2800;
	s11 =	rddreg [dreg:$0x9]  }
0x52: {  	[tilespmem:s10], [sflag:$0x2] =	stream.linear.gather [hbm4b:s11+s4], $0x28, $0x38;
	[tilespmem:$0x1EF80] =	vst v63  }
0x53: {  	s12 =	simm.s32 $0x3F00  }
0x54: {  	[tilespmem:s12], [sflag:$0x2] =	stream.indirect.gather [hbm4b:s1+s22], $0x80, s22, s22, $0xb8;
	[tilespmem:$0x1EF80] =	vst v63  }
0x55: {  	s18 =	simm.s32 $0x2880;
	s13 =	rddreg [dreg:$0xa]  }
0x56: {  	[tilespmem:s18], [sflag:$0x3] =	stream.linear.gather [hbm4b:s13+s4], $0x28, $0x38;
	[tilespmem:$0x1EF80] =	vst v63  }
0x57: {  	s11 =	simm.s32 $0x50;
	s12 =	simm.s32 $0x5300  }
0x58: {  	[tilespmem:s12], [sflag:$0x3] =	stream.indirect.gather [hbm4b:s1+s22], $0x80, s11, s22, $0xb8;
	[tilespmem:$0x1EF80] =	vst v63  }
0x59: {  	s13 =	rddreg [dreg:$0xb];
	s18 =	simm.s32 $0x2900  }
0x5a: {  	[tilespmem:s18], [sflag:$0x4] =	stream.linear.gather [hbm4b:s13+s4], $0x28, $0x38;
	[tilespmem:$0x1EF80] =	vst v63  }
0x5b: {  	s11 =	simm.s32 $0x78;
	s12 =	simm.s32 $0x6700  }
0x5c: {  	[tilespmem:s12], [sflag:$0x4] =	stream.indirect.gather [hbm4b:s1+s22], $0x80, s11, s22, $0xb8;
	[tilespmem:$0x1EF80] =	vst v63  }
0x5d: {  	s13 =	rddreg [dreg:$0xc];
	s18 =	simm.s32 $0x2980  }
0x5e: {  	[tilespmem:s18], [sflag:$0x5] =	stream.linear.gather [hbm4b:s13+s4], $0x28, $0x38;
	[tilespmem:$0x1EF80] =	vst v63  }
0x5f: {  	s10 =	simm.s32 $0xA0;
	s11 =	simm.s32 $0x7B00  }
0x60: {  	[tilespmem:s11], [sflag:$0x5] =	stream.indirect.gather [hbm4b:s1+s22], $0x80, s10, s22, $0xb8;
	[tilespmem:$0x1EF80] =	vst v63  }
.Ltmp2:
0x61: {  	s12 =	simm.s32 $0x2A00;
	(pc) =	sbr.rel .LBB2_2-.Ltmp2, $4  }
0x62: {  	[tilespmem:s12], [sflag:$0x6] =	stream.linear.gather [hbm4b:s14+s4], $0x28, $0x38;
	[tilespmem:$0x1EF80] =	vst v63  }
0x63: {  	s13 =	simm.s32 $0xC8;
	s18 =	simm.s32 $0x8F00  }
0x64: {  	[tilespmem:s18], [sflag:$0x6] =	stream.indirect.gather [hbm4b:s1+s22], $0x80, s13, s22, $0xb8;
	[tilespmem:$0x1EF80] =	vst v63  }
0x65: {  	s7 =	simm.s32 $0xF0;
	s10 =	simm.s32 $0x0;
	s18 =	smov.u32 s8  }
.LBB2_6:
0x66: {  	p1 =	seq.s32 s11, $0x3  }
0x67: {  	s11 =	simm.s32 @p1 $0x4  }
0x68: {  	_ =	swait.ge @p1 [sflag:s11], $0x28  }
0x69: {  	[sflag:s11] =	ssyncset.done @p1 $0x0  }
0x6a: {  	[sflag:s11] =	ssyncadd.s32 @p1 $0xFFFFFFD8  }
0x6b: {  	p2 =	sgt.u32 @p1 s10, $0xF3;
	_ =	swait.ge @p1 [sflag:s11], $0x1400  }
0x6c: {  	s12 =	simm.s32 @p1 $0x2900;
	s13 =	simm.s32 @p1 $0x6700;
	[sflag:s11] =	ssyncset.done @p1 $0x0  }
0x6d: {  	p2 =	por p2, !p1;
	[sflag:s11] =	ssyncadd.s32 @p1 $0xFFFFEC00;
	s11 =	simm.s32 @p1 $0x28  }
0x6e: {  	[spmem:s3] =	stream.indirect.scatter.add.f32 @p1 [tilespmem:s13], [sflag:$0xB], $0x80, s12, s11, $0xb8;
	[tilespmem:$0x1EF80] =	vst v63  }
0x6f: {  	s11 =	simm.s32 @!p2 $0xA  }
0x70: {  	_ =	swait.ge @!p2 [sflag:s11], $0x1400  }
0x71: {  	[sflag:s11] =	ssyncset.done @!p2 $0x0  }
0x72: {  	s12 =	simm.s32 @!p2 $0x2880;
	[sflag:s11] =	ssyncadd.s32 @!p2 $0xFFFFEC00;
	s11 =	simm.s32 @!p2 $0x0  }
0x73: {  	[tilespmem:s12], [sflag:$0x3] =	stream.linear.gather @!p2 [hbm4b:s18+s11], $0x28, $0x38;
	[tilespmem:$0x1EF80] =	vst v63  }
0x74: {  	s11 =	simm.s32 @!p2 $0x28;
	s12 =	simm.s32 @!p2 $0x5300  }
0x75: {  	[tilespmem:s12], [sflag:$0x3] =	stream.indirect.gather @!p2 [hbm4b:s1+s11], $0x80, s7, s11, $0xb8;
	[tilespmem:$0x1EF80] =	vst v63  }
0x76: {  	s11 =	simm.s32 @!p1 $0x5  }
0x77: {  	_ =	swait.ge @!p1 [sflag:s11], $0x28  }
0x78: {  	[sflag:s11] =	ssyncset.done @!p1 $0x0  }
0x79: {  	[sflag:s11] =	ssyncadd.s32 @!p1 $0xFFFFFFD8  }
0x7a: {  	_ =	swait.ge @!p1 [sflag:s11], $0x1400  }
0x7b: {  	s13 =	simm.s32 @!p1 $0x7B00;
	p2 =	sgt.u32 @!p1 s10, $0xF3;
	[sflag:s11] =	ssyncset.done @!p1 $0x0  }
0x7c: {  	s12 =	simm.s32 @!p1 $0x2980;
	[sflag:s11] =	ssyncadd.s32 @!p1 $0xFFFFEC00;
	s11 =	simm.s32 @!p1 $0x28  }
0x7d: {  	[spmem:s3] =	stream.indirect.scatter.add.f32 @!p1 [tilespmem:s13], [sflag:$0xC], $0x80, s12, s11, $0xb8;
	[tilespmem:$0x1EF80] =	vst v63  }
0x7e: {  	p1 =	por p2, p1  }
0x7f: {  	s11 =	simm.s32 @!p1 $0xB  }
0x80: {  	_ =	swait.ge @!p1 [sflag:s11], $0x1400  }
0x81: {  	[sflag:s11] =	ssyncset.done @!p1 $0x0  }
0x82: {  	s12 =	simm.s32 @!p1 $0x2900;
	[sflag:s11] =	ssyncadd.s32 @!p1 $0xFFFFEC00;
	s11 =	simm.s32 @!p1 $0x0  }
0x83: {  	[tilespmem:s12], [sflag:$0x4] =	stream.linear.gather @!p1 [hbm4b:s18+s11], $0x28, $0x38;
	[tilespmem:$0x1EF80] =	vst v63  }
0x84: {  	s11 =	simm.s32 @!p1 $0x28;
	s12 =	simm.s32 @!p1 $0x6700  }
0x85: {  	[tilespmem:s12], [sflag:$0x4] =	stream.indirect.gather @!p1 [hbm4b:s1+s11], $0x80, s7, s11, $0xb8;
	[tilespmem:$0x1EF80] =	vst v63  }
.LBB2_9:
0x86: {  	s10 =	sadd.s32 $0x1, s10  }
0x87: {  	p1 =	sne.s32 s10, $0xFA  }
.Ltmp3:
0x88: {  	_ = 	snop;
	(pc) =	sbr.rel @!p1 .LBB2_10-.Ltmp3, $2  }
0x89: {  	_ =	sdelay $0x2  }
0x8a: {  	s18 =	sadd.s32 $0x5, s18;
	s7 =	sadd.s32 $0x28, s7  }
.LBB2_2:
0x8b: {  	s11 =	smul.u32 $0x25, s10;
	_ =	sdelay $0x1  }
0x8c: {  	s11 =	sshrl.u32 s11, $0x8  }
0x8d: {  	s12 =	ssub.s32 s10, s11  }
0x8e: {  	s12 =	sand.u32 $0xFE, s12  }
0x8f: {  	s12 =	sshrl.u32 s12, $0x1  }
0x90: {  	s11 =	sadd.s32 s11, s12  }
0x91: {  	s11 =	sand.u32 $0xFC, s11  }
0x92: {  	s11 =	sshrl.u32 s11, $0x2  }
0x93: {  	s11 =	smul.u32 $0x7, s11;
	_ =	sdelay $0x1  }
0x94: {  	s11 =	ssub.s32 s10, s11  }
0x95: {  	s11 =	sand.u32 $0xFF, s11  }
0x96: {  	p1 =	sgt.s32 s11, $0x2  }
.Ltmp4:
0x97: {  	_ = 	snop;
	(pc) =	sbr.rel @!p1 .LBB2_3-.Ltmp4, $1  }
0x98: {  	_ =	sdelay $0x3  }
0x99: {  	p1 =	sgt.s32 s11, $0x4  }
.Ltmp5:
0x9a: {  	_ = 	snop;
	(pc) =	sbr.rel @!p1 .LBB2_6-.Ltmp5, $1  }
0x9b: {  	_ =	sdelay $0x3  }
0x9c: {  	p1 =	seq.s32 s11, $0x5  }
0x9d: {  	s11 =	simm.s32 @p1 $0x6  }
0x9e: {  	_ =	swait.ge @p1 [sflag:s11], $0x28  }
0x9f: {  	[sflag:s11] =	ssyncset.done @p1 $0x0  }
0xa0: {  	[sflag:s11] =	ssyncadd.s32 @p1 $0xFFFFFFD8  }
0xa1: {  	p2 =	sgt.u32 @p1 s10, $0xF3;
	_ =	swait.ge @p1 [sflag:s11], $0x1400  }
0xa2: {  	s12 =	simm.s32 @p1 $0x2A00;
	s13 =	simm.s32 @p1 $0x8F00;
	[sflag:s11] =	ssyncset.done @p1 $0x0  }
0xa3: {  	p2 =	por p2, !p1;
	[sflag:s11] =	ssyncadd.s32 @p1 $0xFFFFEC00;
	s11 =	simm.s32 @p1 $0x28  }
0xa4: {  	[spmem:s3] =	stream.indirect.scatter.add.f32 @p1 [tilespmem:s13], [sflag:$0xD], $0x80, s12, s11, $0xb8;
	[tilespmem:$0x1EF80] =	vst v63  }
0xa5: {  	s11 =	simm.s32 @!p2 $0xC  }
0xa6: {  	_ =	swait.ge @!p2 [sflag:s11], $0x1400  }
0xa7: {  	[sflag:s11] =	ssyncset.done @!p2 $0x0  }
0xa8: {  	s12 =	simm.s32 @!p2 $0x2980;
	[sflag:s11] =	ssyncadd.s32 @!p2 $0xFFFFEC00;
	s11 =	simm.s32 @!p2 $0x0  }
0xa9: {  	[tilespmem:s12], [sflag:$0x5] =	stream.linear.gather @!p2 [hbm4b:s18+s11], $0x28, $0x38;
	[tilespmem:$0x1EF80] =	vst v63  }
0xaa: {  	s11 =	simm.s32 @!p2 $0x28;
	s12 =	simm.s32 @!p2 $0x7B00  }
0xab: {  	[tilespmem:s12], [sflag:$0x5] =	stream.indirect.gather @!p2 [hbm4b:s1+s11], $0x80, s7, s11, $0xb8;
	[tilespmem:$0x1EF80] =	vst v63  }
0xac: {  	s11 =	simm.s32 @!p1 $0x7  }
0xad: {  	_ =	swait.ge @!p1 [sflag:s11], $0x28  }
0xae: {  	[sflag:s11] =	ssyncset.done @!p1 $0x0  }
0xaf: {  	[sflag:s11] =	ssyncadd.s32 @!p1 $0xFFFFFFD8  }
0xb0: {  	_ =	swait.ge @!p1 [sflag:s11], $0x1400  }
0xb1: {  	s13 =	simm.s32 @!p1 $0xA300;
	p2 =	sgt.u32 @!p1 s10, $0xF3;
	[sflag:s11] =	ssyncset.done @!p1 $0x0  }
0xb2: {  	s12 =	simm.s32 @!p1 $0x2A80;
	[sflag:s11] =	ssyncadd.s32 @!p1 $0xFFFFEC00;
	s11 =	simm.s32 @!p1 $0x28  }
0xb3: {  	[spmem:s3] =	stream.indirect.scatter.add.f32 @!p1 [tilespmem:s13], [sflag:$0xE], $0x80, s12, s11, $0xb8;
	[tilespmem:$0x1EF80] =	vst v63  }
0xb4: {  	p1 =	por p2, p1  }
0xb5: {  	s11 =	simm.s32 @!p1 $0xD  }
0xb6: {  	_ =	swait.ge @!p1 [sflag:s11], $0x1400  }
.Ltmp6:
0xb7: {  	[sflag:s11] =	ssyncset.done @!p1 $0x0;
	(pc) =	sbr.rel .LBB2_9-.Ltmp6, $4  }
0xb8: {  	s12 =	simm.s32 @!p1 $0x2A00;
	[sflag:s11] =	ssyncadd.s32 @!p1 $0xFFFFEC00;
	s11 =	simm.s32 @!p1 $0x0  }
0xb9: {  	[tilespmem:s12], [sflag:$0x6] =	stream.linear.gather @!p1 [hbm4b:s18+s11], $0x28, $0x38;
	[tilespmem:$0x1EF80] =	vst v63  }
0xba: {  	s11 =	simm.s32 @!p1 $0x28;
	s12 =	simm.s32 @!p1 $0x8F00  }
0xbb: {  	[tilespmem:s12], [sflag:$0x6] =	stream.indirect.gather @!p1 [hbm4b:s1+s11], $0x80, s7, s11, $0xb8;
	[tilespmem:$0x1EF80] =	vst v63  }
.LBB2_3:
0xbc: {  	p1 =	seq.s32 s11, $0x0  }
.Ltmp7:
0xbd: {  	_ = 	snop;
	(pc) =	sbr.rel @p1 .LBB2_8-.Ltmp7, $1  }
0xbe: {  	_ =	sdelay $0x3  }
0xbf: {  	p1 =	seq.s32 s11, $0x1  }
0xc0: {  	s11 =	simm.s32 @p1 $0x2  }
0xc1: {  	_ =	swait.ge @p1 [sflag:s11], $0x28  }
0xc2: {  	[sflag:s11] =	ssyncset.done @p1 $0x0  }
0xc3: {  	[sflag:s11] =	ssyncadd.s32 @p1 $0xFFFFFFD8  }
0xc4: {  	p2 =	sgt.u32 @p1 s10, $0xF3;
	_ =	swait.ge @p1 [sflag:s11], $0x1400  }
0xc5: {  	s12 =	simm.s32 @p1 $0x2800;
	s13 =	simm.s32 @p1 $0x3F00;
	[sflag:s11] =	ssyncset.done @p1 $0x0  }
0xc6: {  	p2 =	por p2, !p1;
	[sflag:s11] =	ssyncadd.s32 @p1 $0xFFFFEC00;
	s11 =	simm.s32 @p1 $0x28  }
0xc7: {  	[spmem:s3] =	stream.indirect.scatter.add.f32 @p1 [tilespmem:s13], [sflag:$0x9], $0x80, s12, s11, $0xb8;
	[tilespmem:$0x1EF80] =	vst v63  }
0xc8: {  	s11 =	simm.s32 @!p2 $0x8  }
0xc9: {  	_ =	swait.ge @!p2 [sflag:s11], $0x1400  }
0xca: {  	[sflag:s11] =	ssyncset.done @!p2 $0x0  }
0xcb: {  	s12 =	simm.s32 @!p2 $0x2780;
	[sflag:s11] =	ssyncadd.s32 @!p2 $0xFFFFEC00;
	s11 =	simm.s32 @!p2 $0x0  }
0xcc: {  	[tilespmem:s12], [sflag:$0x1] =	stream.linear.gather @!p2 [hbm4b:s18+s11], $0x28, $0x38;
	[tilespmem:$0x1EF80] =	vst v63  }
0xcd: {  	s11 =	simm.s32 @!p2 $0x28;
	s12 =	simm.s32 @!p2 $0x2B00  }
0xce: {  	[tilespmem:s12], [sflag:$0x1] =	stream.indirect.gather @!p2 [hbm4b:s1+s11], $0x80, s7, s11, $0xb8;
	[tilespmem:$0x1EF80] =	vst v63  }
0xcf: {  	s11 =	simm.s32 @!p1 $0x3  }
0xd0: {  	_ =	swait.ge @!p1 [sflag:s11], $0x28  }
0xd1: {  	[sflag:s11] =	ssyncset.done @!p1 $0x0  }
0xd2: {  	[sflag:s11] =	ssyncadd.s32 @!p1 $0xFFFFFFD8  }
0xd3: {  	_ =	swait.ge @!p1 [sflag:s11], $0x1400  }
0xd4: {  	s13 =	simm.s32 @!p1 $0x5300;
	p2 =	sgt.u32 @!p1 s10, $0xF3;
	[sflag:s11] =	ssyncset.done @!p1 $0x0  }
0xd5: {  	s12 =	simm.s32 @!p1 $0x2880;
	[sflag:s11] =	ssyncadd.s32 @!p1 $0xFFFFEC00;
	s11 =	simm.s32 @!p1 $0x28  }
0xd6: {  	[spmem:s3] =	stream.indirect.scatter.add.f32 @!p1 [tilespmem:s13], [sflag:$0xA], $0x80, s12, s11, $0xb8;
	[tilespmem:$0x1EF80] =	vst v63  }
0xd7: {  	p1 =	por p2, p1  }
0xd8: {  	s11 =	simm.s32 @!p1 $0x9  }
0xd9: {  	_ =	swait.ge @!p1 [sflag:s11], $0x1400  }
.Ltmp8:
0xda: {  	[sflag:s11] =	ssyncset.done @!p1 $0x0;
	(pc) =	sbr.rel .LBB2_9-.Ltmp8, $4  }
0xdb: {  	s12 =	simm.s32 @!p1 $0x2800;
	[sflag:s11] =	ssyncadd.s32 @!p1 $0xFFFFEC00;
	s11 =	simm.s32 @!p1 $0x0  }
0xdc: {  	[tilespmem:s12], [sflag:$0x2] =	stream.linear.gather @!p1 [hbm4b:s18+s11], $0x28, $0x38;
	[tilespmem:$0x1EF80] =	vst v63  }
0xdd: {  	s11 =	simm.s32 @!p1 $0x28;
	s12 =	simm.s32 @!p1 $0x3F00  }
0xde: {  	[tilespmem:s12], [sflag:$0x2] =	stream.indirect.gather @!p1 [hbm4b:s1+s11], $0x80, s7, s11, $0xb8;
	[tilespmem:$0x1EF80] =	vst v63  }
.LBB2_8:
0xdf: {  	_ =	swait.ge [sflag:s30], $0x28  }
0xe0: {  	[sflag:s30] =	ssyncset.done $0x0  }
0xe1: {  	p1 =	sgt.u32 s10, $0xF3;
	[sflag:s30] =	ssyncadd.s32 $0xFFFFFFD8  }
0xe2: {  	p2 =	seq.s32 @!p1 s10, $0x0;
	_ =	swait.ge [sflag:s30], $0x1400  }
0xe3: {  	p2 =	por p2, p1;
	[sflag:s30] =	ssyncset.done $0x0  }
0xe4: {  	s11 =	simm.s32 @!p2 $0xE;
	[sflag:s30] =	ssyncadd.s32 $0xFFFFEC00  }
0xe5: {  	[spmem:s3] =	stream.indirect.scatter.add.f32 [tilespmem:s23], [sflag:$0x8], $0x80, s21, s22, $0xb8;
	[tilespmem:$0x1EF80] =	vst v63  }
0xe6: {  	_ =	swait.ge @!p2 [sflag:s11], $0x1400  }
.Ltmp9:
0xe7: {  	[sflag:s11] =	ssyncset.done @!p2 $0x0;
	(pc) =	sbr.rel .LBB2_9-.Ltmp9, $4  }
0xe8: {  	s12 =	simm.s32 @!p1 $0x2A80;
	[sflag:s11] =	ssyncadd.s32 @!p2 $0xFFFFEC00;
	s11 =	simm.s32 @!p1 $0x0  }
0xe9: {  	[tilespmem:s12], [sflag:$0x7] =	stream.linear.gather @!p1 [hbm4b:s18+s11], $0x28, $0x38;
	[tilespmem:$0x1EF80] =	vst v63  }
0xea: {  	s11 =	simm.s32 @!p1 $0x28;
	s12 =	simm.s32 @!p1 $0xA300  }
0xeb: {  	[tilespmem:s12], [sflag:$0x7] =	stream.indirect.gather @!p1 [hbm4b:s1+s11], $0x80, s7, s11, $0xb8;
	[tilespmem:$0x1EF80] =	vst v63  }
.LBB2_11:
0xec: {  	_ =	sfence.sel $0x180000  }
0xed: {  	[bflag:$0x0] =	sbarrier.arrive $0xFFFF  }
0xee: {  	_ =	strace $0x90000050  }
0xef: {  	s0 =	stileid.u32;
	[bflag:$0x2] =	sbarrier.arrive $0xFFFF  }
0xf0: {  	p0 =	sne.s32 s0, $0x0;
	s0 =	rddreg [dreg:$0x4]  }
0xf1: {  	s0 =	sadd.s32 @!p0 $0x100000, s0  }
0xf2: {  	[sflag:s0] =	ssyncadd.tile.s32 @!p0 $0x1;
	_ =	shalt  }
.Lfunc_end2:
_tile_overlayer_lowered:
.L_overlay_start_2:
0xf3: {  	(tag) =	ssettag $0x2  }
0xf4: {  	s0 =	rddreg [dreg:$0x0];
	s2 =	stileid.u32  }
0xf5: {  	s1 =	rddreg [dreg:$0x1];
	p0 =	sne.s32 s2, $0x0  }
0xf6: {  	s3 =	rddreg [dreg:$0x2];
	[bflag:$0x3] =	sbarrier.arrive $0xFFFF;
	s2 =	simm.s32 @!p0 $0x1C0F  }
0xf7: {  	[timem:s3], [sflag:s2] =	dma.local @!p0 [hbm:s0], s1  }
0xf8: {  	s0 =	simm.s32 @!p0 $0xF  }
0xf9: {  	_ =	swait.ge @!p0 [sflag:s0], s1  }
0xfa: {  	s1 =	ssub.s32 @!p0 $0x0, s1;
	[sflag:s0] =	ssyncset.done @!p0 $0x0  }
0xfb: {  	[sflag:s0] =	ssyncadd.s32 @!p0 s1  }
0xfc: {  	[bflag:$0x3] =	sbarrier.arrive $0xFFFF  }
0xfd: {  	_ =	shalt  }

</sc_bundles>
